<compile_context>
chip_gen: v7x
topology: tpu7x:2x2x1
jax: 0.10.2.dev20260603
libtpu: 0.0.44.dev20260713+nightly
codegen_flags: <defaults>
</compile_context>

<pallas_src>
import functools

import jax
import jax.numpy as jnp
from jax import lax
from jax.experimental import pallas as pl
from jax.experimental.pallas import tpu as pltpu
from jax.experimental.pallas import tpu_sc as plsc

N = 10000
E = 160000
D_IN = 256
D_H = 512
G = 16

LC = 128
NCH = D_H // LC
NPAIR = NCH // 2
NCORE = 2
NTILE = 16
CPC = NCH // NCORE

EG = 128
GPT = 79
EPT = GPT * EG
E_PAD = NTILE * EPT

NP = 10112
ROWS_PT = NP // NTILE

HIST_W = 16
NH = 10240
HROWS_PT = NH // NTILE

BR = 2000
NR = N // BR

_mesh = plsc.VectorSubcoreMesh(core_axis_name="c", subcore_axis_name="s")



@functools.partial(
    pl.kernel,
    mesh=_mesh,
    out_type=jax.ShapeDtypeStruct((NCORE, NH, HIST_W), jnp.float32),
    scratch_types=[
        pltpu.VMEM((GPT, EG), jnp.int32),
        pltpu.VMEM((EG, HIST_W), jnp.float32),
        pltpu.VMEM_SHARED((NH, HIST_W), jnp.float32),
    ],
)
def _deg_kernel(dst_hbm, deg_hbm, dstv, ones_rows, hist_sh):
    c = lax.axis_index("c")
    s = lax.axis_index("s")
    pltpu.sync_copy(dst_hbm.at[s], dstv)
    lane = lax.iota(jnp.int32, 16)
    one_hot = jnp.where(lane == 0, 1.0, 0.0).astype(jnp.float32)
    zero = jnp.zeros((16,), jnp.float32)

    def _fillz(i, _):
        ones_rows[i] = zero
        return 0

    lax.fori_loop(0, EG, _fillz, 0)
    for z in range(HROWS_PT // EG):
        pltpu.sync_copy(ones_rows, hist_sh.at[pl.ds(s * HROWS_PT + z * EG, EG)])
    plsc.subcore_barrier()

    def _fill1(i, _):
        ones_rows[i] = one_hot
        return 0

    lax.fori_loop(0, EG, _fill1, 0)

    def _acc(g, _):
        pltpu.sync_copy(ones_rows, hist_sh.at[dstv.at[g]], add=True)
        return 0

    half = (GPT + 1) // 2

    def _acc_guard(p, _):
        g = c * half + p

        @pl.when(g < GPT)
        def _():
            _acc(g, 0)

        return 0

    lax.fori_loop(0, half, _acc_guard, 0)
    plsc.subcore_barrier()
    span = HROWS_PT
    pltpu.sync_copy(hist_sh.at[pl.ds(s * span, span)],
                    deg_hbm.at[c].at[pl.ds(s * span, span)])


@functools.partial(
    pl.kernel,
    mesh=_mesh,
    out_type=jax.ShapeDtypeStruct((NCH, NP, LC), jnp.float32),
    scratch_types=[
        pltpu.VMEM((GPT, EG), jnp.int32),
        pltpu.VMEM((1, EG), jnp.int32),
        pltpu.VMEM((1, EG), jnp.int32),
        pltpu.VMEM((EG, LC), jnp.float32),
        pltpu.VMEM((EG, LC), jnp.float32),
        pltpu.VMEM_SHARED((NP, LC), jnp.float32),
        pltpu.SemaphoreType.DMA,
        pltpu.SemaphoreType.DMA,
        pltpu.SemaphoreType.DMA,
        pltpu.SemaphoreType.DMA,
    ],
)
def _edge_scatter_kernel(h_hbm, src_hbm, dst_hbm, acc_hbm,
                         srcv, dst0, dst1, rows0, rows1, accsh,
                         sem0, sem1, semd0, semd1):
    c = lax.axis_index("c")
    s = lax.axis_index("s")
    pltpu.sync_copy(src_hbm.at[s], srcv)
    dsts = dst_hbm.at[s]
    zero = jnp.zeros((16,), jnp.float32)

    for ci in range(CPC):
        ch = c * CPC + ci
        hsrc = h_hbm.at[ch]

        def _zb(i, _):
            for k in range(LC // 16):
                rows0[i, pl.ds(k * 16, 16)] = zero
            return 0

        lax.fori_loop(0, EG, _zb, 0)
        nfull = ROWS_PT // EG
        for z in range(nfull):
            pltpu.sync_copy(rows0, accsh.at[pl.ds(s * ROWS_PT + z * EG, EG)])
        rem = ROWS_PT - nfull * EG
        if rem:
            pltpu.sync_copy(rows0.at[pl.ds(0, rem)],
                            accsh.at[pl.ds(s * ROWS_PT + nfull * EG, rem)])
        plsc.subcore_barrier()

        def _gather(g, buf, sem):
            return pltpu.make_async_copy(hsrc.at[srcv.at[g]], buf, sem)

        def _dstld(g, buf, sem):
            return pltpu.make_async_copy(dsts.at[pl.ds(g, 1)], buf, sem)

        _gather(0, rows0, sem0).start()
        _dstld(0, dst0, semd0).start()

        def _body(p, _):
            g0 = 2 * p
            g1 = g0 + 1
            _gather(g1, rows1, sem1).start()
            _dstld(g1, dst1, semd1).start()
            _gather(g0, rows0, sem0).wait()
            _dstld(g0, dst0, semd0).wait()
            pltpu.sync_copy(rows0, accsh.at[dst0.at[0]], add=True)
            _gather(g0 + 2, rows0, sem0).start()
            _dstld(g0 + 2, dst0, semd0).start()
            _gather(g1, rows1, sem1).wait()
            _dstld(g1, dst1, semd1).wait()
            pltpu.sync_copy(rows1, accsh.at[dst1.at[0]], add=True)
            return 0

        lax.fori_loop(0, (GPT - 1) // 2, _body, 0)
        _gather(GPT - 1, rows0, sem0).wait()
        _dstld(GPT - 1, dst0, semd0).wait()
        pltpu.sync_copy(rows0, accsh.at[dst0.at[0]], add=True)
        plsc.subcore_barrier()
        pltpu.sync_copy(accsh.at[pl.ds(s * ROWS_PT, ROWS_PT)],
                        acc_hbm.at[ch].at[pl.ds(s * ROWS_PT, ROWS_PT)])



def _mm1_body(x_ref, w_ref, deg_ref, out_ref):
    h = jnp.dot(x_ref[...], w_ref[...], preferred_element_type=jnp.float32)
    dinv = lax.rsqrt(deg_ref[0] + deg_ref[1] + 1.0)
    hs = h * dinv
    for cc in range(NCH):
        out_ref[cc] = hs[:, cc * LC:(cc + 1) * LC]


def _mm1(x, W1, degf):
    return pl.pallas_call(
        _mm1_body,
        grid=(NR,),
        in_specs=[
            pl.BlockSpec((BR, D_IN), lambda i: (i, 0)),
            pl.BlockSpec((D_IN, D_H), lambda i: (0, 0)),
            pl.BlockSpec((NCORE, BR, 1), lambda i: (0, i, 0)),
        ],
        out_specs=pl.BlockSpec((NCH, BR, LC), lambda i: (0, i, 0)),
        out_shape=jax.ShapeDtypeStruct((NCH, N, LC), jnp.float32),
    )(x, W1, degf)


def _mm2_body(acc_ref, h_ref, deg_ref, b_ref, w_ref, out_ref, accum):
    k = pl.program_id(1)
    dinv = lax.rsqrt(deg_ref[0] + deg_ref[1] + 1.0)
    acc = jnp.concatenate([acc_ref[0], acc_ref[1]], axis=1)
    h = jnp.concatenate([h_ref[0], h_ref[1]], axis=1)
    y = jnp.maximum((acc + h) * dinv + b_ref[0], 0.0)
    part = jnp.dot(y, w_ref[...], preferred_element_type=jnp.float32)

    @pl.when(k == 0)
    def _():
        accum[...] = jnp.zeros_like(accum)

    accum[...] += part

    @pl.when(k == NPAIR - 1)
    def _():
        h2 = accum[...] * dinv
        for cc in range(NCH):
            out_ref[cc] = h2[:, cc * LC:(cc + 1) * LC]


def _mm2(acc1, h1s, degf, b1r, W2):
    return pl.pallas_call(
        _mm2_body,
        grid=(NR, NPAIR),
        in_specs=[
            pl.BlockSpec((2, BR, LC), lambda i, k: (k, i, 0)),
            pl.BlockSpec((2, BR, LC), lambda i, k: (k, i, 0)),
            pl.BlockSpec((NCORE, BR, 1), lambda i, k: (0, i, 0)),
            pl.BlockSpec((1, 1, 2 * LC), lambda i, k: (k, 0, 0)),
            pl.BlockSpec((2 * LC, D_H), lambda i, k: (k, 0)),
        ],
        out_specs=pl.BlockSpec((NCH, BR, LC), lambda i, k: (0, i, 0)),
        out_shape=jax.ShapeDtypeStruct((NCH, N, LC), jnp.float32),
        scratch_shapes=[pltpu.VMEM((BR, D_H), jnp.float32)],
    )(acc1, h1s, degf, b1r, W2)


def _pool_body(bb_ref, acc_ref, h_ref, deg_ref, b_ref, batch_ref,
               w1_ref, b1_ref, w2_ref, b2_ref, out_ref, pooled):
    j = pl.program_id(0)
    i = pl.program_id(1)
    dinv = lax.rsqrt(deg_ref[0] + deg_ref[1] + 1.0)
    acc = jnp.concatenate([acc_ref[0], acc_ref[1]], axis=1)
    h = jnp.concatenate([h_ref[0], h_ref[1]], axis=1)
    y = jnp.maximum((acc + h) * dinv + b_ref[0], 0.0)
    bidx = batch_ref[...]
    neg = jnp.float32(-jnp.inf)

    @pl.when((i == 0) & (j == 0))
    def _():
        pooled[...] = jnp.full((NPAIR, G, 2 * LC), neg, jnp.float32)

    g_lo = bb_ref[i, 0]
    g_hi = bb_ref[i, 1]
    for jj in range(NPAIR):
        for g in range(G):
            @pl.when((j == jj) & (g_lo <= g) & (g <= g_hi))
            def _():
                v = jnp.max(jnp.where(bidx == g, y, neg), axis=0)
                pooled[jj, g, :] = jnp.maximum(pooled[jj, g, :], v)

    @pl.when((i == NR - 1) & (j == NPAIR - 1))
    def _():
        p = jnp.concatenate([pooled[0], pooled[1]], axis=1)
        hid = jnp.maximum(
            jnp.dot(p, w1_ref[...], preferred_element_type=jnp.float32)
            + b1_ref[...], 0.0)
        out_ref[...] = jnp.maximum(
            jnp.dot(hid, w2_ref[...], preferred_element_type=jnp.float32)
            + b2_ref[...], 0.0)




def _pool_mlp(bb, acc2, h2s, degf, b2r, batch2d, Wf1, bf1r, Wf2, bf2r):
    return pl.pallas_call(
        _pool_body,
        grid=(NPAIR, NR),
        in_specs=[
            pl.BlockSpec(memory_space=pltpu.SMEM),
            pl.BlockSpec((2, BR, LC), lambda j, i: (j, i, 0)),
            pl.BlockSpec((2, BR, LC), lambda j, i: (j, i, 0)),
            pl.BlockSpec((NCORE, BR, 1), lambda j, i: (0, i, 0)),
            pl.BlockSpec((1, 1, 2 * LC), lambda j, i: (j, 0, 0)),
            pl.BlockSpec((BR, 1), lambda j, i: (i, 0)),
            pl.BlockSpec((D_H, 64), lambda j, i: (0, 0)),
            pl.BlockSpec((1, 64), lambda j, i: (0, 0)),
            pl.BlockSpec((64, 32), lambda j, i: (0, 0)),
            pl.BlockSpec((1, 32), lambda j, i: (0, 0)),
        ],
        out_specs=pl.BlockSpec((G, 32), lambda j, i: (0, 0)),
        out_shape=jax.ShapeDtypeStruct((G, 32), jnp.float32),
        scratch_shapes=[pltpu.VMEM((NPAIR, G, 2 * LC), jnp.float32)],
    )(bb, acc2, h2s, degf, b2r, batch2d, Wf1, bf1r, Wf2, bf2r)



def kernel(x, edge_index, batch, num_graphs, ptr, W1, b1, W2, b2,
           Wf1, bf1, Wf2, bf2):
    pad = E_PAD - E
    pad_src = (jnp.arange(pad, dtype=jnp.int32) * 53) % N
    pad_dst = N + jnp.arange(pad, dtype=jnp.int32) % (NP - N)
    src2 = jnp.concatenate([edge_index[0], pad_src]).reshape(NTILE, GPT, EG)
    dst2 = jnp.concatenate([edge_index[1], pad_dst]).reshape(NTILE, GPT, EG)

    degh = _deg_kernel(dst2)
    degf = degh[:, :N, 0:1]

    h1s = _mm1(x, W1, degf)
    acc1 = _edge_scatter_kernel(h1s, src2, dst2)
    h2s = _mm2(acc1, h1s, degf, b1.reshape(NPAIR, 1, 2 * LC), W2)
    acc2 = _edge_scatter_kernel(h2s, src2, dst2)
    bb = batch.reshape(NR, BR)[:, jnp.array([0, BR - 1])]
    return _pool_mlp(bb, acc2, h2s, degf, b2.reshape(NPAIR, 1, 2 * LC),
                     batch.reshape(N, 1), Wf1, bf1.reshape(1, 64),
                     Wf2, bf2.reshape(1, 32))

# --- scband reference (transcript-rebuilt; emitter-appended) ---
"""Pipeline reference for scband-agent-84524956385605 (READ-ONLY COPY).

The authoritative reference and input builder live on the scoring server;
editing this copy changes nothing except your own understanding.
"""

import jax, jax.numpy as jnp
import numpy as np

N = 10000
E = 160000
D_IN = 256
D_H = 512
G = 16


def setup_inputs(seed: int = 0) -> dict:
    key = jax.random.key(seed)
    ks = jax.random.split(key, 12)
    x = jax.random.normal(ks[0], (N, D_IN), dtype=jnp.float32)
    edge_index = jax.random.randint(ks[1], (2, E), 0, N, dtype=jnp.int32)
    batch = jnp.sort(jax.random.randint(ks[2], (N,), 0, G, dtype=jnp.int32))
    num_graphs = G
    ptr = jnp.arange(G + 1, dtype=jnp.int32)
    # GCNConv 1: in=256 -> out=512 (PyG stores weight as [in, out] applied as x @ W)
    W1 = jax.random.normal(ks[3], (D_IN, D_H), dtype=jnp.float32) / np.sqrt(D_IN)
    b1 = jnp.zeros((D_H,), dtype=jnp.float32)
    # GCNConv 2: 512 -> 512
    W2 = jax.random.normal(ks[4], (D_H, D_H), dtype=jnp.float32) / np.sqrt(D_H)
    b2 = jnp.zeros((D_H,), dtype=jnp.float32)
    # fc_network: Linear(512,64) + ReLU + Linear(64,32) + ReLU
    Wf1 = jax.random.normal(ks[5], (D_H, 64), dtype=jnp.float32) / np.sqrt(D_H)
    bf1 = jnp.zeros((64,), dtype=jnp.float32)
    Wf2 = jax.random.normal(ks[6], (64, 32), dtype=jnp.float32) / np.sqrt(64.0)
    bf2 = jnp.zeros((32,), dtype=jnp.float32)
    return {"x": x, "edge_index": edge_index, "batch": batch,
            "num_graphs": num_graphs, "ptr": ptr,
            "W1": W1, "b1": b1, "W2": W2, "b2": b2,
            "Wf1": Wf1, "bf1": bf1, "Wf2": Wf2, "bf2": bf2}


def gcn_conv(x, edge_index, W, b, num_nodes):
    # PyG GCNConv with add_self_loops=True, normalize=True (gcn_norm)
    loop = jnp.arange(num_nodes, dtype=edge_index.dtype)
    src = jnp.concatenate([edge_index[0], loop])
    dst = jnp.concatenate([edge_index[1], loop])
    ew = jnp.ones(src.shape[0], dtype=x.dtype)
    deg = jax.ops.segment_sum(ew, dst, num_segments=num_nodes)
    dinv = jnp.where(deg > 0, deg ** -0.5, 0.0)
    norm = dinv[src] * dinv[dst]
    h = x @ W
    msg = h[src] * norm[:, None]
    out = jax.ops.segment_sum(msg, dst, num_segments=num_nodes)
    return out + b


def reference(x, edge_index, batch, num_graphs, ptr, W1, b1, W2, b2, Wf1, bf1, Wf2, bf2):
    n = x.shape[0]
    h = jax.nn.relu(gcn_conv(x, edge_index, W1, b1, n))
    h = jax.nn.relu(gcn_conv(h, edge_index, W2, b2, n))
    # global_max_pool over node->graph assignment
    pooled = jax.ops.segment_max(h, batch, num_segments=G)
    hid = jax.nn.relu(pooled @ Wf1 + bf1)
    hid = jax.nn.relu(hid @ Wf2 + bf2)
    return hid

if __name__ == "__main__":
    import jax
    _d = setup_inputs()
    print(jax.jit(kernel)(*tuple(_d.values())))

</pallas_src>

<mosaic_0001>
#map = affine_map<(d0, d1) -> (0, 0, 0)>
module attributes {stable_mosaic.version = 14 : i64} {
  func.func @_deg_kernel(%arg0: i32, %arg1: i32, %arg2: memref<16x79x128xi32, #tpu.memory_space<hbm>>, %arg3: memref<2x10240x16xf32, #tpu.memory_space<hbm>>, %arg4: memref<79x128xi32, #tpu.memory_space<vmem>>, %arg5: memref<128x16xf32, #tpu.memory_space<vmem>>, %arg6: memref<10240x16xf32, #tpu.memory_space<vmem_shared>>) attributes {dimension_semantics = [#tpu.dimension_semantics<core_parallel>, #tpu.dimension_semantics<subcore_parallel>], iteration_bounds = array<i64: 2, 16>, scalar_prefetch = 0 : i64, scratch_operands = 3 : i64, tpu.core_type = #tpu.core_type<sc_vector_subcore>, window_params = [{transform_indices = #map}, {transform_indices = #map}]} {
    "tpu.region"() ({
      %run_scoped3A = tpu.sem_alloc : memref<!tpu.dma_semaphore, #tpu.memory_space<semaphore_mem>>
      %dma_start3A = arith.constant 0 : i32
      %dma_start3A_49 = arith.constant 0 : i32
      %dma_start3A_50 = tpu.memref_slice %arg2[%arg1, %dma_start3A, %dma_start3A_49] : memref<16x79x128xi32, #tpu.memory_space<hbm>> -> memref<1x79x128xi32, #tpu.memory_space<hbm>>
      %dma_start3A_51 = tpu.memref_squeeze %dma_start3A_50 : memref<1x79x128xi32, #tpu.memory_space<hbm>> -> memref<79x128xi32, #tpu.memory_space<hbm>>
      %dma_start3A_52 = arith.constant 0 : i32
      %dma_start3A_53 = arith.constant 0 : i32
      %dma_start3A_54 = tpu.memref_slice %arg2[%arg1, %dma_start3A_52, %dma_start3A_53] : memref<16x79x128xi32, #tpu.memory_space<hbm>> -> memref<1x79x128xi32, #tpu.memory_space<hbm>>
      %dma_start3A_55 = tpu.memref_squeeze %dma_start3A_54 : memref<1x79x128xi32, #tpu.memory_space<hbm>> -> memref<79x128xi32, #tpu.memory_space<hbm>>
      tpu.enqueue_dma source(%dma_start3A_55 : memref<79x128xi32, #tpu.memory_space<hbm>>) target(%arg4 : memref<79x128xi32, #tpu.memory_space<vmem>>) target_semaphore(%run_scoped3A : memref<!tpu.dma_semaphore, #tpu.memory_space<semaphore_mem>>)
      %dma_wait3A = arith.constant 0 : i32
      %dma_wait3A_56 = arith.constant 0 : i32
      %dma_wait3A_57 = tpu.memref_slice %arg2[%arg1, %dma_wait3A, %dma_wait3A_56] : memref<16x79x128xi32, #tpu.memory_space<hbm>> -> memref<1x79x128xi32, #tpu.memory_space<hbm>>
      %dma_wait3A_58 = tpu.memref_squeeze %dma_wait3A_57 : memref<1x79x128xi32, #tpu.memory_space<hbm>> -> memref<79x128xi32, #tpu.memory_space<hbm>>
      %dma_wait3A_59 = arith.constant 0 : i32
      %dma_wait3A_60 = arith.constant 0 : i32
      %dma_wait3A_61 = tpu.memref_slice %arg2[%arg1, %dma_wait3A_59, %dma_wait3A_60] : memref<16x79x128xi32, #tpu.memory_space<hbm>> -> memref<1x79x128xi32, #tpu.memory_space<hbm>>
      %dma_wait3A_62 = tpu.memref_squeeze %dma_wait3A_61 : memref<1x79x128xi32, #tpu.memory_space<hbm>> -> memref<79x128xi32, #tpu.memory_space<hbm>>
      tpu.wait_dma2 semaphore(%run_scoped3A : memref<!tpu.dma_semaphore, #tpu.memory_space<semaphore_mem>>) src(%dma_wait3A_62 : memref<79x128xi32, #tpu.memory_space<hbm>>) dst(%arg4 : memref<79x128xi32, #tpu.memory_space<vmem>>)
      tpu.yield
    }) : () -> ()
    %iota3A = tpu.iota {dimensions = array<i32: 0>} : vector<16xi32>
    %eq3A = arith.constant 0 : i32
    %eq3A_0 = vector.broadcast %eq3A : i32 to vector<16xi32>
    %eq3A_1 = arith.cmpi eq, %iota3A, %eq3A_0 : vector<16xi32>
    %jit3A = arith.constant 1.000000e+00 : f32
    %jit3A_2 = arith.constant 0.000000e+00 : f32
    %broadcast_in_dim3A = vector.broadcast %jit3A : f32 to vector<16xf32>
    %broadcast_in_dim3A_3 = vector.broadcast %jit3A_2 : f32 to vector<16xf32>
    %select_n3A = arith.select %eq3A_1, %broadcast_in_dim3A, %broadcast_in_dim3A_3 : vector<16xi1>, vector<16xf32>
    %broadcast_in_dim3A_4 = arith.constant 0.000000e+00 : f32
    %broadcast_in_dim3A_5 = vector.broadcast %broadcast_in_dim3A_4 : f32 to vector<16xf32>
    %scan3A = arith.constant 0 : i32
    %scan3A_6 = arith.constant 0 : i32
    %scan3A_7 = arith.constant 128 : i32
    %scan3A_8 = arith.addi %scan3A_6, %scan3A_7 : i32
    %scan3A_9 = arith.constant 1 : i32
    %scan3A_10 = scf.for %scan3A_49 = %scan3A_6 to %scan3A_8 step %scan3A_9 iter_args(%scan3A_50 = %scan3A) -> (i32)  : i32 {
      %swap3A = arith.index_cast %scan3A_49 : i32 to index
      %swap3A_51 = arith.constant 0 : index
      %swap3A_52 = tpu.vector_load %arg5[%swap3A, %swap3A_51] {strides = array<i32>} : memref<128x16xf32, #tpu.memory_space<vmem>>, vector<1x16xf32>,
      %swap3A_53 = vector.shape_cast %swap3A_52 : vector<1x16xf32> to vector<16xf32>
      %swap3A_54 = vector.shape_cast %broadcast_in_dim3A_5 : vector<16xf32> to vector<1x16xf32>
      tpu.vector_store %arg5[%swap3A, %swap3A_51], %swap3A_54 {strides = array<i32>} : memref<128x16xf32, #tpu.memory_space<vmem>>, vector<1x16xf32>,
      %scan3A_55 = arith.constant 0 : i32
      scf.yield %scan3A_55 : i32
    }
    %scan3A_11 = arith.constant 128 : i32
    %mul3A = arith.constant 640 : i32
    %mul3A_12 = arith.muli %arg1, %mul3A : i32
    %add3A = arith.constant 0 : i32
    %add3A_13 = arith.addi %mul3A_12, %add3A : i32
    "tpu.region"() ({
      %run_scoped3A = tpu.sem_alloc : memref<!tpu.dma_semaphore, #tpu.memory_space<semaphore_mem>>
      %dma_start3A = arith.constant 0 : i32
      %dma_start3A_49 = tpu.memref_slice %arg6[%add3A_13, %dma_start3A] : memref<10240x16xf32, #tpu.memory_space<vmem_shared>> -> memref<128x16xf32, #tpu.memory_space<vmem_shared>>
      %dma_start3A_50 = arith.constant 0 : i32
      %dma_start3A_51 = tpu.memref_slice %arg6[%add3A_13, %dma_start3A_50] : memref<10240x16xf32, #tpu.memory_space<vmem_shared>> -> memref<128x16xf32, #tpu.memory_space<vmem_shared>>
      tpu.enqueue_dma source(%arg5 : memref<128x16xf32, #tpu.memory_space<vmem>>) target(%dma_start3A_51 : memref<128x16xf32, #tpu.memory_space<vmem_shared>>) target_semaphore(%run_scoped3A : memref<!tpu.dma_semaphore, #tpu.memory_space<semaphore_mem>>)
      %dma_wait3A = arith.constant 0 : i32
      %dma_wait3A_52 = tpu.memref_slice %arg6[%add3A_13, %dma_wait3A] : memref<10240x16xf32, #tpu.memory_space<vmem_shared>> -> memref<128x16xf32, #tpu.memory_space<vmem_shared>>
      %dma_wait3A_53 = arith.constant 0 : i32
      %dma_wait3A_54 = tpu.memref_slice %arg6[%add3A_13, %dma_wait3A_53] : memref<10240x16xf32, #tpu.memory_space<vmem_shared>> -> memref<128x16xf32, #tpu.memory_space<vmem_shared>>
      tpu.wait_dma2 semaphore(%run_scoped3A : memref<!tpu.dma_semaphore, #tpu.memory_space<semaphore_mem>>) src(%arg5 : memref<128x16xf32, #tpu.memory_space<vmem>>) dst(%dma_wait3A_54 : memref<128x16xf32, #tpu.memory_space<vmem_shared>>)
      tpu.yield
    }) : () -> ()
    %mul3A_14 = arith.constant 640 : i32
    %mul3A_15 = arith.muli %arg1, %mul3A_14 : i32
    %add3A_16 = arith.constant 128 : i32
    %add3A_17 = arith.addi %mul3A_15, %add3A_16 : i32
    "tpu.region"() ({
      %run_scoped3A = tpu.sem_alloc : memref<!tpu.dma_semaphore, #tpu.memory_space<semaphore_mem>>
      %dma_start3A = arith.constant 0 : i32
      %dma_start3A_49 = tpu.memref_slice %arg6[%add3A_17, %dma_start3A] : memref<10240x16xf32, #tpu.memory_space<vmem_shared>> -> memref<128x16xf32, #tpu.memory_space<vmem_shared>>
      %dma_start3A_50 = arith.constant 0 : i32
      %dma_start3A_51 = tpu.memref_slice %arg6[%add3A_17, %dma_start3A_50] : memref<10240x16xf32, #tpu.memory_space<vmem_shared>> -> memref<128x16xf32, #tpu.memory_space<vmem_shared>>
      tpu.enqueue_dma source(%arg5 : memref<128x16xf32, #tpu.memory_space<vmem>>) target(%dma_start3A_51 : memref<128x16xf32, #tpu.memory_space<vmem_shared>>) target_semaphore(%run_scoped3A : memref<!tpu.dma_semaphore, #tpu.memory_space<semaphore_mem>>)
      %dma_wait3A = arith.constant 0 : i32
      %dma_wait3A_52 = tpu.memref_slice %arg6[%add3A_17, %dma_wait3A] : memref<10240x16xf32, #tpu.memory_space<vmem_shared>> -> memref<128x16xf32, #tpu.memory_space<vmem_shared>>
      %dma_wait3A_53 = arith.constant 0 : i32
      %dma_wait3A_54 = tpu.memref_slice %arg6[%add3A_17, %dma_wait3A_53] : memref<10240x16xf32, #tpu.memory_space<vmem_shared>> -> memref<128x16xf32, #tpu.memory_space<vmem_shared>>
      tpu.wait_dma2 semaphore(%run_scoped3A : memref<!tpu.dma_semaphore, #tpu.memory_space<semaphore_mem>>) src(%arg5 : memref<128x16xf32, #tpu.memory_space<vmem>>) dst(%dma_wait3A_54 : memref<128x16xf32, #tpu.memory_space<vmem_shared>>)
      tpu.yield
    }) : () -> ()
    %mul3A_18 = arith.constant 640 : i32
    %mul3A_19 = arith.muli %arg1, %mul3A_18 : i32
    %add3A_20 = arith.constant 256 : i32
    %add3A_21 = arith.addi %mul3A_19, %add3A_20 : i32
    "tpu.region"() ({
      %run_scoped3A = tpu.sem_alloc : memref<!tpu.dma_semaphore, #tpu.memory_space<semaphore_mem>>
      %dma_start3A = arith.constant 0 : i32
      %dma_start3A_49 = tpu.memref_slice %arg6[%add3A_21, %dma_start3A] : memref<10240x16xf32, #tpu.memory_space<vmem_shared>> -> memref<128x16xf32, #tpu.memory_space<vmem_shared>>
      %dma_start3A_50 = arith.constant 0 : i32
      %dma_start3A_51 = tpu.memref_slice %arg6[%add3A_21, %dma_start3A_50] : memref<10240x16xf32, #tpu.memory_space<vmem_shared>> -> memref<128x16xf32, #tpu.memory_space<vmem_shared>>
      tpu.enqueue_dma source(%arg5 : memref<128x16xf32, #tpu.memory_space<vmem>>) target(%dma_start3A_51 : memref<128x16xf32, #tpu.memory_space<vmem_shared>>) target_semaphore(%run_scoped3A : memref<!tpu.dma_semaphore, #tpu.memory_space<semaphore_mem>>)
      %dma_wait3A = arith.constant 0 : i32
      %dma_wait3A_52 = tpu.memref_slice %arg6[%add3A_21, %dma_wait3A] : memref<10240x16xf32, #tpu.memory_space<vmem_shared>> -> memref<128x16xf32, #tpu.memory_space<vmem_shared>>
      %dma_wait3A_53 = arith.constant 0 : i32
      %dma_wait3A_54 = tpu.memref_slice %arg6[%add3A_21, %dma_wait3A_53] : memref<10240x16xf32, #tpu.memory_space<vmem_shared>> -> memref<128x16xf32, #tpu.memory_space<vmem_shared>>
      tpu.wait_dma2 semaphore(%run_scoped3A : memref<!tpu.dma_semaphore, #tpu.memory_space<semaphore_mem>>) src(%arg5 : memref<128x16xf32, #tpu.memory_space<vmem>>) dst(%dma_wait3A_54 : memref<128x16xf32, #tpu.memory_space<vmem_shared>>)
      tpu.yield
    }) : () -> ()
    %mul3A_22 = arith.constant 640 : i32
    %mul3A_23 = arith.muli %arg1, %mul3A_22 : i32
    %add3A_24 = arith.constant 384 : i32
    %add3A_25 = arith.addi %mul3A_23, %add3A_24 : i32
    "tpu.region"() ({
      %run_scoped3A = tpu.sem_alloc : memref<!tpu.dma_semaphore, #tpu.memory_space<semaphore_mem>>
      %dma_start3A = arith.constant 0 : i32
      %dma_start3A_49 = tpu.memref_slice %arg6[%add3A_25, %dma_start3A] : memref<10240x16xf32, #tpu.memory_space<vmem_shared>> -> memref<128x16xf32, #tpu.memory_space<vmem_shared>>
      %dma_start3A_50 = arith.constant 0 : i32
      %dma_start3A_51 = tpu.memref_slice %arg6[%add3A_25, %dma_start3A_50] : memref<10240x16xf32, #tpu.memory_space<vmem_shared>> -> memref<128x16xf32, #tpu.memory_space<vmem_shared>>
      tpu.enqueue_dma source(%arg5 : memref<128x16xf32, #tpu.memory_space<vmem>>) target(%dma_start3A_51 : memref<128x16xf32, #tpu.memory_space<vmem_shared>>) target_semaphore(%run_scoped3A : memref<!tpu.dma_semaphore, #tpu.memory_space<semaphore_mem>>)
      %dma_wait3A = arith.constant 0 : i32
      %dma_wait3A_52 = tpu.memref_slice %arg6[%add3A_25, %dma_wait3A] : memref<10240x16xf32, #tpu.memory_space<vmem_shared>> -> memref<128x16xf32, #tpu.memory_space<vmem_shared>>
      %dma_wait3A_53 = arith.constant 0 : i32
      %dma_wait3A_54 = tpu.memref_slice %arg6[%add3A_25, %dma_wait3A_53] : memref<10240x16xf32, #tpu.memory_space<vmem_shared>> -> memref<128x16xf32, #tpu.memory_space<vmem_shared>>
      tpu.wait_dma2 semaphore(%run_scoped3A : memref<!tpu.dma_semaphore, #tpu.memory_space<semaphore_mem>>) src(%arg5 : memref<128x16xf32, #tpu.memory_space<vmem>>) dst(%dma_wait3A_54 : memref<128x16xf32, #tpu.memory_space<vmem_shared>>)
      tpu.yield
    }) : () -> ()
    %mul3A_26 = arith.constant 640 : i32
    %mul3A_27 = arith.muli %arg1, %mul3A_26 : i32
    %add3A_28 = arith.constant 512 : i32
    %add3A_29 = arith.addi %mul3A_27, %add3A_28 : i32
    "tpu.region"() ({
      %run_scoped3A = tpu.sem_alloc : memref<!tpu.dma_semaphore, #tpu.memory_space<semaphore_mem>>
      %dma_start3A = arith.constant 0 : i32
      %dma_start3A_49 = tpu.memref_slice %arg6[%add3A_29, %dma_start3A] : memref<10240x16xf32, #tpu.memory_space<vmem_shared>> -> memref<128x16xf32, #tpu.memory_space<vmem_shared>>
      %dma_start3A_50 = arith.constant 0 : i32
      %dma_start3A_51 = tpu.memref_slice %arg6[%add3A_29, %dma_start3A_50] : memref<10240x16xf32, #tpu.memory_space<vmem_shared>> -> memref<128x16xf32, #tpu.memory_space<vmem_shared>>
      tpu.enqueue_dma source(%arg5 : memref<128x16xf32, #tpu.memory_space<vmem>>) target(%dma_start3A_51 : memref<128x16xf32, #tpu.memory_space<vmem_shared>>) target_semaphore(%run_scoped3A : memref<!tpu.dma_semaphore, #tpu.memory_space<semaphore_mem>>)
      %dma_wait3A = arith.constant 0 : i32
      %dma_wait3A_52 = tpu.memref_slice %arg6[%add3A_29, %dma_wait3A] : memref<10240x16xf32, #tpu.memory_space<vmem_shared>> -> memref<128x16xf32, #tpu.memory_space<vmem_shared>>
      %dma_wait3A_53 = arith.constant 0 : i32
      %dma_wait3A_54 = tpu.memref_slice %arg6[%add3A_29, %dma_wait3A_53] : memref<10240x16xf32, #tpu.memory_space<vmem_shared>> -> memref<128x16xf32, #tpu.memory_space<vmem_shared>>
      tpu.wait_dma2 semaphore(%run_scoped3A : memref<!tpu.dma_semaphore, #tpu.memory_space<semaphore_mem>>) src(%arg5 : memref<128x16xf32, #tpu.memory_space<vmem>>) dst(%dma_wait3A_54 : memref<128x16xf32, #tpu.memory_space<vmem_shared>>)
      tpu.yield
    }) : () -> ()
    %barrier3A = arith.constant 0 : index
    tpu.barrier barrier_id(%barrier3A)
    %scan3A_30 = arith.constant 0 : i32
    %scan3A_31 = arith.constant 0 : i32
    %scan3A_32 = arith.constant 128 : i32
    %scan3A_33 = arith.addi %scan3A_31, %scan3A_32 : i32
    %scan3A_34 = arith.constant 1 : i32
    %scan3A_35 = scf.for %scan3A_49 = %scan3A_31 to %scan3A_33 step %scan3A_34 iter_args(%scan3A_50 = %scan3A_30) -> (i32)  : i32 {
      %swap3A = arith.index_cast %scan3A_49 : i32 to index
      %swap3A_51 = arith.constant 0 : index
      %swap3A_52 = tpu.vector_load %arg5[%swap3A, %swap3A_51] {strides = array<i32>} : memref<128x16xf32, #tpu.memory_space<vmem>>, vector<1x16xf32>,
      %swap3A_53 = vector.shape_cast %swap3A_52 : vector<1x16xf32> to vector<16xf32>
      %swap3A_54 = vector.shape_cast %select_n3A : vector<16xf32> to vector<1x16xf32>
      tpu.vector_store %arg5[%swap3A, %swap3A_51], %swap3A_54 {strides = array<i32>} : memref<128x16xf32, #tpu.memory_space<vmem>>, vector<1x16xf32>,
      %scan3A_55 = arith.constant 0 : i32
      scf.yield %scan3A_55 : i32
    }
    %scan3A_36 = arith.constant 128 : i32
    %scan3A_37 = arith.constant 0 : i32
    %scan3A_38 = arith.constant 0 : i32
    %scan3A_39 = arith.constant 40 : i32
    %scan3A_40 = arith.addi %scan3A_38, %scan3A_39 : i32
    %scan3A_41 = arith.constant 1 : i32
    %scan3A_42 = scf.for %scan3A_49 = %scan3A_38 to %scan3A_40 step %scan3A_41 iter_args(%scan3A_50 = %scan3A_37) -> (i32)  : i32 {
      %mul3A_51 = arith.constant 40 : i32
      %mul3A_52 = arith.muli %arg0, %mul3A_51 : i32
      %add3A_53 = arith.addi %mul3A_52, %scan3A_49 : i32
      %lt3A = arith.constant 79 : i32
      %lt3A_54 = arith.cmpi slt, %add3A_53, %lt3A : i32
      %convert_element_type3A = arith.extui %lt3A_54 : i1 to i32
      %cond3A = arith.constant 0 : i32
      %cond3A_55 = arith.cmpi ne, %convert_element_type3A, %cond3A : i32
      scf.if %cond3A_55 {
        "tpu.region"() ({
          %run_scoped3A = tpu.sem_alloc : memref<!tpu.dma_semaphore, #tpu.memory_space<semaphore_mem>>
          %dma_start3A = arith.constant 0 : i32
          %dma_start3A_57 = tpu.memref_slice %arg4[%add3A_53, %dma_start3A] : memref<79x128xi32, #tpu.memory_space<vmem>> -> memref<1x128xi32, #tpu.memory_space<vmem>>
          %dma_start3A_58 = tpu.memref_squeeze %dma_start3A_57 : memref<1x128xi32, #tpu.memory_space<vmem>> -> memref<128xi32, #tpu.memory_space<vmem>>
          %dma_start3A_59 = arith.constant 0 : i32
          %dma_start3A_60 = arith.constant 0 : i32
          %dma_start3A_61 = tpu.memref_slice %arg6[%dma_start3A_59, %dma_start3A_60] : memref<10240x16xf32, #tpu.memory_space<vmem_shared>> -> memref<10240x16xf32, #tpu.memory_space<vmem_shared>>
          tpu.enqueue_indirect_dma source(%arg5 : memref<128x16xf32, #tpu.memory_space<vmem>>) target(%dma_start3A_61 : memref<10240x16xf32, #tpu.memory_space<vmem_shared>>) offsets(%dma_start3A_58 : memref<128xi32, #tpu.memory_space<vmem>>) semaphore(%run_scoped3A : memref<!tpu.dma_semaphore, #tpu.memory_space<semaphore_mem>>) {add = true}
          %dma_wait3A = arith.constant 0 : i32
          %dma_wait3A_62 = tpu.memref_slice %arg4[%add3A_53, %dma_wait3A] : memref<79x128xi32, #tpu.memory_space<vmem>> -> memref<1x128xi32, #tpu.memory_space<vmem>>
          %dma_wait3A_63 = tpu.memref_squeeze %dma_wait3A_62 : memref<1x128xi32, #tpu.memory_space<vmem>> -> memref<128xi32, #tpu.memory_space<vmem>>
          %dma_wait3A_64 = arith.constant 0 : i32
          %dma_wait3A_65 = arith.constant 0 : i32
          %dma_wait3A_66 = tpu.memref_slice %arg6[%dma_wait3A_64, %dma_wait3A_65] : memref<10240x16xf32, #tpu.memory_space<vmem_shared>> -> memref<10240x16xf32, #tpu.memory_space<vmem_shared>>
          tpu.wait_indirect_dma semaphore(%run_scoped3A : memref<!tpu.dma_semaphore, #tpu.memory_space<semaphore_mem>>) src(%arg5 : memref<128x16xf32, #tpu.memory_space<vmem>>) dst(%dma_wait3A_66 : memref<10240x16xf32, #tpu.memory_space<vmem_shared>>)
          tpu.yield
        }) : () -> ()
      } else {
      }
      %scan3A_56 = arith.constant 0 : i32
      scf.yield %scan3A_56 : i32
    }
    %scan3A_43 = arith.constant 40 : i32
    %barrier3A_44 = arith.constant 0 : index
    tpu.barrier barrier_id(%barrier3A_44)
    %mul3A_45 = arith.constant 640 : i32
    %mul3A_46 = arith.muli %arg1, %mul3A_45 : i32
    %mul3A_47 = arith.constant 640 : i32
    %mul3A_48 = arith.muli %arg1, %mul3A_47 : i32
    "tpu.region"() ({
      %run_scoped3A = tpu.sem_alloc : memref<!tpu.dma_semaphore, #tpu.memory_space<semaphore_mem>>
      %dma_start3A = arith.constant 0 : i32
      %dma_start3A_49 = arith.constant 0 : i32
      %dma_start3A_50 = tpu.memref_slice %arg3[%arg0, %dma_start3A, %dma_start3A_49] : memref<2x10240x16xf32, #tpu.memory_space<hbm>> -> memref<1x10240x16xf32, #tpu.memory_space<hbm>>
      %dma_start3A_51 = tpu.memref_squeeze %dma_start3A_50 : memref<1x10240x16xf32, #tpu.memory_space<hbm>> -> memref<10240x16xf32, #tpu.memory_space<hbm>>
      %dma_start3A_52 = arith.constant 0 : i32
      %dma_start3A_53 = tpu.memref_slice %dma_start3A_51[%mul3A_48, %dma_start3A_52] : memref<10240x16xf32, #tpu.memory_space<hbm>> -> memref<640x16xf32, #tpu.memory_space<hbm>>
      %dma_start3A_54 = arith.constant 0 : i32
      %dma_start3A_55 = tpu.memref_slice %arg6[%mul3A_46, %dma_start3A_54] : memref<10240x16xf32, #tpu.memory_space<vmem_shared>> -> memref<640x16xf32, #tpu.memory_space<vmem_shared>>
      tpu.enqueue_dma source(%dma_start3A_55 : memref<640x16xf32, #tpu.memory_space<vmem_shared>>) target(%dma_start3A_53 : memref<640x16xf32, #tpu.memory_space<hbm>>) target_semaphore(%run_scoped3A : memref<!tpu.dma_semaphore, #tpu.memory_space<semaphore_mem>>)
      %dma_wait3A = arith.constant 0 : i32
      %dma_wait3A_56 = arith.constant 0 : i32
      %dma_wait3A_57 = tpu.memref_slice %arg3[%arg0, %dma_wait3A, %dma_wait3A_56] : memref<2x10240x16xf32, #tpu.memory_space<hbm>> -> memref<1x10240x16xf32, #tpu.memory_space<hbm>>
      %dma_wait3A_58 = tpu.memref_squeeze %dma_wait3A_57 : memref<1x10240x16xf32, #tpu.memory_space<hbm>> -> memref<10240x16xf32, #tpu.memory_space<hbm>>
      %dma_wait3A_59 = arith.constant 0 : i32
      %dma_wait3A_60 = tpu.memref_slice %dma_wait3A_58[%mul3A_48, %dma_wait3A_59] : memref<10240x16xf32, #tpu.memory_space<hbm>> -> memref<640x16xf32, #tpu.memory_space<hbm>>
      %dma_wait3A_61 = arith.constant 0 : i32
      %dma_wait3A_62 = tpu.memref_slice %arg6[%mul3A_46, %dma_wait3A_61] : memref<10240x16xf32, #tpu.memory_space<vmem_shared>> -> memref<640x16xf32, #tpu.memory_space<vmem_shared>>
      tpu.wait_dma2 semaphore(%run_scoped3A : memref<!tpu.dma_semaphore, #tpu.memory_space<semaphore_mem>>) src(%dma_wait3A_62 : memref<640x16xf32, #tpu.memory_space<vmem_shared>>) dst(%dma_wait3A_60 : memref<640x16xf32, #tpu.memory_space<hbm>>)
      tpu.yield
    }) : () -> ()
    return
  }
}

#map = affine_map<(d0, d1) -> (0, 0, 0)>
module attributes {stable_mosaic.version = 14 : i64} {
  func.func @_edge_scatter_kernel(%arg0: i32, %arg1: i32, %arg2: memref<4x10000x128xf32, #tpu.memory_space<hbm>>, %arg3: memref<16x79x128xi32, #tpu.memory_space<hbm>>, %arg4: memref<16x79x128xi32, #tpu.memory_space<hbm>>, %arg5: memref<4x10112x128xf32, #tpu.memory_space<hbm>>, %arg6: memref<79x128xi32, #tpu.memory_space<vmem>>, %arg7: memref<1x128xi32, #tpu.memory_space<vmem>>, %arg8: memref<1x128xi32, #tpu.memory_space<vmem>>, %arg9: memref<128x128xf32, #tpu.memory_space<vmem>>, %arg10: memref<128x128xf32, #tpu.memory_space<vmem>>, %arg11: memref<10112x128xf32, #tpu.memory_space<vmem_shared>>, %arg12: memref<!tpu.dma_semaphore, #tpu.memory_space<semaphore_mem>>, %arg13: memref<!tpu.dma_semaphore, #tpu.memory_space<semaphore_mem>>, %arg14: memref<!tpu.dma_semaphore, #tpu.memory_space<semaphore_mem>>, %arg15: memref<!tpu.dma_semaphore, #tpu.memory_space<semaphore_mem>>) attributes {dimension_semantics = [#tpu.dimension_semantics<core_parallel>, #tpu.dimension_semantics<subcore_parallel>], iteration_bounds = array<i64: 2, 16>, scalar_prefetch = 0 : i64, scratch_operands = 10 : i64, tpu.core_type = #tpu.core_type<sc_vector_subcore>, window_params = [{transform_indices = #map}, {transform_indices = #map}, {transform_indices = #map}, {transform_indices = #map}]} {
    "tpu.region"() ({
      %run_scoped3A_184 = tpu.sem_alloc : memref<!tpu.dma_semaphore, #tpu.memory_space<semaphore_mem>>
      %dma_start3A_185 = arith.constant 0 : i32
      %dma_start3A_186 = arith.constant 0 : i32
      %dma_start3A_187 = tpu.memref_slice %arg3[%arg1, %dma_start3A_185, %dma_start3A_186] : memref<16x79x128xi32, #tpu.memory_space<hbm>> -> memref<1x79x128xi32, #tpu.memory_space<hbm>>
      %dma_start3A_188 = tpu.memref_squeeze %dma_start3A_187 : memref<1x79x128xi32, #tpu.memory_space<hbm>> -> memref<79x128xi32, #tpu.memory_space<hbm>>
      %dma_start3A_189 = arith.constant 0 : i32
      %dma_start3A_190 = arith.constant 0 : i32
      %dma_start3A_191 = tpu.memref_slice %arg3[%arg1, %dma_start3A_189, %dma_start3A_190] : memref<16x79x128xi32, #tpu.memory_space<hbm>> -> memref<1x79x128xi32, #tpu.memory_space<hbm>>
      %dma_start3A_192 = tpu.memref_squeeze %dma_start3A_191 : memref<1x79x128xi32, #tpu.memory_space<hbm>> -> memref<79x128xi32, #tpu.memory_space<hbm>>
      tpu.enqueue_dma source(%dma_start3A_192 : memref<79x128xi32, #tpu.memory_space<hbm>>) target(%arg6 : memref<79x128xi32, #tpu.memory_space<vmem>>) target_semaphore(%run_scoped3A_184 : memref<!tpu.dma_semaphore, #tpu.memory_space<semaphore_mem>>)
      %dma_wait3A_193 = arith.constant 0 : i32
      %dma_wait3A_194 = arith.constant 0 : i32
      %dma_wait3A_195 = tpu.memref_slice %arg3[%arg1, %dma_wait3A_193, %dma_wait3A_194] : memref<16x79x128xi32, #tpu.memory_space<hbm>> -> memref<1x79x128xi32, #tpu.memory_space<hbm>>
      %dma_wait3A_196 = tpu.memref_squeeze %dma_wait3A_195 : memref<1x79x128xi32, #tpu.memory_space<hbm>> -> memref<79x128xi32, #tpu.memory_space<hbm>>
      %dma_wait3A_197 = arith.constant 0 : i32
      %dma_wait3A_198 = arith.constant 0 : i32
      %dma_wait3A_199 = tpu.memref_slice %arg3[%arg1, %dma_wait3A_197, %dma_wait3A_198] : memref<16x79x128xi32, #tpu.memory_space<hbm>> -> memref<1x79x128xi32, #tpu.memory_space<hbm>>
      %dma_wait3A_200 = tpu.memref_squeeze %dma_wait3A_199 : memref<1x79x128xi32, #tpu.memory_space<hbm>> -> memref<79x128xi32, #tpu.memory_space<hbm>>
      tpu.wait_dma2 semaphore(%run_scoped3A_184 : memref<!tpu.dma_semaphore, #tpu.memory_space<semaphore_mem>>) src(%dma_wait3A_200 : memref<79x128xi32, #tpu.memory_space<hbm>>) dst(%arg6 : memref<79x128xi32, #tpu.memory_space<vmem>>)
      tpu.yield
    }) : () -> ()
    %broadcast_in_dim3A = arith.constant 0.000000e+00 : f32
    %broadcast_in_dim3A_0 = vector.broadcast %broadcast_in_dim3A : f32 to vector<16xf32>
    %mul3A = arith.constant 2 : i32
    %mul3A_1 = arith.muli %arg0, %mul3A : i32
    %add3A = arith.constant 0 : i32
    %add3A_2 = arith.addi %mul3A_1, %add3A : i32
    %scan3A = arith.constant 0 : i32
    %scan3A_3 = arith.constant 0 : i32
    %scan3A_4 = arith.constant 128 : i32
    %scan3A_5 = arith.addi %scan3A_3, %scan3A_4 : i32
    %scan3A_6 = arith.constant 1 : i32
    %scan3A_7 = scf.for %scan3A_184 = %scan3A_3 to %scan3A_5 step %scan3A_6 iter_args(%scan3A_185 = %scan3A) -> (i32)  : i32 {
      %swap3A = arith.index_cast %scan3A_184 : i32 to index
      %swap3A_186 = arith.constant 0 : index
      %swap3A_187 = tpu.vector_load %arg9[%swap3A, %swap3A_186] {strides = array<i32>} : memref<128x128xf32, #tpu.memory_space<vmem>>, vector<1x16xf32>,
      %swap3A_188 = vector.shape_cast %swap3A_187 : vector<1x16xf32> to vector<16xf32>
      %swap3A_189 = vector.shape_cast %broadcast_in_dim3A_0 : vector<16xf32> to vector<1x16xf32>
      tpu.vector_store %arg9[%swap3A, %swap3A_186], %swap3A_189 {strides = array<i32>} : memref<128x128xf32, #tpu.memory_space<vmem>>, vector<1x16xf32>,
      %swap3A_190 = arith.index_cast %scan3A_184 : i32 to index
      %swap3A_191 = arith.constant 16 : index
      %swap3A_192 = tpu.vector_load %arg9[%swap3A_190, %swap3A_191] {strides = array<i32>} : memref<128x128xf32, #tpu.memory_space<vmem>>, vector<1x16xf32>,
      %swap3A_193 = vector.shape_cast %swap3A_192 : vector<1x16xf32> to vector<16xf32>
      %swap3A_194 = vector.shape_cast %broadcast_in_dim3A_0 : vector<16xf32> to vector<1x16xf32>
      tpu.vector_store %arg9[%swap3A_190, %swap3A_191], %swap3A_194 {strides = array<i32>} : memref<128x128xf32, #tpu.memory_space<vmem>>, vector<1x16xf32>,
      %swap3A_195 = arith.index_cast %scan3A_184 : i32 to index
      %swap3A_196 = arith.constant 32 : index
      %swap3A_197 = tpu.vector_load %arg9[%swap3A_195, %swap3A_196] {strides = array<i32>} : memref<128x128xf32, #tpu.memory_space<vmem>>, vector<1x16xf32>,
      %swap3A_198 = vector.shape_cast %swap3A_197 : vector<1x16xf32> to vector<16xf32>
      %swap3A_199 = vector.shape_cast %broadcast_in_dim3A_0 : vector<16xf32> to vector<1x16xf32>
      tpu.vector_store %arg9[%swap3A_195, %swap3A_196], %swap3A_199 {strides = array<i32>} : memref<128x128xf32, #tpu.memory_space<vmem>>, vector<1x16xf32>,
      %swap3A_200 = arith.index_cast %scan3A_184 : i32 to index
      %swap3A_201 = arith.constant 48 : index
      %swap3A_202 = tpu.vector_load %arg9[%swap3A_200, %swap3A_201] {strides = array<i32>} : memref<128x128xf32, #tpu.memory_space<vmem>>, vector<1x16xf32>,
      %swap3A_203 = vector.shape_cast %swap3A_202 : vector<1x16xf32> to vector<16xf32>
      %swap3A_204 = vector.shape_cast %broadcast_in_dim3A_0 : vector<16xf32> to vector<1x16xf32>
      tpu.vector_store %arg9[%swap3A_200, %swap3A_201], %swap3A_204 {strides = array<i32>} : memref<128x128xf32, #tpu.memory_space<vmem>>, vector<1x16xf32>,
      %swap3A_205 = arith.index_cast %scan3A_184 : i32 to index
      %swap3A_206 = arith.constant 64 : index
      %swap3A_207 = tpu.vector_load %arg9[%swap3A_205, %swap3A_206] {strides = array<i32>} : memref<128x128xf32, #tpu.memory_space<vmem>>, vector<1x16xf32>,
      %swap3A_208 = vector.shape_cast %swap3A_207 : vector<1x16xf32> to vector<16xf32>
      %swap3A_209 = vector.shape_cast %broadcast_in_dim3A_0 : vector<16xf32> to vector<1x16xf32>
      tpu.vector_store %arg9[%swap3A_205, %swap3A_206], %swap3A_209 {strides = array<i32>} : memref<128x128xf32, #tpu.memory_space<vmem>>, vector<1x16xf32>,
      %swap3A_210 = arith.index_cast %scan3A_184 : i32 to index
      %swap3A_211 = arith.constant 80 : index
      %swap3A_212 = tpu.vector_load %arg9[%swap3A_210, %swap3A_211] {strides = array<i32>} : memref<128x128xf32, #tpu.memory_space<vmem>>, vector<1x16xf32>,
      %swap3A_213 = vector.shape_cast %swap3A_212 : vector<1x16xf32> to vector<16xf32>
      %swap3A_214 = vector.shape_cast %broadcast_in_dim3A_0 : vector<16xf32> to vector<1x16xf32>
      tpu.vector_store %arg9[%swap3A_210, %swap3A_211], %swap3A_214 {strides = array<i32>} : memref<128x128xf32, #tpu.memory_space<vmem>>, vector<1x16xf32>,
      %swap3A_215 = arith.index_cast %scan3A_184 : i32 to index
      %swap3A_216 = arith.constant 96 : index
      %swap3A_217 = tpu.vector_load %arg9[%swap3A_215, %swap3A_216] {strides = array<i32>} : memref<128x128xf32, #tpu.memory_space<vmem>>, vector<1x16xf32>,
      %swap3A_218 = vector.shape_cast %swap3A_217 : vector<1x16xf32> to vector<16xf32>
      %swap3A_219 = vector.shape_cast %broadcast_in_dim3A_0 : vector<16xf32> to vector<1x16xf32>
      tpu.vector_store %arg9[%swap3A_215, %swap3A_216], %swap3A_219 {strides = array<i32>} : memref<128x128xf32, #tpu.memory_space<vmem>>, vector<1x16xf32>,
      %swap3A_220 = arith.index_cast %scan3A_184 : i32 to index
      %swap3A_221 = arith.constant 112 : index
      %swap3A_222 = tpu.vector_load %arg9[%swap3A_220, %swap3A_221] {strides = array<i32>} : memref<128x128xf32, #tpu.memory_space<vmem>>, vector<1x16xf32>,
      %swap3A_223 = vector.shape_cast %swap3A_222 : vector<1x16xf32> to vector<16xf32>
      %swap3A_224 = vector.shape_cast %broadcast_in_dim3A_0 : vector<16xf32> to vector<1x16xf32>
      tpu.vector_store %arg9[%swap3A_220, %swap3A_221], %swap3A_224 {strides = array<i32>} : memref<128x128xf32, #tpu.memory_space<vmem>>, vector<1x16xf32>,
      %scan3A_225 = arith.constant 0 : i32
      scf.yield %scan3A_225 : i32
    }
    %scan3A_8 = arith.constant 128 : i32
    %mul3A_9 = arith.constant 632 : i32
    %mul3A_10 = arith.muli %arg1, %mul3A_9 : i32
    %add3A_11 = arith.constant 0 : i32
    %add3A_12 = arith.addi %mul3A_10, %add3A_11 : i32
    "tpu.region"() ({
      %run_scoped3A_184 = tpu.sem_alloc : memref<!tpu.dma_semaphore, #tpu.memory_space<semaphore_mem>>
      %dma_start3A_185 = arith.constant 0 : i32
      %dma_start3A_186 = tpu.memref_slice %arg11[%add3A_12, %dma_start3A_185] : memref<10112x128xf32, #tpu.memory_space<vmem_shared>> -> memref<128x128xf32, #tpu.memory_space<vmem_shared>>
      %dma_start3A_187 = arith.constant 0 : i32
      %dma_start3A_188 = tpu.memref_slice %arg11[%add3A_12, %dma_start3A_187] : memref<10112x128xf32, #tpu.memory_space<vmem_shared>> -> memref<128x128xf32, #tpu.memory_space<vmem_shared>>
      tpu.enqueue_dma source(%arg9 : memref<128x128xf32, #tpu.memory_space<vmem>>) target(%dma_start3A_188 : memref<128x128xf32, #tpu.memory_space<vmem_shared>>) target_semaphore(%run_scoped3A_184 : memref<!tpu.dma_semaphore, #tpu.memory_space<semaphore_mem>>)
      %dma_wait3A_189 = arith.constant 0 : i32
      %dma_wait3A_190 = tpu.memref_slice %arg11[%add3A_12, %dma_wait3A_189] : memref<10112x128xf32, #tpu.memory_space<vmem_shared>> -> memref<128x128xf32, #tpu.memory_space<vmem_shared>>
      %dma_wait3A_191 = arith.constant 0 : i32
      %dma_wait3A_192 = tpu.memref_slice %arg11[%add3A_12, %dma_wait3A_191] : memref<10112x128xf32, #tpu.memory_space<vmem_shared>> -> memref<128x128xf32, #tpu.memory_space<vmem_shared>>
      tpu.wait_dma2 semaphore(%run_scoped3A_184 : memref<!tpu.dma_semaphore, #tpu.memory_space<semaphore_mem>>) src(%arg9 : memref<128x128xf32, #tpu.memory_space<vmem>>) dst(%dma_wait3A_192 : memref<128x128xf32, #tpu.memory_space<vmem_shared>>)
      tpu.yield
    }) : () -> ()
    %mul3A_13 = arith.constant 632 : i32
    %mul3A_14 = arith.muli %arg1, %mul3A_13 : i32
    %add3A_15 = arith.constant 128 : i32
    %add3A_16 = arith.addi %mul3A_14, %add3A_15 : i32
    "tpu.region"() ({
      %run_scoped3A_184 = tpu.sem_alloc : memref<!tpu.dma_semaphore, #tpu.memory_space<semaphore_mem>>
      %dma_start3A_185 = arith.constant 0 : i32
      %dma_start3A_186 = tpu.memref_slice %arg11[%add3A_16, %dma_start3A_185] : memref<10112x128xf32, #tpu.memory_space<vmem_shared>> -> memref<128x128xf32, #tpu.memory_space<vmem_shared>>
      %dma_start3A_187 = arith.constant 0 : i32
      %dma_start3A_188 = tpu.memref_slice %arg11[%add3A_16, %dma_start3A_187] : memref<10112x128xf32, #tpu.memory_space<vmem_shared>> -> memref<128x128xf32, #tpu.memory_space<vmem_shared>>
      tpu.enqueue_dma source(%arg9 : memref<128x128xf32, #tpu.memory_space<vmem>>) target(%dma_start3A_188 : memref<128x128xf32, #tpu.memory_space<vmem_shared>>) target_semaphore(%run_scoped3A_184 : memref<!tpu.dma_semaphore, #tpu.memory_space<semaphore_mem>>)
      %dma_wait3A_189 = arith.constant 0 : i32
      %dma_wait3A_190 = tpu.memref_slice %arg11[%add3A_16, %dma_wait3A_189] : memref<10112x128xf32, #tpu.memory_space<vmem_shared>> -> memref<128x128xf32, #tpu.memory_space<vmem_shared>>
      %dma_wait3A_191 = arith.constant 0 : i32
      %dma_wait3A_192 = tpu.memref_slice %arg11[%add3A_16, %dma_wait3A_191] : memref<10112x128xf32, #tpu.memory_space<vmem_shared>> -> memref<128x128xf32, #tpu.memory_space<vmem_shared>>
      tpu.wait_dma2 semaphore(%run_scoped3A_184 : memref<!tpu.dma_semaphore, #tpu.memory_space<semaphore_mem>>) src(%arg9 : memref<128x128xf32, #tpu.memory_space<vmem>>) dst(%dma_wait3A_192 : memref<128x128xf32, #tpu.memory_space<vmem_shared>>)
      tpu.yield
    }) : () -> ()
    %mul3A_17 = arith.constant 632 : i32
    %mul3A_18 = arith.muli %arg1, %mul3A_17 : i32
    %add3A_19 = arith.constant 256 : i32
    %add3A_20 = arith.addi %mul3A_18, %add3A_19 : i32
    "tpu.region"() ({
      %run_scoped3A_184 = tpu.sem_alloc : memref<!tpu.dma_semaphore, #tpu.memory_space<semaphore_mem>>
      %dma_start3A_185 = arith.constant 0 : i32
      %dma_start3A_186 = tpu.memref_slice %arg11[%add3A_20, %dma_start3A_185] : memref<10112x128xf32, #tpu.memory_space<vmem_shared>> -> memref<128x128xf32, #tpu.memory_space<vmem_shared>>
      %dma_start3A_187 = arith.constant 0 : i32
      %dma_start3A_188 = tpu.memref_slice %arg11[%add3A_20, %dma_start3A_187] : memref<10112x128xf32, #tpu.memory_space<vmem_shared>> -> memref<128x128xf32, #tpu.memory_space<vmem_shared>>
      tpu.enqueue_dma source(%arg9 : memref<128x128xf32, #tpu.memory_space<vmem>>) target(%dma_start3A_188 : memref<128x128xf32, #tpu.memory_space<vmem_shared>>) target_semaphore(%run_scoped3A_184 : memref<!tpu.dma_semaphore, #tpu.memory_space<semaphore_mem>>)
      %dma_wait3A_189 = arith.constant 0 : i32
      %dma_wait3A_190 = tpu.memref_slice %arg11[%add3A_20, %dma_wait3A_189] : memref<10112x128xf32, #tpu.memory_space<vmem_shared>> -> memref<128x128xf32, #tpu.memory_space<vmem_shared>>
      %dma_wait3A_191 = arith.constant 0 : i32
      %dma_wait3A_192 = tpu.memref_slice %arg11[%add3A_20, %dma_wait3A_191] : memref<10112x128xf32, #tpu.memory_space<vmem_shared>> -> memref<128x128xf32, #tpu.memory_space<vmem_shared>>
      tpu.wait_dma2 semaphore(%run_scoped3A_184 : memref<!tpu.dma_semaphore, #tpu.memory_space<semaphore_mem>>) src(%arg9 : memref<128x128xf32, #tpu.memory_space<vmem>>) dst(%dma_wait3A_192 : memref<128x128xf32, #tpu.memory_space<vmem_shared>>)
      tpu.yield
    }) : () -> ()
    %mul3A_21 = arith.constant 632 : i32
    %mul3A_22 = arith.muli %arg1, %mul3A_21 : i32
    %add3A_23 = arith.constant 384 : i32
    %add3A_24 = arith.addi %mul3A_22, %add3A_23 : i32
    "tpu.region"() ({
      %run_scoped3A_184 = tpu.sem_alloc : memref<!tpu.dma_semaphore, #tpu.memory_space<semaphore_mem>>
      %dma_start3A_185 = arith.constant 0 : i32
      %dma_start3A_186 = tpu.memref_slice %arg11[%add3A_24, %dma_start3A_185] : memref<10112x128xf32, #tpu.memory_space<vmem_shared>> -> memref<128x128xf32, #tpu.memory_space<vmem_shared>>
      %dma_start3A_187 = arith.constant 0 : i32
      %dma_start3A_188 = tpu.memref_slice %arg11[%add3A_24, %dma_start3A_187] : memref<10112x128xf32, #tpu.memory_space<vmem_shared>> -> memref<128x128xf32, #tpu.memory_space<vmem_shared>>
      tpu.enqueue_dma source(%arg9 : memref<128x128xf32, #tpu.memory_space<vmem>>) target(%dma_start3A_188 : memref<128x128xf32, #tpu.memory_space<vmem_shared>>) target_semaphore(%run_scoped3A_184 : memref<!tpu.dma_semaphore, #tpu.memory_space<semaphore_mem>>)
      %dma_wait3A_189 = arith.constant 0 : i32
      %dma_wait3A_190 = tpu.memref_slice %arg11[%add3A_24, %dma_wait3A_189] : memref<10112x128xf32, #tpu.memory_space<vmem_shared>> -> memref<128x128xf32, #tpu.memory_space<vmem_shared>>
      %dma_wait3A_191 = arith.constant 0 : i32
      %dma_wait3A_192 = tpu.memref_slice %arg11[%add3A_24, %dma_wait3A_191] : memref<10112x128xf32, #tpu.memory_space<vmem_shared>> -> memref<128x128xf32, #tpu.memory_space<vmem_shared>>
      tpu.wait_dma2 semaphore(%run_scoped3A_184 : memref<!tpu.dma_semaphore, #tpu.memory_space<semaphore_mem>>) src(%arg9 : memref<128x128xf32, #tpu.memory_space<vmem>>) dst(%dma_wait3A_192 : memref<128x128xf32, #tpu.memory_space<vmem_shared>>)
      tpu.yield
    }) : () -> ()
    %mul3A_25 = arith.constant 632 : i32
    %mul3A_26 = arith.muli %arg1, %mul3A_25 : i32
    %add3A_27 = arith.constant 512 : i32
    %add3A_28 = arith.addi %mul3A_26, %add3A_27 : i32
    "tpu.region"() ({
      %run_scoped3A_184 = tpu.sem_alloc : memref<!tpu.dma_semaphore, #tpu.memory_space<semaphore_mem>>
      %dma_start3A_185 = arith.constant 0 : i32
      %dma_start3A_186 = arith.constant 0 : i32
      %dma_start3A_187 = tpu.memref_slice %arg9[%dma_start3A_185, %dma_start3A_186] : memref<128x128xf32, #tpu.memory_space<vmem>> -> memref<120x128xf32, #tpu.memory_space<vmem>>
      %dma_start3A_188 = arith.constant 0 : i32
      %dma_start3A_189 = tpu.memref_slice %arg11[%add3A_28, %dma_start3A_188] : memref<10112x128xf32, #tpu.memory_space<vmem_shared>> -> memref<120x128xf32, #tpu.memory_space<vmem_shared>>
      %dma_start3A_190 = arith.constant 0 : i32
      %dma_start3A_191 = tpu.memref_slice %arg11[%add3A_28, %dma_start3A_190] : memref<10112x128xf32, #tpu.memory_space<vmem_shared>> -> memref<120x128xf32, #tpu.memory_space<vmem_shared>>
      %dma_start3A_192 = arith.constant 0 : i32
      %dma_start3A_193 = arith.constant 0 : i32
      %dma_start3A_194 = tpu.memref_slice %arg9[%dma_start3A_192, %dma_start3A_193] : memref<128x128xf32, #tpu.memory_space<vmem>> -> memref<120x128xf32, #tpu.memory_space<vmem>>
      tpu.enqueue_dma source(%dma_start3A_194 : memref<120x128xf32, #tpu.memory_space<vmem>>) target(%dma_start3A_191 : memref<120x128xf32, #tpu.memory_space<vmem_shared>>) target_semaphore(%run_scoped3A_184 : memref<!tpu.dma_semaphore, #tpu.memory_space<semaphore_mem>>)
      %dma_wait3A_195 = arith.constant 0 : i32
      %dma_wait3A_196 = arith.constant 0 : i32
      %dma_wait3A_197 = tpu.memref_slice %arg9[%dma_wait3A_195, %dma_wait3A_196] : memref<128x128xf32, #tpu.memory_space<vmem>> -> memref<120x128xf32, #tpu.memory_space<vmem>>
      %dma_wait3A_198 = arith.constant 0 : i32
      %dma_wait3A_199 = tpu.memref_slice %arg11[%add3A_28, %dma_wait3A_198] : memref<10112x128xf32, #tpu.memory_space<vmem_shared>> -> memref<120x128xf32, #tpu.memory_space<vmem_shared>>
      %dma_wait3A_200 = arith.constant 0 : i32
      %dma_wait3A_201 = tpu.memref_slice %arg11[%add3A_28, %dma_wait3A_200] : memref<10112x128xf32, #tpu.memory_space<vmem_shared>> -> memref<120x128xf32, #tpu.memory_space<vmem_shared>>
      %dma_wait3A_202 = arith.constant 0 : i32
      %dma_wait3A_203 = arith.constant 0 : i32
      %dma_wait3A_204 = tpu.memref_slice %arg9[%dma_wait3A_202, %dma_wait3A_203] : memref<128x128xf32, #tpu.memory_space<vmem>> -> memref<120x128xf32, #tpu.memory_space<vmem>>
      tpu.wait_dma2 semaphore(%run_scoped3A_184 : memref<!tpu.dma_semaphore, #tpu.memory_space<semaphore_mem>>) src(%dma_wait3A_204 : memref<120x128xf32, #tpu.memory_space<vmem>>) dst(%dma_wait3A_201 : memref<120x128xf32, #tpu.memory_space<vmem_shared>>)
      tpu.yield
    }) : () -> ()
    %barrier3A = arith.constant 0 : index
    tpu.barrier barrier_id(%barrier3A)
    %dma_start3A = arith.constant 0 : i32
    %dma_start3A_29 = arith.constant 0 : i32
    %dma_start3A_30 = tpu.memref_slice %arg6[%dma_start3A, %dma_start3A_29] : memref<79x128xi32, #tpu.memory_space<vmem>> -> memref<1x128xi32, #tpu.memory_space<vmem>>
    %dma_start3A_31 = tpu.memref_squeeze %dma_start3A_30 : memref<1x128xi32, #tpu.memory_space<vmem>> -> memref<128xi32, #tpu.memory_space<vmem>>
    %dma_start3A_32 = arith.constant 0 : i32
    %dma_start3A_33 = arith.constant 0 : i32
    %dma_start3A_34 = tpu.memref_slice %arg2[%add3A_2, %dma_start3A_32, %dma_start3A_33] : memref<4x10000x128xf32, #tpu.memory_space<hbm>> -> memref<1x10000x128xf32, #tpu.memory_space<hbm>>
    %dma_start3A_35 = tpu.memref_squeeze %dma_start3A_34 : memref<1x10000x128xf32, #tpu.memory_space<hbm>> -> memref<10000x128xf32, #tpu.memory_space<hbm>>
    %dma_start3A_36 = arith.constant 0 : i32
    %dma_start3A_37 = arith.constant 0 : i32
    %dma_start3A_38 = tpu.memref_slice %dma_start3A_35[%dma_start3A_36, %dma_start3A_37] : memref<10000x128xf32, #tpu.memory_space<hbm>> -> memref<10000x128xf32, #tpu.memory_space<hbm>>
    tpu.enqueue_indirect_dma source(%dma_start3A_38 : memref<10000x128xf32, #tpu.memory_space<hbm>>) target(%arg9 : memref<128x128xf32, #tpu.memory_space<vmem>>) offsets(%dma_start3A_31 : memref<128xi32, #tpu.memory_space<vmem>>) semaphore(%arg12 : memref<!tpu.dma_semaphore, #tpu.memory_space<semaphore_mem>>)
    %dma_start3A_39 = arith.constant 0 : i32
    %dma_start3A_40 = arith.constant 0 : i32
    %dma_start3A_41 = tpu.memref_slice %arg4[%arg1, %dma_start3A_39, %dma_start3A_40] : memref<16x79x128xi32, #tpu.memory_space<hbm>> -> memref<1x79x128xi32, #tpu.memory_space<hbm>>
    %dma_start3A_42 = tpu.memref_squeeze %dma_start3A_41 : memref<1x79x128xi32, #tpu.memory_space<hbm>> -> memref<79x128xi32, #tpu.memory_space<hbm>>
    %dma_start3A_43 = arith.constant 0 : i32
    %dma_start3A_44 = arith.constant 0 : i32
    %dma_start3A_45 = tpu.memref_slice %dma_start3A_42[%dma_start3A_43, %dma_start3A_44] : memref<79x128xi32, #tpu.memory_space<hbm>> -> memref<1x128xi32, #tpu.memory_space<hbm>>
    %dma_start3A_46 = arith.constant 0 : i32
    %dma_start3A_47 = arith.constant 0 : i32
    %dma_start3A_48 = tpu.memref_slice %arg4[%arg1, %dma_start3A_46, %dma_start3A_47] : memref<16x79x128xi32, #tpu.memory_space<hbm>> -> memref<1x79x128xi32, #tpu.memory_space<hbm>>
    %dma_start3A_49 = tpu.memref_squeeze %dma_start3A_48 : memref<1x79x128xi32, #tpu.memory_space<hbm>> -> memref<79x128xi32, #tpu.memory_space<hbm>>
    %dma_start3A_50 = arith.constant 0 : i32
    %dma_start3A_51 = arith.constant 0 : i32
    %dma_start3A_52 = tpu.memref_slice %dma_start3A_49[%dma_start3A_50, %dma_start3A_51] : memref<79x128xi32, #tpu.memory_space<hbm>> -> memref<1x128xi32, #tpu.memory_space<hbm>>
    tpu.enqueue_dma source(%dma_start3A_52 : memref<1x128xi32, #tpu.memory_space<hbm>>) target(%arg7 : memref<1x128xi32, #tpu.memory_space<vmem>>) target_semaphore(%arg14 : memref<!tpu.dma_semaphore, #tpu.memory_space<semaphore_mem>>)
    %scan3A_53 = arith.constant 0 : i32
    %scan3A_54 = arith.constant 0 : i32
    %scan3A_55 = arith.constant 39 : i32
    %scan3A_56 = arith.addi %scan3A_54, %scan3A_55 : i32
    %scan3A_57 = arith.constant 1 : i32
    %scan3A_58 = scf.for %scan3A_184 = %scan3A_54 to %scan3A_56 step %scan3A_57 iter_args(%scan3A_185 = %scan3A_53) -> (i32)  : i32 {
      %mul3A_186 = arith.constant 2 : i32
      %mul3A_187 = arith.muli %mul3A_186, %scan3A_184 : i32
      %add3A_188 = arith.constant 1 : i32
      %add3A_189 = arith.addi %mul3A_187, %add3A_188 : i32
      %dma_start3A_190 = arith.constant 0 : i32
      %dma_start3A_191 = tpu.memref_slice %arg6[%add3A_189, %dma_start3A_190] : memref<79x128xi32, #tpu.memory_space<vmem>> -> memref<1x128xi32, #tpu.memory_space<vmem>>
      %dma_start3A_192 = tpu.memref_squeeze %dma_start3A_191 : memref<1x128xi32, #tpu.memory_space<vmem>> -> memref<128xi32, #tpu.memory_space<vmem>>
      %dma_start3A_193 = arith.constant 0 : i32
      %dma_start3A_194 = arith.constant 0 : i32
      %dma_start3A_195 = tpu.memref_slice %arg2[%add3A_2, %dma_start3A_193, %dma_start3A_194] : memref<4x10000x128xf32, #tpu.memory_space<hbm>> -> memref<1x10000x128xf32, #tpu.memory_space<hbm>>
      %dma_start3A_196 = tpu.memref_squeeze %dma_start3A_195 : memref<1x10000x128xf32, #tpu.memory_space<hbm>> -> memref<10000x128xf32, #tpu.memory_space<hbm>>
      %dma_start3A_197 = arith.constant 0 : i32
      %dma_start3A_198 = arith.constant 0 : i32
      %dma_start3A_199 = tpu.memref_slice %dma_start3A_196[%dma_start3A_197, %dma_start3A_198] : memref<10000x128xf32, #tpu.memory_space<hbm>> -> memref<10000x128xf32, #tpu.memory_space<hbm>>
      tpu.enqueue_indirect_dma source(%dma_start3A_199 : memref<10000x128xf32, #tpu.memory_space<hbm>>) target(%arg10 : memref<128x128xf32, #tpu.memory_space<vmem>>) offsets(%dma_start3A_192 : memref<128xi32, #tpu.memory_space<vmem>>) semaphore(%arg13 : memref<!tpu.dma_semaphore, #tpu.memory_space<semaphore_mem>>)
      %dma_start3A_200 = arith.constant 0 : i32
      %dma_start3A_201 = arith.constant 0 : i32
      %dma_start3A_202 = tpu.memref_slice %arg4[%arg1, %dma_start3A_200, %dma_start3A_201] : memref<16x79x128xi32, #tpu.memory_space<hbm>> -> memref<1x79x128xi32, #tpu.memory_space<hbm>>
      %dma_start3A_203 = tpu.memref_squeeze %dma_start3A_202 : memref<1x79x128xi32, #tpu.memory_space<hbm>> -> memref<79x128xi32, #tpu.memory_space<hbm>>
      %dma_start3A_204 = arith.constant 0 : i32
      %dma_start3A_205 = tpu.memref_slice %dma_start3A_203[%add3A_189, %dma_start3A_204] : memref<79x128xi32, #tpu.memory_space<hbm>> -> memref<1x128xi32, #tpu.memory_space<hbm>>
      %dma_start3A_206 = arith.constant 0 : i32
      %dma_start3A_207 = arith.constant 0 : i32
      %dma_start3A_208 = tpu.memref_slice %arg4[%arg1, %dma_start3A_206, %dma_start3A_207] : memref<16x79x128xi32, #tpu.memory_space<hbm>> -> memref<1x79x128xi32, #tpu.memory_space<hbm>>
      %dma_start3A_209 = tpu.memref_squeeze %dma_start3A_208 : memref<1x79x128xi32, #tpu.memory_space<hbm>> -> memref<79x128xi32, #tpu.memory_space<hbm>>
      %dma_start3A_210 = arith.constant 0 : i32
      %dma_start3A_211 = tpu.memref_slice %dma_start3A_209[%add3A_189, %dma_start3A_210] : memref<79x128xi32, #tpu.memory_space<hbm>> -> memref<1x128xi32, #tpu.memory_space<hbm>>
      tpu.enqueue_dma source(%dma_start3A_211 : memref<1x128xi32, #tpu.memory_space<hbm>>) target(%arg8 : memref<1x128xi32, #tpu.memory_space<vmem>>) target_semaphore(%arg15 : memref<!tpu.dma_semaphore, #tpu.memory_space<semaphore_mem>>)
      %dma_wait3A_212 = arith.constant 0 : i32
      %dma_wait3A_213 = tpu.memref_slice %arg6[%mul3A_187, %dma_wait3A_212] : memref<79x128xi32, #tpu.memory_space<vmem>> -> memref<1x128xi32, #tpu.memory_space<vmem>>
      %dma_wait3A_214 = tpu.memref_squeeze %dma_wait3A_213 : memref<1x128xi32, #tpu.memory_space<vmem>> -> memref<128xi32, #tpu.memory_space<vmem>>
      %dma_wait3A_215 = arith.constant 0 : i32
      %dma_wait3A_216 = arith.constant 0 : i32
      %dma_wait3A_217 = tpu.memref_slice %arg2[%add3A_2, %dma_wait3A_215, %dma_wait3A_216] : memref<4x10000x128xf32, #tpu.memory_space<hbm>> -> memref<1x10000x128xf32, #tpu.memory_space<hbm>>
      %dma_wait3A_218 = tpu.memref_squeeze %dma_wait3A_217 : memref<1x10000x128xf32, #tpu.memory_space<hbm>> -> memref<10000x128xf32, #tpu.memory_space<hbm>>
      %dma_wait3A_219 = arith.constant 0 : i32
      %dma_wait3A_220 = arith.constant 0 : i32
      %dma_wait3A_221 = tpu.memref_slice %dma_wait3A_218[%dma_wait3A_219, %dma_wait3A_220] : memref<10000x128xf32, #tpu.memory_space<hbm>> -> memref<10000x128xf32, #tpu.memory_space<hbm>>
      tpu.wait_indirect_dma semaphore(%arg12 : memref<!tpu.dma_semaphore, #tpu.memory_space<semaphore_mem>>) src(%dma_wait3A_221 : memref<10000x128xf32, #tpu.memory_space<hbm>>) dst(%arg9 : memref<128x128xf32, #tpu.memory_space<vmem>>)
      %dma_wait3A_222 = arith.constant 0 : i32
      %dma_wait3A_223 = arith.constant 0 : i32
      %dma_wait3A_224 = tpu.memref_slice %arg4[%arg1, %dma_wait3A_222, %dma_wait3A_223] : memref<16x79x128xi32, #tpu.memory_space<hbm>> -> memref<1x79x128xi32, #tpu.memory_space<hbm>>
      %dma_wait3A_225 = tpu.memref_squeeze %dma_wait3A_224 : memref<1x79x128xi32, #tpu.memory_space<hbm>> -> memref<79x128xi32, #tpu.memory_space<hbm>>
      %dma_wait3A_226 = arith.constant 0 : i32
      %dma_wait3A_227 = tpu.memref_slice %dma_wait3A_225[%mul3A_187, %dma_wait3A_226] : memref<79x128xi32, #tpu.memory_space<hbm>> -> memref<1x128xi32, #tpu.memory_space<hbm>>
      %dma_wait3A_228 = arith.constant 0 : i32
      %dma_wait3A_229 = arith.constant 0 : i32
      %dma_wait3A_230 = tpu.memref_slice %arg4[%arg1, %dma_wait3A_228, %dma_wait3A_229] : memref<16x79x128xi32, #tpu.memory_space<hbm>> -> memref<1x79x128xi32, #tpu.memory_space<hbm>>
      %dma_wait3A_231 = tpu.memref_squeeze %dma_wait3A_230 : memref<1x79x128xi32, #tpu.memory_space<hbm>> -> memref<79x128xi32, #tpu.memory_space<hbm>>
      %dma_wait3A_232 = arith.constant 0 : i32
      %dma_wait3A_233 = tpu.memref_slice %dma_wait3A_231[%mul3A_187, %dma_wait3A_232] : memref<79x128xi32, #tpu.memory_space<hbm>> -> memref<1x128xi32, #tpu.memory_space<hbm>>
      tpu.wait_dma2 semaphore(%arg14 : memref<!tpu.dma_semaphore, #tpu.memory_space<semaphore_mem>>) src(%dma_wait3A_233 : memref<1x128xi32, #tpu.memory_space<hbm>>) dst(%arg7 : memref<1x128xi32, #tpu.memory_space<vmem>>)
      %run_scoped3A_234 = arith.constant 0 : i32
      "tpu.region"() ({
        %run_scoped3A_285 = tpu.sem_alloc : memref<!tpu.dma_semaphore, #tpu.memory_space<semaphore_mem>>
        %dma_start3A_286 = arith.constant 0 : i32
        %dma_start3A_287 = tpu.memref_slice %arg7[%run_scoped3A_234, %dma_start3A_286] : memref<1x128xi32, #tpu.memory_space<vmem>> -> memref<1x128xi32, #tpu.memory_space<vmem>>
        %dma_start3A_288 = tpu.memref_squeeze %dma_start3A_287 : memref<1x128xi32, #tpu.memory_space<vmem>> -> memref<128xi32, #tpu.memory_space<vmem>>
        %dma_start3A_289 = arith.constant 0 : i32
        %dma_start3A_290 = arith.constant 0 : i32
        %dma_start3A_291 = tpu.memref_slice %arg11[%dma_start3A_289, %dma_start3A_290] : memref<10112x128xf32, #tpu.memory_space<vmem_shared>> -> memref<10112x128xf32, #tpu.memory_space<vmem_shared>>
        tpu.enqueue_indirect_dma source(%arg9 : memref<128x128xf32, #tpu.memory_space<vmem>>) target(%dma_start3A_291 : memref<10112x128xf32, #tpu.memory_space<vmem_shared>>) offsets(%dma_start3A_288 : memref<128xi32, #tpu.memory_space<vmem>>) semaphore(%run_scoped3A_285 : memref<!tpu.dma_semaphore, #tpu.memory_space<semaphore_mem>>) {add = true}
        %dma_wait3A_292 = arith.constant 0 : i32
        %dma_wait3A_293 = tpu.memref_slice %arg7[%run_scoped3A_234, %dma_wait3A_292] : memref<1x128xi32, #tpu.memory_space<vmem>> -> memref<1x128xi32, #tpu.memory_space<vmem>>
        %dma_wait3A_294 = tpu.memref_squeeze %dma_wait3A_293 : memref<1x128xi32, #tpu.memory_space<vmem>> -> memref<128xi32, #tpu.memory_space<vmem>>
        %dma_wait3A_295 = arith.constant 0 : i32
        %dma_wait3A_296 = arith.constant 0 : i32
        %dma_wait3A_297 = tpu.memref_slice %arg11[%dma_wait3A_295, %dma_wait3A_296] : memref<10112x128xf32, #tpu.memory_space<vmem_shared>> -> memref<10112x128xf32, #tpu.memory_space<vmem_shared>>
        tpu.wait_indirect_dma semaphore(%run_scoped3A_285 : memref<!tpu.dma_semaphore, #tpu.memory_space<semaphore_mem>>) src(%arg9 : memref<128x128xf32, #tpu.memory_space<vmem>>) dst(%dma_wait3A_297 : memref<10112x128xf32, #tpu.memory_space<vmem_shared>>)
        tpu.yield
      }) : () -> ()
      %add3A_235 = arith.constant 2 : i32
      %add3A_236 = arith.addi %mul3A_187, %add3A_235 : i32
      %dma_start3A_237 = arith.constant 0 : i32
      %dma_start3A_238 = tpu.memref_slice %arg6[%add3A_236, %dma_start3A_237] : memref<79x128xi32, #tpu.memory_space<vmem>> -> memref<1x128xi32, #tpu.memory_space<vmem>>
      %dma_start3A_239 = tpu.memref_squeeze %dma_start3A_238 : memref<1x128xi32, #tpu.memory_space<vmem>> -> memref<128xi32, #tpu.memory_space<vmem>>
      %dma_start3A_240 = arith.constant 0 : i32
      %dma_start3A_241 = arith.constant 0 : i32
      %dma_start3A_242 = tpu.memref_slice %arg2[%add3A_2, %dma_start3A_240, %dma_start3A_241] : memref<4x10000x128xf32, #tpu.memory_space<hbm>> -> memref<1x10000x128xf32, #tpu.memory_space<hbm>>
      %dma_start3A_243 = tpu.memref_squeeze %dma_start3A_242 : memref<1x10000x128xf32, #tpu.memory_space<hbm>> -> memref<10000x128xf32, #tpu.memory_space<hbm>>
      %dma_start3A_244 = arith.constant 0 : i32
      %dma_start3A_245 = arith.constant 0 : i32
      %dma_start3A_246 = tpu.memref_slice %dma_start3A_243[%dma_start3A_244, %dma_start3A_245] : memref<10000x128xf32, #tpu.memory_space<hbm>> -> memref<10000x128xf32, #tpu.memory_space<hbm>>
      tpu.enqueue_indirect_dma source(%dma_start3A_246 : memref<10000x128xf32, #tpu.memory_space<hbm>>) target(%arg9 : memref<128x128xf32, #tpu.memory_space<vmem>>) offsets(%dma_start3A_239 : memref<128xi32, #tpu.memory_space<vmem>>) semaphore(%arg12 : memref<!tpu.dma_semaphore, #tpu.memory_space<semaphore_mem>>)
      %add3A_247 = arith.constant 2 : i32
      %add3A_248 = arith.addi %mul3A_187, %add3A_247 : i32
      %dma_start3A_249 = arith.constant 0 : i32
      %dma_start3A_250 = arith.constant 0 : i32
      %dma_start3A_251 = tpu.memref_slice %arg4[%arg1, %dma_start3A_249, %dma_start3A_250] : memref<16x79x128xi32, #tpu.memory_space<hbm>> -> memref<1x79x128xi32, #tpu.memory_space<hbm>>
      %dma_start3A_252 = tpu.memref_squeeze %dma_start3A_251 : memref<1x79x128xi32, #tpu.memory_space<hbm>> -> memref<79x128xi32, #tpu.memory_space<hbm>>
      %dma_start3A_253 = arith.constant 0 : i32
      %dma_start3A_254 = tpu.memref_slice %dma_start3A_252[%add3A_248, %dma_start3A_253] : memref<79x128xi32, #tpu.memory_space<hbm>> -> memref<1x128xi32, #tpu.memory_space<hbm>>
      %dma_start3A_255 = arith.constant 0 : i32
      %dma_start3A_256 = arith.constant 0 : i32
      %dma_start3A_257 = tpu.memref_slice %arg4[%arg1, %dma_start3A_255, %dma_start3A_256] : memref<16x79x128xi32, #tpu.memory_space<hbm>> -> memref<1x79x128xi32, #tpu.memory_space<hbm>>
      %dma_start3A_258 = tpu.memref_squeeze %dma_start3A_257 : memref<1x79x128xi32, #tpu.memory_space<hbm>> -> memref<79x128xi32, #tpu.memory_space<hbm>>
      %dma_start3A_259 = arith.constant 0 : i32
      %dma_start3A_260 = tpu.memref_slice %dma_start3A_258[%add3A_248, %dma_start3A_259] : memref<79x128xi32, #tpu.memory_space<hbm>> -> memref<1x128xi32, #tpu.memory_space<hbm>>
      tpu.enqueue_dma source(%dma_start3A_260 : memref<1x128xi32, #tpu.memory_space<hbm>>) target(%arg7 : memref<1x128xi32, #tpu.memory_space<vmem>>) target_semaphore(%arg14 : memref<!tpu.dma_semaphore, #tpu.memory_space<semaphore_mem>>)
      %dma_wait3A_261 = arith.constant 0 : i32
      %dma_wait3A_262 = tpu.memref_slice %arg6[%add3A_189, %dma_wait3A_261] : memref<79x128xi32, #tpu.memory_space<vmem>> -> memref<1x128xi32, #tpu.memory_space<vmem>>
      %dma_wait3A_263 = tpu.memref_squeeze %dma_wait3A_262 : memref<1x128xi32, #tpu.memory_space<vmem>> -> memref<128xi32, #tpu.memory_space<vmem>>
      %dma_wait3A_264 = arith.constant 0 : i32
      %dma_wait3A_265 = arith.constant 0 : i32
      %dma_wait3A_266 = tpu.memref_slice %arg2[%add3A_2, %dma_wait3A_264, %dma_wait3A_265] : memref<4x10000x128xf32, #tpu.memory_space<hbm>> -> memref<1x10000x128xf32, #tpu.memory_space<hbm>>
      %dma_wait3A_267 = tpu.memref_squeeze %dma_wait3A_266 : memref<1x10000x128xf32, #tpu.memory_space<hbm>> -> memref<10000x128xf32, #tpu.memory_space<hbm>>
      %dma_wait3A_268 = arith.constant 0 : i32
      %dma_wait3A_269 = arith.constant 0 : i32
      %dma_wait3A_270 = tpu.memref_slice %dma_wait3A_267[%dma_wait3A_268, %dma_wait3A_269] : memref<10000x128xf32, #tpu.memory_space<hbm>> -> memref<10000x128xf32, #tpu.memory_space<hbm>>
      tpu.wait_indirect_dma semaphore(%arg13 : memref<!tpu.dma_semaphore, #tpu.memory_space<semaphore_mem>>) src(%dma_wait3A_270 : memref<10000x128xf32, #tpu.memory_space<hbm>>) dst(%arg10 : memref<128x128xf32, #tpu.memory_space<vmem>>)
      %dma_wait3A_271 = arith.constant 0 : i32
      %dma_wait3A_272 = arith.constant 0 : i32
      %dma_wait3A_273 = tpu.memref_slice %arg4[%arg1, %dma_wait3A_271, %dma_wait3A_272] : memref<16x79x128xi32, #tpu.memory_space<hbm>> -> memref<1x79x128xi32, #tpu.memory_space<hbm>>
      %dma_wait3A_274 = tpu.memref_squeeze %dma_wait3A_273 : memref<1x79x128xi32, #tpu.memory_space<hbm>> -> memref<79x128xi32, #tpu.memory_space<hbm>>
      %dma_wait3A_275 = arith.constant 0 : i32
      %dma_wait3A_276 = tpu.memref_slice %dma_wait3A_274[%add3A_189, %dma_wait3A_275] : memref<79x128xi32, #tpu.memory_space<hbm>> -> memref<1x128xi32, #tpu.memory_space<hbm>>
      %dma_wait3A_277 = arith.constant 0 : i32
      %dma_wait3A_278 = arith.constant 0 : i32
      %dma_wait3A_279 = tpu.memref_slice %arg4[%arg1, %dma_wait3A_277, %dma_wait3A_278] : memref<16x79x128xi32, #tpu.memory_space<hbm>> -> memref<1x79x128xi32, #tpu.memory_space<hbm>>
      %dma_wait3A_280 = tpu.memref_squeeze %dma_wait3A_279 : memref<1x79x128xi32, #tpu.memory_space<hbm>> -> memref<79x128xi32, #tpu.memory_space<hbm>>
      %dma_wait3A_281 = arith.constant 0 : i32
      %dma_wait3A_282 = tpu.memref_slice %dma_wait3A_280[%add3A_189, %dma_wait3A_281] : memref<79x128xi32, #tpu.memory_space<hbm>> -> memref<1x128xi32, #tpu.memory_space<hbm>>
      tpu.wait_dma2 semaphore(%arg15 : memref<!tpu.dma_semaphore, #tpu.memory_space<semaphore_mem>>) src(%dma_wait3A_282 : memref<1x128xi32, #tpu.memory_space<hbm>>) dst(%arg8 : memref<1x128xi32, #tpu.memory_space<vmem>>)
      %run_scoped3A_283 = arith.constant 0 : i32
      "tpu.region"() ({
        %run_scoped3A_285 = tpu.sem_alloc : memref<!tpu.dma_semaphore, #tpu.memory_space<semaphore_mem>>
        %dma_start3A_286 = arith.constant 0 : i32
        %dma_start3A_287 = tpu.memref_slice %arg8[%run_scoped3A_283, %dma_start3A_286] : memref<1x128xi32, #tpu.memory_space<vmem>> -> memref<1x128xi32, #tpu.memory_space<vmem>>
        %dma_start3A_288 = tpu.memref_squeeze %dma_start3A_287 : memref<1x128xi32, #tpu.memory_space<vmem>> -> memref<128xi32, #tpu.memory_space<vmem>>
        %dma_start3A_289 = arith.constant 0 : i32
        %dma_start3A_290 = arith.constant 0 : i32
        %dma_start3A_291 = tpu.memref_slice %arg11[%dma_start3A_289, %dma_start3A_290] : memref<10112x128xf32, #tpu.memory_space<vmem_shared>> -> memref<10112x128xf32, #tpu.memory_space<vmem_shared>>
        tpu.enqueue_indirect_dma source(%arg10 : memref<128x128xf32, #tpu.memory_space<vmem>>) target(%dma_start3A_291 : memref<10112x128xf32, #tpu.memory_space<vmem_shared>>) offsets(%dma_start3A_288 : memref<128xi32, #tpu.memory_space<vmem>>) semaphore(%run_scoped3A_285 : memref<!tpu.dma_semaphore, #tpu.memory_space<semaphore_mem>>) {add = true}
        %dma_wait3A_292 = arith.constant 0 : i32
        %dma_wait3A_293 = tpu.memref_slice %arg8[%run_scoped3A_283, %dma_wait3A_292] : memref<1x128xi32, #tpu.memory_space<vmem>> -> memref<1x128xi32, #tpu.memory_space<vmem>>
        %dma_wait3A_294 = tpu.memref_squeeze %dma_wait3A_293 : memref<1x128xi32, #tpu.memory_space<vmem>> -> memref<128xi32, #tpu.memory_space<vmem>>
        %dma_wait3A_295 = arith.constant 0 : i32
        %dma_wait3A_296 = arith.constant 0 : i32
        %dma_wait3A_297 = tpu.memref_slice %arg11[%dma_wait3A_295, %dma_wait3A_296] : memref<10112x128xf32, #tpu.memory_space<vmem_shared>> -> memref<10112x128xf32, #tpu.memory_space<vmem_shared>>
        tpu.wait_indirect_dma semaphore(%run_scoped3A_285 : memref<!tpu.dma_semaphore, #tpu.memory_space<semaphore_mem>>) src(%arg10 : memref<128x128xf32, #tpu.memory_space<vmem>>) dst(%dma_wait3A_297 : memref<10112x128xf32, #tpu.memory_space<vmem_shared>>)
        tpu.yield
      }) : () -> ()
      %scan3A_284 = arith.constant 0 : i32
      scf.yield %scan3A_284 : i32
    }
    %scan3A_59 = arith.constant 39 : i32
    %dma_wait3A = arith.constant 78 : i32
    %dma_wait3A_60 = arith.constant 0 : i32
    %dma_wait3A_61 = tpu.memref_slice %arg6[%dma_wait3A, %dma_wait3A_60] : memref<79x128xi32, #tpu.memory_space<vmem>> -> memref<1x128xi32, #tpu.memory_space<vmem>>
    %dma_wait3A_62 = tpu.memref_squeeze %dma_wait3A_61 : memref<1x128xi32, #tpu.memory_space<vmem>> -> memref<128xi32, #tpu.memory_space<vmem>>
    %dma_wait3A_63 = arith.constant 0 : i32
    %dma_wait3A_64 = arith.constant 0 : i32
    %dma_wait3A_65 = tpu.memref_slice %arg2[%add3A_2, %dma_wait3A_63, %dma_wait3A_64] : memref<4x10000x128xf32, #tpu.memory_space<hbm>> -> memref<1x10000x128xf32, #tpu.memory_space<hbm>>
    %dma_wait3A_66 = tpu.memref_squeeze %dma_wait3A_65 : memref<1x10000x128xf32, #tpu.memory_space<hbm>> -> memref<10000x128xf32, #tpu.memory_space<hbm>>
    %dma_wait3A_67 = arith.constant 0 : i32
    %dma_wait3A_68 = arith.constant 0 : i32
    %dma_wait3A_69 = tpu.memref_slice %dma_wait3A_66[%dma_wait3A_67, %dma_wait3A_68] : memref<10000x128xf32, #tpu.memory_space<hbm>> -> memref<10000x128xf32, #tpu.memory_space<hbm>>
    tpu.wait_indirect_dma semaphore(%arg12 : memref<!tpu.dma_semaphore, #tpu.memory_space<semaphore_mem>>) src(%dma_wait3A_69 : memref<10000x128xf32, #tpu.memory_space<hbm>>) dst(%arg9 : memref<128x128xf32, #tpu.memory_space<vmem>>)
    %dma_wait3A_70 = arith.constant 0 : i32
    %dma_wait3A_71 = arith.constant 0 : i32
    %dma_wait3A_72 = tpu.memref_slice %arg4[%arg1, %dma_wait3A_70, %dma_wait3A_71] : memref<16x79x128xi32, #tpu.memory_space<hbm>> -> memref<1x79x128xi32, #tpu.memory_space<hbm>>
    %dma_wait3A_73 = tpu.memref_squeeze %dma_wait3A_72 : memref<1x79x128xi32, #tpu.memory_space<hbm>> -> memref<79x128xi32, #tpu.memory_space<hbm>>
    %dma_wait3A_74 = arith.constant 78 : i32
    %dma_wait3A_75 = arith.constant 0 : i32
    %dma_wait3A_76 = tpu.memref_slice %dma_wait3A_73[%dma_wait3A_74, %dma_wait3A_75] : memref<79x128xi32, #tpu.memory_space<hbm>> -> memref<1x128xi32, #tpu.memory_space<hbm>>
    %dma_wait3A_77 = arith.constant 0 : i32
    %dma_wait3A_78 = arith.constant 0 : i32
    %dma_wait3A_79 = tpu.memref_slice %arg4[%arg1, %dma_wait3A_77, %dma_wait3A_78] : memref<16x79x128xi32, #tpu.memory_space<hbm>> -> memref<1x79x128xi32, #tpu.memory_space<hbm>>
    %dma_wait3A_80 = tpu.memref_squeeze %dma_wait3A_79 : memref<1x79x128xi32, #tpu.memory_space<hbm>> -> memref<79x128xi32, #tpu.memory_space<hbm>>
    %dma_wait3A_81 = arith.constant 78 : i32
    %dma_wait3A_82 = arith.constant 0 : i32
    %dma_wait3A_83 = tpu.memref_slice %dma_wait3A_80[%dma_wait3A_81, %dma_wait3A_82] : memref<79x128xi32, #tpu.memory_space<hbm>> -> memref<1x128xi32, #tpu.memory_space<hbm>>
    tpu.wait_dma2 semaphore(%arg14 : memref<!tpu.dma_semaphore, #tpu.memory_space<semaphore_mem>>) src(%dma_wait3A_83 : memref<1x128xi32, #tpu.memory_space<hbm>>) dst(%arg7 : memref<1x128xi32, #tpu.memory_space<vmem>>)
    %run_scoped3A = arith.constant 0 : i32
    "tpu.region"() ({
      %run_scoped3A_184 = tpu.sem_alloc : memref<!tpu.dma_semaphore, #tpu.memory_space<semaphore_mem>>
      %dma_start3A_185 = arith.constant 0 : i32
      %dma_start3A_186 = tpu.memref_slice %arg7[%run_scoped3A, %dma_start3A_185] : memref<1x128xi32, #tpu.memory_space<vmem>> -> memref<1x128xi32, #tpu.memory_space<vmem>>
      %dma_start3A_187 = tpu.memref_squeeze %dma_start3A_186 : memref<1x128xi32, #tpu.memory_space<vmem>> -> memref<128xi32, #tpu.memory_space<vmem>>
      %dma_start3A_188 = arith.constant 0 : i32
      %dma_start3A_189 = arith.constant 0 : i32
      %dma_start3A_190 = tpu.memref_slice %arg11[%dma_start3A_188, %dma_start3A_189] : memref<10112x128xf32, #tpu.memory_space<vmem_shared>> -> memref<10112x128xf32, #tpu.memory_space<vmem_shared>>
      tpu.enqueue_indirect_dma source(%arg9 : memref<128x128xf32, #tpu.memory_space<vmem>>) target(%dma_start3A_190 : memref<10112x128xf32, #tpu.memory_space<vmem_shared>>) offsets(%dma_start3A_187 : memref<128xi32, #tpu.memory_space<vmem>>) semaphore(%run_scoped3A_184 : memref<!tpu.dma_semaphore, #tpu.memory_space<semaphore_mem>>) {add = true}
      %dma_wait3A_191 = arith.constant 0 : i32
      %dma_wait3A_192 = tpu.memref_slice %arg7[%run_scoped3A, %dma_wait3A_191] : memref<1x128xi32, #tpu.memory_space<vmem>> -> memref<1x128xi32, #tpu.memory_space<vmem>>
      %dma_wait3A_193 = tpu.memref_squeeze %dma_wait3A_192 : memref<1x128xi32, #tpu.memory_space<vmem>> -> memref<128xi32, #tpu.memory_space<vmem>>
      %dma_wait3A_194 = arith.constant 0 : i32
      %dma_wait3A_195 = arith.constant 0 : i32
      %dma_wait3A_196 = tpu.memref_slice %arg11[%dma_wait3A_194, %dma_wait3A_195] : memref<10112x128xf32, #tpu.memory_space<vmem_shared>> -> memref<10112x128xf32, #tpu.memory_space<vmem_shared>>
      tpu.wait_indirect_dma semaphore(%run_scoped3A_184 : memref<!tpu.dma_semaphore, #tpu.memory_space<semaphore_mem>>) src(%arg9 : memref<128x128xf32, #tpu.memory_space<vmem>>) dst(%dma_wait3A_196 : memref<10112x128xf32, #tpu.memory_space<vmem_shared>>)
      tpu.yield
    }) : () -> ()
    %barrier3A_84 = arith.constant 0 : index
    tpu.barrier barrier_id(%barrier3A_84)
    %mul3A_85 = arith.constant 632 : i32
    %mul3A_86 = arith.muli %arg1, %mul3A_85 : i32
    %mul3A_87 = arith.constant 632 : i32
    %mul3A_88 = arith.muli %arg1, %mul3A_87 : i32
    "tpu.region"() ({
      %run_scoped3A_184 = tpu.sem_alloc : memref<!tpu.dma_semaphore, #tpu.memory_space<semaphore_mem>>
      %dma_start3A_185 = arith.constant 0 : i32
      %dma_start3A_186 = arith.constant 0 : i32
      %dma_start3A_187 = tpu.memref_slice %arg5[%add3A_2, %dma_start3A_185, %dma_start3A_186] : memref<4x10112x128xf32, #tpu.memory_space<hbm>> -> memref<1x10112x128xf32, #tpu.memory_space<hbm>>
      %dma_start3A_188 = tpu.memref_squeeze %dma_start3A_187 : memref<1x10112x128xf32, #tpu.memory_space<hbm>> -> memref<10112x128xf32, #tpu.memory_space<hbm>>
      %dma_start3A_189 = arith.constant 0 : i32
      %dma_start3A_190 = tpu.memref_slice %dma_start3A_188[%mul3A_88, %dma_start3A_189] : memref<10112x128xf32, #tpu.memory_space<hbm>> -> memref<632x128xf32, #tpu.memory_space<hbm>>
      %dma_start3A_191 = arith.constant 0 : i32
      %dma_start3A_192 = tpu.memref_slice %arg11[%mul3A_86, %dma_start3A_191] : memref<10112x128xf32, #tpu.memory_space<vmem_shared>> -> memref<632x128xf32, #tpu.memory_space<vmem_shared>>
      tpu.enqueue_dma source(%dma_start3A_192 : memref<632x128xf32, #tpu.memory_space<vmem_shared>>) target(%dma_start3A_190 : memref<632x128xf32, #tpu.memory_space<hbm>>) target_semaphore(%run_scoped3A_184 : memref<!tpu.dma_semaphore, #tpu.memory_space<semaphore_mem>>)
      %dma_wait3A_193 = arith.constant 0 : i32
      %dma_wait3A_194 = arith.constant 0 : i32
      %dma_wait3A_195 = tpu.memref_slice %arg5[%add3A_2, %dma_wait3A_193, %dma_wait3A_194] : memref<4x10112x128xf32, #tpu.memory_space<hbm>> -> memref<1x10112x128xf32, #tpu.memory_space<hbm>>
      %dma_wait3A_196 = tpu.memref_squeeze %dma_wait3A_195 : memref<1x10112x128xf32, #tpu.memory_space<hbm>> -> memref<10112x128xf32, #tpu.memory_space<hbm>>
      %dma_wait3A_197 = arith.constant 0 : i32
      %dma_wait3A_198 = tpu.memref_slice %dma_wait3A_196[%mul3A_88, %dma_wait3A_197] : memref<10112x128xf32, #tpu.memory_space<hbm>> -> memref<632x128xf32, #tpu.memory_space<hbm>>
      %dma_wait3A_199 = arith.constant 0 : i32
      %dma_wait3A_200 = tpu.memref_slice %arg11[%mul3A_86, %dma_wait3A_199] : memref<10112x128xf32, #tpu.memory_space<vmem_shared>> -> memref<632x128xf32, #tpu.memory_space<vmem_shared>>
      tpu.wait_dma2 semaphore(%run_scoped3A_184 : memref<!tpu.dma_semaphore, #tpu.memory_space<semaphore_mem>>) src(%dma_wait3A_200 : memref<632x128xf32, #tpu.memory_space<vmem_shared>>) dst(%dma_wait3A_198 : memref<632x128xf32, #tpu.memory_space<hbm>>)
      tpu.yield
    }) : () -> ()
    %mul3A_89 = arith.constant 2 : i32
    %mul3A_90 = arith.muli %arg0, %mul3A_89 : i32
    %add3A_91 = arith.constant 1 : i32
    %add3A_92 = arith.addi %mul3A_90, %add3A_91 : i32
    %scan3A_93 = arith.constant 0 : i32
    %scan3A_94 = arith.constant 0 : i32
    %scan3A_95 = arith.constant 128 : i32
    %scan3A_96 = arith.addi %scan3A_94, %scan3A_95 : i32
    %scan3A_97 = arith.constant 1 : i32
    %scan3A_98 = scf.for %scan3A_184 = %scan3A_94 to %scan3A_96 step %scan3A_97 iter_args(%scan3A_185 = %scan3A_93) -> (i32)  : i32 {
      %swap3A = arith.index_cast %scan3A_184 : i32 to index
      %swap3A_186 = arith.constant 0 : index
      %swap3A_187 = tpu.vector_load %arg9[%swap3A, %swap3A_186] {strides = array<i32>} : memref<128x128xf32, #tpu.memory_space<vmem>>, vector<1x16xf32>,
      %swap3A_188 = vector.shape_cast %swap3A_187 : vector<1x16xf32> to vector<16xf32>
      %swap3A_189 = vector.shape_cast %broadcast_in_dim3A_0 : vector<16xf32> to vector<1x16xf32>
      tpu.vector_store %arg9[%swap3A, %swap3A_186], %swap3A_189 {strides = array<i32>} : memref<128x128xf32, #tpu.memory_space<vmem>>, vector<1x16xf32>,
      %swap3A_190 = arith.index_cast %scan3A_184 : i32 to index
      %swap3A_191 = arith.constant 16 : index
      %swap3A_192 = tpu.vector_load %arg9[%swap3A_190, %swap3A_191] {strides = array<i32>} : memref<128x128xf32, #tpu.memory_space<vmem>>, vector<1x16xf32>,
      %swap3A_193 = vector.shape_cast %swap3A_192 : vector<1x16xf32> to vector<16xf32>
      %swap3A_194 = vector.shape_cast %broadcast_in_dim3A_0 : vector<16xf32> to vector<1x16xf32>
      tpu.vector_store %arg9[%swap3A_190, %swap3A_191], %swap3A_194 {strides = array<i32>} : memref<128x128xf32, #tpu.memory_space<vmem>>, vector<1x16xf32>,
      %swap3A_195 = arith.index_cast %scan3A_184 : i32 to index
      %swap3A_196 = arith.constant 32 : index
      %swap3A_197 = tpu.vector_load %arg9[%swap3A_195, %swap3A_196] {strides = array<i32>} : memref<128x128xf32, #tpu.memory_space<vmem>>, vector<1x16xf32>,
      %swap3A_198 = vector.shape_cast %swap3A_197 : vector<1x16xf32> to vector<16xf32>
      %swap3A_199 = vector.shape_cast %broadcast_in_dim3A_0 : vector<16xf32> to vector<1x16xf32>
      tpu.vector_store %arg9[%swap3A_195, %swap3A_196], %swap3A_199 {strides = array<i32>} : memref<128x128xf32, #tpu.memory_space<vmem>>, vector<1x16xf32>,
      %swap3A_200 = arith.index_cast %scan3A_184 : i32 to index
      %swap3A_201 = arith.constant 48 : index
      %swap3A_202 = tpu.vector_load %arg9[%swap3A_200, %swap3A_201] {strides = array<i32>} : memref<128x128xf32, #tpu.memory_space<vmem>>, vector<1x16xf32>,
      %swap3A_203 = vector.shape_cast %swap3A_202 : vector<1x16xf32> to vector<16xf32>
      %swap3A_204 = vector.shape_cast %broadcast_in_dim3A_0 : vector<16xf32> to vector<1x16xf32>
      tpu.vector_store %arg9[%swap3A_200, %swap3A_201], %swap3A_204 {strides = array<i32>} : memref<128x128xf32, #tpu.memory_space<vmem>>, vector<1x16xf32>,
      %swap3A_205 = arith.index_cast %scan3A_184 : i32 to index
      %swap3A_206 = arith.constant 64 : index
      %swap3A_207 = tpu.vector_load %arg9[%swap3A_205, %swap3A_206] {strides = array<i32>} : memref<128x128xf32, #tpu.memory_space<vmem>>, vector<1x16xf32>,
      %swap3A_208 = vector.shape_cast %swap3A_207 : vector<1x16xf32> to vector<16xf32>
      %swap3A_209 = vector.shape_cast %broadcast_in_dim3A_0 : vector<16xf32> to vector<1x16xf32>
      tpu.vector_store %arg9[%swap3A_205, %swap3A_206], %swap3A_209 {strides = array<i32>} : memref<128x128xf32, #tpu.memory_space<vmem>>, vector<1x16xf32>,
      %swap3A_210 = arith.index_cast %scan3A_184 : i32 to index
      %swap3A_211 = arith.constant 80 : index
      %swap3A_212 = tpu.vector_load %arg9[%swap3A_210, %swap3A_211] {strides = array<i32>} : memref<128x128xf32, #tpu.memory_space<vmem>>, vector<1x16xf32>,
      %swap3A_213 = vector.shape_cast %swap3A_212 : vector<1x16xf32> to vector<16xf32>
      %swap3A_214 = vector.shape_cast %broadcast_in_dim3A_0 : vector<16xf32> to vector<1x16xf32>
      tpu.vector_store %arg9[%swap3A_210, %swap3A_211], %swap3A_214 {strides = array<i32>} : memref<128x128xf32, #tpu.memory_space<vmem>>, vector<1x16xf32>,
      %swap3A_215 = arith.index_cast %scan3A_184 : i32 to index
      %swap3A_216 = arith.constant 96 : index
      %swap3A_217 = tpu.vector_load %arg9[%swap3A_215, %swap3A_216] {strides = array<i32>} : memref<128x128xf32, #tpu.memory_space<vmem>>, vector<1x16xf32>,
      %swap3A_218 = vector.shape_cast %swap3A_217 : vector<1x16xf32> to vector<16xf32>
      %swap3A_219 = vector.shape_cast %broadcast_in_dim3A_0 : vector<16xf32> to vector<1x16xf32>
      tpu.vector_store %arg9[%swap3A_215, %swap3A_216], %swap3A_219 {strides = array<i32>} : memref<128x128xf32, #tpu.memory_space<vmem>>, vector<1x16xf32>,
      %swap3A_220 = arith.index_cast %scan3A_184 : i32 to index
      %swap3A_221 = arith.constant 112 : index
      %swap3A_222 = tpu.vector_load %arg9[%swap3A_220, %swap3A_221] {strides = array<i32>} : memref<128x128xf32, #tpu.memory_space<vmem>>, vector<1x16xf32>,
      %swap3A_223 = vector.shape_cast %swap3A_222 : vector<1x16xf32> to vector<16xf32>
      %swap3A_224 = vector.shape_cast %broadcast_in_dim3A_0 : vector<16xf32> to vector<1x16xf32>
      tpu.vector_store %arg9[%swap3A_220, %swap3A_221], %swap3A_224 {strides = array<i32>} : memref<128x128xf32, #tpu.memory_space<vmem>>, vector<1x16xf32>,
      %scan3A_225 = arith.constant 0 : i32
      scf.yield %scan3A_225 : i32
    }
    %scan3A_99 = arith.constant 128 : i32
    %mul3A_100 = arith.constant 632 : i32
    %mul3A_101 = arith.muli %arg1, %mul3A_100 : i32
    %add3A_102 = arith.constant 0 : i32
    %add3A_103 = arith.addi %mul3A_101, %add3A_102 : i32
    "tpu.region"() ({
      %run_scoped3A_184 = tpu.sem_alloc : memref<!tpu.dma_semaphore, #tpu.memory_space<semaphore_mem>>
      %dma_start3A_185 = arith.constant 0 : i32
      %dma_start3A_186 = tpu.memref_slice %arg11[%add3A_103, %dma_start3A_185] : memref<10112x128xf32, #tpu.memory_space<vmem_shared>> -> memref<128x128xf32, #tpu.memory_space<vmem_shared>>
      %dma_start3A_187 = arith.constant 0 : i32
      %dma_start3A_188 = tpu.memref_slice %arg11[%add3A_103, %dma_start3A_187] : memref<10112x128xf32, #tpu.memory_space<vmem_shared>> -> memref<128x128xf32, #tpu.memory_space<vmem_shared>>
      tpu.enqueue_dma source(%arg9 : memref<128x128xf32, #tpu.memory_space<vmem>>) target(%dma_start3A_188 : memref<128x128xf32, #tpu.memory_space<vmem_shared>>) target_semaphore(%run_scoped3A_184 : memref<!tpu.dma_semaphore, #tpu.memory_space<semaphore_mem>>)
      %dma_wait3A_189 = arith.constant 0 : i32
      %dma_wait3A_190 = tpu.memref_slice %arg11[%add3A_103, %dma_wait3A_189] : memref<10112x128xf32, #tpu.memory_space<vmem_shared>> -> memref<128x128xf32, #tpu.memory_space<vmem_shared>>
      %dma_wait3A_191 = arith.constant 0 : i32
      %dma_wait3A_192 = tpu.memref_slice %arg11[%add3A_103, %dma_wait3A_191] : memref<10112x128xf32, #tpu.memory_space<vmem_shared>> -> memref<128x128xf32, #tpu.memory_space<vmem_shared>>
      tpu.wait_dma2 semaphore(%run_scoped3A_184 : memref<!tpu.dma_semaphore, #tpu.memory_space<semaphore_mem>>) src(%arg9 : memref<128x128xf32, #tpu.memory_space<vmem>>) dst(%dma_wait3A_192 : memref<128x128xf32, #tpu.memory_space<vmem_shared>>)
      tpu.yield
    }) : () -> ()
    %mul3A_104 = arith.constant 632 : i32
    %mul3A_105 = arith.muli %arg1, %mul3A_104 : i32
    %add3A_106 = arith.constant 128 : i32
    %add3A_107 = arith.addi %mul3A_105, %add3A_106 : i32
    "tpu.region"() ({
      %run_scoped3A_184 = tpu.sem_alloc : memref<!tpu.dma_semaphore, #tpu.memory_space<semaphore_mem>>
      %dma_start3A_185 = arith.constant 0 : i32
      %dma_start3A_186 = tpu.memref_slice %arg11[%add3A_107, %dma_start3A_185] : memref<10112x128xf32, #tpu.memory_space<vmem_shared>> -> memref<128x128xf32, #tpu.memory_space<vmem_shared>>
      %dma_start3A_187 = arith.constant 0 : i32
      %dma_start3A_188 = tpu.memref_slice %arg11[%add3A_107, %dma_start3A_187] : memref<10112x128xf32, #tpu.memory_space<vmem_shared>> -> memref<128x128xf32, #tpu.memory_space<vmem_shared>>
      tpu.enqueue_dma source(%arg9 : memref<128x128xf32, #tpu.memory_space<vmem>>) target(%dma_start3A_188 : memref<128x128xf32, #tpu.memory_space<vmem_shared>>) target_semaphore(%run_scoped3A_184 : memref<!tpu.dma_semaphore, #tpu.memory_space<semaphore_mem>>)
      %dma_wait3A_189 = arith.constant 0 : i32
      %dma_wait3A_190 = tpu.memref_slice %arg11[%add3A_107, %dma_wait3A_189] : memref<10112x128xf32, #tpu.memory_space<vmem_shared>> -> memref<128x128xf32, #tpu.memory_space<vmem_shared>>
      %dma_wait3A_191 = arith.constant 0 : i32
      %dma_wait3A_192 = tpu.memref_slice %arg11[%add3A_107, %dma_wait3A_191] : memref<10112x128xf32, #tpu.memory_space<vmem_shared>> -> memref<128x128xf32, #tpu.memory_space<vmem_shared>>
      tpu.wait_dma2 semaphore(%run_scoped3A_184 : memref<!tpu.dma_semaphore, #tpu.memory_space<semaphore_mem>>) src(%arg9 : memref<128x128xf32, #tpu.memory_space<vmem>>) dst(%dma_wait3A_192 : memref<128x128xf32, #tpu.memory_space<vmem_shared>>)
      tpu.yield
    }) : () -> ()
    %mul3A_108 = arith.constant 632 : i32
    %mul3A_109 = arith.muli %arg1, %mul3A_108 : i32
    %add3A_110 = arith.constant 256 : i32
    %add3A_111 = arith.addi %mul3A_109, %add3A_110 : i32
    "tpu.region"() ({
      %run_scoped3A_184 = tpu.sem_alloc : memref<!tpu.dma_semaphore, #tpu.memory_space<semaphore_mem>>
      %dma_start3A_185 = arith.constant 0 : i32
      %dma_start3A_186 = tpu.memref_slice %arg11[%add3A_111, %dma_start3A_185] : memref<10112x128xf32, #tpu.memory_space<vmem_shared>> -> memref<128x128xf32, #tpu.memory_space<vmem_shared>>
      %dma_start3A_187 = arith.constant 0 : i32
      %dma_start3A_188 = tpu.memref_slice %arg11[%add3A_111, %dma_start3A_187] : memref<10112x128xf32, #tpu.memory_space<vmem_shared>> -> memref<128x128xf32, #tpu.memory_space<vmem_shared>>
      tpu.enqueue_dma source(%arg9 : memref<128x128xf32, #tpu.memory_space<vmem>>) target(%dma_start3A_188 : memref<128x128xf32, #tpu.memory_space<vmem_shared>>) target_semaphore(%run_scoped3A_184 : memref<!tpu.dma_semaphore, #tpu.memory_space<semaphore_mem>>)
      %dma_wait3A_189 = arith.constant 0 : i32
      %dma_wait3A_190 = tpu.memref_slice %arg11[%add3A_111, %dma_wait3A_189] : memref<10112x128xf32, #tpu.memory_space<vmem_shared>> -> memref<128x128xf32, #tpu.memory_space<vmem_shared>>
      %dma_wait3A_191 = arith.constant 0 : i32
      %dma_wait3A_192 = tpu.memref_slice %arg11[%add3A_111, %dma_wait3A_191] : memref<10112x128xf32, #tpu.memory_space<vmem_shared>> -> memref<128x128xf32, #tpu.memory_space<vmem_shared>>
      tpu.wait_dma2 semaphore(%run_scoped3A_184 : memref<!tpu.dma_semaphore, #tpu.memory_space<semaphore_mem>>) src(%arg9 : memref<128x128xf32, #tpu.memory_space<vmem>>) dst(%dma_wait3A_192 : memref<128x128xf32, #tpu.memory_space<vmem_shared>>)
      tpu.yield
    }) : () -> ()
    %mul3A_112 = arith.constant 632 : i32
    %mul3A_113 = arith.muli %arg1, %mul3A_112 : i32
    %add3A_114 = arith.constant 384 : i32
    %add3A_115 = arith.addi %mul3A_113, %add3A_114 : i32
    "tpu.region"() ({
      %run_scoped3A_184 = tpu.sem_alloc : memref<!tpu.dma_semaphore, #tpu.memory_space<semaphore_mem>>
      %dma_start3A_185 = arith.constant 0 : i32
      %dma_start3A_186 = tpu.memref_slice %arg11[%add3A_115, %dma_start3A_185] : memref<10112x128xf32, #tpu.memory_space<vmem_shared>> -> memref<128x128xf32, #tpu.memory_space<vmem_shared>>
      %dma_start3A_187 = arith.constant 0 : i32
      %dma_start3A_188 = tpu.memref_slice %arg11[%add3A_115, %dma_start3A_187] : memref<10112x128xf32, #tpu.memory_space<vmem_shared>> -> memref<128x128xf32, #tpu.memory_space<vmem_shared>>
      tpu.enqueue_dma source(%arg9 : memref<128x128xf32, #tpu.memory_space<vmem>>) target(%dma_start3A_188 : memref<128x128xf32, #tpu.memory_space<vmem_shared>>) target_semaphore(%run_scoped3A_184 : memref<!tpu.dma_semaphore, #tpu.memory_space<semaphore_mem>>)
      %dma_wait3A_189 = arith.constant 0 : i32
      %dma_wait3A_190 = tpu.memref_slice %arg11[%add3A_115, %dma_wait3A_189] : memref<10112x128xf32, #tpu.memory_space<vmem_shared>> -> memref<128x128xf32, #tpu.memory_space<vmem_shared>>
      %dma_wait3A_191 = arith.constant 0 : i32
      %dma_wait3A_192 = tpu.memref_slice %arg11[%add3A_115, %dma_wait3A_191] : memref<10112x128xf32, #tpu.memory_space<vmem_shared>> -> memref<128x128xf32, #tpu.memory_space<vmem_shared>>
      tpu.wait_dma2 semaphore(%run_scoped3A_184 : memref<!tpu.dma_semaphore, #tpu.memory_space<semaphore_mem>>) src(%arg9 : memref<128x128xf32, #tpu.memory_space<vmem>>) dst(%dma_wait3A_192 : memref<128x128xf32, #tpu.memory_space<vmem_shared>>)
      tpu.yield
    }) : () -> ()
    %mul3A_116 = arith.constant 632 : i32
    %mul3A_117 = arith.muli %arg1, %mul3A_116 : i32
    %add3A_118 = arith.constant 512 : i32
    %add3A_119 = arith.addi %mul3A_117, %add3A_118 : i32
    "tpu.region"() ({
      %run_scoped3A_184 = tpu.sem_alloc : memref<!tpu.dma_semaphore, #tpu.memory_space<semaphore_mem>>
      %dma_start3A_185 = arith.constant 0 : i32
      %dma_start3A_186 = arith.constant 0 : i32
      %dma_start3A_187 = tpu.memref_slice %arg9[%dma_start3A_185, %dma_start3A_186] : memref<128x128xf32, #tpu.memory_space<vmem>> -> memref<120x128xf32, #tpu.memory_space<vmem>>
      %dma_start3A_188 = arith.constant 0 : i32
      %dma_start3A_189 = tpu.memref_slice %arg11[%add3A_119, %dma_start3A_188] : memref<10112x128xf32, #tpu.memory_space<vmem_shared>> -> memref<120x128xf32, #tpu.memory_space<vmem_shared>>
      %dma_start3A_190 = arith.constant 0 : i32
      %dma_start3A_191 = tpu.memref_slice %arg11[%add3A_119, %dma_start3A_190] : memref<10112x128xf32, #tpu.memory_space<vmem_shared>> -> memref<120x128xf32, #tpu.memory_space<vmem_shared>>
      %dma_start3A_192 = arith.constant 0 : i32
      %dma_start3A_193 = arith.constant 0 : i32
      %dma_start3A_194 = tpu.memref_slice %arg9[%dma_start3A_192, %dma_start3A_193] : memref<128x128xf32, #tpu.memory_space<vmem>> -> memref<120x128xf32, #tpu.memory_space<vmem>>
      tpu.enqueue_dma source(%dma_start3A_194 : memref<120x128xf32, #tpu.memory_space<vmem>>) target(%dma_start3A_191 : memref<120x128xf32, #tpu.memory_space<vmem_shared>>) target_semaphore(%run_scoped3A_184 : memref<!tpu.dma_semaphore, #tpu.memory_space<semaphore_mem>>)
      %dma_wait3A_195 = arith.constant 0 : i32
      %dma_wait3A_196 = arith.constant 0 : i32
      %dma_wait3A_197 = tpu.memref_slice %arg9[%dma_wait3A_195, %dma_wait3A_196] : memref<128x128xf32, #tpu.memory_space<vmem>> -> memref<120x128xf32, #tpu.memory_space<vmem>>
      %dma_wait3A_198 = arith.constant 0 : i32
      %dma_wait3A_199 = tpu.memref_slice %arg11[%add3A_119, %dma_wait3A_198] : memref<10112x128xf32, #tpu.memory_space<vmem_shared>> -> memref<120x128xf32, #tpu.memory_space<vmem_shared>>
      %dma_wait3A_200 = arith.constant 0 : i32
      %dma_wait3A_201 = tpu.memref_slice %arg11[%add3A_119, %dma_wait3A_200] : memref<10112x128xf32, #tpu.memory_space<vmem_shared>> -> memref<120x128xf32, #tpu.memory_space<vmem_shared>>
      %dma_wait3A_202 = arith.constant 0 : i32
      %dma_wait3A_203 = arith.constant 0 : i32
      %dma_wait3A_204 = tpu.memref_slice %arg9[%dma_wait3A_202, %dma_wait3A_203] : memref<128x128xf32, #tpu.memory_space<vmem>> -> memref<120x128xf32, #tpu.memory_space<vmem>>
      tpu.wait_dma2 semaphore(%run_scoped3A_184 : memref<!tpu.dma_semaphore, #tpu.memory_space<semaphore_mem>>) src(%dma_wait3A_204 : memref<120x128xf32, #tpu.memory_space<vmem>>) dst(%dma_wait3A_201 : memref<120x128xf32, #tpu.memory_space<vmem_shared>>)
      tpu.yield
    }) : () -> ()
    %barrier3A_120 = arith.constant 0 : index
    tpu.barrier barrier_id(%barrier3A_120)
    %dma_start3A_121 = arith.constant 0 : i32
    %dma_start3A_122 = arith.constant 0 : i32
    %dma_start3A_123 = tpu.memref_slice %arg6[%dma_start3A_121, %dma_start3A_122] : memref<79x128xi32, #tpu.memory_space<vmem>> -> memref<1x128xi32, #tpu.memory_space<vmem>>
    %dma_start3A_124 = tpu.memref_squeeze %dma_start3A_123 : memref<1x128xi32, #tpu.memory_space<vmem>> -> memref<128xi32, #tpu.memory_space<vmem>>
    %dma_start3A_125 = arith.constant 0 : i32
    %dma_start3A_126 = arith.constant 0 : i32
    %dma_start3A_127 = tpu.memref_slice %arg2[%add3A_92, %dma_start3A_125, %dma_start3A_126] : memref<4x10000x128xf32, #tpu.memory_space<hbm>> -> memref<1x10000x128xf32, #tpu.memory_space<hbm>>
    %dma_start3A_128 = tpu.memref_squeeze %dma_start3A_127 : memref<1x10000x128xf32, #tpu.memory_space<hbm>> -> memref<10000x128xf32, #tpu.memory_space<hbm>>
    %dma_start3A_129 = arith.constant 0 : i32
    %dma_start3A_130 = arith.constant 0 : i32
    %dma_start3A_131 = tpu.memref_slice %dma_start3A_128[%dma_start3A_129, %dma_start3A_130] : memref<10000x128xf32, #tpu.memory_space<hbm>> -> memref<10000x128xf32, #tpu.memory_space<hbm>>
    tpu.enqueue_indirect_dma source(%dma_start3A_131 : memref<10000x128xf32, #tpu.memory_space<hbm>>) target(%arg9 : memref<128x128xf32, #tpu.memory_space<vmem>>) offsets(%dma_start3A_124 : memref<128xi32, #tpu.memory_space<vmem>>) semaphore(%arg12 : memref<!tpu.dma_semaphore, #tpu.memory_space<semaphore_mem>>)
    %dma_start3A_132 = arith.constant 0 : i32
    %dma_start3A_133 = arith.constant 0 : i32
    %dma_start3A_134 = tpu.memref_slice %arg4[%arg1, %dma_start3A_132, %dma_start3A_133] : memref<16x79x128xi32, #tpu.memory_space<hbm>> -> memref<1x79x128xi32, #tpu.memory_space<hbm>>
    %dma_start3A_135 = tpu.memref_squeeze %dma_start3A_134 : memref<1x79x128xi32, #tpu.memory_space<hbm>> -> memref<79x128xi32, #tpu.memory_space<hbm>>
    %dma_start3A_136 = arith.constant 0 : i32
    %dma_start3A_137 = arith.constant 0 : i32
    %dma_start3A_138 = tpu.memref_slice %dma_start3A_135[%dma_start3A_136, %dma_start3A_137] : memref<79x128xi32, #tpu.memory_space<hbm>> -> memref<1x128xi32, #tpu.memory_space<hbm>>
    %dma_start3A_139 = arith.constant 0 : i32
    %dma_start3A_140 = arith.constant 0 : i32
    %dma_start3A_141 = tpu.memref_slice %arg4[%arg1, %dma_start3A_139, %dma_start3A_140] : memref<16x79x128xi32, #tpu.memory_space<hbm>> -> memref<1x79x128xi32, #tpu.memory_space<hbm>>
    %dma_start3A_142 = tpu.memref_squeeze %dma_start3A_141 : memref<1x79x128xi32, #tpu.memory_space<hbm>> -> memref<79x128xi32, #tpu.memory_space<hbm>>
    %dma_start3A_143 = arith.constant 0 : i32
    %dma_start3A_144 = arith.constant 0 : i32
    %dma_start3A_145 = tpu.memref_slice %dma_start3A_142[%dma_start3A_143, %dma_start3A_144] : memref<79x128xi32, #tpu.memory_space<hbm>> -> memref<1x128xi32, #tpu.memory_space<hbm>>
    tpu.enqueue_dma source(%dma_start3A_145 : memref<1x128xi32, #tpu.memory_space<hbm>>) target(%arg7 : memref<1x128xi32, #tpu.memory_space<vmem>>) target_semaphore(%arg14 : memref<!tpu.dma_semaphore, #tpu.memory_space<semaphore_mem>>)
    %scan3A_146 = arith.constant 0 : i32
    %scan3A_147 = arith.constant 0 : i32
    %scan3A_148 = arith.constant 39 : i32
    %scan3A_149 = arith.addi %scan3A_147, %scan3A_148 : i32
    %scan3A_150 = arith.constant 1 : i32
    %scan3A_151 = scf.for %scan3A_184 = %scan3A_147 to %scan3A_149 step %scan3A_150 iter_args(%scan3A_185 = %scan3A_146) -> (i32)  : i32 {
      %mul3A_186 = arith.constant 2 : i32
      %mul3A_187 = arith.muli %mul3A_186, %scan3A_184 : i32
      %add3A_188 = arith.constant 1 : i32
      %add3A_189 = arith.addi %mul3A_187, %add3A_188 : i32
      %dma_start3A_190 = arith.constant 0 : i32
      %dma_start3A_191 = tpu.memref_slice %arg6[%add3A_189, %dma_start3A_190] : memref<79x128xi32, #tpu.memory_space<vmem>> -> memref<1x128xi32, #tpu.memory_space<vmem>>
      %dma_start3A_192 = tpu.memref_squeeze %dma_start3A_191 : memref<1x128xi32, #tpu.memory_space<vmem>> -> memref<128xi32, #tpu.memory_space<vmem>>
      %dma_start3A_193 = arith.constant 0 : i32
      %dma_start3A_194 = arith.constant 0 : i32
      %dma_start3A_195 = tpu.memref_slice %arg2[%add3A_92, %dma_start3A_193, %dma_start3A_194] : memref<4x10000x128xf32, #tpu.memory_space<hbm>> -> memref<1x10000x128xf32, #tpu.memory_space<hbm>>
      %dma_start3A_196 = tpu.memref_squeeze %dma_start3A_195 : memref<1x10000x128xf32, #tpu.memory_space<hbm>> -> memref<10000x128xf32, #tpu.memory_space<hbm>>
      %dma_start3A_197 = arith.constant 0 : i32
      %dma_start3A_198 = arith.constant 0 : i32
      %dma_start3A_199 = tpu.memref_slice %dma_start3A_196[%dma_start3A_197, %dma_start3A_198] : memref<10000x128xf32, #tpu.memory_space<hbm>> -> memref<10000x128xf32, #tpu.memory_space<hbm>>
      tpu.enqueue_indirect_dma source(%dma_start3A_199 : memref<10000x128xf32, #tpu.memory_space<hbm>>) target(%arg10 : memref<128x128xf32, #tpu.memory_space<vmem>>) offsets(%dma_start3A_192 : memref<128xi32, #tpu.memory_space<vmem>>) semaphore(%arg13 : memref<!tpu.dma_semaphore, #tpu.memory_space<semaphore_mem>>)
      %dma_start3A_200 = arith.constant 0 : i32
      %dma_start3A_201 = arith.constant 0 : i32
      %dma_start3A_202 = tpu.memref_slice %arg4[%arg1, %dma_start3A_200, %dma_start3A_201] : memref<16x79x128xi32, #tpu.memory_space<hbm>> -> memref<1x79x128xi32, #tpu.memory_space<hbm>>
      %dma_start3A_203 = tpu.memref_squeeze %dma_start3A_202 : memref<1x79x128xi32, #tpu.memory_space<hbm>> -> memref<79x128xi32, #tpu.memory_space<hbm>>
      %dma_start3A_204 = arith.constant 0 : i32
      %dma_start3A_205 = tpu.memref_slice %dma_start3A_203[%add3A_189, %dma_start3A_204] : memref<79x128xi32, #tpu.memory_space<hbm>> -> memref<1x128xi32, #tpu.memory_space<hbm>>
      %dma_start3A_206 = arith.constant 0 : i32
      %dma_start3A_207 = arith.constant 0 : i32
      %dma_start3A_208 = tpu.memref_slice %arg4[%arg1, %dma_start3A_206, %dma_start3A_207] : memref<16x79x128xi32, #tpu.memory_space<hbm>> -> memref<1x79x128xi32, #tpu.memory_space<hbm>>
      %dma_start3A_209 = tpu.memref_squeeze %dma_start3A_208 : memref<1x79x128xi32, #tpu.memory_space<hbm>> -> memref<79x128xi32, #tpu.memory_space<hbm>>
      %dma_start3A_210 = arith.constant 0 : i32
      %dma_start3A_211 = tpu.memref_slice %dma_start3A_209[%add3A_189, %dma_start3A_210] : memref<79x128xi32, #tpu.memory_space<hbm>> -> memref<1x128xi32, #tpu.memory_space<hbm>>
      tpu.enqueue_dma source(%dma_start3A_211 : memref<1x128xi32, #tpu.memory_space<hbm>>) target(%arg8 : memref<1x128xi32, #tpu.memory_space<vmem>>) target_semaphore(%arg15 : memref<!tpu.dma_semaphore, #tpu.memory_space<semaphore_mem>>)
      %dma_wait3A_212 = arith.constant 0 : i32
      %dma_wait3A_213 = tpu.memref_slice %arg6[%mul3A_187, %dma_wait3A_212] : memref<79x128xi32, #tpu.memory_space<vmem>> -> memref<1x128xi32, #tpu.memory_space<vmem>>
      %dma_wait3A_214 = tpu.memref_squeeze %dma_wait3A_213 : memref<1x128xi32, #tpu.memory_space<vmem>> -> memref<128xi32, #tpu.memory_space<vmem>>
      %dma_wait3A_215 = arith.constant 0 : i32
      %dma_wait3A_216 = arith.constant 0 : i32
      %dma_wait3A_217 = tpu.memref_slice %arg2[%add3A_92, %dma_wait3A_215, %dma_wait3A_216] : memref<4x10000x128xf32, #tpu.memory_space<hbm>> -> memref<1x10000x128xf32, #tpu.memory_space<hbm>>
      %dma_wait3A_218 = tpu.memref_squeeze %dma_wait3A_217 : memref<1x10000x128xf32, #tpu.memory_space<hbm>> -> memref<10000x128xf32, #tpu.memory_space<hbm>>
      %dma_wait3A_219 = arith.constant 0 : i32
      %dma_wait3A_220 = arith.constant 0 : i32
      %dma_wait3A_221 = tpu.memref_slice %dma_wait3A_218[%dma_wait3A_219, %dma_wait3A_220] : memref<10000x128xf32, #tpu.memory_space<hbm>> -> memref<10000x128xf32, #tpu.memory_space<hbm>>
      tpu.wait_indirect_dma semaphore(%arg12 : memref<!tpu.dma_semaphore, #tpu.memory_space<semaphore_mem>>) src(%dma_wait3A_221 : memref<10000x128xf32, #tpu.memory_space<hbm>>) dst(%arg9 : memref<128x128xf32, #tpu.memory_space<vmem>>)
      %dma_wait3A_222 = arith.constant 0 : i32
      %dma_wait3A_223 = arith.constant 0 : i32
      %dma_wait3A_224 = tpu.memref_slice %arg4[%arg1, %dma_wait3A_222, %dma_wait3A_223] : memref<16x79x128xi32, #tpu.memory_space<hbm>> -> memref<1x79x128xi32, #tpu.memory_space<hbm>>
      %dma_wait3A_225 = tpu.memref_squeeze %dma_wait3A_224 : memref<1x79x128xi32, #tpu.memory_space<hbm>> -> memref<79x128xi32, #tpu.memory_space<hbm>>
      %dma_wait3A_226 = arith.constant 0 : i32
      %dma_wait3A_227 = tpu.memref_slice %dma_wait3A_225[%mul3A_187, %dma_wait3A_226] : memref<79x128xi32, #tpu.memory_space<hbm>> -> memref<1x128xi32, #tpu.memory_space<hbm>>
      %dma_wait3A_228 = arith.constant 0 : i32
      %dma_wait3A_229 = arith.constant 0 : i32
      %dma_wait3A_230 = tpu.memref_slice %arg4[%arg1, %dma_wait3A_228, %dma_wait3A_229] : memref<16x79x128xi32, #tpu.memory_space<hbm>> -> memref<1x79x128xi32, #tpu.memory_space<hbm>>
      %dma_wait3A_231 = tpu.memref_squeeze %dma_wait3A_230 : memref<1x79x128xi32, #tpu.memory_space<hbm>> -> memref<79x128xi32, #tpu.memory_space<hbm>>
      %dma_wait3A_232 = arith.constant 0 : i32
      %dma_wait3A_233 = tpu.memref_slice %dma_wait3A_231[%mul3A_187, %dma_wait3A_232] : memref<79x128xi32, #tpu.memory_space<hbm>> -> memref<1x128xi32, #tpu.memory_space<hbm>>
      tpu.wait_dma2 semaphore(%arg14 : memref<!tpu.dma_semaphore, #tpu.memory_space<semaphore_mem>>) src(%dma_wait3A_233 : memref<1x128xi32, #tpu.memory_space<hbm>>) dst(%arg7 : memref<1x128xi32, #tpu.memory_space<vmem>>)
      %run_scoped3A_234 = arith.constant 0 : i32
      "tpu.region"() ({
        %run_scoped3A_285 = tpu.sem_alloc : memref<!tpu.dma_semaphore, #tpu.memory_space<semaphore_mem>>
        %dma_start3A_286 = arith.constant 0 : i32
        %dma_start3A_287 = tpu.memref_slice %arg7[%run_scoped3A_234, %dma_start3A_286] : memref<1x128xi32, #tpu.memory_space<vmem>> -> memref<1x128xi32, #tpu.memory_space<vmem>>
        %dma_start3A_288 = tpu.memref_squeeze %dma_start3A_287 : memref<1x128xi32, #tpu.memory_space<vmem>> -> memref<128xi32, #tpu.memory_space<vmem>>
        %dma_start3A_289 = arith.constant 0 : i32
        %dma_start3A_290 = arith.constant 0 : i32
        %dma_start3A_291 = tpu.memref_slice %arg11[%dma_start3A_289, %dma_start3A_290] : memref<10112x128xf32, #tpu.memory_space<vmem_shared>> -> memref<10112x128xf32, #tpu.memory_space<vmem_shared>>
        tpu.enqueue_indirect_dma source(%arg9 : memref<128x128xf32, #tpu.memory_space<vmem>>) target(%dma_start3A_291 : memref<10112x128xf32, #tpu.memory_space<vmem_shared>>) offsets(%dma_start3A_288 : memref<128xi32, #tpu.memory_space<vmem>>) semaphore(%run_scoped3A_285 : memref<!tpu.dma_semaphore, #tpu.memory_space<semaphore_mem>>) {add = true}
        %dma_wait3A_292 = arith.constant 0 : i32
        %dma_wait3A_293 = tpu.memref_slice %arg7[%run_scoped3A_234, %dma_wait3A_292] : memref<1x128xi32, #tpu.memory_space<vmem>> -> memref<1x128xi32, #tpu.memory_space<vmem>>
        %dma_wait3A_294 = tpu.memref_squeeze %dma_wait3A_293 : memref<1x128xi32, #tpu.memory_space<vmem>> -> memref<128xi32, #tpu.memory_space<vmem>>
        %dma_wait3A_295 = arith.constant 0 : i32
        %dma_wait3A_296 = arith.constant 0 : i32
        %dma_wait3A_297 = tpu.memref_slice %arg11[%dma_wait3A_295, %dma_wait3A_296] : memref<10112x128xf32, #tpu.memory_space<vmem_shared>> -> memref<10112x128xf32, #tpu.memory_space<vmem_shared>>
        tpu.wait_indirect_dma semaphore(%run_scoped3A_285 : memref<!tpu.dma_semaphore, #tpu.memory_space<semaphore_mem>>) src(%arg9 : memref<128x128xf32, #tpu.memory_space<vmem>>) dst(%dma_wait3A_297 : memref<10112x128xf32, #tpu.memory_space<vmem_shared>>)
        tpu.yield
      }) : () -> ()
      %add3A_235 = arith.constant 2 : i32
      %add3A_236 = arith.addi %mul3A_187, %add3A_235 : i32
      %dma_start3A_237 = arith.constant 0 : i32
      %dma_start3A_238 = tpu.memref_slice %arg6[%add3A_236, %dma_start3A_237] : memref<79x128xi32, #tpu.memory_space<vmem>> -> memref<1x128xi32, #tpu.memory_space<vmem>>
      %dma_start3A_239 = tpu.memref_squeeze %dma_start3A_238 : memref<1x128xi32, #tpu.memory_space<vmem>> -> memref<128xi32, #tpu.memory_space<vmem>>
      %dma_start3A_240 = arith.constant 0 : i32
      %dma_start3A_241 = arith.constant 0 : i32
      %dma_start3A_242 = tpu.memref_slice %arg2[%add3A_92, %dma_start3A_240, %dma_start3A_241] : memref<4x10000x128xf32, #tpu.memory_space<hbm>> -> memref<1x10000x128xf32, #tpu.memory_space<hbm>>
      %dma_start3A_243 = tpu.memref_squeeze %dma_start3A_242 : memref<1x10000x128xf32, #tpu.memory_space<hbm>> -> memref<10000x128xf32, #tpu.memory_space<hbm>>
      %dma_start3A_244 = arith.constant 0 : i32
      %dma_start3A_245 = arith.constant 0 : i32
      %dma_start3A_246 = tpu.memref_slice %dma_start3A_243[%dma_start3A_244, %dma_start3A_245] : memref<10000x128xf32, #tpu.memory_space<hbm>> -> memref<10000x128xf32, #tpu.memory_space<hbm>>
      tpu.enqueue_indirect_dma source(%dma_start3A_246 : memref<10000x128xf32, #tpu.memory_space<hbm>>) target(%arg9 : memref<128x128xf32, #tpu.memory_space<vmem>>) offsets(%dma_start3A_239 : memref<128xi32, #tpu.memory_space<vmem>>) semaphore(%arg12 : memref<!tpu.dma_semaphore, #tpu.memory_space<semaphore_mem>>)
      %add3A_247 = arith.constant 2 : i32
      %add3A_248 = arith.addi %mul3A_187, %add3A_247 : i32
      %dma_start3A_249 = arith.constant 0 : i32
      %dma_start3A_250 = arith.constant 0 : i32
      %dma_start3A_251 = tpu.memref_slice %arg4[%arg1, %dma_start3A_249, %dma_start3A_250] : memref<16x79x128xi32, #tpu.memory_space<hbm>> -> memref<1x79x128xi32, #tpu.memory_space<hbm>>
      %dma_start3A_252 = tpu.memref_squeeze %dma_start3A_251 : memref<1x79x128xi32, #tpu.memory_space<hbm>> -> memref<79x128xi32, #tpu.memory_space<hbm>>
      %dma_start3A_253 = arith.constant 0 : i32
      %dma_start3A_254 = tpu.memref_slice %dma_start3A_252[%add3A_248, %dma_start3A_253] : memref<79x128xi32, #tpu.memory_space<hbm>> -> memref<1x128xi32, #tpu.memory_space<hbm>>
      %dma_start3A_255 = arith.constant 0 : i32
      %dma_start3A_256 = arith.constant 0 : i32
      %dma_start3A_257 = tpu.memref_slice %arg4[%arg1, %dma_start3A_255, %dma_start3A_256] : memref<16x79x128xi32, #tpu.memory_space<hbm>> -> memref<1x79x128xi32, #tpu.memory_space<hbm>>
      %dma_start3A_258 = tpu.memref_squeeze %dma_start3A_257 : memref<1x79x128xi32, #tpu.memory_space<hbm>> -> memref<79x128xi32, #tpu.memory_space<hbm>>
      %dma_start3A_259 = arith.constant 0 : i32
      %dma_start3A_260 = tpu.memref_slice %dma_start3A_258[%add3A_248, %dma_start3A_259] : memref<79x128xi32, #tpu.memory_space<hbm>> -> memref<1x128xi32, #tpu.memory_space<hbm>>
      tpu.enqueue_dma source(%dma_start3A_260 : memref<1x128xi32, #tpu.memory_space<hbm>>) target(%arg7 : memref<1x128xi32, #tpu.memory_space<vmem>>) target_semaphore(%arg14 : memref<!tpu.dma_semaphore, #tpu.memory_space<semaphore_mem>>)
      %dma_wait3A_261 = arith.constant 0 : i32
      %dma_wait3A_262 = tpu.memref_slice %arg6[%add3A_189, %dma_wait3A_261] : memref<79x128xi32, #tpu.memory_space<vmem>> -> memref<1x128xi32, #tpu.memory_space<vmem>>
      %dma_wait3A_263 = tpu.memref_squeeze %dma_wait3A_262 : memref<1x128xi32, #tpu.memory_space<vmem>> -> memref<128xi32, #tpu.memory_space<vmem>>
      %dma_wait3A_264 = arith.constant 0 : i32
      %dma_wait3A_265 = arith.constant 0 : i32
      %dma_wait3A_266 = tpu.memref_slice %arg2[%add3A_92, %dma_wait3A_264, %dma_wait3A_265] : memref<4x10000x128xf32, #tpu.memory_space<hbm>> -> memref<1x10000x128xf32, #tpu.memory_space<hbm>>
      %dma_wait3A_267 = tpu.memref_squeeze %dma_wait3A_266 : memref<1x10000x128xf32, #tpu.memory_space<hbm>> -> memref<10000x128xf32, #tpu.memory_space<hbm>>
      %dma_wait3A_268 = arith.constant 0 : i32
      %dma_wait3A_269 = arith.constant 0 : i32
      %dma_wait3A_270 = tpu.memref_slice %dma_wait3A_267[%dma_wait3A_268, %dma_wait3A_269] : memref<10000x128xf32, #tpu.memory_space<hbm>> -> memref<10000x128xf32, #tpu.memory_space<hbm>>
      tpu.wait_indirect_dma semaphore(%arg13 : memref<!tpu.dma_semaphore, #tpu.memory_space<semaphore_mem>>) src(%dma_wait3A_270 : memref<10000x128xf32, #tpu.memory_space<hbm>>) dst(%arg10 : memref<128x128xf32, #tpu.memory_space<vmem>>)
      %dma_wait3A_271 = arith.constant 0 : i32
      %dma_wait3A_272 = arith.constant 0 : i32
      %dma_wait3A_273 = tpu.memref_slice %arg4[%arg1, %dma_wait3A_271, %dma_wait3A_272] : memref<16x79x128xi32, #tpu.memory_space<hbm>> -> memref<1x79x128xi32, #tpu.memory_space<hbm>>
      %dma_wait3A_274 = tpu.memref_squeeze %dma_wait3A_273 : memref<1x79x128xi32, #tpu.memory_space<hbm>> -> memref<79x128xi32, #tpu.memory_space<hbm>>
      %dma_wait3A_275 = arith.constant 0 : i32
      %dma_wait3A_276 = tpu.memref_slice %dma_wait3A_274[%add3A_189, %dma_wait3A_275] : memref<79x128xi32, #tpu.memory_space<hbm>> -> memref<1x128xi32, #tpu.memory_space<hbm>>
      %dma_wait3A_277 = arith.constant 0 : i32
      %dma_wait3A_278 = arith.constant 0 : i32
      %dma_wait3A_279 = tpu.memref_slice %arg4[%arg1, %dma_wait3A_277, %dma_wait3A_278] : memref<16x79x128xi32, #tpu.memory_space<hbm>> -> memref<1x79x128xi32, #tpu.memory_space<hbm>>
      %dma_wait3A_280 = tpu.memref_squeeze %dma_wait3A_279 : memref<1x79x128xi32, #tpu.memory_space<hbm>> -> memref<79x128xi32, #tpu.memory_space<hbm>>
      %dma_wait3A_281 = arith.constant 0 : i32
      %dma_wait3A_282 = tpu.memref_slice %dma_wait3A_280[%add3A_189, %dma_wait3A_281] : memref<79x128xi32, #tpu.memory_space<hbm>> -> memref<1x128xi32, #tpu.memory_space<hbm>>
      tpu.wait_dma2 semaphore(%arg15 : memref<!tpu.dma_semaphore, #tpu.memory_space<semaphore_mem>>) src(%dma_wait3A_282 : memref<1x128xi32, #tpu.memory_space<hbm>>) dst(%arg8 : memref<1x128xi32, #tpu.memory_space<vmem>>)
      %run_scoped3A_283 = arith.constant 0 : i32
      "tpu.region"() ({
        %run_scoped3A_285 = tpu.sem_alloc : memref<!tpu.dma_semaphore, #tpu.memory_space<semaphore_mem>>
        %dma_start3A_286 = arith.constant 0 : i32
        %dma_start3A_287 = tpu.memref_slice %arg8[%run_scoped3A_283, %dma_start3A_286] : memref<1x128xi32, #tpu.memory_space<vmem>> -> memref<1x128xi32, #tpu.memory_space<vmem>>
        %dma_start3A_288 = tpu.memref_squeeze %dma_start3A_287 : memref<1x128xi32, #tpu.memory_space<vmem>> -> memref<128xi32, #tpu.memory_space<vmem>>
        %dma_start3A_289 = arith.constant 0 : i32
        %dma_start3A_290 = arith.constant 0 : i32
        %dma_start3A_291 = tpu.memref_slice %arg11[%dma_start3A_289, %dma_start3A_290] : memref<10112x128xf32, #tpu.memory_space<vmem_shared>> -> memref<10112x128xf32, #tpu.memory_space<vmem_shared>>
        tpu.enqueue_indirect_dma source(%arg10 : memref<128x128xf32, #tpu.memory_space<vmem>>) target(%dma_start3A_291 : memref<10112x128xf32, #tpu.memory_space<vmem_shared>>) offsets(%dma_start3A_288 : memref<128xi32, #tpu.memory_space<vmem>>) semaphore(%run_scoped3A_285 : memref<!tpu.dma_semaphore, #tpu.memory_space<semaphore_mem>>) {add = true}
        %dma_wait3A_292 = arith.constant 0 : i32
        %dma_wait3A_293 = tpu.memref_slice %arg8[%run_scoped3A_283, %dma_wait3A_292] : memref<1x128xi32, #tpu.memory_space<vmem>> -> memref<1x128xi32, #tpu.memory_space<vmem>>
        %dma_wait3A_294 = tpu.memref_squeeze %dma_wait3A_293 : memref<1x128xi32, #tpu.memory_space<vmem>> -> memref<128xi32, #tpu.memory_space<vmem>>
        %dma_wait3A_295 = arith.constant 0 : i32
        %dma_wait3A_296 = arith.constant 0 : i32
        %dma_wait3A_297 = tpu.memref_slice %arg11[%dma_wait3A_295, %dma_wait3A_296] : memref<10112x128xf32, #tpu.memory_space<vmem_shared>> -> memref<10112x128xf32, #tpu.memory_space<vmem_shared>>
        tpu.wait_indirect_dma semaphore(%run_scoped3A_285 : memref<!tpu.dma_semaphore, #tpu.memory_space<semaphore_mem>>) src(%arg10 : memref<128x128xf32, #tpu.memory_space<vmem>>) dst(%dma_wait3A_297 : memref<10112x128xf32, #tpu.memory_space<vmem_shared>>)
        tpu.yield
      }) : () -> ()
      %scan3A_284 = arith.constant 0 : i32
      scf.yield %scan3A_284 : i32
    }
    %scan3A_152 = arith.constant 39 : i32
    %dma_wait3A_153 = arith.constant 78 : i32
    %dma_wait3A_154 = arith.constant 0 : i32
    %dma_wait3A_155 = tpu.memref_slice %arg6[%dma_wait3A_153, %dma_wait3A_154] : memref<79x128xi32, #tpu.memory_space<vmem>> -> memref<1x128xi32, #tpu.memory_space<vmem>>
    %dma_wait3A_156 = tpu.memref_squeeze %dma_wait3A_155 : memref<1x128xi32, #tpu.memory_space<vmem>> -> memref<128xi32, #tpu.memory_space<vmem>>
    %dma_wait3A_157 = arith.constant 0 : i32
    %dma_wait3A_158 = arith.constant 0 : i32
    %dma_wait3A_159 = tpu.memref_slice %arg2[%add3A_92, %dma_wait3A_157, %dma_wait3A_158] : memref<4x10000x128xf32, #tpu.memory_space<hbm>> -> memref<1x10000x128xf32, #tpu.memory_space<hbm>>
    %dma_wait3A_160 = tpu.memref_squeeze %dma_wait3A_159 : memref<1x10000x128xf32, #tpu.memory_space<hbm>> -> memref<10000x128xf32, #tpu.memory_space<hbm>>
    %dma_wait3A_161 = arith.constant 0 : i32
    %dma_wait3A_162 = arith.constant 0 : i32
    %dma_wait3A_163 = tpu.memref_slice %dma_wait3A_160[%dma_wait3A_161, %dma_wait3A_162] : memref<10000x128xf32, #tpu.memory_space<hbm>> -> memref<10000x128xf32, #tpu.memory_space<hbm>>
    tpu.wait_indirect_dma semaphore(%arg12 : memref<!tpu.dma_semaphore, #tpu.memory_space<semaphore_mem>>) src(%dma_wait3A_163 : memref<10000x128xf32, #tpu.memory_space<hbm>>) dst(%arg9 : memref<128x128xf32, #tpu.memory_space<vmem>>)
    %dma_wait3A_164 = arith.constant 0 : i32
    %dma_wait3A_165 = arith.constant 0 : i32
    %dma_wait3A_166 = tpu.memref_slice %arg4[%arg1, %dma_wait3A_164, %dma_wait3A_165] : memref<16x79x128xi32, #tpu.memory_space<hbm>> -> memref<1x79x128xi32, #tpu.memory_space<hbm>>
    %dma_wait3A_167 = tpu.memref_squeeze %dma_wait3A_166 : memref<1x79x128xi32, #tpu.memory_space<hbm>> -> memref<79x128xi32, #tpu.memory_space<hbm>>
    %dma_wait3A_168 = arith.constant 78 : i32
    %dma_wait3A_169 = arith.constant 0 : i32
    %dma_wait3A_170 = tpu.memref_slice %dma_wait3A_167[%dma_wait3A_168, %dma_wait3A_169] : memref<79x128xi32, #tpu.memory_space<hbm>> -> memref<1x128xi32, #tpu.memory_space<hbm>>
    %dma_wait3A_171 = arith.constant 0 : i32
    %dma_wait3A_172 = arith.constant 0 : i32
    %dma_wait3A_173 = tpu.memref_slice %arg4[%arg1, %dma_wait3A_171, %dma_wait3A_172] : memref<16x79x128xi32, #tpu.memory_space<hbm>> -> memref<1x79x128xi32, #tpu.memory_space<hbm>>
    %dma_wait3A_174 = tpu.memref_squeeze %dma_wait3A_173 : memref<1x79x128xi32, #tpu.memory_space<hbm>> -> memref<79x128xi32, #tpu.memory_space<hbm>>
    %dma_wait3A_175 = arith.constant 78 : i32
    %dma_wait3A_176 = arith.constant 0 : i32
    %dma_wait3A_177 = tpu.memref_slice %dma_wait3A_174[%dma_wait3A_175, %dma_wait3A_176] : memref<79x128xi32, #tpu.memory_space<hbm>> -> memref<1x128xi32, #tpu.memory_space<hbm>>
    tpu.wait_dma2 semaphore(%arg14 : memref<!tpu.dma_semaphore, #tpu.memory_space<semaphore_mem>>) src(%dma_wait3A_177 : memref<1x128xi32, #tpu.memory_space<hbm>>) dst(%arg7 : memref<1x128xi32, #tpu.memory_space<vmem>>)
    %run_scoped3A_178 = arith.constant 0 : i32
    "tpu.region"() ({
      %run_scoped3A_184 = tpu.sem_alloc : memref<!tpu.dma_semaphore, #tpu.memory_space<semaphore_mem>>
      %dma_start3A_185 = arith.constant 0 : i32
      %dma_start3A_186 = tpu.memref_slice %arg7[%run_scoped3A_178, %dma_start3A_185] : memref<1x128xi32, #tpu.memory_space<vmem>> -> memref<1x128xi32, #tpu.memory_space<vmem>>
      %dma_start3A_187 = tpu.memref_squeeze %dma_start3A_186 : memref<1x128xi32, #tpu.memory_space<vmem>> -> memref<128xi32, #tpu.memory_space<vmem>>
      %dma_start3A_188 = arith.constant 0 : i32
      %dma_start3A_189 = arith.constant 0 : i32
      %dma_start3A_190 = tpu.memref_slice %arg11[%dma_start3A_188, %dma_start3A_189] : memref<10112x128xf32, #tpu.memory_space<vmem_shared>> -> memref<10112x128xf32, #tpu.memory_space<vmem_shared>>
      tpu.enqueue_indirect_dma source(%arg9 : memref<128x128xf32, #tpu.memory_space<vmem>>) target(%dma_start3A_190 : memref<10112x128xf32, #tpu.memory_space<vmem_shared>>) offsets(%dma_start3A_187 : memref<128xi32, #tpu.memory_space<vmem>>) semaphore(%run_scoped3A_184 : memref<!tpu.dma_semaphore, #tpu.memory_space<semaphore_mem>>) {add = true}
      %dma_wait3A_191 = arith.constant 0 : i32
      %dma_wait3A_192 = tpu.memref_slice %arg7[%run_scoped3A_178, %dma_wait3A_191] : memref<1x128xi32, #tpu.memory_space<vmem>> -> memref<1x128xi32, #tpu.memory_space<vmem>>
      %dma_wait3A_193 = tpu.memref_squeeze %dma_wait3A_192 : memref<1x128xi32, #tpu.memory_space<vmem>> -> memref<128xi32, #tpu.memory_space<vmem>>
      %dma_wait3A_194 = arith.constant 0 : i32
      %dma_wait3A_195 = arith.constant 0 : i32
      %dma_wait3A_196 = tpu.memref_slice %arg11[%dma_wait3A_194, %dma_wait3A_195] : memref<10112x128xf32, #tpu.memory_space<vmem_shared>> -> memref<10112x128xf32, #tpu.memory_space<vmem_shared>>
      tpu.wait_indirect_dma semaphore(%run_scoped3A_184 : memref<!tpu.dma_semaphore, #tpu.memory_space<semaphore_mem>>) src(%arg9 : memref<128x128xf32, #tpu.memory_space<vmem>>) dst(%dma_wait3A_196 : memref<10112x128xf32, #tpu.memory_space<vmem_shared>>)
      tpu.yield
    }) : () -> ()
    %barrier3A_179 = arith.constant 0 : index
    tpu.barrier barrier_id(%barrier3A_179)
    %mul3A_180 = arith.constant 632 : i32
    %mul3A_181 = arith.muli %arg1, %mul3A_180 : i32
    %mul3A_182 = arith.constant 632 : i32
    %mul3A_183 = arith.muli %arg1, %mul3A_182 : i32
    "tpu.region"() ({
      %run_scoped3A_184 = tpu.sem_alloc : memref<!tpu.dma_semaphore, #tpu.memory_space<semaphore_mem>>
      %dma_start3A_185 = arith.constant 0 : i32
      %dma_start3A_186 = arith.constant 0 : i32
      %dma_start3A_187 = tpu.memref_slice %arg5[%add3A_92, %dma_start3A_185, %dma_start3A_186] : memref<4x10112x128xf32, #tpu.memory_space<hbm>> -> memref<1x10112x128xf32, #tpu.memory_space<hbm>>
      %dma_start3A_188 = tpu.memref_squeeze %dma_start3A_187 : memref<1x10112x128xf32, #tpu.memory_space<hbm>> -> memref<10112x128xf32, #tpu.memory_space<hbm>>
      %dma_start3A_189 = arith.constant 0 : i32
      %dma_start3A_190 = tpu.memref_slice %dma_start3A_188[%mul3A_183, %dma_start3A_189] : memref<10112x128xf32, #tpu.memory_space<hbm>> -> memref<632x128xf32, #tpu.memory_space<hbm>>
      %dma_start3A_191 = arith.constant 0 : i32
      %dma_start3A_192 = tpu.memref_slice %arg11[%mul3A_181, %dma_start3A_191] : memref<10112x128xf32, #tpu.memory_space<vmem_shared>> -> memref<632x128xf32, #tpu.memory_space<vmem_shared>>
      tpu.enqueue_dma source(%dma_start3A_192 : memref<632x128xf32, #tpu.memory_space<vmem_shared>>) target(%dma_start3A_190 : memref<632x128xf32, #tpu.memory_space<hbm>>) target_semaphore(%run_scoped3A_184 : memref<!tpu.dma_semaphore, #tpu.memory_space<semaphore_mem>>)
      %dma_wait3A_193 = arith.constant 0 : i32
      %dma_wait3A_194 = arith.constant 0 : i32
      %dma_wait3A_195 = tpu.memref_slice %arg5[%add3A_92, %dma_wait3A_193, %dma_wait3A_194] : memref<4x10112x128xf32, #tpu.memory_space<hbm>> -> memref<1x10112x128xf32, #tpu.memory_space<hbm>>
      %dma_wait3A_196 = tpu.memref_squeeze %dma_wait3A_195 : memref<1x10112x128xf32, #tpu.memory_space<hbm>> -> memref<10112x128xf32, #tpu.memory_space<hbm>>
      %dma_wait3A_197 = arith.constant 0 : i32
      %dma_wait3A_198 = tpu.memref_slice %dma_wait3A_196[%mul3A_183, %dma_wait3A_197] : memref<10112x128xf32, #tpu.memory_space<hbm>> -> memref<632x128xf32, #tpu.memory_space<hbm>>
      %dma_wait3A_199 = arith.constant 0 : i32
      %dma_wait3A_200 = tpu.memref_slice %arg11[%mul3A_181, %dma_wait3A_199] : memref<10112x128xf32, #tpu.memory_space<vmem_shared>> -> memref<632x128xf32, #tpu.memory_space<vmem_shared>>
      tpu.wait_dma2 semaphore(%run_scoped3A_184 : memref<!tpu.dma_semaphore, #tpu.memory_space<semaphore_mem>>) src(%dma_wait3A_200 : memref<632x128xf32, #tpu.memory_space<vmem_shared>>) dst(%dma_wait3A_198 : memref<632x128xf32, #tpu.memory_space<hbm>>)
      tpu.yield
    }) : () -> ()
    return
  }
}

#map = affine_map<(d0, d1) -> (0, 0, 0)>
module attributes {stable_mosaic.version = 14 : i64} {
  func.func @_edge_scatter_kernel(%arg0: i32, %arg1: i32, %arg2: memref<4x10000x128xf32, #tpu.memory_space<hbm>>, %arg3: memref<16x79x128xi32, #tpu.memory_space<hbm>>, %arg4: memref<16x79x128xi32, #tpu.memory_space<hbm>>, %arg5: memref<4x10112x128xf32, #tpu.memory_space<hbm>>, %arg6: memref<79x128xi32, #tpu.memory_space<vmem>>, %arg7: memref<1x128xi32, #tpu.memory_space<vmem>>, %arg8: memref<1x128xi32, #tpu.memory_space<vmem>>, %arg9: memref<128x128xf32, #tpu.memory_space<vmem>>, %arg10: memref<128x128xf32, #tpu.memory_space<vmem>>, %arg11: memref<10112x128xf32, #tpu.memory_space<vmem_shared>>, %arg12: memref<!tpu.dma_semaphore, #tpu.memory_space<semaphore_mem>>, %arg13: memref<!tpu.dma_semaphore, #tpu.memory_space<semaphore_mem>>, %arg14: memref<!tpu.dma_semaphore, #tpu.memory_space<semaphore_mem>>, %arg15: memref<!tpu.dma_semaphore, #tpu.memory_space<semaphore_mem>>) attributes {dimension_semantics = [#tpu.dimension_semantics<core_parallel>, #tpu.dimension_semantics<subcore_parallel>], iteration_bounds = array<i64: 2, 16>, scalar_prefetch = 0 : i64, scratch_operands = 10 : i64, tpu.core_type = #tpu.core_type<sc_vector_subcore>, window_params = [{transform_indices = #map}, {transform_indices = #map}, {transform_indices = #map}, {transform_indices = #map}]} {
    "tpu.region"() ({
      %run_scoped3A_184 = tpu.sem_alloc : memref<!tpu.dma_semaphore, #tpu.memory_space<semaphore_mem>>
      %dma_start3A_185 = arith.constant 0 : i32
      %dma_start3A_186 = arith.constant 0 : i32
      %dma_start3A_187 = tpu.memref_slice %arg3[%arg1, %dma_start3A_185, %dma_start3A_186] : memref<16x79x128xi32, #tpu.memory_space<hbm>> -> memref<1x79x128xi32, #tpu.memory_space<hbm>>
      %dma_start3A_188 = tpu.memref_squeeze %dma_start3A_187 : memref<1x79x128xi32, #tpu.memory_space<hbm>> -> memref<79x128xi32, #tpu.memory_space<hbm>>
      %dma_start3A_189 = arith.constant 0 : i32
      %dma_start3A_190 = arith.constant 0 : i32
      %dma_start3A_191 = tpu.memref_slice %arg3[%arg1, %dma_start3A_189, %dma_start3A_190] : memref<16x79x128xi32, #tpu.memory_space<hbm>> -> memref<1x79x128xi32, #tpu.memory_space<hbm>>
      %dma_start3A_192 = tpu.memref_squeeze %dma_start3A_191 : memref<1x79x128xi32, #tpu.memory_space<hbm>> -> memref<79x128xi32, #tpu.memory_space<hbm>>
      tpu.enqueue_dma source(%dma_start3A_192 : memref<79x128xi32, #tpu.memory_space<hbm>>) target(%arg6 : memref<79x128xi32, #tpu.memory_space<vmem>>) target_semaphore(%run_scoped3A_184 : memref<!tpu.dma_semaphore, #tpu.memory_space<semaphore_mem>>)
      %dma_wait3A_193 = arith.constant 0 : i32
      %dma_wait3A_194 = arith.constant 0 : i32
      %dma_wait3A_195 = tpu.memref_slice %arg3[%arg1, %dma_wait3A_193, %dma_wait3A_194] : memref<16x79x128xi32, #tpu.memory_space<hbm>> -> memref<1x79x128xi32, #tpu.memory_space<hbm>>
      %dma_wait3A_196 = tpu.memref_squeeze %dma_wait3A_195 : memref<1x79x128xi32, #tpu.memory_space<hbm>> -> memref<79x128xi32, #tpu.memory_space<hbm>>
      %dma_wait3A_197 = arith.constant 0 : i32
      %dma_wait3A_198 = arith.constant 0 : i32
      %dma_wait3A_199 = tpu.memref_slice %arg3[%arg1, %dma_wait3A_197, %dma_wait3A_198] : memref<16x79x128xi32, #tpu.memory_space<hbm>> -> memref<1x79x128xi32, #tpu.memory_space<hbm>>
      %dma_wait3A_200 = tpu.memref_squeeze %dma_wait3A_199 : memref<1x79x128xi32, #tpu.memory_space<hbm>> -> memref<79x128xi32, #tpu.memory_space<hbm>>
      tpu.wait_dma2 semaphore(%run_scoped3A_184 : memref<!tpu.dma_semaphore, #tpu.memory_space<semaphore_mem>>) src(%dma_wait3A_200 : memref<79x128xi32, #tpu.memory_space<hbm>>) dst(%arg6 : memref<79x128xi32, #tpu.memory_space<vmem>>)
      tpu.yield
    }) : () -> ()
    %broadcast_in_dim3A = arith.constant 0.000000e+00 : f32
    %broadcast_in_dim3A_0 = vector.broadcast %broadcast_in_dim3A : f32 to vector<16xf32>
    %mul3A = arith.constant 2 : i32
    %mul3A_1 = arith.muli %arg0, %mul3A : i32
    %add3A = arith.constant 0 : i32
    %add3A_2 = arith.addi %mul3A_1, %add3A : i32
    %scan3A = arith.constant 0 : i32
    %scan3A_3 = arith.constant 0 : i32
    %scan3A_4 = arith.constant 128 : i32
    %scan3A_5 = arith.addi %scan3A_3, %scan3A_4 : i32
    %scan3A_6 = arith.constant 1 : i32
    %scan3A_7 = scf.for %scan3A_184 = %scan3A_3 to %scan3A_5 step %scan3A_6 iter_args(%scan3A_185 = %scan3A) -> (i32)  : i32 {
      %swap3A = arith.index_cast %scan3A_184 : i32 to index
      %swap3A_186 = arith.constant 0 : index
      %swap3A_187 = tpu.vector_load %arg9[%swap3A, %swap3A_186] {strides = array<i32>} : memref<128x128xf32, #tpu.memory_space<vmem>>, vector<1x16xf32>,
      %swap3A_188 = vector.shape_cast %swap3A_187 : vector<1x16xf32> to vector<16xf32>
      %swap3A_189 = vector.shape_cast %broadcast_in_dim3A_0 : vector<16xf32> to vector<1x16xf32>
      tpu.vector_store %arg9[%swap3A, %swap3A_186], %swap3A_189 {strides = array<i32>} : memref<128x128xf32, #tpu.memory_space<vmem>>, vector<1x16xf32>,
      %swap3A_190 = arith.index_cast %scan3A_184 : i32 to index
      %swap3A_191 = arith.constant 16 : index
      %swap3A_192 = tpu.vector_load %arg9[%swap3A_190, %swap3A_191] {strides = array<i32>} : memref<128x128xf32, #tpu.memory_space<vmem>>, vector<1x16xf32>,
      %swap3A_193 = vector.shape_cast %swap3A_192 : vector<1x16xf32> to vector<16xf32>
      %swap3A_194 = vector.shape_cast %broadcast_in_dim3A_0 : vector<16xf32> to vector<1x16xf32>
      tpu.vector_store %arg9[%swap3A_190, %swap3A_191], %swap3A_194 {strides = array<i32>} : memref<128x128xf32, #tpu.memory_space<vmem>>, vector<1x16xf32>,
      %swap3A_195 = arith.index_cast %scan3A_184 : i32 to index
      %swap3A_196 = arith.constant 32 : index
      %swap3A_197 = tpu.vector_load %arg9[%swap3A_195, %swap3A_196] {strides = array<i32>} : memref<128x128xf32, #tpu.memory_space<vmem>>, vector<1x16xf32>,
      %swap3A_198 = vector.shape_cast %swap3A_197 : vector<1x16xf32> to vector<16xf32>
      %swap3A_199 = vector.shape_cast %broadcast_in_dim3A_0 : vector<16xf32> to vector<1x16xf32>
      tpu.vector_store %arg9[%swap3A_195, %swap3A_196], %swap3A_199 {strides = array<i32>} : memref<128x128xf32, #tpu.memory_space<vmem>>, vector<1x16xf32>,
      %swap3A_200 = arith.index_cast %scan3A_184 : i32 to index
      %swap3A_201 = arith.constant 48 : index
      %swap3A_202 = tpu.vector_load %arg9[%swap3A_200, %swap3A_201] {strides = array<i32>} : memref<128x128xf32, #tpu.memory_space<vmem>>, vector<1x16xf32>,
      %swap3A_203 = vector.shape_cast %swap3A_202 : vector<1x16xf32> to vector<16xf32>
      %swap3A_204 = vector.shape_cast %broadcast_in_dim3A_0 : vector<16xf32> to vector<1x16xf32>
      tpu.vector_store %arg9[%swap3A_200, %swap3A_201], %swap3A_204 {strides = array<i32>} : memref<128x128xf32, #tpu.memory_space<vmem>>, vector<1x16xf32>,
      %swap3A_205 = arith.index_cast %scan3A_184 : i32 to index
      %swap3A_206 = arith.constant 64 : index
      %swap3A_207 = tpu.vector_load %arg9[%swap3A_205, %swap3A_206] {strides = array<i32>} : memref<128x128xf32, #tpu.memory_space<vmem>>, vector<1x16xf32>,
      %swap3A_208 = vector.shape_cast %swap3A_207 : vector<1x16xf32> to vector<16xf32>
      %swap3A_209 = vector.shape_cast %broadcast_in_dim3A_0 : vector<16xf32> to vector<1x16xf32>
      tpu.vector_store %arg9[%swap3A_205, %swap3A_206], %swap3A_209 {strides = array<i32>} : memref<128x128xf32, #tpu.memory_space<vmem>>, vector<1x16xf32>,
      %swap3A_210 = arith.index_cast %scan3A_184 : i32 to index
      %swap3A_211 = arith.constant 80 : index
      %swap3A_212 = tpu.vector_load %arg9[%swap3A_210, %swap3A_211] {strides = array<i32>} : memref<128x128xf32, #tpu.memory_space<vmem>>, vector<1x16xf32>,
      %swap3A_213 = vector.shape_cast %swap3A_212 : vector<1x16xf32> to vector<16xf32>
      %swap3A_214 = vector.shape_cast %broadcast_in_dim3A_0 : vector<16xf32> to vector<1x16xf32>
      tpu.vector_store %arg9[%swap3A_210, %swap3A_211], %swap3A_214 {strides = array<i32>} : memref<128x128xf32, #tpu.memory_space<vmem>>, vector<1x16xf32>,
      %swap3A_215 = arith.index_cast %scan3A_184 : i32 to index
      %swap3A_216 = arith.constant 96 : index
      %swap3A_217 = tpu.vector_load %arg9[%swap3A_215, %swap3A_216] {strides = array<i32>} : memref<128x128xf32, #tpu.memory_space<vmem>>, vector<1x16xf32>,
      %swap3A_218 = vector.shape_cast %swap3A_217 : vector<1x16xf32> to vector<16xf32>
      %swap3A_219 = vector.shape_cast %broadcast_in_dim3A_0 : vector<16xf32> to vector<1x16xf32>
      tpu.vector_store %arg9[%swap3A_215, %swap3A_216], %swap3A_219 {strides = array<i32>} : memref<128x128xf32, #tpu.memory_space<vmem>>, vector<1x16xf32>,
      %swap3A_220 = arith.index_cast %scan3A_184 : i32 to index
      %swap3A_221 = arith.constant 112 : index
      %swap3A_222 = tpu.vector_load %arg9[%swap3A_220, %swap3A_221] {strides = array<i32>} : memref<128x128xf32, #tpu.memory_space<vmem>>, vector<1x16xf32>,
      %swap3A_223 = vector.shape_cast %swap3A_222 : vector<1x16xf32> to vector<16xf32>
      %swap3A_224 = vector.shape_cast %broadcast_in_dim3A_0 : vector<16xf32> to vector<1x16xf32>
      tpu.vector_store %arg9[%swap3A_220, %swap3A_221], %swap3A_224 {strides = array<i32>} : memref<128x128xf32, #tpu.memory_space<vmem>>, vector<1x16xf32>,
      %scan3A_225 = arith.constant 0 : i32
      scf.yield %scan3A_225 : i32
    }
    %scan3A_8 = arith.constant 128 : i32
    %mul3A_9 = arith.constant 632 : i32
    %mul3A_10 = arith.muli %arg1, %mul3A_9 : i32
    %add3A_11 = arith.constant 0 : i32
    %add3A_12 = arith.addi %mul3A_10, %add3A_11 : i32
    "tpu.region"() ({
      %run_scoped3A_184 = tpu.sem_alloc : memref<!tpu.dma_semaphore, #tpu.memory_space<semaphore_mem>>
      %dma_start3A_185 = arith.constant 0 : i32
      %dma_start3A_186 = tpu.memref_slice %arg11[%add3A_12, %dma_start3A_185] : memref<10112x128xf32, #tpu.memory_space<vmem_shared>> -> memref<128x128xf32, #tpu.memory_space<vmem_shared>>
      %dma_start3A_187 = arith.constant 0 : i32
      %dma_start3A_188 = tpu.memref_slice %arg11[%add3A_12, %dma_start3A_187] : memref<10112x128xf32, #tpu.memory_space<vmem_shared>> -> memref<128x128xf32, #tpu.memory_space<vmem_shared>>
      tpu.enqueue_dma source(%arg9 : memref<128x128xf32, #tpu.memory_space<vmem>>) target(%dma_start3A_188 : memref<128x128xf32, #tpu.memory_space<vmem_shared>>) target_semaphore(%run_scoped3A_184 : memref<!tpu.dma_semaphore, #tpu.memory_space<semaphore_mem>>)
      %dma_wait3A_189 = arith.constant 0 : i32
      %dma_wait3A_190 = tpu.memref_slice %arg11[%add3A_12, %dma_wait3A_189] : memref<10112x128xf32, #tpu.memory_space<vmem_shared>> -> memref<128x128xf32, #tpu.memory_space<vmem_shared>>
      %dma_wait3A_191 = arith.constant 0 : i32
      %dma_wait3A_192 = tpu.memref_slice %arg11[%add3A_12, %dma_wait3A_191] : memref<10112x128xf32, #tpu.memory_space<vmem_shared>> -> memref<128x128xf32, #tpu.memory_space<vmem_shared>>
      tpu.wait_dma2 semaphore(%run_scoped3A_184 : memref<!tpu.dma_semaphore, #tpu.memory_space<semaphore_mem>>) src(%arg9 : memref<128x128xf32, #tpu.memory_space<vmem>>) dst(%dma_wait3A_192 : memref<128x128xf32, #tpu.memory_space<vmem_shared>>)
      tpu.yield
    }) : () -> ()
    %mul3A_13 = arith.constant 632 : i32
    %mul3A_14 = arith.muli %arg1, %mul3A_13 : i32
    %add3A_15 = arith.constant 128 : i32
    %add3A_16 = arith.addi %mul3A_14, %add3A_15 : i32
    "tpu.region"() ({
      %run_scoped3A_184 = tpu.sem_alloc : memref<!tpu.dma_semaphore, #tpu.memory_space<semaphore_mem>>
      %dma_start3A_185 = arith.constant 0 : i32
      %dma_start3A_186 = tpu.memref_slice %arg11[%add3A_16, %dma_start3A_185] : memref<10112x128xf32, #tpu.memory_space<vmem_shared>> -> memref<128x128xf32, #tpu.memory_space<vmem_shared>>
      %dma_start3A_187 = arith.constant 0 : i32
      %dma_start3A_188 = tpu.memref_slice %arg11[%add3A_16, %dma_start3A_187] : memref<10112x128xf32, #tpu.memory_space<vmem_shared>> -> memref<128x128xf32, #tpu.memory_space<vmem_shared>>
      tpu.enqueue_dma source(%arg9 : memref<128x128xf32, #tpu.memory_space<vmem>>) target(%dma_start3A_188 : memref<128x128xf32, #tpu.memory_space<vmem_shared>>) target_semaphore(%run_scoped3A_184 : memref<!tpu.dma_semaphore, #tpu.memory_space<semaphore_mem>>)
      %dma_wait3A_189 = arith.constant 0 : i32
      %dma_wait3A_190 = tpu.memref_slice %arg11[%add3A_16, %dma_wait3A_189] : memref<10112x128xf32, #tpu.memory_space<vmem_shared>> -> memref<128x128xf32, #tpu.memory_space<vmem_shared>>
      %dma_wait3A_191 = arith.constant 0 : i32
      %dma_wait3A_192 = tpu.memref_slice %arg11[%add3A_16, %dma_wait3A_191] : memref<10112x128xf32, #tpu.memory_space<vmem_shared>> -> memref<128x128xf32, #tpu.memory_space<vmem_shared>>
      tpu.wait_dma2 semaphore(%run_scoped3A_184 : memref<!tpu.dma_semaphore, #tpu.memory_space<semaphore_mem>>) src(%arg9 : memref<128x128xf32, #tpu.memory_space<vmem>>) dst(%dma_wait3A_192 : memref<128x128xf32, #tpu.memory_space<vmem_shared>>)
      tpu.yield
    }) : () -> ()
    %mul3A_17 = arith.constant 632 : i32
    %mul3A_18 = arith.muli %arg1, %mul3A_17 : i32
    %add3A_19 = arith.constant 256 : i32
    %add3A_20 = arith.addi %mul3A_18, %add3A_19 : i32
    "tpu.region"() ({
      %run_scoped3A_184 = tpu.sem_alloc : memref<!tpu.dma_semaphore, #tpu.memory_space<semaphore_mem>>
      %dma_start3A_185 = arith.constant 0 : i32
      %dma_start3A_186 = tpu.memref_slice %arg11[%add3A_20, %dma_start3A_185] : memref<10112x128xf32, #tpu.memory_space<vmem_shared>> -> memref<128x128xf32, #tpu.memory_space<vmem_shared>>
      %dma_start3A_187 = arith.constant 0 : i32
      %dma_start3A_188 = tpu.memref_slice %arg11[%add3A_20, %dma_start3A_187] : memref<10112x128xf32, #tpu.memory_space<vmem_shared>> -> memref<128x128xf32, #tpu.memory_space<vmem_shared>>
      tpu.enqueue_dma source(%arg9 : memref<128x128xf32, #tpu.memory_space<vmem>>) target(%dma_start3A_188 : memref<128x128xf32, #tpu.memory_space<vmem_shared>>) target_semaphore(%run_scoped3A_184 : memref<!tpu.dma_semaphore, #tpu.memory_space<semaphore_mem>>)
      %dma_wait3A_189 = arith.constant 0 : i32
      %dma_wait3A_190 = tpu.memref_slice %arg11[%add3A_20, %dma_wait3A_189] : memref<10112x128xf32, #tpu.memory_space<vmem_shared>> -> memref<128x128xf32, #tpu.memory_space<vmem_shared>>
      %dma_wait3A_191 = arith.constant 0 : i32
      %dma_wait3A_192 = tpu.memref_slice %arg11[%add3A_20, %dma_wait3A_191] : memref<10112x128xf32, #tpu.memory_space<vmem_shared>> -> memref<128x128xf32, #tpu.memory_space<vmem_shared>>
      tpu.wait_dma2 semaphore(%run_scoped3A_184 : memref<!tpu.dma_semaphore, #tpu.memory_space<semaphore_mem>>) src(%arg9 : memref<128x128xf32, #tpu.memory_space<vmem>>) dst(%dma_wait3A_192 : memref<128x128xf32, #tpu.memory_space<vmem_shared>>)
      tpu.yield
    }) : () -> ()
    %mul3A_21 = arith.constant 632 : i32
    %mul3A_22 = arith.muli %arg1, %mul3A_21 : i32
    %add3A_23 = arith.constant 384 : i32
    %add3A_24 = arith.addi %mul3A_22, %add3A_23 : i32
    "tpu.region"() ({
      %run_scoped3A_184 = tpu.sem_alloc : memref<!tpu.dma_semaphore, #tpu.memory_space<semaphore_mem>>
      %dma_start3A_185 = arith.constant 0 : i32
      %dma_start3A_186 = tpu.memref_slice %arg11[%add3A_24, %dma_start3A_185] : memref<10112x128xf32, #tpu.memory_space<vmem_shared>> -> memref<128x128xf32, #tpu.memory_space<vmem_shared>>
      %dma_start3A_187 = arith.constant 0 : i32
      %dma_start3A_188 = tpu.memref_slice %arg11[%add3A_24, %dma_start3A_187] : memref<10112x128xf32, #tpu.memory_space<vmem_shared>> -> memref<128x128xf32, #tpu.memory_space<vmem_shared>>
      tpu.enqueue_dma source(%arg9 : memref<128x128xf32, #tpu.memory_space<vmem>>) target(%dma_start3A_188 : memref<128x128xf32, #tpu.memory_space<vmem_shared>>) target_semaphore(%run_scoped3A_184 : memref<!tpu.dma_semaphore, #tpu.memory_space<semaphore_mem>>)
      %dma_wait3A_189 = arith.constant 0 : i32
      %dma_wait3A_190 = tpu.memref_slice %arg11[%add3A_24, %dma_wait3A_189] : memref<10112x128xf32, #tpu.memory_space<vmem_shared>> -> memref<128x128xf32, #tpu.memory_space<vmem_shared>>
      %dma_wait3A_191 = arith.constant 0 : i32
      %dma_wait3A_192 = tpu.memref_slice %arg11[%add3A_24, %dma_wait3A_191] : memref<10112x128xf32, #tpu.memory_space<vmem_shared>> -> memref<128x128xf32, #tpu.memory_space<vmem_shared>>
      tpu.wait_dma2 semaphore(%run_scoped3A_184 : memref<!tpu.dma_semaphore, #tpu.memory_space<semaphore_mem>>) src(%arg9 : memref<128x128xf32, #tpu.memory_space<vmem>>) dst(%dma_wait3A_192 : memref<128x128xf32, #tpu.memory_space<vmem_shared>>)
      tpu.yield
    }) : () -> ()
    %mul3A_25 = arith.constant 632 : i32
    %mul3A_26 = arith.muli %arg1, %mul3A_25 : i32
    %add3A_27 = arith.constant 512 : i32
    %add3A_28 = arith.addi %mul3A_26, %add3A_27 : i32
    "tpu.region"() ({
      %run_scoped3A_184 = tpu.sem_alloc : memref<!tpu.dma_semaphore, #tpu.memory_space<semaphore_mem>>
      %dma_start3A_185 = arith.constant 0 : i32
      %dma_start3A_186 = arith.constant 0 : i32
      %dma_start3A_187 = tpu.memref_slice %arg9[%dma_start3A_185, %dma_start3A_186] : memref<128x128xf32, #tpu.memory_space<vmem>> -> memref<120x128xf32, #tpu.memory_space<vmem>>
      %dma_start3A_188 = arith.constant 0 : i32
      %dma_start3A_189 = tpu.memref_slice %arg11[%add3A_28, %dma_start3A_188] : memref<10112x128xf32, #tpu.memory_space<vmem_shared>> -> memref<120x128xf32, #tpu.memory_space<vmem_shared>>
      %dma_start3A_190 = arith.constant 0 : i32
      %dma_start3A_191 = tpu.memref_slice %arg11[%add3A_28, %dma_start3A_190] : memref<10112x128xf32, #tpu.memory_space<vmem_shared>> -> memref<120x128xf32, #tpu.memory_space<vmem_shared>>
      %dma_start3A_192 = arith.constant 0 : i32
      %dma_start3A_193 = arith.constant 0 : i32
      %dma_start3A_194 = tpu.memref_slice %arg9[%dma_start3A_192, %dma_start3A_193] : memref<128x128xf32, #tpu.memory_space<vmem>> -> memref<120x128xf32, #tpu.memory_space<vmem>>
      tpu.enqueue_dma source(%dma_start3A_194 : memref<120x128xf32, #tpu.memory_space<vmem>>) target(%dma_start3A_191 : memref<120x128xf32, #tpu.memory_space<vmem_shared>>) target_semaphore(%run_scoped3A_184 : memref<!tpu.dma_semaphore, #tpu.memory_space<semaphore_mem>>)
      %dma_wait3A_195 = arith.constant 0 : i32
      %dma_wait3A_196 = arith.constant 0 : i32
      %dma_wait3A_197 = tpu.memref_slice %arg9[%dma_wait3A_195, %dma_wait3A_196] : memref<128x128xf32, #tpu.memory_space<vmem>> -> memref<120x128xf32, #tpu.memory_space<vmem>>
      %dma_wait3A_198 = arith.constant 0 : i32
      %dma_wait3A_199 = tpu.memref_slice %arg11[%add3A_28, %dma_wait3A_198] : memref<10112x128xf32, #tpu.memory_space<vmem_shared>> -> memref<120x128xf32, #tpu.memory_space<vmem_shared>>
      %dma_wait3A_200 = arith.constant 0 : i32
      %dma_wait3A_201 = tpu.memref_slice %arg11[%add3A_28, %dma_wait3A_200] : memref<10112x128xf32, #tpu.memory_space<vmem_shared>> -> memref<120x128xf32, #tpu.memory_space<vmem_shared>>
      %dma_wait3A_202 = arith.constant 0 : i32
      %dma_wait3A_203 = arith.constant 0 : i32
      %dma_wait3A_204 = tpu.memref_slice %arg9[%dma_wait3A_202, %dma_wait3A_203] : memref<128x128xf32, #tpu.memory_space<vmem>> -> memref<120x128xf32, #tpu.memory_space<vmem>>
      tpu.wait_dma2 semaphore(%run_scoped3A_184 : memref<!tpu.dma_semaphore, #tpu.memory_space<semaphore_mem>>) src(%dma_wait3A_204 : memref<120x128xf32, #tpu.memory_space<vmem>>) dst(%dma_wait3A_201 : memref<120x128xf32, #tpu.memory_space<vmem_shared>>)
      tpu.yield
    }) : () -> ()
    %barrier3A = arith.constant 0 : index
    tpu.barrier barrier_id(%barrier3A)
    %dma_start3A = arith.constant 0 : i32
    %dma_start3A_29 = arith.constant 0 : i32
    %dma_start3A_30 = tpu.memref_slice %arg6[%dma_start3A, %dma_start3A_29] : memref<79x128xi32, #tpu.memory_space<vmem>> -> memref<1x128xi32, #tpu.memory_space<vmem>>
    %dma_start3A_31 = tpu.memref_squeeze %dma_start3A_30 : memref<1x128xi32, #tpu.memory_space<vmem>> -> memref<128xi32, #tpu.memory_space<vmem>>
    %dma_start3A_32 = arith.constant 0 : i32
    %dma_start3A_33 = arith.constant 0 : i32
    %dma_start3A_34 = tpu.memref_slice %arg2[%add3A_2, %dma_start3A_32, %dma_start3A_33] : memref<4x10000x128xf32, #tpu.memory_space<hbm>> -> memref<1x10000x128xf32, #tpu.memory_space<hbm>>
    %dma_start3A_35 = tpu.memref_squeeze %dma_start3A_34 : memref<1x10000x128xf32, #tpu.memory_space<hbm>> -> memref<10000x128xf32, #tpu.memory_space<hbm>>
    %dma_start3A_36 = arith.constant 0 : i32
    %dma_start3A_37 = arith.constant 0 : i32
    %dma_start3A_38 = tpu.memref_slice %dma_start3A_35[%dma_start3A_36, %dma_start3A_37] : memref<10000x128xf32, #tpu.memory_space<hbm>> -> memref<10000x128xf32, #tpu.memory_space<hbm>>
    tpu.enqueue_indirect_dma source(%dma_start3A_38 : memref<10000x128xf32, #tpu.memory_space<hbm>>) target(%arg9 : memref<128x128xf32, #tpu.memory_space<vmem>>) offsets(%dma_start3A_31 : memref<128xi32, #tpu.memory_space<vmem>>) semaphore(%arg12 : memref<!tpu.dma_semaphore, #tpu.memory_space<semaphore_mem>>)
    %dma_start3A_39 = arith.constant 0 : i32
    %dma_start3A_40 = arith.constant 0 : i32
    %dma_start3A_41 = tpu.memref_slice %arg4[%arg1, %dma_start3A_39, %dma_start3A_40] : memref<16x79x128xi32, #tpu.memory_space<hbm>> -> memref<1x79x128xi32, #tpu.memory_space<hbm>>
    %dma_start3A_42 = tpu.memref_squeeze %dma_start3A_41 : memref<1x79x128xi32, #tpu.memory_space<hbm>> -> memref<79x128xi32, #tpu.memory_space<hbm>>
    %dma_start3A_43 = arith.constant 0 : i32
    %dma_start3A_44 = arith.constant 0 : i32
    %dma_start3A_45 = tpu.memref_slice %dma_start3A_42[%dma_start3A_43, %dma_start3A_44] : memref<79x128xi32, #tpu.memory_space<hbm>> -> memref<1x128xi32, #tpu.memory_space<hbm>>
    %dma_start3A_46 = arith.constant 0 : i32
    %dma_start3A_47 = arith.constant 0 : i32
    %dma_start3A_48 = tpu.memref_slice %arg4[%arg1, %dma_start3A_46, %dma_start3A_47] : memref<16x79x128xi32, #tpu.memory_space<hbm>> -> memref<1x79x128xi32, #tpu.memory_space<hbm>>
    %dma_start3A_49 = tpu.memref_squeeze %dma_start3A_48 : memref<1x79x128xi32, #tpu.memory_space<hbm>> -> memref<79x128xi32, #tpu.memory_space<hbm>>
    %dma_start3A_50 = arith.constant 0 : i32
    %dma_start3A_51 = arith.constant 0 : i32
    %dma_start3A_52 = tpu.memref_slice %dma_start3A_49[%dma_start3A_50, %dma_start3A_51] : memref<79x128xi32, #tpu.memory_space<hbm>> -> memref<1x128xi32, #tpu.memory_space<hbm>>
    tpu.enqueue_dma source(%dma_start3A_52 : memref<1x128xi32, #tpu.memory_space<hbm>>) target(%arg7 : memref<1x128xi32, #tpu.memory_space<vmem>>) target_semaphore(%arg14 : memref<!tpu.dma_semaphore, #tpu.memory_space<semaphore_mem>>)
    %scan3A_53 = arith.constant 0 : i32
    %scan3A_54 = arith.constant 0 : i32
    %scan3A_55 = arith.constant 39 : i32
    %scan3A_56 = arith.addi %scan3A_54, %scan3A_55 : i32
    %scan3A_57 = arith.constant 1 : i32
    %scan3A_58 = scf.for %scan3A_184 = %scan3A_54 to %scan3A_56 step %scan3A_57 iter_args(%scan3A_185 = %scan3A_53) -> (i32)  : i32 {
      %mul3A_186 = arith.constant 2 : i32
      %mul3A_187 = arith.muli %mul3A_186, %scan3A_184 : i32
      %add3A_188 = arith.constant 1 : i32
      %add3A_189 = arith.addi %mul3A_187, %add3A_188 : i32
      %dma_start3A_190 = arith.constant 0 : i32
      %dma_start3A_191 = tpu.memref_slice %arg6[%add3A_189, %dma_start3A_190] : memref<79x128xi32, #tpu.memory_space<vmem>> -> memref<1x128xi32, #tpu.memory_space<vmem>>
      %dma_start3A_192 = tpu.memref_squeeze %dma_start3A_191 : memref<1x128xi32, #tpu.memory_space<vmem>> -> memref<128xi32, #tpu.memory_space<vmem>>
      %dma_start3A_193 = arith.constant 0 : i32
      %dma_start3A_194 = arith.constant 0 : i32
      %dma_start3A_195 = tpu.memref_slice %arg2[%add3A_2, %dma_start3A_193, %dma_start3A_194] : memref<4x10000x128xf32, #tpu.memory_space<hbm>> -> memref<1x10000x128xf32, #tpu.memory_space<hbm>>
      %dma_start3A_196 = tpu.memref_squeeze %dma_start3A_195 : memref<1x10000x128xf32, #tpu.memory_space<hbm>> -> memref<10000x128xf32, #tpu.memory_space<hbm>>
      %dma_start3A_197 = arith.constant 0 : i32
      %dma_start3A_198 = arith.constant 0 : i32
      %dma_start3A_199 = tpu.memref_slice %dma_start3A_196[%dma_start3A_197, %dma_start3A_198] : memref<10000x128xf32, #tpu.memory_space<hbm>> -> memref<10000x128xf32, #tpu.memory_space<hbm>>
      tpu.enqueue_indirect_dma source(%dma_start3A_199 : memref<10000x128xf32, #tpu.memory_space<hbm>>) target(%arg10 : memref<128x128xf32, #tpu.memory_space<vmem>>) offsets(%dma_start3A_192 : memref<128xi32, #tpu.memory_space<vmem>>) semaphore(%arg13 : memref<!tpu.dma_semaphore, #tpu.memory_space<semaphore_mem>>)
      %dma_start3A_200 = arith.constant 0 : i32
      %dma_start3A_201 = arith.constant 0 : i32
      %dma_start3A_202 = tpu.memref_slice %arg4[%arg1, %dma_start3A_200, %dma_start3A_201] : memref<16x79x128xi32, #tpu.memory_space<hbm>> -> memref<1x79x128xi32, #tpu.memory_space<hbm>>
      %dma_start3A_203 = tpu.memref_squeeze %dma_start3A_202 : memref<1x79x128xi32, #tpu.memory_space<hbm>> -> memref<79x128xi32, #tpu.memory_space<hbm>>
      %dma_start3A_204 = arith.constant 0 : i32
      %dma_start3A_205 = tpu.memref_slice %dma_start3A_203[%add3A_189, %dma_start3A_204] : memref<79x128xi32, #tpu.memory_space<hbm>> -> memref<1x128xi32, #tpu.memory_space<hbm>>
      %dma_start3A_206 = arith.constant 0 : i32
      %dma_start3A_207 = arith.constant 0 : i32
      %dma_start3A_208 = tpu.memref_slice %arg4[%arg1, %dma_start3A_206, %dma_start3A_207] : memref<16x79x128xi32, #tpu.memory_space<hbm>> -> memref<1x79x128xi32, #tpu.memory_space<hbm>>
      %dma_start3A_209 = tpu.memref_squeeze %dma_start3A_208 : memref<1x79x128xi32, #tpu.memory_space<hbm>> -> memref<79x128xi32, #tpu.memory_space<hbm>>
      %dma_start3A_210 = arith.constant 0 : i32
      %dma_start3A_211 = tpu.memref_slice %dma_start3A_209[%add3A_189, %dma_start3A_210] : memref<79x128xi32, #tpu.memory_space<hbm>> -> memref<1x128xi32, #tpu.memory_space<hbm>>
      tpu.enqueue_dma source(%dma_start3A_211 : memref<1x128xi32, #tpu.memory_space<hbm>>) target(%arg8 : memref<1x128xi32, #tpu.memory_space<vmem>>) target_semaphore(%arg15 : memref<!tpu.dma_semaphore, #tpu.memory_space<semaphore_mem>>)
      %dma_wait3A_212 = arith.constant 0 : i32
      %dma_wait3A_213 = tpu.memref_slice %arg6[%mul3A_187, %dma_wait3A_212] : memref<79x128xi32, #tpu.memory_space<vmem>> -> memref<1x128xi32, #tpu.memory_space<vmem>>
      %dma_wait3A_214 = tpu.memref_squeeze %dma_wait3A_213 : memref<1x128xi32, #tpu.memory_space<vmem>> -> memref<128xi32, #tpu.memory_space<vmem>>
      %dma_wait3A_215 = arith.constant 0 : i32
      %dma_wait3A_216 = arith.constant 0 : i32
      %dma_wait3A_217 = tpu.memref_slice %arg2[%add3A_2, %dma_wait3A_215, %dma_wait3A_216] : memref<4x10000x128xf32, #tpu.memory_space<hbm>> -> memref<1x10000x128xf32, #tpu.memory_space<hbm>>
      %dma_wait3A_218 = tpu.memref_squeeze %dma_wait3A_217 : memref<1x10000x128xf32, #tpu.memory_space<hbm>> -> memref<10000x128xf32, #tpu.memory_space<hbm>>
      %dma_wait3A_219 = arith.constant 0 : i32
      %dma_wait3A_220 = arith.constant 0 : i32
      %dma_wait3A_221 = tpu.memref_slice %dma_wait3A_218[%dma_wait3A_219, %dma_wait3A_220] : memref<10000x128xf32, #tpu.memory_space<hbm>> -> memref<10000x128xf32, #tpu.memory_space<hbm>>
      tpu.wait_indirect_dma semaphore(%arg12 : memref<!tpu.dma_semaphore, #tpu.memory_space<semaphore_mem>>) src(%dma_wait3A_221 : memref<10000x128xf32, #tpu.memory_space<hbm>>) dst(%arg9 : memref<128x128xf32, #tpu.memory_space<vmem>>)
      %dma_wait3A_222 = arith.constant 0 : i32
      %dma_wait3A_223 = arith.constant 0 : i32
      %dma_wait3A_224 = tpu.memref_slice %arg4[%arg1, %dma_wait3A_222, %dma_wait3A_223] : memref<16x79x128xi32, #tpu.memory_space<hbm>> -> memref<1x79x128xi32, #tpu.memory_space<hbm>>
      %dma_wait3A_225 = tpu.memref_squeeze %dma_wait3A_224 : memref<1x79x128xi32, #tpu.memory_space<hbm>> -> memref<79x128xi32, #tpu.memory_space<hbm>>
      %dma_wait3A_226 = arith.constant 0 : i32
      %dma_wait3A_227 = tpu.memref_slice %dma_wait3A_225[%mul3A_187, %dma_wait3A_226] : memref<79x128xi32, #tpu.memory_space<hbm>> -> memref<1x128xi32, #tpu.memory_space<hbm>>
      %dma_wait3A_228 = arith.constant 0 : i32
      %dma_wait3A_229 = arith.constant 0 : i32
      %dma_wait3A_230 = tpu.memref_slice %arg4[%arg1, %dma_wait3A_228, %dma_wait3A_229] : memref<16x79x128xi32, #tpu.memory_space<hbm>> -> memref<1x79x128xi32, #tpu.memory_space<hbm>>
      %dma_wait3A_231 = tpu.memref_squeeze %dma_wait3A_230 : memref<1x79x128xi32, #tpu.memory_space<hbm>> -> memref<79x128xi32, #tpu.memory_space<hbm>>
      %dma_wait3A_232 = arith.constant 0 : i32
      %dma_wait3A_233 = tpu.memref_slice %dma_wait3A_231[%mul3A_187, %dma_wait3A_232] : memref<79x128xi32, #tpu.memory_space<hbm>> -> memref<1x128xi32, #tpu.memory_space<hbm>>
      tpu.wait_dma2 semaphore(%arg14 : memref<!tpu.dma_semaphore, #tpu.memory_space<semaphore_mem>>) src(%dma_wait3A_233 : memref<1x128xi32, #tpu.memory_space<hbm>>) dst(%arg7 : memref<1x128xi32, #tpu.memory_space<vmem>>)
      %run_scoped3A_234 = arith.constant 0 : i32
      "tpu.region"() ({
        %run_scoped3A_285 = tpu.sem_alloc : memref<!tpu.dma_semaphore, #tpu.memory_space<semaphore_mem>>
        %dma_start3A_286 = arith.constant 0 : i32
        %dma_start3A_287 = tpu.memref_slice %arg7[%run_scoped3A_234, %dma_start3A_286] : memref<1x128xi32, #tpu.memory_space<vmem>> -> memref<1x128xi32, #tpu.memory_space<vmem>>
        %dma_start3A_288 = tpu.memref_squeeze %dma_start3A_287 : memref<1x128xi32, #tpu.memory_space<vmem>> -> memref<128xi32, #tpu.memory_space<vmem>>
        %dma_start3A_289 = arith.constant 0 : i32
        %dma_start3A_290 = arith.constant 0 : i32
        %dma_start3A_291 = tpu.memref_slice %arg11[%dma_start3A_289, %dma_start3A_290] : memref<10112x128xf32, #tpu.memory_space<vmem_shared>> -> memref<10112x128xf32, #tpu.memory_space<vmem_shared>>
        tpu.enqueue_indirect_dma source(%arg9 : memref<128x128xf32, #tpu.memory_space<vmem>>) target(%dma_start3A_291 : memref<10112x128xf32, #tpu.memory_space<vmem_shared>>) offsets(%dma_start3A_288 : memref<128xi32, #tpu.memory_space<vmem>>) semaphore(%run_scoped3A_285 : memref<!tpu.dma_semaphore, #tpu.memory_space<semaphore_mem>>) {add = true}
        %dma_wait3A_292 = arith.constant 0 : i32
        %dma_wait3A_293 = tpu.memref_slice %arg7[%run_scoped3A_234, %dma_wait3A_292] : memref<1x128xi32, #tpu.memory_space<vmem>> -> memref<1x128xi32, #tpu.memory_space<vmem>>
        %dma_wait3A_294 = tpu.memref_squeeze %dma_wait3A_293 : memref<1x128xi32, #tpu.memory_space<vmem>> -> memref<128xi32, #tpu.memory_space<vmem>>
        %dma_wait3A_295 = arith.constant 0 : i32
        %dma_wait3A_296 = arith.constant 0 : i32
        %dma_wait3A_297 = tpu.memref_slice %arg11[%dma_wait3A_295, %dma_wait3A_296] : memref<10112x128xf32, #tpu.memory_space<vmem_shared>> -> memref<10112x128xf32, #tpu.memory_space<vmem_shared>>
        tpu.wait_indirect_dma semaphore(%run_scoped3A_285 : memref<!tpu.dma_semaphore, #tpu.memory_space<semaphore_mem>>) src(%arg9 : memref<128x128xf32, #tpu.memory_space<vmem>>) dst(%dma_wait3A_297 : memref<10112x128xf32, #tpu.memory_space<vmem_shared>>)
        tpu.yield
      }) : () -> ()
      %add3A_235 = arith.constant 2 : i32
      %add3A_236 = arith.addi %mul3A_187, %add3A_235 : i32
      %dma_start3A_237 = arith.constant 0 : i32
      %dma_start3A_238 = tpu.memref_slice %arg6[%add3A_236, %dma_start3A_237] : memref<79x128xi32, #tpu.memory_space<vmem>> -> memref<1x128xi32, #tpu.memory_space<vmem>>
      %dma_start3A_239 = tpu.memref_squeeze %dma_start3A_238 : memref<1x128xi32, #tpu.memory_space<vmem>> -> memref<128xi32, #tpu.memory_space<vmem>>
      %dma_start3A_240 = arith.constant 0 : i32
      %dma_start3A_241 = arith.constant 0 : i32
      %dma_start3A_242 = tpu.memref_slice %arg2[%add3A_2, %dma_start3A_240, %dma_start3A_241] : memref<4x10000x128xf32, #tpu.memory_space<hbm>> -> memref<1x10000x128xf32, #tpu.memory_space<hbm>>
      %dma_start3A_243 = tpu.memref_squeeze %dma_start3A_242 : memref<1x10000x128xf32, #tpu.memory_space<hbm>> -> memref<10000x128xf32, #tpu.memory_space<hbm>>
      %dma_start3A_244 = arith.constant 0 : i32
      %dma_start3A_245 = arith.constant 0 : i32
      %dma_start3A_246 = tpu.memref_slice %dma_start3A_243[%dma_start3A_244, %dma_start3A_245] : memref<10000x128xf32, #tpu.memory_space<hbm>> -> memref<10000x128xf32, #tpu.memory_space<hbm>>
      tpu.enqueue_indirect_dma source(%dma_start3A_246 : memref<10000x128xf32, #tpu.memory_space<hbm>>) target(%arg9 : memref<128x128xf32, #tpu.memory_space<vmem>>) offsets(%dma_start3A_239 : memref<128xi32, #tpu.memory_space<vmem>>) semaphore(%arg12 : memref<!tpu.dma_semaphore, #tpu.memory_space<semaphore_mem>>)
      %add3A_247 = arith.constant 2 : i32
      %add3A_248 = arith.addi %mul3A_187, %add3A_247 : i32
      %dma_start3A_249 = arith.constant 0 : i32
      %dma_start3A_250 = arith.constant 0 : i32
      %dma_start3A_251 = tpu.memref_slice %arg4[%arg1, %dma_start3A_249, %dma_start3A_250] : memref<16x79x128xi32, #tpu.memory_space<hbm>> -> memref<1x79x128xi32, #tpu.memory_space<hbm>>
      %dma_start3A_252 = tpu.memref_squeeze %dma_start3A_251 : memref<1x79x128xi32, #tpu.memory_space<hbm>> -> memref<79x128xi32, #tpu.memory_space<hbm>>
      %dma_start3A_253 = arith.constant 0 : i32
      %dma_start3A_254 = tpu.memref_slice %dma_start3A_252[%add3A_248, %dma_start3A_253] : memref<79x128xi32, #tpu.memory_space<hbm>> -> memref<1x128xi32, #tpu.memory_space<hbm>>
      %dma_start3A_255 = arith.constant 0 : i32
      %dma_start3A_256 = arith.constant 0 : i32
      %dma_start3A_257 = tpu.memref_slice %arg4[%arg1, %dma_start3A_255, %dma_start3A_256] : memref<16x79x128xi32, #tpu.memory_space<hbm>> -> memref<1x79x128xi32, #tpu.memory_space<hbm>>
      %dma_start3A_258 = tpu.memref_squeeze %dma_start3A_257 : memref<1x79x128xi32, #tpu.memory_space<hbm>> -> memref<79x128xi32, #tpu.memory_space<hbm>>
      %dma_start3A_259 = arith.constant 0 : i32
      %dma_start3A_260 = tpu.memref_slice %dma_start3A_258[%add3A_248, %dma_start3A_259] : memref<79x128xi32, #tpu.memory_space<hbm>> -> memref<1x128xi32, #tpu.memory_space<hbm>>
      tpu.enqueue_dma source(%dma_start3A_260 : memref<1x128xi32, #tpu.memory_space<hbm>>) target(%arg7 : memref<1x128xi32, #tpu.memory_space<vmem>>) target_semaphore(%arg14 : memref<!tpu.dma_semaphore, #tpu.memory_space<semaphore_mem>>)
      %dma_wait3A_261 = arith.constant 0 : i32
      %dma_wait3A_262 = tpu.memref_slice %arg6[%add3A_189, %dma_wait3A_261] : memref<79x128xi32, #tpu.memory_space<vmem>> -> memref<1x128xi32, #tpu.memory_space<vmem>>
      %dma_wait3A_263 = tpu.memref_squeeze %dma_wait3A_262 : memref<1x128xi32, #tpu.memory_space<vmem>> -> memref<128xi32, #tpu.memory_space<vmem>>
      %dma_wait3A_264 = arith.constant 0 : i32
      %dma_wait3A_265 = arith.constant 0 : i32
      %dma_wait3A_266 = tpu.memref_slice %arg2[%add3A_2, %dma_wait3A_264, %dma_wait3A_265] : memref<4x10000x128xf32, #tpu.memory_space<hbm>> -> memref<1x10000x128xf32, #tpu.memory_space<hbm>>
      %dma_wait3A_267 = tpu.memref_squeeze %dma_wait3A_266 : memref<1x10000x128xf32, #tpu.memory_space<hbm>> -> memref<10000x128xf32, #tpu.memory_space<hbm>>
      %dma_wait3A_268 = arith.constant 0 : i32
      %dma_wait3A_269 = arith.constant 0 : i32
      %dma_wait3A_270 = tpu.memref_slice %dma_wait3A_267[%dma_wait3A_268, %dma_wait3A_269] : memref<10000x128xf32, #tpu.memory_space<hbm>> -> memref<10000x128xf32, #tpu.memory_space<hbm>>
      tpu.wait_indirect_dma semaphore(%arg13 : memref<!tpu.dma_semaphore, #tpu.memory_space<semaphore_mem>>) src(%dma_wait3A_270 : memref<10000x128xf32, #tpu.memory_space<hbm>>) dst(%arg10 : memref<128x128xf32, #tpu.memory_space<vmem>>)
      %dma_wait3A_271 = arith.constant 0 : i32
      %dma_wait3A_272 = arith.constant 0 : i32
      %dma_wait3A_273 = tpu.memref_slice %arg4[%arg1, %dma_wait3A_271, %dma_wait3A_272] : memref<16x79x128xi32, #tpu.memory_space<hbm>> -> memref<1x79x128xi32, #tpu.memory_space<hbm>>
      %dma_wait3A_274 = tpu.memref_squeeze %dma_wait3A_273 : memref<1x79x128xi32, #tpu.memory_space<hbm>> -> memref<79x128xi32, #tpu.memory_space<hbm>>
      %dma_wait3A_275 = arith.constant 0 : i32
      %dma_wait3A_276 = tpu.memref_slice %dma_wait3A_274[%add3A_189, %dma_wait3A_275] : memref<79x128xi32, #tpu.memory_space<hbm>> -> memref<1x128xi32, #tpu.memory_space<hbm>>
      %dma_wait3A_277 = arith.constant 0 : i32
      %dma_wait3A_278 = arith.constant 0 : i32
      %dma_wait3A_279 = tpu.memref_slice %arg4[%arg1, %dma_wait3A_277, %dma_wait3A_278] : memref<16x79x128xi32, #tpu.memory_space<hbm>> -> memref<1x79x128xi32, #tpu.memory_space<hbm>>
      %dma_wait3A_280 = tpu.memref_squeeze %dma_wait3A_279 : memref<1x79x128xi32, #tpu.memory_space<hbm>> -> memref<79x128xi32, #tpu.memory_space<hbm>>
      %dma_wait3A_281 = arith.constant 0 : i32
      %dma_wait3A_282 = tpu.memref_slice %dma_wait3A_280[%add3A_189, %dma_wait3A_281] : memref<79x128xi32, #tpu.memory_space<hbm>> -> memref<1x128xi32, #tpu.memory_space<hbm>>
      tpu.wait_dma2 semaphore(%arg15 : memref<!tpu.dma_semaphore, #tpu.memory_space<semaphore_mem>>) src(%dma_wait3A_282 : memref<1x128xi32, #tpu.memory_space<hbm>>) dst(%arg8 : memref<1x128xi32, #tpu.memory_space<vmem>>)
      %run_scoped3A_283 = arith.constant 0 : i32
      "tpu.region"() ({
        %run_scoped3A_285 = tpu.sem_alloc : memref<!tpu.dma_semaphore, #tpu.memory_space<semaphore_mem>>
        %dma_start3A_286 = arith.constant 0 : i32
        %dma_start3A_287 = tpu.memref_slice %arg8[%run_scoped3A_283, %dma_start3A_286] : memref<1x128xi32, #tpu.memory_space<vmem>> -> memref<1x128xi32, #tpu.memory_space<vmem>>
        %dma_start3A_288 = tpu.memref_squeeze %dma_start3A_287 : memref<1x128xi32, #tpu.memory_space<vmem>> -> memref<128xi32, #tpu.memory_space<vmem>>
        %dma_start3A_289 = arith.constant 0 : i32
        %dma_start3A_290 = arith.constant 0 : i32
        %dma_start3A_291 = tpu.memref_slice %arg11[%dma_start3A_289, %dma_start3A_290] : memref<10112x128xf32, #tpu.memory_space<vmem_shared>> -> memref<10112x128xf32, #tpu.memory_space<vmem_shared>>
        tpu.enqueue_indirect_dma source(%arg10 : memref<128x128xf32, #tpu.memory_space<vmem>>) target(%dma_start3A_291 : memref<10112x128xf32, #tpu.memory_space<vmem_shared>>) offsets(%dma_start3A_288 : memref<128xi32, #tpu.memory_space<vmem>>) semaphore(%run_scoped3A_285 : memref<!tpu.dma_semaphore, #tpu.memory_space<semaphore_mem>>) {add = true}
        %dma_wait3A_292 = arith.constant 0 : i32
        %dma_wait3A_293 = tpu.memref_slice %arg8[%run_scoped3A_283, %dma_wait3A_292] : memref<1x128xi32, #tpu.memory_space<vmem>> -> memref<1x128xi32, #tpu.memory_space<vmem>>
        %dma_wait3A_294 = tpu.memref_squeeze %dma_wait3A_293 : memref<1x128xi32, #tpu.memory_space<vmem>> -> memref<128xi32, #tpu.memory_space<vmem>>
        %dma_wait3A_295 = arith.constant 0 : i32
        %dma_wait3A_296 = arith.constant 0 : i32
        %dma_wait3A_297 = tpu.memref_slice %arg11[%dma_wait3A_295, %dma_wait3A_296] : memref<10112x128xf32, #tpu.memory_space<vmem_shared>> -> memref<10112x128xf32, #tpu.memory_space<vmem_shared>>
        tpu.wait_indirect_dma semaphore(%run_scoped3A_285 : memref<!tpu.dma_semaphore, #tpu.memory_space<semaphore_mem>>) src(%arg10 : memref<128x128xf32, #tpu.memory_space<vmem>>) dst(%dma_wait3A_297 : memref<10112x128xf32, #tpu.memory_space<vmem_shared>>)
        tpu.yield
      }) : () -> ()
      %scan3A_284 = arith.constant 0 : i32
      scf.yield %scan3A_284 : i32
    }
    %scan3A_59 = arith.constant 39 : i32
    %dma_wait3A = arith.constant 78 : i32
    %dma_wait3A_60 = arith.constant 0 : i32
    %dma_wait3A_61 = tpu.memref_slice %arg6[%dma_wait3A, %dma_wait3A_60] : memref<79x128xi32, #tpu.memory_space<vmem>> -> memref<1x128xi32, #tpu.memory_space<vmem>>
    %dma_wait3A_62 = tpu.memref_squeeze %dma_wait3A_61 : memref<1x128xi32, #tpu.memory_space<vmem>> -> memref<128xi32, #tpu.memory_space<vmem>>
    %dma_wait3A_63 = arith.constant 0 : i32
    %dma_wait3A_64 = arith.constant 0 : i32
    %dma_wait3A_65 = tpu.memref_slice %arg2[%add3A_2, %dma_wait3A_63, %dma_wait3A_64] : memref<4x10000x128xf32, #tpu.memory_space<hbm>> -> memref<1x10000x128xf32, #tpu.memory_space<hbm>>
    %dma_wait3A_66 = tpu.memref_squeeze %dma_wait3A_65 : memref<1x10000x128xf32, #tpu.memory_space<hbm>> -> memref<10000x128xf32, #tpu.memory_space<hbm>>
    %dma_wait3A_67 = arith.constant 0 : i32
    %dma_wait3A_68 = arith.constant 0 : i32
    %dma_wait3A_69 = tpu.memref_slice %dma_wait3A_66[%dma_wait3A_67, %dma_wait3A_68] : memref<10000x128xf32, #tpu.memory_space<hbm>> -> memref<10000x128xf32, #tpu.memory_space<hbm>>
    tpu.wait_indirect_dma semaphore(%arg12 : memref<!tpu.dma_semaphore, #tpu.memory_space<semaphore_mem>>) src(%dma_wait3A_69 : memref<10000x128xf32, #tpu.memory_space<hbm>>) dst(%arg9 : memref<128x128xf32, #tpu.memory_space<vmem>>)
    %dma_wait3A_70 = arith.constant 0 : i32
    %dma_wait3A_71 = arith.constant 0 : i32
    %dma_wait3A_72 = tpu.memref_slice %arg4[%arg1, %dma_wait3A_70, %dma_wait3A_71] : memref<16x79x128xi32, #tpu.memory_space<hbm>> -> memref<1x79x128xi32, #tpu.memory_space<hbm>>
    %dma_wait3A_73 = tpu.memref_squeeze %dma_wait3A_72 : memref<1x79x128xi32, #tpu.memory_space<hbm>> -> memref<79x128xi32, #tpu.memory_space<hbm>>
    %dma_wait3A_74 = arith.constant 78 : i32
    %dma_wait3A_75 = arith.constant 0 : i32
    %dma_wait3A_76 = tpu.memref_slice %dma_wait3A_73[%dma_wait3A_74, %dma_wait3A_75] : memref<79x128xi32, #tpu.memory_space<hbm>> -> memref<1x128xi32, #tpu.memory_space<hbm>>
    %dma_wait3A_77 = arith.constant 0 : i32
    %dma_wait3A_78 = arith.constant 0 : i32
    %dma_wait3A_79 = tpu.memref_slice %arg4[%arg1, %dma_wait3A_77, %dma_wait3A_78] : memref<16x79x128xi32, #tpu.memory_space<hbm>> -> memref<1x79x128xi32, #tpu.memory_space<hbm>>
    %dma_wait3A_80 = tpu.memref_squeeze %dma_wait3A_79 : memref<1x79x128xi32, #tpu.memory_space<hbm>> -> memref<79x128xi32, #tpu.memory_space<hbm>>
    %dma_wait3A_81 = arith.constant 78 : i32
    %dma_wait3A_82 = arith.constant 0 : i32
    %dma_wait3A_83 = tpu.memref_slice %dma_wait3A_80[%dma_wait3A_81, %dma_wait3A_82] : memref<79x128xi32, #tpu.memory_space<hbm>> -> memref<1x128xi32, #tpu.memory_space<hbm>>
    tpu.wait_dma2 semaphore(%arg14 : memref<!tpu.dma_semaphore, #tpu.memory_space<semaphore_mem>>) src(%dma_wait3A_83 : memref<1x128xi32, #tpu.memory_space<hbm>>) dst(%arg7 : memref<1x128xi32, #tpu.memory_space<vmem>>)
    %run_scoped3A = arith.constant 0 : i32
    "tpu.region"() ({
      %run_scoped3A_184 = tpu.sem_alloc : memref<!tpu.dma_semaphore, #tpu.memory_space<semaphore_mem>>
      %dma_start3A_185 = arith.constant 0 : i32
      %dma_start3A_186 = tpu.memref_slice %arg7[%run_scoped3A, %dma_start3A_185] : memref<1x128xi32, #tpu.memory_space<vmem>> -> memref<1x128xi32, #tpu.memory_space<vmem>>
      %dma_start3A_187 = tpu.memref_squeeze %dma_start3A_186 : memref<1x128xi32, #tpu.memory_space<vmem>> -> memref<128xi32, #tpu.memory_space<vmem>>
      %dma_start3A_188 = arith.constant 0 : i32
      %dma_start3A_189 = arith.constant 0 : i32
      %dma_start3A_190 = tpu.memref_slice %arg11[%dma_start3A_188, %dma_start3A_189] : memref<10112x128xf32, #tpu.memory_space<vmem_shared>> -> memref<10112x128xf32, #tpu.memory_space<vmem_shared>>
      tpu.enqueue_indirect_dma source(%arg9 : memref<128x128xf32, #tpu.memory_space<vmem>>) target(%dma_start3A_190 : memref<10112x128xf32, #tpu.memory_space<vmem_shared>>) offsets(%dma_start3A_187 : memref<128xi32, #tpu.memory_space<vmem>>) semaphore(%run_scoped3A_184 : memref<!tpu.dma_semaphore, #tpu.memory_space<semaphore_mem>>) {add = true}
      %dma_wait3A_191 = arith.constant 0 : i32
      %dma_wait3A_192 = tpu.memref_slice %arg7[%run_scoped3A, %dma_wait3A_191] : memref<1x128xi32, #tpu.memory_space<vmem>> -> memref<1x128xi32, #tpu.memory_space<vmem>>
      %dma_wait3A_193 = tpu.memref_squeeze %dma_wait3A_192 : memref<1x128xi32, #tpu.memory_space<vmem>> -> memref<128xi32, #tpu.memory_space<vmem>>
      %dma_wait3A_194 = arith.constant 0 : i32
      %dma_wait3A_195 = arith.constant 0 : i32
      %dma_wait3A_196 = tpu.memref_slice %arg11[%dma_wait3A_194, %dma_wait3A_195] : memref<10112x128xf32, #tpu.memory_space<vmem_shared>> -> memref<10112x128xf32, #tpu.memory_space<vmem_shared>>
      tpu.wait_indirect_dma semaphore(%run_scoped3A_184 : memref<!tpu.dma_semaphore, #tpu.memory_space<semaphore_mem>>) src(%arg9 : memref<128x128xf32, #tpu.memory_space<vmem>>) dst(%dma_wait3A_196 : memref<10112x128xf32, #tpu.memory_space<vmem_shared>>)
      tpu.yield
    }) : () -> ()
    %barrier3A_84 = arith.constant 0 : index
    tpu.barrier barrier_id(%barrier3A_84)
    %mul3A_85 = arith.constant 632 : i32
    %mul3A_86 = arith.muli %arg1, %mul3A_85 : i32
    %mul3A_87 = arith.constant 632 : i32
    %mul3A_88 = arith.muli %arg1, %mul3A_87 : i32
    "tpu.region"() ({
      %run_scoped3A_184 = tpu.sem_alloc : memref<!tpu.dma_semaphore, #tpu.memory_space<semaphore_mem>>
      %dma_start3A_185 = arith.constant 0 : i32
      %dma_start3A_186 = arith.constant 0 : i32
      %dma_start3A_187 = tpu.memref_slice %arg5[%add3A_2, %dma_start3A_185, %dma_start3A_186] : memref<4x10112x128xf32, #tpu.memory_space<hbm>> -> memref<1x10112x128xf32, #tpu.memory_space<hbm>>
      %dma_start3A_188 = tpu.memref_squeeze %dma_start3A_187 : memref<1x10112x128xf32, #tpu.memory_space<hbm>> -> memref<10112x128xf32, #tpu.memory_space<hbm>>
      %dma_start3A_189 = arith.constant 0 : i32
      %dma_start3A_190 = tpu.memref_slice %dma_start3A_188[%mul3A_88, %dma_start3A_189] : memref<10112x128xf32, #tpu.memory_space<hbm>> -> memref<632x128xf32, #tpu.memory_space<hbm>>
      %dma_start3A_191 = arith.constant 0 : i32
      %dma_start3A_192 = tpu.memref_slice %arg11[%mul3A_86, %dma_start3A_191] : memref<10112x128xf32, #tpu.memory_space<vmem_shared>> -> memref<632x128xf32, #tpu.memory_space<vmem_shared>>
      tpu.enqueue_dma source(%dma_start3A_192 : memref<632x128xf32, #tpu.memory_space<vmem_shared>>) target(%dma_start3A_190 : memref<632x128xf32, #tpu.memory_space<hbm>>) target_semaphore(%run_scoped3A_184 : memref<!tpu.dma_semaphore, #tpu.memory_space<semaphore_mem>>)
      %dma_wait3A_193 = arith.constant 0 : i32
      %dma_wait3A_194 = arith.constant 0 : i32
      %dma_wait3A_195 = tpu.memref_slice %arg5[%add3A_2, %dma_wait3A_193, %dma_wait3A_194] : memref<4x10112x128xf32, #tpu.memory_space<hbm>> -> memref<1x10112x128xf32, #tpu.memory_space<hbm>>
      %dma_wait3A_196 = tpu.memref_squeeze %dma_wait3A_195 : memref<1x10112x128xf32, #tpu.memory_space<hbm>> -> memref<10112x128xf32, #tpu.memory_space<hbm>>
      %dma_wait3A_197 = arith.constant 0 : i32
      %dma_wait3A_198 = tpu.memref_slice %dma_wait3A_196[%mul3A_88, %dma_wait3A_197] : memref<10112x128xf32, #tpu.memory_space<hbm>> -> memref<632x128xf32, #tpu.memory_space<hbm>>
      %dma_wait3A_199 = arith.constant 0 : i32
      %dma_wait3A_200 = tpu.memref_slice %arg11[%mul3A_86, %dma_wait3A_199] : memref<10112x128xf32, #tpu.memory_space<vmem_shared>> -> memref<632x128xf32, #tpu.memory_space<vmem_shared>>
      tpu.wait_dma2 semaphore(%run_scoped3A_184 : memref<!tpu.dma_semaphore, #tpu.memory_space<semaphore_mem>>) src(%dma_wait3A_200 : memref<632x128xf32, #tpu.memory_space<vmem_shared>>) dst(%dma_wait3A_198 : memref<632x128xf32, #tpu.memory_space<hbm>>)
      tpu.yield
    }) : () -> ()
    %mul3A_89 = arith.constant 2 : i32
    %mul3A_90 = arith.muli %arg0, %mul3A_89 : i32
    %add3A_91 = arith.constant 1 : i32
    %add3A_92 = arith.addi %mul3A_90, %add3A_91 : i32
    %scan3A_93 = arith.constant 0 : i32
    %scan3A_94 = arith.constant 0 : i32
    %scan3A_95 = arith.constant 128 : i32
    %scan3A_96 = arith.addi %scan3A_94, %scan3A_95 : i32
    %scan3A_97 = arith.constant 1 : i32
    %scan3A_98 = scf.for %scan3A_184 = %scan3A_94 to %scan3A_96 step %scan3A_97 iter_args(%scan3A_185 = %scan3A_93) -> (i32)  : i32 {
      %swap3A = arith.index_cast %scan3A_184 : i32 to index
      %swap3A_186 = arith.constant 0 : index
      %swap3A_187 = tpu.vector_load %arg9[%swap3A, %swap3A_186] {strides = array<i32>} : memref<128x128xf32, #tpu.memory_space<vmem>>, vector<1x16xf32>,
      %swap3A_188 = vector.shape_cast %swap3A_187 : vector<1x16xf32> to vector<16xf32>
      %swap3A_189 = vector.shape_cast %broadcast_in_dim3A_0 : vector<16xf32> to vector<1x16xf32>
      tpu.vector_store %arg9[%swap3A, %swap3A_186], %swap3A_189 {strides = array<i32>} : memref<128x128xf32, #tpu.memory_space<vmem>>, vector<1x16xf32>,
      %swap3A_190 = arith.index_cast %scan3A_184 : i32 to index
      %swap3A_191 = arith.constant 16 : index
      %swap3A_192 = tpu.vector_load %arg9[%swap3A_190, %swap3A_191] {strides = array<i32>} : memref<128x128xf32, #tpu.memory_space<vmem>>, vector<1x16xf32>,
      %swap3A_193 = vector.shape_cast %swap3A_192 : vector<1x16xf32> to vector<16xf32>
      %swap3A_194 = vector.shape_cast %broadcast_in_dim3A_0 : vector<16xf32> to vector<1x16xf32>
      tpu.vector_store %arg9[%swap3A_190, %swap3A_191], %swap3A_194 {strides = array<i32>} : memref<128x128xf32, #tpu.memory_space<vmem>>, vector<1x16xf32>,
      %swap3A_195 = arith.index_cast %scan3A_184 : i32 to index
      %swap3A_196 = arith.constant 32 : index
      %swap3A_197 = tpu.vector_load %arg9[%swap3A_195, %swap3A_196] {strides = array<i32>} : memref<128x128xf32, #tpu.memory_space<vmem>>, vector<1x16xf32>,
      %swap3A_198 = vector.shape_cast %swap3A_197 : vector<1x16xf32> to vector<16xf32>
      %swap3A_199 = vector.shape_cast %broadcast_in_dim3A_0 : vector<16xf32> to vector<1x16xf32>
      tpu.vector_store %arg9[%swap3A_195, %swap3A_196], %swap3A_199 {strides = array<i32>} : memref<128x128xf32, #tpu.memory_space<vmem>>, vector<1x16xf32>,
      %swap3A_200 = arith.index_cast %scan3A_184 : i32 to index
      %swap3A_201 = arith.constant 48 : index
      %swap3A_202 = tpu.vector_load %arg9[%swap3A_200, %swap3A_201] {strides = array<i32>} : memref<128x128xf32, #tpu.memory_space<vmem>>, vector<1x16xf32>,
      %swap3A_203 = vector.shape_cast %swap3A_202 : vector<1x16xf32> to vector<16xf32>
      %swap3A_204 = vector.shape_cast %broadcast_in_dim3A_0 : vector<16xf32> to vector<1x16xf32>
      tpu.vector_store %arg9[%swap3A_200, %swap3A_201], %swap3A_204 {strides = array<i32>} : memref<128x128xf32, #tpu.memory_space<vmem>>, vector<1x16xf32>,
      %swap3A_205 = arith.index_cast %scan3A_184 : i32 to index
      %swap3A_206 = arith.constant 64 : index
      %swap3A_207 = tpu.vector_load %arg9[%swap3A_205, %swap3A_206] {strides = array<i32>} : memref<128x128xf32, #tpu.memory_space<vmem>>, vector<1x16xf32>,
      %swap3A_208 = vector.shape_cast %swap3A_207 : vector<1x16xf32> to vector<16xf32>
      %swap3A_209 = vector.shape_cast %broadcast_in_dim3A_0 : vector<16xf32> to vector<1x16xf32>
      tpu.vector_store %arg9[%swap3A_205, %swap3A_206], %swap3A_209 {strides = array<i32>} : memref<128x128xf32, #tpu.memory_space<vmem>>, vector<1x16xf32>,
      %swap3A_210 = arith.index_cast %scan3A_184 : i32 to index
      %swap3A_211 = arith.constant 80 : index
      %swap3A_212 = tpu.vector_load %arg9[%swap3A_210, %swap3A_211] {strides = array<i32>} : memref<128x128xf32, #tpu.memory_space<vmem>>, vector<1x16xf32>,
      %swap3A_213 = vector.shape_cast %swap3A_212 : vector<1x16xf32> to vector<16xf32>
      %swap3A_214 = vector.shape_cast %broadcast_in_dim3A_0 : vector<16xf32> to vector<1x16xf32>
      tpu.vector_store %arg9[%swap3A_210, %swap3A_211], %swap3A_214 {strides = array<i32>} : memref<128x128xf32, #tpu.memory_space<vmem>>, vector<1x16xf32>,
      %swap3A_215 = arith.index_cast %scan3A_184 : i32 to index
      %swap3A_216 = arith.constant 96 : index
      %swap3A_217 = tpu.vector_load %arg9[%swap3A_215, %swap3A_216] {strides = array<i32>} : memref<128x128xf32, #tpu.memory_space<vmem>>, vector<1x16xf32>,
      %swap3A_218 = vector.shape_cast %swap3A_217 : vector<1x16xf32> to vector<16xf32>
      %swap3A_219 = vector.shape_cast %broadcast_in_dim3A_0 : vector<16xf32> to vector<1x16xf32>
      tpu.vector_store %arg9[%swap3A_215, %swap3A_216], %swap3A_219 {strides = array<i32>} : memref<128x128xf32, #tpu.memory_space<vmem>>, vector<1x16xf32>,
      %swap3A_220 = arith.index_cast %scan3A_184 : i32 to index
      %swap3A_221 = arith.constant 112 : index
      %swap3A_222 = tpu.vector_load %arg9[%swap3A_220, %swap3A_221] {strides = array<i32>} : memref<128x128xf32, #tpu.memory_space<vmem>>, vector<1x16xf32>,
      %swap3A_223 = vector.shape_cast %swap3A_222 : vector<1x16xf32> to vector<16xf32>
      %swap3A_224 = vector.shape_cast %broadcast_in_dim3A_0 : vector<16xf32> to vector<1x16xf32>
      tpu.vector_store %arg9[%swap3A_220, %swap3A_221], %swap3A_224 {strides = array<i32>} : memref<128x128xf32, #tpu.memory_space<vmem>>, vector<1x16xf32>,
      %scan3A_225 = arith.constant 0 : i32
      scf.yield %scan3A_225 : i32
    }
    %scan3A_99 = arith.constant 128 : i32
    %mul3A_100 = arith.constant 632 : i32
    %mul3A_101 = arith.muli %arg1, %mul3A_100 : i32
    %add3A_102 = arith.constant 0 : i32
    %add3A_103 = arith.addi %mul3A_101, %add3A_102 : i32
    "tpu.region"() ({
      %run_scoped3A_184 = tpu.sem_alloc : memref<!tpu.dma_semaphore, #tpu.memory_space<semaphore_mem>>
      %dma_start3A_185 = arith.constant 0 : i32
      %dma_start3A_186 = tpu.memref_slice %arg11[%add3A_103, %dma_start3A_185] : memref<10112x128xf32, #tpu.memory_space<vmem_shared>> -> memref<128x128xf32, #tpu.memory_space<vmem_shared>>
      %dma_start3A_187 = arith.constant 0 : i32
      %dma_start3A_188 = tpu.memref_slice %arg11[%add3A_103, %dma_start3A_187] : memref<10112x128xf32, #tpu.memory_space<vmem_shared>> -> memref<128x128xf32, #tpu.memory_space<vmem_shared>>
      tpu.enqueue_dma source(%arg9 : memref<128x128xf32, #tpu.memory_space<vmem>>) target(%dma_start3A_188 : memref<128x128xf32, #tpu.memory_space<vmem_shared>>) target_semaphore(%run_scoped3A_184 : memref<!tpu.dma_semaphore, #tpu.memory_space<semaphore_mem>>)
      %dma_wait3A_189 = arith.constant 0 : i32
      %dma_wait3A_190 = tpu.memref_slice %arg11[%add3A_103, %dma_wait3A_189] : memref<10112x128xf32, #tpu.memory_space<vmem_shared>> -> memref<128x128xf32, #tpu.memory_space<vmem_shared>>
      %dma_wait3A_191 = arith.constant 0 : i32
      %dma_wait3A_192 = tpu.memref_slice %arg11[%add3A_103, %dma_wait3A_191] : memref<10112x128xf32, #tpu.memory_space<vmem_shared>> -> memref<128x128xf32, #tpu.memory_space<vmem_shared>>
      tpu.wait_dma2 semaphore(%run_scoped3A_184 : memref<!tpu.dma_semaphore, #tpu.memory_space<semaphore_mem>>) src(%arg9 : memref<128x128xf32, #tpu.memory_space<vmem>>) dst(%dma_wait3A_192 : memref<128x128xf32, #tpu.memory_space<vmem_shared>>)
      tpu.yield
    }) : () -> ()
    %mul3A_104 = arith.constant 632 : i32
    %mul3A_105 = arith.muli %arg1, %mul3A_104 : i32
    %add3A_106 = arith.constant 128 : i32
    %add3A_107 = arith.addi %mul3A_105, %add3A_106 : i32
    "tpu.region"() ({
      %run_scoped3A_184 = tpu.sem_alloc : memref<!tpu.dma_semaphore, #tpu.memory_space<semaphore_mem>>
      %dma_start3A_185 = arith.constant 0 : i32
      %dma_start3A_186 = tpu.memref_slice %arg11[%add3A_107, %dma_start3A_185] : memref<10112x128xf32, #tpu.memory_space<vmem_shared>> -> memref<128x128xf32, #tpu.memory_space<vmem_shared>>
      %dma_start3A_187 = arith.constant 0 : i32
      %dma_start3A_188 = tpu.memref_slice %arg11[%add3A_107, %dma_start3A_187] : memref<10112x128xf32, #tpu.memory_space<vmem_shared>> -> memref<128x128xf32, #tpu.memory_space<vmem_shared>>
      tpu.enqueue_dma source(%arg9 : memref<128x128xf32, #tpu.memory_space<vmem>>) target(%dma_start3A_188 : memref<128x128xf32, #tpu.memory_space<vmem_shared>>) target_semaphore(%run_scoped3A_184 : memref<!tpu.dma_semaphore, #tpu.memory_space<semaphore_mem>>)
      %dma_wait3A_189 = arith.constant 0 : i32
      %dma_wait3A_190 = tpu.memref_slice %arg11[%add3A_107, %dma_wait3A_189] : memref<10112x128xf32, #tpu.memory_space<vmem_shared>> -> memref<128x128xf32, #tpu.memory_space<vmem_shared>>
      %dma_wait3A_191 = arith.constant 0 : i32
      %dma_wait3A_192 = tpu.memref_slice %arg11[%add3A_107, %dma_wait3A_191] : memref<10112x128xf32, #tpu.memory_space<vmem_shared>> -> memref<128x128xf32, #tpu.memory_space<vmem_shared>>
      tpu.wait_dma2 semaphore(%run_scoped3A_184 : memref<!tpu.dma_semaphore, #tpu.memory_space<semaphore_mem>>) src(%arg9 : memref<128x128xf32, #tpu.memory_space<vmem>>) dst(%dma_wait3A_192 : memref<128x128xf32, #tpu.memory_space<vmem_shared>>)
      tpu.yield
    }) : () -> ()
    %mul3A_108 = arith.constant 632 : i32
    %mul3A_109 = arith.muli %arg1, %mul3A_108 : i32
    %add3A_110 = arith.constant 256 : i32
    %add3A_111 = arith.addi %mul3A_109, %add3A_110 : i32
    "tpu.region"() ({
      %run_scoped3A_184 = tpu.sem_alloc : memref<!tpu.dma_semaphore, #tpu.memory_space<semaphore_mem>>
      %dma_start3A_185 = arith.constant 0 : i32
      %dma_start3A_186 = tpu.memref_slice %arg11[%add3A_111, %dma_start3A_185] : memref<10112x128xf32, #tpu.memory_space<vmem_shared>> -> memref<128x128xf32, #tpu.memory_space<vmem_shared>>
      %dma_start3A_187 = arith.constant 0 : i32
      %dma_start3A_188 = tpu.memref_slice %arg11[%add3A_111, %dma_start3A_187] : memref<10112x128xf32, #tpu.memory_space<vmem_shared>> -> memref<128x128xf32, #tpu.memory_space<vmem_shared>>
      tpu.enqueue_dma source(%arg9 : memref<128x128xf32, #tpu.memory_space<vmem>>) target(%dma_start3A_188 : memref<128x128xf32, #tpu.memory_space<vmem_shared>>) target_semaphore(%run_scoped3A_184 : memref<!tpu.dma_semaphore, #tpu.memory_space<semaphore_mem>>)
      %dma_wait3A_189 = arith.constant 0 : i32
      %dma_wait3A_190 = tpu.memref_slice %arg11[%add3A_111, %dma_wait3A_189] : memref<10112x128xf32, #tpu.memory_space<vmem_shared>> -> memref<128x128xf32, #tpu.memory_space<vmem_shared>>
      %dma_wait3A_191 = arith.constant 0 : i32
      %dma_wait3A_192 = tpu.memref_slice %arg11[%add3A_111, %dma_wait3A_191] : memref<10112x128xf32, #tpu.memory_space<vmem_shared>> -> memref<128x128xf32, #tpu.memory_space<vmem_shared>>
      tpu.wait_dma2 semaphore(%run_scoped3A_184 : memref<!tpu.dma_semaphore, #tpu.memory_space<semaphore_mem>>) src(%arg9 : memref<128x128xf32, #tpu.memory_space<vmem>>) dst(%dma_wait3A_192 : memref<128x128xf32, #tpu.memory_space<vmem_shared>>)
      tpu.yield
    }) : () -> ()
    %mul3A_112 = arith.constant 632 : i32
    %mul3A_113 = arith.muli %arg1, %mul3A_112 : i32
    %add3A_114 = arith.constant 384 : i32
    %add3A_115 = arith.addi %mul3A_113, %add3A_114 : i32
    "tpu.region"() ({
      %run_scoped3A_184 = tpu.sem_alloc : memref<!tpu.dma_semaphore, #tpu.memory_space<semaphore_mem>>
      %dma_start3A_185 = arith.constant 0 : i32
      %dma_start3A_186 = tpu.memref_slice %arg11[%add3A_115, %dma_start3A_185] : memref<10112x128xf32, #tpu.memory_space<vmem_shared>> -> memref<128x128xf32, #tpu.memory_space<vmem_shared>>
      %dma_start3A_187 = arith.constant 0 : i32
      %dma_start3A_188 = tpu.memref_slice %arg11[%add3A_115, %dma_start3A_187] : memref<10112x128xf32, #tpu.memory_space<vmem_shared>> -> memref<128x128xf32, #tpu.memory_space<vmem_shared>>
      tpu.enqueue_dma source(%arg9 : memref<128x128xf32, #tpu.memory_space<vmem>>) target(%dma_start3A_188 : memref<128x128xf32, #tpu.memory_space<vmem_shared>>) target_semaphore(%run_scoped3A_184 : memref<!tpu.dma_semaphore, #tpu.memory_space<semaphore_mem>>)
      %dma_wait3A_189 = arith.constant 0 : i32
      %dma_wait3A_190 = tpu.memref_slice %arg11[%add3A_115, %dma_wait3A_189] : memref<10112x128xf32, #tpu.memory_space<vmem_shared>> -> memref<128x128xf32, #tpu.memory_space<vmem_shared>>
      %dma_wait3A_191 = arith.constant 0 : i32
      %dma_wait3A_192 = tpu.memref_slice %arg11[%add3A_115, %dma_wait3A_191] : memref<10112x128xf32, #tpu.memory_space<vmem_shared>> -> memref<128x128xf32, #tpu.memory_space<vmem_shared>>
      tpu.wait_dma2 semaphore(%run_scoped3A_184 : memref<!tpu.dma_semaphore, #tpu.memory_space<semaphore_mem>>) src(%arg9 : memref<128x128xf32, #tpu.memory_space<vmem>>) dst(%dma_wait3A_192 : memref<128x128xf32, #tpu.memory_space<vmem_shared>>)
      tpu.yield
    }) : () -> ()
    %mul3A_116 = arith.constant 632 : i32
    %mul3A_117 = arith.muli %arg1, %mul3A_116 : i32
    %add3A_118 = arith.constant 512 : i32
    %add3A_119 = arith.addi %mul3A_117, %add3A_118 : i32
    "tpu.region"() ({
      %run_scoped3A_184 = tpu.sem_alloc : memref<!tpu.dma_semaphore, #tpu.memory_space<semaphore_mem>>
      %dma_start3A_185 = arith.constant 0 : i32
      %dma_start3A_186 = arith.constant 0 : i32
      %dma_start3A_187 = tpu.memref_slice %arg9[%dma_start3A_185, %dma_start3A_186] : memref<128x128xf32, #tpu.memory_space<vmem>> -> memref<120x128xf32, #tpu.memory_space<vmem>>
      %dma_start3A_188 = arith.constant 0 : i32
      %dma_start3A_189 = tpu.memref_slice %arg11[%add3A_119, %dma_start3A_188] : memref<10112x128xf32, #tpu.memory_space<vmem_shared>> -> memref<120x128xf32, #tpu.memory_space<vmem_shared>>
      %dma_start3A_190 = arith.constant 0 : i32
      %dma_start3A_191 = tpu.memref_slice %arg11[%add3A_119, %dma_start3A_190] : memref<10112x128xf32, #tpu.memory_space<vmem_shared>> -> memref<120x128xf32, #tpu.memory_space<vmem_shared>>
      %dma_start3A_192 = arith.constant 0 : i32
      %dma_start3A_193 = arith.constant 0 : i32
      %dma_start3A_194 = tpu.memref_slice %arg9[%dma_start3A_192, %dma_start3A_193] : memref<128x128xf32, #tpu.memory_space<vmem>> -> memref<120x128xf32, #tpu.memory_space<vmem>>
      tpu.enqueue_dma source(%dma_start3A_194 : memref<120x128xf32, #tpu.memory_space<vmem>>) target(%dma_start3A_191 : memref<120x128xf32, #tpu.memory_space<vmem_shared>>) target_semaphore(%run_scoped3A_184 : memref<!tpu.dma_semaphore, #tpu.memory_space<semaphore_mem>>)
      %dma_wait3A_195 = arith.constant 0 : i32
      %dma_wait3A_196 = arith.constant 0 : i32
      %dma_wait3A_197 = tpu.memref_slice %arg9[%dma_wait3A_195, %dma_wait3A_196] : memref<128x128xf32, #tpu.memory_space<vmem>> -> memref<120x128xf32, #tpu.memory_space<vmem>>
      %dma_wait3A_198 = arith.constant 0 : i32
      %dma_wait3A_199 = tpu.memref_slice %arg11[%add3A_119, %dma_wait3A_198] : memref<10112x128xf32, #tpu.memory_space<vmem_shared>> -> memref<120x128xf32, #tpu.memory_space<vmem_shared>>
      %dma_wait3A_200 = arith.constant 0 : i32
      %dma_wait3A_201 = tpu.memref_slice %arg11[%add3A_119, %dma_wait3A_200] : memref<10112x128xf32, #tpu.memory_space<vmem_shared>> -> memref<120x128xf32, #tpu.memory_space<vmem_shared>>
      %dma_wait3A_202 = arith.constant 0 : i32
      %dma_wait3A_203 = arith.constant 0 : i32
      %dma_wait3A_204 = tpu.memref_slice %arg9[%dma_wait3A_202, %dma_wait3A_203] : memref<128x128xf32, #tpu.memory_space<vmem>> -> memref<120x128xf32, #tpu.memory_space<vmem>>
      tpu.wait_dma2 semaphore(%run_scoped3A_184 : memref<!tpu.dma_semaphore, #tpu.memory_space<semaphore_mem>>) src(%dma_wait3A_204 : memref<120x128xf32, #tpu.memory_space<vmem>>) dst(%dma_wait3A_201 : memref<120x128xf32, #tpu.memory_space<vmem_shared>>)
      tpu.yield
    }) : () -> ()
    %barrier3A_120 = arith.constant 0 : index
    tpu.barrier barrier_id(%barrier3A_120)
    %dma_start3A_121 = arith.constant 0 : i32
    %dma_start3A_122 = arith.constant 0 : i32
    %dma_start3A_123 = tpu.memref_slice %arg6[%dma_start3A_121, %dma_start3A_122] : memref<79x128xi32, #tpu.memory_space<vmem>> -> memref<1x128xi32, #tpu.memory_space<vmem>>
    %dma_start3A_124 = tpu.memref_squeeze %dma_start3A_123 : memref<1x128xi32, #tpu.memory_space<vmem>> -> memref<128xi32, #tpu.memory_space<vmem>>
    %dma_start3A_125 = arith.constant 0 : i32
    %dma_start3A_126 = arith.constant 0 : i32
    %dma_start3A_127 = tpu.memref_slice %arg2[%add3A_92, %dma_start3A_125, %dma_start3A_126] : memref<4x10000x128xf32, #tpu.memory_space<hbm>> -> memref<1x10000x128xf32, #tpu.memory_space<hbm>>
    %dma_start3A_128 = tpu.memref_squeeze %dma_start3A_127 : memref<1x10000x128xf32, #tpu.memory_space<hbm>> -> memref<10000x128xf32, #tpu.memory_space<hbm>>
    %dma_start3A_129 = arith.constant 0 : i32
    %dma_start3A_130 = arith.constant 0 : i32
    %dma_start3A_131 = tpu.memref_slice %dma_start3A_128[%dma_start3A_129, %dma_start3A_130] : memref<10000x128xf32, #tpu.memory_space<hbm>> -> memref<10000x128xf32, #tpu.memory_space<hbm>>
    tpu.enqueue_indirect_dma source(%dma_start3A_131 : memref<10000x128xf32, #tpu.memory_space<hbm>>) target(%arg9 : memref<128x128xf32, #tpu.memory_space<vmem>>) offsets(%dma_start3A_124 : memref<128xi32, #tpu.memory_space<vmem>>) semaphore(%arg12 : memref<!tpu.dma_semaphore, #tpu.memory_space<semaphore_mem>>)
    %dma_start3A_132 = arith.constant 0 : i32
    %dma_start3A_133 = arith.constant 0 : i32
    %dma_start3A_134 = tpu.memref_slice %arg4[%arg1, %dma_start3A_132, %dma_start3A_133] : memref<16x79x128xi32, #tpu.memory_space<hbm>> -> memref<1x79x128xi32, #tpu.memory_space<hbm>>
    %dma_start3A_135 = tpu.memref_squeeze %dma_start3A_134 : memref<1x79x128xi32, #tpu.memory_space<hbm>> -> memref<79x128xi32, #tpu.memory_space<hbm>>
    %dma_start3A_136 = arith.constant 0 : i32
    %dma_start3A_137 = arith.constant 0 : i32
    %dma_start3A_138 = tpu.memref_slice %dma_start3A_135[%dma_start3A_136, %dma_start3A_137] : memref<79x128xi32, #tpu.memory_space<hbm>> -> memref<1x128xi32, #tpu.memory_space<hbm>>
    %dma_start3A_139 = arith.constant 0 : i32
    %dma_start3A_140 = arith.constant 0 : i32
    %dma_start3A_141 = tpu.memref_slice %arg4[%arg1, %dma_start3A_139, %dma_start3A_140] : memref<16x79x128xi32, #tpu.memory_space<hbm>> -> memref<1x79x128xi32, #tpu.memory_space<hbm>>
    %dma_start3A_142 = tpu.memref_squeeze %dma_start3A_141 : memref<1x79x128xi32, #tpu.memory_space<hbm>> -> memref<79x128xi32, #tpu.memory_space<hbm>>
    %dma_start3A_143 = arith.constant 0 : i32
    %dma_start3A_144 = arith.constant 0 : i32
    %dma_start3A_145 = tpu.memref_slice %dma_start3A_142[%dma_start3A_143, %dma_start3A_144] : memref<79x128xi32, #tpu.memory_space<hbm>> -> memref<1x128xi32, #tpu.memory_space<hbm>>
    tpu.enqueue_dma source(%dma_start3A_145 : memref<1x128xi32, #tpu.memory_space<hbm>>) target(%arg7 : memref<1x128xi32, #tpu.memory_space<vmem>>) target_semaphore(%arg14 : memref<!tpu.dma_semaphore, #tpu.memory_space<semaphore_mem>>)
    %scan3A_146 = arith.constant 0 : i32
    %scan3A_147 = arith.constant 0 : i32
    %scan3A_148 = arith.constant 39 : i32
    %scan3A_149 = arith.addi %scan3A_147, %scan3A_148 : i32
    %scan3A_150 = arith.constant 1 : i32
    %scan3A_151 = scf.for %scan3A_184 = %scan3A_147 to %scan3A_149 step %scan3A_150 iter_args(%scan3A_185 = %scan3A_146) -> (i32)  : i32 {
      %mul3A_186 = arith.constant 2 : i32
      %mul3A_187 = arith.muli %mul3A_186, %scan3A_184 : i32
      %add3A_188 = arith.constant 1 : i32
      %add3A_189 = arith.addi %mul3A_187, %add3A_188 : i32
      %dma_start3A_190 = arith.constant 0 : i32
      %dma_start3A_191 = tpu.memref_slice %arg6[%add3A_189, %dma_start3A_190] : memref<79x128xi32, #tpu.memory_space<vmem>> -> memref<1x128xi32, #tpu.memory_space<vmem>>
      %dma_start3A_192 = tpu.memref_squeeze %dma_start3A_191 : memref<1x128xi32, #tpu.memory_space<vmem>> -> memref<128xi32, #tpu.memory_space<vmem>>
      %dma_start3A_193 = arith.constant 0 : i32
      %dma_start3A_194 = arith.constant 0 : i32
      %dma_start3A_195 = tpu.memref_slice %arg2[%add3A_92, %dma_start3A_193, %dma_start3A_194] : memref<4x10000x128xf32, #tpu.memory_space<hbm>> -> memref<1x10000x128xf32, #tpu.memory_space<hbm>>
      %dma_start3A_196 = tpu.memref_squeeze %dma_start3A_195 : memref<1x10000x128xf32, #tpu.memory_space<hbm>> -> memref<10000x128xf32, #tpu.memory_space<hbm>>
      %dma_start3A_197 = arith.constant 0 : i32
      %dma_start3A_198 = arith.constant 0 : i32
      %dma_start3A_199 = tpu.memref_slice %dma_start3A_196[%dma_start3A_197, %dma_start3A_198] : memref<10000x128xf32, #tpu.memory_space<hbm>> -> memref<10000x128xf32, #tpu.memory_space<hbm>>
      tpu.enqueue_indirect_dma source(%dma_start3A_199 : memref<10000x128xf32, #tpu.memory_space<hbm>>) target(%arg10 : memref<128x128xf32, #tpu.memory_space<vmem>>) offsets(%dma_start3A_192 : memref<128xi32, #tpu.memory_space<vmem>>) semaphore(%arg13 : memref<!tpu.dma_semaphore, #tpu.memory_space<semaphore_mem>>)
      %dma_start3A_200 = arith.constant 0 : i32
      %dma_start3A_201 = arith.constant 0 : i32
      %dma_start3A_202 = tpu.memref_slice %arg4[%arg1, %dma_start3A_200, %dma_start3A_201] : memref<16x79x128xi32, #tpu.memory_space<hbm>> -> memref<1x79x128xi32, #tpu.memory_space<hbm>>
      %dma_start3A_203 = tpu.memref_squeeze %dma_start3A_202 : memref<1x79x128xi32, #tpu.memory_space<hbm>> -> memref<79x128xi32, #tpu.memory_space<hbm>>
      %dma_start3A_204 = arith.constant 0 : i32
      %dma_start3A_205 = tpu.memref_slice %dma_start3A_203[%add3A_189, %dma_start3A_204] : memref<79x128xi32, #tpu.memory_space<hbm>> -> memref<1x128xi32, #tpu.memory_space<hbm>>
      %dma_start3A_206 = arith.constant 0 : i32
      %dma_start3A_207 = arith.constant 0 : i32
      %dma_start3A_208 = tpu.memref_slice %arg4[%arg1, %dma_start3A_206, %dma_start3A_207] : memref<16x79x128xi32, #tpu.memory_space<hbm>> -> memref<1x79x128xi32, #tpu.memory_space<hbm>>
      %dma_start3A_209 = tpu.memref_squeeze %dma_start3A_208 : memref<1x79x128xi32, #tpu.memory_space<hbm>> -> memref<79x128xi32, #tpu.memory_space<hbm>>
      %dma_start3A_210 = arith.constant 0 : i32
      %dma_start3A_211 = tpu.memref_slice %dma_start3A_209[%add3A_189, %dma_start3A_210] : memref<79x128xi32, #tpu.memory_space<hbm>> -> memref<1x128xi32, #tpu.memory_space<hbm>>
      tpu.enqueue_dma source(%dma_start3A_211 : memref<1x128xi32, #tpu.memory_space<hbm>>) target(%arg8 : memref<1x128xi32, #tpu.memory_space<vmem>>) target_semaphore(%arg15 : memref<!tpu.dma_semaphore, #tpu.memory_space<semaphore_mem>>)
      %dma_wait3A_212 = arith.constant 0 : i32
      %dma_wait3A_213 = tpu.memref_slice %arg6[%mul3A_187, %dma_wait3A_212] : memref<79x128xi32, #tpu.memory_space<vmem>> -> memref<1x128xi32, #tpu.memory_space<vmem>>
      %dma_wait3A_214 = tpu.memref_squeeze %dma_wait3A_213 : memref<1x128xi32, #tpu.memory_space<vmem>> -> memref<128xi32, #tpu.memory_space<vmem>>
      %dma_wait3A_215 = arith.constant 0 : i32
      %dma_wait3A_216 = arith.constant 0 : i32
      %dma_wait3A_217 = tpu.memref_slice %arg2[%add3A_92, %dma_wait3A_215, %dma_wait3A_216] : memref<4x10000x128xf32, #tpu.memory_space<hbm>> -> memref<1x10000x128xf32, #tpu.memory_space<hbm>>
      %dma_wait3A_218 = tpu.memref_squeeze %dma_wait3A_217 : memref<1x10000x128xf32, #tpu.memory_space<hbm>> -> memref<10000x128xf32, #tpu.memory_space<hbm>>
      %dma_wait3A_219 = arith.constant 0 : i32
      %dma_wait3A_220 = arith.constant 0 : i32
      %dma_wait3A_221 = tpu.memref_slice %dma_wait3A_218[%dma_wait3A_219, %dma_wait3A_220] : memref<10000x128xf32, #tpu.memory_space<hbm>> -> memref<10000x128xf32, #tpu.memory_space<hbm>>
      tpu.wait_indirect_dma semaphore(%arg12 : memref<!tpu.dma_semaphore, #tpu.memory_space<semaphore_mem>>) src(%dma_wait3A_221 : memref<10000x128xf32, #tpu.memory_space<hbm>>) dst(%arg9 : memref<128x128xf32, #tpu.memory_space<vmem>>)
      %dma_wait3A_222 = arith.constant 0 : i32
      %dma_wait3A_223 = arith.constant 0 : i32
      %dma_wait3A_224 = tpu.memref_slice %arg4[%arg1, %dma_wait3A_222, %dma_wait3A_223] : memref<16x79x128xi32, #tpu.memory_space<hbm>> -> memref<1x79x128xi32, #tpu.memory_space<hbm>>
      %dma_wait3A_225 = tpu.memref_squeeze %dma_wait3A_224 : memref<1x79x128xi32, #tpu.memory_space<hbm>> -> memref<79x128xi32, #tpu.memory_space<hbm>>
      %dma_wait3A_226 = arith.constant 0 : i32
      %dma_wait3A_227 = tpu.memref_slice %dma_wait3A_225[%mul3A_187, %dma_wait3A_226] : memref<79x128xi32, #tpu.memory_space<hbm>> -> memref<1x128xi32, #tpu.memory_space<hbm>>
      %dma_wait3A_228 = arith.constant 0 : i32
      %dma_wait3A_229 = arith.constant 0 : i32
      %dma_wait3A_230 = tpu.memref_slice %arg4[%arg1, %dma_wait3A_228, %dma_wait3A_229] : memref<16x79x128xi32, #tpu.memory_space<hbm>> -> memref<1x79x128xi32, #tpu.memory_space<hbm>>
      %dma_wait3A_231 = tpu.memref_squeeze %dma_wait3A_230 : memref<1x79x128xi32, #tpu.memory_space<hbm>> -> memref<79x128xi32, #tpu.memory_space<hbm>>
      %dma_wait3A_232 = arith.constant 0 : i32
      %dma_wait3A_233 = tpu.memref_slice %dma_wait3A_231[%mul3A_187, %dma_wait3A_232] : memref<79x128xi32, #tpu.memory_space<hbm>> -> memref<1x128xi32, #tpu.memory_space<hbm>>
      tpu.wait_dma2 semaphore(%arg14 : memref<!tpu.dma_semaphore, #tpu.memory_space<semaphore_mem>>) src(%dma_wait3A_233 : memref<1x128xi32, #tpu.memory_space<hbm>>) dst(%arg7 : memref<1x128xi32, #tpu.memory_space<vmem>>)
      %run_scoped3A_234 = arith.constant 0 : i32
      "tpu.region"() ({
        %run_scoped3A_285 = tpu.sem_alloc : memref<!tpu.dma_semaphore, #tpu.memory_space<semaphore_mem>>
        %dma_start3A_286 = arith.constant 0 : i32
        %dma_start3A_287 = tpu.memref_slice %arg7[%run_scoped3A_234, %dma_start3A_286] : memref<1x128xi32, #tpu.memory_space<vmem>> -> memref<1x128xi32, #tpu.memory_space<vmem>>
        %dma_start3A_288 = tpu.memref_squeeze %dma_start3A_287 : memref<1x128xi32, #tpu.memory_space<vmem>> -> memref<128xi32, #tpu.memory_space<vmem>>
        %dma_start3A_289 = arith.constant 0 : i32
        %dma_start3A_290 = arith.constant 0 : i32
        %dma_start3A_291 = tpu.memref_slice %arg11[%dma_start3A_289, %dma_start3A_290] : memref<10112x128xf32, #tpu.memory_space<vmem_shared>> -> memref<10112x128xf32, #tpu.memory_space<vmem_shared>>
        tpu.enqueue_indirect_dma source(%arg9 : memref<128x128xf32, #tpu.memory_space<vmem>>) target(%dma_start3A_291 : memref<10112x128xf32, #tpu.memory_space<vmem_shared>>) offsets(%dma_start3A_288 : memref<128xi32, #tpu.memory_space<vmem>>) semaphore(%run_scoped3A_285 : memref<!tpu.dma_semaphore, #tpu.memory_space<semaphore_mem>>) {add = true}
        %dma_wait3A_292 = arith.constant 0 : i32
        %dma_wait3A_293 = tpu.memref_slice %arg7[%run_scoped3A_234, %dma_wait3A_292] : memref<1x128xi32, #tpu.memory_space<vmem>> -> memref<1x128xi32, #tpu.memory_space<vmem>>
        %dma_wait3A_294 = tpu.memref_squeeze %dma_wait3A_293 : memref<1x128xi32, #tpu.memory_space<vmem>> -> memref<128xi32, #tpu.memory_space<vmem>>
        %dma_wait3A_295 = arith.constant 0 : i32
        %dma_wait3A_296 = arith.constant 0 : i32
        %dma_wait3A_297 = tpu.memref_slice %arg11[%dma_wait3A_295, %dma_wait3A_296] : memref<10112x128xf32, #tpu.memory_space<vmem_shared>> -> memref<10112x128xf32, #tpu.memory_space<vmem_shared>>
        tpu.wait_indirect_dma semaphore(%run_scoped3A_285 : memref<!tpu.dma_semaphore, #tpu.memory_space<semaphore_mem>>) src(%arg9 : memref<128x128xf32, #tpu.memory_space<vmem>>) dst(%dma_wait3A_297 : memref<10112x128xf32, #tpu.memory_space<vmem_shared>>)
        tpu.yield
      }) : () -> ()
      %add3A_235 = arith.constant 2 : i32
      %add3A_236 = arith.addi %mul3A_187, %add3A_235 : i32
      %dma_start3A_237 = arith.constant 0 : i32
      %dma_start3A_238 = tpu.memref_slice %arg6[%add3A_236, %dma_start3A_237] : memref<79x128xi32, #tpu.memory_space<vmem>> -> memref<1x128xi32, #tpu.memory_space<vmem>>
      %dma_start3A_239 = tpu.memref_squeeze %dma_start3A_238 : memref<1x128xi32, #tpu.memory_space<vmem>> -> memref<128xi32, #tpu.memory_space<vmem>>
      %dma_start3A_240 = arith.constant 0 : i32
      %dma_start3A_241 = arith.constant 0 : i32
      %dma_start3A_242 = tpu.memref_slice %arg2[%add3A_92, %dma_start3A_240, %dma_start3A_241] : memref<4x10000x128xf32, #tpu.memory_space<hbm>> -> memref<1x10000x128xf32, #tpu.memory_space<hbm>>
      %dma_start3A_243 = tpu.memref_squeeze %dma_start3A_242 : memref<1x10000x128xf32, #tpu.memory_space<hbm>> -> memref<10000x128xf32, #tpu.memory_space<hbm>>
      %dma_start3A_244 = arith.constant 0 : i32
      %dma_start3A_245 = arith.constant 0 : i32
      %dma_start3A_246 = tpu.memref_slice %dma_start3A_243[%dma_start3A_244, %dma_start3A_245] : memref<10000x128xf32, #tpu.memory_space<hbm>> -> memref<10000x128xf32, #tpu.memory_space<hbm>>
      tpu.enqueue_indirect_dma source(%dma_start3A_246 : memref<10000x128xf32, #tpu.memory_space<hbm>>) target(%arg9 : memref<128x128xf32, #tpu.memory_space<vmem>>) offsets(%dma_start3A_239 : memref<128xi32, #tpu.memory_space<vmem>>) semaphore(%arg12 : memref<!tpu.dma_semaphore, #tpu.memory_space<semaphore_mem>>)
      %add3A_247 = arith.constant 2 : i32
      %add3A_248 = arith.addi %mul3A_187, %add3A_247 : i32
      %dma_start3A_249 = arith.constant 0 : i32
      %dma_start3A_250 = arith.constant 0 : i32
      %dma_start3A_251 = tpu.memref_slice %arg4[%arg1, %dma_start3A_249, %dma_start3A_250] : memref<16x79x128xi32, #tpu.memory_space<hbm>> -> memref<1x79x128xi32, #tpu.memory_space<hbm>>
      %dma_start3A_252 = tpu.memref_squeeze %dma_start3A_251 : memref<1x79x128xi32, #tpu.memory_space<hbm>> -> memref<79x128xi32, #tpu.memory_space<hbm>>
      %dma_start3A_253 = arith.constant 0 : i32
      %dma_start3A_254 = tpu.memref_slice %dma_start3A_252[%add3A_248, %dma_start3A_253] : memref<79x128xi32, #tpu.memory_space<hbm>> -> memref<1x128xi32, #tpu.memory_space<hbm>>
      %dma_start3A_255 = arith.constant 0 : i32
      %dma_start3A_256 = arith.constant 0 : i32
      %dma_start3A_257 = tpu.memref_slice %arg4[%arg1, %dma_start3A_255, %dma_start3A_256] : memref<16x79x128xi32, #tpu.memory_space<hbm>> -> memref<1x79x128xi32, #tpu.memory_space<hbm>>
      %dma_start3A_258 = tpu.memref_squeeze %dma_start3A_257 : memref<1x79x128xi32, #tpu.memory_space<hbm>> -> memref<79x128xi32, #tpu.memory_space<hbm>>
      %dma_start3A_259 = arith.constant 0 : i32
      %dma_start3A_260 = tpu.memref_slice %dma_start3A_258[%add3A_248, %dma_start3A_259] : memref<79x128xi32, #tpu.memory_space<hbm>> -> memref<1x128xi32, #tpu.memory_space<hbm>>
      tpu.enqueue_dma source(%dma_start3A_260 : memref<1x128xi32, #tpu.memory_space<hbm>>) target(%arg7 : memref<1x128xi32, #tpu.memory_space<vmem>>) target_semaphore(%arg14 : memref<!tpu.dma_semaphore, #tpu.memory_space<semaphore_mem>>)
      %dma_wait3A_261 = arith.constant 0 : i32
      %dma_wait3A_262 = tpu.memref_slice %arg6[%add3A_189, %dma_wait3A_261] : memref<79x128xi32, #tpu.memory_space<vmem>> -> memref<1x128xi32, #tpu.memory_space<vmem>>
      %dma_wait3A_263 = tpu.memref_squeeze %dma_wait3A_262 : memref<1x128xi32, #tpu.memory_space<vmem>> -> memref<128xi32, #tpu.memory_space<vmem>>
      %dma_wait3A_264 = arith.constant 0 : i32
      %dma_wait3A_265 = arith.constant 0 : i32
      %dma_wait3A_266 = tpu.memref_slice %arg2[%add3A_92, %dma_wait3A_264, %dma_wait3A_265] : memref<4x10000x128xf32, #tpu.memory_space<hbm>> -> memref<1x10000x128xf32, #tpu.memory_space<hbm>>
      %dma_wait3A_267 = tpu.memref_squeeze %dma_wait3A_266 : memref<1x10000x128xf32, #tpu.memory_space<hbm>> -> memref<10000x128xf32, #tpu.memory_space<hbm>>
      %dma_wait3A_268 = arith.constant 0 : i32
      %dma_wait3A_269 = arith.constant 0 : i32
      %dma_wait3A_270 = tpu.memref_slice %dma_wait3A_267[%dma_wait3A_268, %dma_wait3A_269] : memref<10000x128xf32, #tpu.memory_space<hbm>> -> memref<10000x128xf32, #tpu.memory_space<hbm>>
      tpu.wait_indirect_dma semaphore(%arg13 : memref<!tpu.dma_semaphore, #tpu.memory_space<semaphore_mem>>) src(%dma_wait3A_270 : memref<10000x128xf32, #tpu.memory_space<hbm>>) dst(%arg10 : memref<128x128xf32, #tpu.memory_space<vmem>>)
      %dma_wait3A_271 = arith.constant 0 : i32
      %dma_wait3A_272 = arith.constant 0 : i32
      %dma_wait3A_273 = tpu.memref_slice %arg4[%arg1, %dma_wait3A_271, %dma_wait3A_272] : memref<16x79x128xi32, #tpu.memory_space<hbm>> -> memref<1x79x128xi32, #tpu.memory_space<hbm>>
      %dma_wait3A_274 = tpu.memref_squeeze %dma_wait3A_273 : memref<1x79x128xi32, #tpu.memory_space<hbm>> -> memref<79x128xi32, #tpu.memory_space<hbm>>
      %dma_wait3A_275 = arith.constant 0 : i32
      %dma_wait3A_276 = tpu.memref_slice %dma_wait3A_274[%add3A_189, %dma_wait3A_275] : memref<79x128xi32, #tpu.memory_space<hbm>> -> memref<1x128xi32, #tpu.memory_space<hbm>>
      %dma_wait3A_277 = arith.constant 0 : i32
      %dma_wait3A_278 = arith.constant 0 : i32
      %dma_wait3A_279 = tpu.memref_slice %arg4[%arg1, %dma_wait3A_277, %dma_wait3A_278] : memref<16x79x128xi32, #tpu.memory_space<hbm>> -> memref<1x79x128xi32, #tpu.memory_space<hbm>>
      %dma_wait3A_280 = tpu.memref_squeeze %dma_wait3A_279 : memref<1x79x128xi32, #tpu.memory_space<hbm>> -> memref<79x128xi32, #tpu.memory_space<hbm>>
      %dma_wait3A_281 = arith.constant 0 : i32
      %dma_wait3A_282 = tpu.memref_slice %dma_wait3A_280[%add3A_189, %dma_wait3A_281] : memref<79x128xi32, #tpu.memory_space<hbm>> -> memref<1x128xi32, #tpu.memory_space<hbm>>
      tpu.wait_dma2 semaphore(%arg15 : memref<!tpu.dma_semaphore, #tpu.memory_space<semaphore_mem>>) src(%dma_wait3A_282 : memref<1x128xi32, #tpu.memory_space<hbm>>) dst(%arg8 : memref<1x128xi32, #tpu.memory_space<vmem>>)
      %run_scoped3A_283 = arith.constant 0 : i32
      "tpu.region"() ({
        %run_scoped3A_285 = tpu.sem_alloc : memref<!tpu.dma_semaphore, #tpu.memory_space<semaphore_mem>>
        %dma_start3A_286 = arith.constant 0 : i32
        %dma_start3A_287 = tpu.memref_slice %arg8[%run_scoped3A_283, %dma_start3A_286] : memref<1x128xi32, #tpu.memory_space<vmem>> -> memref<1x128xi32, #tpu.memory_space<vmem>>
        %dma_start3A_288 = tpu.memref_squeeze %dma_start3A_287 : memref<1x128xi32, #tpu.memory_space<vmem>> -> memref<128xi32, #tpu.memory_space<vmem>>
        %dma_start3A_289 = arith.constant 0 : i32
        %dma_start3A_290 = arith.constant 0 : i32
        %dma_start3A_291 = tpu.memref_slice %arg11[%dma_start3A_289, %dma_start3A_290] : memref<10112x128xf32, #tpu.memory_space<vmem_shared>> -> memref<10112x128xf32, #tpu.memory_space<vmem_shared>>
        tpu.enqueue_indirect_dma source(%arg10 : memref<128x128xf32, #tpu.memory_space<vmem>>) target(%dma_start3A_291 : memref<10112x128xf32, #tpu.memory_space<vmem_shared>>) offsets(%dma_start3A_288 : memref<128xi32, #tpu.memory_space<vmem>>) semaphore(%run_scoped3A_285 : memref<!tpu.dma_semaphore, #tpu.memory_space<semaphore_mem>>) {add = true}
        %dma_wait3A_292 = arith.constant 0 : i32
        %dma_wait3A_293 = tpu.memref_slice %arg8[%run_scoped3A_283, %dma_wait3A_292] : memref<1x128xi32, #tpu.memory_space<vmem>> -> memref<1x128xi32, #tpu.memory_space<vmem>>
        %dma_wait3A_294 = tpu.memref_squeeze %dma_wait3A_293 : memref<1x128xi32, #tpu.memory_space<vmem>> -> memref<128xi32, #tpu.memory_space<vmem>>
        %dma_wait3A_295 = arith.constant 0 : i32
        %dma_wait3A_296 = arith.constant 0 : i32
        %dma_wait3A_297 = tpu.memref_slice %arg11[%dma_wait3A_295, %dma_wait3A_296] : memref<10112x128xf32, #tpu.memory_space<vmem_shared>> -> memref<10112x128xf32, #tpu.memory_space<vmem_shared>>
        tpu.wait_indirect_dma semaphore(%run_scoped3A_285 : memref<!tpu.dma_semaphore, #tpu.memory_space<semaphore_mem>>) src(%arg10 : memref<128x128xf32, #tpu.memory_space<vmem>>) dst(%dma_wait3A_297 : memref<10112x128xf32, #tpu.memory_space<vmem_shared>>)
        tpu.yield
      }) : () -> ()
      %scan3A_284 = arith.constant 0 : i32
      scf.yield %scan3A_284 : i32
    }
    %scan3A_152 = arith.constant 39 : i32
    %dma_wait3A_153 = arith.constant 78 : i32
    %dma_wait3A_154 = arith.constant 0 : i32
    %dma_wait3A_155 = tpu.memref_slice %arg6[%dma_wait3A_153, %dma_wait3A_154] : memref<79x128xi32, #tpu.memory_space<vmem>> -> memref<1x128xi32, #tpu.memory_space<vmem>>
    %dma_wait3A_156 = tpu.memref_squeeze %dma_wait3A_155 : memref<1x128xi32, #tpu.memory_space<vmem>> -> memref<128xi32, #tpu.memory_space<vmem>>
    %dma_wait3A_157 = arith.constant 0 : i32
    %dma_wait3A_158 = arith.constant 0 : i32
    %dma_wait3A_159 = tpu.memref_slice %arg2[%add3A_92, %dma_wait3A_157, %dma_wait3A_158] : memref<4x10000x128xf32, #tpu.memory_space<hbm>> -> memref<1x10000x128xf32, #tpu.memory_space<hbm>>
    %dma_wait3A_160 = tpu.memref_squeeze %dma_wait3A_159 : memref<1x10000x128xf32, #tpu.memory_space<hbm>> -> memref<10000x128xf32, #tpu.memory_space<hbm>>
    %dma_wait3A_161 = arith.constant 0 : i32
    %dma_wait3A_162 = arith.constant 0 : i32
    %dma_wait3A_163 = tpu.memref_slice %dma_wait3A_160[%dma_wait3A_161, %dma_wait3A_162] : memref<10000x128xf32, #tpu.memory_space<hbm>> -> memref<10000x128xf32, #tpu.memory_space<hbm>>
    tpu.wait_indirect_dma semaphore(%arg12 : memref<!tpu.dma_semaphore, #tpu.memory_space<semaphore_mem>>) src(%dma_wait3A_163 : memref<10000x128xf32, #tpu.memory_space<hbm>>) dst(%arg9 : memref<128x128xf32, #tpu.memory_space<vmem>>)
    %dma_wait3A_164 = arith.constant 0 : i32
    %dma_wait3A_165 = arith.constant 0 : i32
    %dma_wait3A_166 = tpu.memref_slice %arg4[%arg1, %dma_wait3A_164, %dma_wait3A_165] : memref<16x79x128xi32, #tpu.memory_space<hbm>> -> memref<1x79x128xi32, #tpu.memory_space<hbm>>
    %dma_wait3A_167 = tpu.memref_squeeze %dma_wait3A_166 : memref<1x79x128xi32, #tpu.memory_space<hbm>> -> memref<79x128xi32, #tpu.memory_space<hbm>>
    %dma_wait3A_168 = arith.constant 78 : i32
    %dma_wait3A_169 = arith.constant 0 : i32
    %dma_wait3A_170 = tpu.memref_slice %dma_wait3A_167[%dma_wait3A_168, %dma_wait3A_169] : memref<79x128xi32, #tpu.memory_space<hbm>> -> memref<1x128xi32, #tpu.memory_space<hbm>>
    %dma_wait3A_171 = arith.constant 0 : i32
    %dma_wait3A_172 = arith.constant 0 : i32
    %dma_wait3A_173 = tpu.memref_slice %arg4[%arg1, %dma_wait3A_171, %dma_wait3A_172] : memref<16x79x128xi32, #tpu.memory_space<hbm>> -> memref<1x79x128xi32, #tpu.memory_space<hbm>>
    %dma_wait3A_174 = tpu.memref_squeeze %dma_wait3A_173 : memref<1x79x128xi32, #tpu.memory_space<hbm>> -> memref<79x128xi32, #tpu.memory_space<hbm>>
    %dma_wait3A_175 = arith.constant 78 : i32
    %dma_wait3A_176 = arith.constant 0 : i32
    %dma_wait3A_177 = tpu.memref_slice %dma_wait3A_174[%dma_wait3A_175, %dma_wait3A_176] : memref<79x128xi32, #tpu.memory_space<hbm>> -> memref<1x128xi32, #tpu.memory_space<hbm>>
    tpu.wait_dma2 semaphore(%arg14 : memref<!tpu.dma_semaphore, #tpu.memory_space<semaphore_mem>>) src(%dma_wait3A_177 : memref<1x128xi32, #tpu.memory_space<hbm>>) dst(%arg7 : memref<1x128xi32, #tpu.memory_space<vmem>>)
    %run_scoped3A_178 = arith.constant 0 : i32
    "tpu.region"() ({
      %run_scoped3A_184 = tpu.sem_alloc : memref<!tpu.dma_semaphore, #tpu.memory_space<semaphore_mem>>
      %dma_start3A_185 = arith.constant 0 : i32
      %dma_start3A_186 = tpu.memref_slice %arg7[%run_scoped3A_178, %dma_start3A_185] : memref<1x128xi32, #tpu.memory_space<vmem>> -> memref<1x128xi32, #tpu.memory_space<vmem>>
      %dma_start3A_187 = tpu.memref_squeeze %dma_start3A_186 : memref<1x128xi32, #tpu.memory_space<vmem>> -> memref<128xi32, #tpu.memory_space<vmem>>
      %dma_start3A_188 = arith.constant 0 : i32
      %dma_start3A_189 = arith.constant 0 : i32
      %dma_start3A_190 = tpu.memref_slice %arg11[%dma_start3A_188, %dma_start3A_189] : memref<10112x128xf32, #tpu.memory_space<vmem_shared>> -> memref<10112x128xf32, #tpu.memory_space<vmem_shared>>
      tpu.enqueue_indirect_dma source(%arg9 : memref<128x128xf32, #tpu.memory_space<vmem>>) target(%dma_start3A_190 : memref<10112x128xf32, #tpu.memory_space<vmem_shared>>) offsets(%dma_start3A_187 : memref<128xi32, #tpu.memory_space<vmem>>) semaphore(%run_scoped3A_184 : memref<!tpu.dma_semaphore, #tpu.memory_space<semaphore_mem>>) {add = true}
      %dma_wait3A_191 = arith.constant 0 : i32
      %dma_wait3A_192 = tpu.memref_slice %arg7[%run_scoped3A_178, %dma_wait3A_191] : memref<1x128xi32, #tpu.memory_space<vmem>> -> memref<1x128xi32, #tpu.memory_space<vmem>>
      %dma_wait3A_193 = tpu.memref_squeeze %dma_wait3A_192 : memref<1x128xi32, #tpu.memory_space<vmem>> -> memref<128xi32, #tpu.memory_space<vmem>>
      %dma_wait3A_194 = arith.constant 0 : i32
      %dma_wait3A_195 = arith.constant 0 : i32
      %dma_wait3A_196 = tpu.memref_slice %arg11[%dma_wait3A_194, %dma_wait3A_195] : memref<10112x128xf32, #tpu.memory_space<vmem_shared>> -> memref<10112x128xf32, #tpu.memory_space<vmem_shared>>
      tpu.wait_indirect_dma semaphore(%run_scoped3A_184 : memref<!tpu.dma_semaphore, #tpu.memory_space<semaphore_mem>>) src(%arg9 : memref<128x128xf32, #tpu.memory_space<vmem>>) dst(%dma_wait3A_196 : memref<10112x128xf32, #tpu.memory_space<vmem_shared>>)
      tpu.yield
    }) : () -> ()
    %barrier3A_179 = arith.constant 0 : index
    tpu.barrier barrier_id(%barrier3A_179)
    %mul3A_180 = arith.constant 632 : i32
    %mul3A_181 = arith.muli %arg1, %mul3A_180 : i32
    %mul3A_182 = arith.constant 632 : i32
    %mul3A_183 = arith.muli %arg1, %mul3A_182 : i32
    "tpu.region"() ({
      %run_scoped3A_184 = tpu.sem_alloc : memref<!tpu.dma_semaphore, #tpu.memory_space<semaphore_mem>>
      %dma_start3A_185 = arith.constant 0 : i32
      %dma_start3A_186 = arith.constant 0 : i32
      %dma_start3A_187 = tpu.memref_slice %arg5[%add3A_92, %dma_start3A_185, %dma_start3A_186] : memref<4x10112x128xf32, #tpu.memory_space<hbm>> -> memref<1x10112x128xf32, #tpu.memory_space<hbm>>
      %dma_start3A_188 = tpu.memref_squeeze %dma_start3A_187 : memref<1x10112x128xf32, #tpu.memory_space<hbm>> -> memref<10112x128xf32, #tpu.memory_space<hbm>>
      %dma_start3A_189 = arith.constant 0 : i32
      %dma_start3A_190 = tpu.memref_slice %dma_start3A_188[%mul3A_183, %dma_start3A_189] : memref<10112x128xf32, #tpu.memory_space<hbm>> -> memref<632x128xf32, #tpu.memory_space<hbm>>
      %dma_start3A_191 = arith.constant 0 : i32
      %dma_start3A_192 = tpu.memref_slice %arg11[%mul3A_181, %dma_start3A_191] : memref<10112x128xf32, #tpu.memory_space<vmem_shared>> -> memref<632x128xf32, #tpu.memory_space<vmem_shared>>
      tpu.enqueue_dma source(%dma_start3A_192 : memref<632x128xf32, #tpu.memory_space<vmem_shared>>) target(%dma_start3A_190 : memref<632x128xf32, #tpu.memory_space<hbm>>) target_semaphore(%run_scoped3A_184 : memref<!tpu.dma_semaphore, #tpu.memory_space<semaphore_mem>>)
      %dma_wait3A_193 = arith.constant 0 : i32
      %dma_wait3A_194 = arith.constant 0 : i32
      %dma_wait3A_195 = tpu.memref_slice %arg5[%add3A_92, %dma_wait3A_193, %dma_wait3A_194] : memref<4x10112x128xf32, #tpu.memory_space<hbm>> -> memref<1x10112x128xf32, #tpu.memory_space<hbm>>
      %dma_wait3A_196 = tpu.memref_squeeze %dma_wait3A_195 : memref<1x10112x128xf32, #tpu.memory_space<hbm>> -> memref<10112x128xf32, #tpu.memory_space<hbm>>
      %dma_wait3A_197 = arith.constant 0 : i32
      %dma_wait3A_198 = tpu.memref_slice %dma_wait3A_196[%mul3A_183, %dma_wait3A_197] : memref<10112x128xf32, #tpu.memory_space<hbm>> -> memref<632x128xf32, #tpu.memory_space<hbm>>
      %dma_wait3A_199 = arith.constant 0 : i32
      %dma_wait3A_200 = tpu.memref_slice %arg11[%mul3A_181, %dma_wait3A_199] : memref<10112x128xf32, #tpu.memory_space<vmem_shared>> -> memref<632x128xf32, #tpu.memory_space<vmem_shared>>
      tpu.wait_dma2 semaphore(%run_scoped3A_184 : memref<!tpu.dma_semaphore, #tpu.memory_space<semaphore_mem>>) src(%dma_wait3A_200 : memref<632x128xf32, #tpu.memory_space<vmem_shared>>) dst(%dma_wait3A_198 : memref<632x128xf32, #tpu.memory_space<hbm>>)
      tpu.yield
    }) : () -> ()
    return
  }
}

module attributes {stable_mosaic.version = 14 : i64} {
  func.func @_mm1_body(%arg0: i32, %arg1: memref<2000x256xf32, #tpu.memory_space<vmem>>, %arg2: memref<256x512xf32, #tpu.memory_space<vmem>>, %arg3: memref<2x2000x1xf32, #tpu.memory_space<vmem>>, %arg4: memref<4x2000x128xf32, #tpu.memory_space<vmem>>) attributes {dimension_semantics = [#tpu.dimension_semantics<arbitrary>], iteration_bounds = array<i64: 5>, scalar_prefetch = 0 : i64, scratch_operands = 0 : i64, tpu.core_type = #tpu.core_type<tc>, window_params = [{transform_indices = @transform_0, window_bounds = array<i64: 2000, 256>}, {pipeline_mode = #tpu.pipeline_mode<synchronous>, transform_indices = @transform_1, window_bounds = array<i64: 256, 512>}, {transform_indices = @transform_2, window_bounds = array<i64: 2, 2000, 1>}, {transform_indices = @transform_3, window_bounds = array<i64: 4, 2000, 128>}]} {
    %get3A = arith.constant 0 : index
    %get3A_0 = arith.constant 0 : index
    %get3A_1 = vector.load %arg1[%get3A, %get3A_0] : memref<2000x256xf32, #tpu.memory_space<vmem>>, vector<2000x256xf32>
    %get3A_2 = arith.constant 0 : index
    %get3A_3 = arith.constant 0 : index
    %get3A_4 = vector.load %arg2[%get3A_2, %get3A_3] : memref<256x512xf32, #tpu.memory_space<vmem>>, vector<256x512xf32>
    %dot_general3A = arith.constant dense<0.000000e+00> : vector<2000x512xf32>
    %dot_general3A_5 = tpu.matmul %get3A_1, %get3A_4, %dot_general3A {dimension_numbers = #tpu.dot_dimension_numbers<[1], [0], [0], [1], [0, 0, 1, 1], [], []>, transpose_lhs_hint = false} : vector<2000x256xf32>, vector<256x512xf32>, vector<2000x512xf32> -> vector<2000x512xf32>
    %get3A_6 = arith.constant 0 : index
    %get3A_7 = arith.constant 0 : index
    %get3A_8 = arith.constant 0 : index
    %get3A_9 = vector.load %arg3[%get3A_6, %get3A_7, %get3A_8] : memref<2x2000x1xf32, #tpu.memory_space<vmem>>, vector<1x2000x1xf32>
    %get3A_10 = vector.shape_cast %get3A_9 : vector<1x2000x1xf32> to vector<2000x1xf32>
    %get3A_11 = arith.constant 1 : index
    %get3A_12 = arith.constant 0 : index
    %get3A_13 = arith.constant 0 : index
    %get3A_14 = vector.load %arg3[%get3A_11, %get3A_12, %get3A_13] : memref<2x2000x1xf32, #tpu.memory_space<vmem>>, vector<1x2000x1xf32>
    %get3A_15 = vector.shape_cast %get3A_14 : vector<1x2000x1xf32> to vector<2000x1xf32>
    %add3A = arith.addf %get3A_10, %get3A_15 : vector<2000x1xf32>
    %add3A_16 = arith.constant 1.000000e+00 : f32
    %add3A_17 = vector.broadcast %add3A_16 : f32 to vector<2000x1xf32>
    %add3A_18 = arith.addf %add3A, %add3A_17 : vector<2000x1xf32>
    %rsqrt3A = math.rsqrt %add3A_18 : vector<2000x1xf32>
    %mul3A = vector.broadcast %rsqrt3A : vector<2000x1xf32> to vector<2000x512xf32>
    %mul3A_19 = arith.mulf %dot_general3A_5, %mul3A : vector<2000x512xf32>
    %slice3A = vector.extract_strided_slice %mul3A_19 {offsets = [0, 0], sizes = [2000, 128], strides = [1, 1]} : vector<2000x512xf32> to vector<2000x128xf32>
    %swap3A = arith.constant 0 : index
    %swap3A_20 = arith.constant 0 : index
    %swap3A_21 = arith.constant 0 : index
    %swap3A_22 = vector.load %arg4[%swap3A, %swap3A_20, %swap3A_21] : memref<4x2000x128xf32, #tpu.memory_space<vmem>>, vector<1x2000x128xf32>
    %swap3A_23 = vector.shape_cast %swap3A_22 : vector<1x2000x128xf32> to vector<2000x128xf32>
    %swap3A_24 = vector.shape_cast %slice3A : vector<2000x128xf32> to vector<1x2000x128xf32>
    tpu.vector_store %arg4[%swap3A, %swap3A_20, %swap3A_21], %swap3A_24 {strides = array<i32>} : memref<4x2000x128xf32, #tpu.memory_space<vmem>>, vector<1x2000x128xf32>,
    %slice3A_25 = vector.extract_strided_slice %mul3A_19 {offsets = [0, 128], sizes = [2000, 128], strides = [1, 1]} : vector<2000x512xf32> to vector<2000x128xf32>
    %swap3A_26 = arith.constant 1 : index
    %swap3A_27 = arith.constant 0 : index
    %swap3A_28 = arith.constant 0 : index
    %swap3A_29 = vector.load %arg4[%swap3A_26, %swap3A_27, %swap3A_28] : memref<4x2000x128xf32, #tpu.memory_space<vmem>>, vector<1x2000x128xf32>
    %swap3A_30 = vector.shape_cast %swap3A_29 : vector<1x2000x128xf32> to vector<2000x128xf32>
    %swap3A_31 = vector.shape_cast %slice3A_25 : vector<2000x128xf32> to vector<1x2000x128xf32>
    tpu.vector_store %arg4[%swap3A_26, %swap3A_27, %swap3A_28], %swap3A_31 {strides = array<i32>} : memref<4x2000x128xf32, #tpu.memory_space<vmem>>, vector<1x2000x128xf32>,
    %slice3A_32 = vector.extract_strided_slice %mul3A_19 {offsets = [0, 256], sizes = [2000, 128], strides = [1, 1]} : vector<2000x512xf32> to vector<2000x128xf32>
    %swap3A_33 = arith.constant 2 : index
    %swap3A_34 = arith.constant 0 : index
    %swap3A_35 = arith.constant 0 : index
    %swap3A_36 = vector.load %arg4[%swap3A_33, %swap3A_34, %swap3A_35] : memref<4x2000x128xf32, #tpu.memory_space<vmem>>, vector<1x2000x128xf32>
    %swap3A_37 = vector.shape_cast %swap3A_36 : vector<1x2000x128xf32> to vector<2000x128xf32>
    %swap3A_38 = vector.shape_cast %slice3A_32 : vector<2000x128xf32> to vector<1x2000x128xf32>
    tpu.vector_store %arg4[%swap3A_33, %swap3A_34, %swap3A_35], %swap3A_38 {strides = array<i32>} : memref<4x2000x128xf32, #tpu.memory_space<vmem>>, vector<1x2000x128xf32>,
    %slice3A_39 = vector.extract_strided_slice %mul3A_19 {offsets = [0, 384], sizes = [2000, 128], strides = [1, 1]} : vector<2000x512xf32> to vector<2000x128xf32>
    %swap3A_40 = arith.constant 3 : index
    %swap3A_41 = arith.constant 0 : index
    %swap3A_42 = arith.constant 0 : index
    %swap3A_43 = vector.load %arg4[%swap3A_40, %swap3A_41, %swap3A_42] : memref<4x2000x128xf32, #tpu.memory_space<vmem>>, vector<1x2000x128xf32>
    %swap3A_44 = vector.shape_cast %swap3A_43 : vector<1x2000x128xf32> to vector<2000x128xf32>
    %swap3A_45 = vector.shape_cast %slice3A_39 : vector<2000x128xf32> to vector<1x2000x128xf32>
    tpu.vector_store %arg4[%swap3A_40, %swap3A_41, %swap3A_42], %swap3A_45 {strides = array<i32>} : memref<4x2000x128xf32, #tpu.memory_space<vmem>>, vector<1x2000x128xf32>,
    return
  }
  func.func @transform_0(%arg0: i32) -> (i32, i32) {
    %c0_i32 = arith.constant 0 : i32
    %c0_i32_0 = arith.constant 0 : i32
    return %arg0, %c0_i32 : i32, i32
  }
  func.func @transform_1(%arg0: i32) -> (i32, i32) {
    %c0_i32 = arith.constant 0 : i32
    %c0_i32_0 = arith.constant 0 : i32
    %c0_i32_1 = arith.constant 0 : i32
    return %c0_i32, %c0_i32_0 : i32, i32
  }
  func.func @transform_2(%arg0: i32) -> (i32, i32, i32) {
    %c0_i32 = arith.constant 0 : i32
    %c0_i32_0 = arith.constant 0 : i32
    %c0_i32_1 = arith.constant 0 : i32
    return %c0_i32, %arg0, %c0_i32_0 : i32, i32, i32
  }
  func.func @transform_3(%arg0: i32) -> (i32, i32, i32) {
    %c0_i32 = arith.constant 0 : i32
    %c0_i32_0 = arith.constant 0 : i32
    %c0_i32_1 = arith.constant 0 : i32
    return %c0_i32, %arg0, %c0_i32_0 : i32, i32, i32
  }
}

module attributes {stable_mosaic.version = 14 : i64} {
  func.func @_mm2_body(%arg0: i32, %arg1: i32, %arg2: memref<2x2000x128xf32, #tpu.memory_space<vmem>>, %arg3: memref<2x2000x128xf32, #tpu.memory_space<vmem>>, %arg4: memref<2x2000x1xf32, #tpu.memory_space<vmem>>, %arg5: memref<1x1x256xf32, #tpu.memory_space<vmem>>, %arg6: memref<256x512xf32, #tpu.memory_space<vmem>>, %arg7: memref<4x2000x128xf32, #tpu.memory_space<vmem>>, %arg8: memref<2000x512xf32, #tpu.memory_space<vmem>>) attributes {dimension_semantics = [#tpu.dimension_semantics<arbitrary>, #tpu.dimension_semantics<arbitrary>], iteration_bounds = array<i64: 5, 2>, scalar_prefetch = 0 : i64, scratch_operands = 1 : i64, tpu.core_type = #tpu.core_type<tc>, window_params = [{transform_indices = @transform_0, window_bounds = array<i64: 2, 2000, 128>}, {transform_indices = @transform_1, window_bounds = array<i64: 2, 2000, 128>}, {transform_indices = @transform_2, window_bounds = array<i64: 2, 2000, 1>}, {transform_indices = @transform_3, window_bounds = array<i64: 1, 1, 256>}, {transform_indices = @transform_4, window_bounds = array<i64: 256, 512>}, {transform_indices = @transform_5, window_bounds = array<i64: 4, 2000, 128>}]} {
    %get3A = arith.constant 0 : index
    %get3A_0 = arith.constant 0 : index
    %get3A_1 = arith.constant 0 : index
    %get3A_2 = vector.load %arg4[%get3A, %get3A_0, %get3A_1] : memref<2x2000x1xf32, #tpu.memory_space<vmem>>, vector<1x2000x1xf32>
    %get3A_3 = vector.shape_cast %get3A_2 : vector<1x2000x1xf32> to vector<2000x1xf32>
    %get3A_4 = arith.constant 1 : index
    %get3A_5 = arith.constant 0 : index
    %get3A_6 = arith.constant 0 : index
    %get3A_7 = vector.load %arg4[%get3A_4, %get3A_5, %get3A_6] : memref<2x2000x1xf32, #tpu.memory_space<vmem>>, vector<1x2000x1xf32>
    %get3A_8 = vector.shape_cast %get3A_7 : vector<1x2000x1xf32> to vector<2000x1xf32>
    %add3A = arith.addf %get3A_3, %get3A_8 : vector<2000x1xf32>
    %add3A_9 = arith.constant 1.000000e+00 : f32
    %add3A_10 = vector.broadcast %add3A_9 : f32 to vector<2000x1xf32>
    %add3A_11 = arith.addf %add3A, %add3A_10 : vector<2000x1xf32>
    %rsqrt3A = math.rsqrt %add3A_11 : vector<2000x1xf32>
    %get3A_12 = arith.constant 0 : index
    %get3A_13 = arith.constant 0 : index
    %get3A_14 = arith.constant 0 : index
    %get3A_15 = vector.load %arg2[%get3A_12, %get3A_13, %get3A_14] : memref<2x2000x128xf32, #tpu.memory_space<vmem>>, vector<1x2000x128xf32>
    %get3A_16 = vector.shape_cast %get3A_15 : vector<1x2000x128xf32> to vector<2000x128xf32>
    %get3A_17 = arith.constant 1 : index
    %get3A_18 = arith.constant 0 : index
    %get3A_19 = arith.constant 0 : index
    %get3A_20 = vector.load %arg2[%get3A_17, %get3A_18, %get3A_19] : memref<2x2000x128xf32, #tpu.memory_space<vmem>>, vector<1x2000x128xf32>
    %get3A_21 = vector.shape_cast %get3A_20 : vector<1x2000x128xf32> to vector<2000x128xf32>
    %concatenate3A = tpu.concatenate %get3A_16, %get3A_21 in 1 : vector<2000x128xf32>, vector<2000x128xf32> -> vector<2000x256xf32>
    %get3A_22 = arith.constant 0 : index
    %get3A_23 = arith.constant 0 : index
    %get3A_24 = arith.constant 0 : index
    %get3A_25 = vector.load %arg3[%get3A_22, %get3A_23, %get3A_24] : memref<2x2000x128xf32, #tpu.memory_space<vmem>>, vector<1x2000x128xf32>
    %get3A_26 = vector.shape_cast %get3A_25 : vector<1x2000x128xf32> to vector<2000x128xf32>
    %get3A_27 = arith.constant 1 : index
    %get3A_28 = arith.constant 0 : index
    %get3A_29 = arith.constant 0 : index
    %get3A_30 = vector.load %arg3[%get3A_27, %get3A_28, %get3A_29] : memref<2x2000x128xf32, #tpu.memory_space<vmem>>, vector<1x2000x128xf32>
    %get3A_31 = vector.shape_cast %get3A_30 : vector<1x2000x128xf32> to vector<2000x128xf32>
    %concatenate3A_32 = tpu.concatenate %get3A_26, %get3A_31 in 1 : vector<2000x128xf32>, vector<2000x128xf32> -> vector<2000x256xf32>
    %add3A_33 = arith.addf %concatenate3A, %concatenate3A_32 : vector<2000x256xf32>
    %mul3A = vector.broadcast %rsqrt3A : vector<2000x1xf32> to vector<2000x256xf32>
    %mul3A_34 = arith.mulf %add3A_33, %mul3A : vector<2000x256xf32>
    %get3A_35 = arith.constant 0 : index
    %get3A_36 = arith.constant 0 : index
    %get3A_37 = arith.constant 0 : index
    %get3A_38 = vector.load %arg5[%get3A_35, %get3A_36, %get3A_37] : memref<1x1x256xf32, #tpu.memory_space<vmem>>, vector<1x1x256xf32>
    %get3A_39 = vector.shape_cast %get3A_38 : vector<1x1x256xf32> to vector<1x256xf32>
    %add3A_40 = vector.broadcast %get3A_39 : vector<1x256xf32> to vector<2000x256xf32>
    %add3A_41 = arith.addf %mul3A_34, %add3A_40 : vector<2000x256xf32>
    %max3A = arith.constant 0.000000e+00 : f32
    %max3A_42 = vector.broadcast %max3A : f32 to vector<2000x256xf32>
    %max3A_43 = arith.maximumf %add3A_41, %max3A_42 : vector<2000x256xf32>
    %get3A_44 = arith.constant 0 : index
    %get3A_45 = arith.constant 0 : index
    %get3A_46 = vector.load %arg6[%get3A_44, %get3A_45] : memref<256x512xf32, #tpu.memory_space<vmem>>, vector<256x512xf32>
    %dot_general3A = arith.constant dense<0.000000e+00> : vector<2000x512xf32>
    %dot_general3A_47 = tpu.matmul %max3A_43, %get3A_46, %dot_general3A {dimension_numbers = #tpu.dot_dimension_numbers<[1], [0], [0], [1], [0, 0, 1, 1], [], []>, transpose_lhs_hint = false} : vector<2000x256xf32>, vector<256x512xf32>, vector<2000x512xf32> -> vector<2000x512xf32>
    %eq3A = arith.constant 0 : i32
    %eq3A_48 = arith.cmpi eq, %arg1, %eq3A : i32
    %convert_element_type3A = arith.extui %eq3A_48 : i1 to i32
    %cond3A = arith.constant 0 : i32
    %cond3A_49 = arith.cmpi ne, %convert_element_type3A, %cond3A : i32
    scf.if %cond3A_49 {
      %broadcast_in_dim3A = arith.constant 0.000000e+00 : f32
      %broadcast_in_dim3A_61 = vector.broadcast %broadcast_in_dim3A : f32 to vector<2000x512xf32>
      %swap3A_62 = arith.constant 0 : index
      %swap3A_63 = arith.constant 0 : index
      %swap3A_64 = vector.load %arg8[%swap3A_62, %swap3A_63] : memref<2000x512xf32, #tpu.memory_space<vmem>>, vector<2000x512xf32>
      tpu.vector_store %arg8[%swap3A_62, %swap3A_63], %broadcast_in_dim3A_61 {strides = array<i32>} : memref<2000x512xf32, #tpu.memory_space<vmem>>, vector<2000x512xf32>,
    } else {
    }
    %get3A_50 = arith.constant 0 : index
    %get3A_51 = arith.constant 0 : index
    %get3A_52 = vector.load %arg8[%get3A_50, %get3A_51] : memref<2000x512xf32, #tpu.memory_space<vmem>>, vector<2000x512xf32>
    %add3A_53 = arith.addf %get3A_52, %dot_general3A_47 : vector<2000x512xf32>
    %swap3A = arith.constant 0 : index
    %swap3A_54 = arith.constant 0 : index
    %swap3A_55 = vector.load %arg8[%swap3A, %swap3A_54] : memref<2000x512xf32, #tpu.memory_space<vmem>>, vector<2000x512xf32>
    tpu.vector_store %arg8[%swap3A, %swap3A_54], %add3A_53 {strides = array<i32>} : memref<2000x512xf32, #tpu.memory_space<vmem>>, vector<2000x512xf32>,
    %eq3A_56 = arith.constant 1 : i32
    %eq3A_57 = arith.cmpi eq, %arg1, %eq3A_56 : i32
    %convert_element_type3A_58 = arith.extui %eq3A_57 : i1 to i32
    %cond3A_59 = arith.constant 0 : i32
    %cond3A_60 = arith.cmpi ne, %convert_element_type3A_58, %cond3A_59 : i32
    scf.if %cond3A_60 {
      %get3A_61 = arith.constant 0 : index
      %get3A_62 = arith.constant 0 : index
      %get3A_63 = vector.load %arg8[%get3A_61, %get3A_62] : memref<2000x512xf32, #tpu.memory_space<vmem>>, vector<2000x512xf32>
      %mul3A_64 = vector.broadcast %rsqrt3A : vector<2000x1xf32> to vector<2000x512xf32>
      %mul3A_65 = arith.mulf %get3A_63, %mul3A_64 : vector<2000x512xf32>
      %slice3A = vector.extract_strided_slice %mul3A_65 {offsets = [0, 0], sizes = [2000, 128], strides = [1, 1]} : vector<2000x512xf32> to vector<2000x128xf32>
      %swap3A_66 = arith.constant 0 : index
      %swap3A_67 = arith.constant 0 : index
      %swap3A_68 = arith.constant 0 : index
      %swap3A_69 = vector.load %arg7[%swap3A_66, %swap3A_67, %swap3A_68] : memref<4x2000x128xf32, #tpu.memory_space<vmem>>, vector<1x2000x128xf32>
      %swap3A_70 = vector.shape_cast %swap3A_69 : vector<1x2000x128xf32> to vector<2000x128xf32>
      %swap3A_71 = vector.shape_cast %slice3A : vector<2000x128xf32> to vector<1x2000x128xf32>
      tpu.vector_store %arg7[%swap3A_66, %swap3A_67, %swap3A_68], %swap3A_71 {strides = array<i32>} : memref<4x2000x128xf32, #tpu.memory_space<vmem>>, vector<1x2000x128xf32>,
      %slice3A_72 = vector.extract_strided_slice %mul3A_65 {offsets = [0, 128], sizes = [2000, 128], strides = [1, 1]} : vector<2000x512xf32> to vector<2000x128xf32>
      %swap3A_73 = arith.constant 1 : index
      %swap3A_74 = arith.constant 0 : index
      %swap3A_75 = arith.constant 0 : index
      %swap3A_76 = vector.load %arg7[%swap3A_73, %swap3A_74, %swap3A_75] : memref<4x2000x128xf32, #tpu.memory_space<vmem>>, vector<1x2000x128xf32>
      %swap3A_77 = vector.shape_cast %swap3A_76 : vector<1x2000x128xf32> to vector<2000x128xf32>
      %swap3A_78 = vector.shape_cast %slice3A_72 : vector<2000x128xf32> to vector<1x2000x128xf32>
      tpu.vector_store %arg7[%swap3A_73, %swap3A_74, %swap3A_75], %swap3A_78 {strides = array<i32>} : memref<4x2000x128xf32, #tpu.memory_space<vmem>>, vector<1x2000x128xf32>,
      %slice3A_79 = vector.extract_strided_slice %mul3A_65 {offsets = [0, 256], sizes = [2000, 128], strides = [1, 1]} : vector<2000x512xf32> to vector<2000x128xf32>
      %swap3A_80 = arith.constant 2 : index
      %swap3A_81 = arith.constant 0 : index
      %swap3A_82 = arith.constant 0 : index
      %swap3A_83 = vector.load %arg7[%swap3A_80, %swap3A_81, %swap3A_82] : memref<4x2000x128xf32, #tpu.memory_space<vmem>>, vector<1x2000x128xf32>
      %swap3A_84 = vector.shape_cast %swap3A_83 : vector<1x2000x128xf32> to vector<2000x128xf32>
      %swap3A_85 = vector.shape_cast %slice3A_79 : vector<2000x128xf32> to vector<1x2000x128xf32>
      tpu.vector_store %arg7[%swap3A_80, %swap3A_81, %swap3A_82], %swap3A_85 {strides = array<i32>} : memref<4x2000x128xf32, #tpu.memory_space<vmem>>, vector<1x2000x128xf32>,
      %slice3A_86 = vector.extract_strided_slice %mul3A_65 {offsets = [0, 384], sizes = [2000, 128], strides = [1, 1]} : vector<2000x512xf32> to vector<2000x128xf32>
      %swap3A_87 = arith.constant 3 : index
      %swap3A_88 = arith.constant 0 : index
      %swap3A_89 = arith.constant 0 : index
      %swap3A_90 = vector.load %arg7[%swap3A_87, %swap3A_88, %swap3A_89] : memref<4x2000x128xf32, #tpu.memory_space<vmem>>, vector<1x2000x128xf32>
      %swap3A_91 = vector.shape_cast %swap3A_90 : vector<1x2000x128xf32> to vector<2000x128xf32>
      %swap3A_92 = vector.shape_cast %slice3A_86 : vector<2000x128xf32> to vector<1x2000x128xf32>
      tpu.vector_store %arg7[%swap3A_87, %swap3A_88, %swap3A_89], %swap3A_92 {strides = array<i32>} : memref<4x2000x128xf32, #tpu.memory_space<vmem>>, vector<1x2000x128xf32>,
    } else {
    }
    return
  }
  func.func @transform_0(%arg0: i32, %arg1: i32) -> (i32, i32, i32) {
    %c0_i32 = arith.constant 0 : i32
    %c0_i32_0 = arith.constant 0 : i32
    return %arg1, %arg0, %c0_i32 : i32, i32, i32
  }
  func.func @transform_1(%arg0: i32, %arg1: i32) -> (i32, i32, i32) {
    %c0_i32 = arith.constant 0 : i32
    %c0_i32_0 = arith.constant 0 : i32
    return %arg1, %arg0, %c0_i32 : i32, i32, i32
  }
  func.func @transform_2(%arg0: i32, %arg1: i32) -> (i32, i32, i32) {
    %c0_i32 = arith.constant 0 : i32
    %c0_i32_0 = arith.constant 0 : i32
    %c0_i32_1 = arith.constant 0 : i32
    return %c0_i32, %arg0, %c0_i32_0 : i32, i32, i32
  }
  func.func @transform_3(%arg0: i32, %arg1: i32) -> (i32, i32, i32) {
    %c0_i32 = arith.constant 0 : i32
    %c0_i32_0 = arith.constant 0 : i32
    %c0_i32_1 = arith.constant 0 : i32
    return %arg1, %c0_i32, %c0_i32_0 : i32, i32, i32
  }
  func.func @transform_4(%arg0: i32, %arg1: i32) -> (i32, i32) {
    %c0_i32 = arith.constant 0 : i32
    %c0_i32_0 = arith.constant 0 : i32
    return %arg1, %c0_i32 : i32, i32
  }
  func.func @transform_5(%arg0: i32, %arg1: i32) -> (i32, i32, i32) {
    %c0_i32 = arith.constant 0 : i32
    %c0_i32_0 = arith.constant 0 : i32
    %c0_i32_1 = arith.constant 0 : i32
    return %c0_i32, %arg0, %c0_i32_0 : i32, i32, i32
  }
}

module attributes {stable_mosaic.version = 14 : i64} {
  func.func @_pool_body(%arg0: i32, %arg1: i32, %arg2: memref<5x2xi32, #tpu.memory_space<smem>>, %arg3: memref<2x2000x128xf32, #tpu.memory_space<vmem>>, %arg4: memref<2x2000x128xf32, #tpu.memory_space<vmem>>, %arg5: memref<2x2000x1xf32, #tpu.memory_space<vmem>>, %arg6: memref<1x1x256xf32, #tpu.memory_space<vmem>>, %arg7: memref<2000x1xi32, #tpu.memory_space<vmem>>, %arg8: memref<512x64xf32, #tpu.memory_space<vmem>>, %arg9: memref<1x64xf32, #tpu.memory_space<vmem>>, %arg10: memref<64x32xf32, #tpu.memory_space<vmem>>, %arg11: memref<1x32xf32, #tpu.memory_space<vmem>>, %arg12: memref<16x32xf32, #tpu.memory_space<vmem>>, %arg13: memref<2x16x256xf32, #tpu.memory_space<vmem>>) attributes {dimension_semantics = [#tpu.dimension_semantics<arbitrary>, #tpu.dimension_semantics<arbitrary>], iteration_bounds = array<i64: 2, 5>, scalar_prefetch = 0 : i64, scratch_operands = 1 : i64, tpu.core_type = #tpu.core_type<tc>, window_params = [{transform_indices = @transform_0, window_bounds = array<i64: 5, 2>}, {transform_indices = @transform_1, window_bounds = array<i64: 2, 2000, 128>}, {transform_indices = @transform_2, window_bounds = array<i64: 2, 2000, 128>}, {transform_indices = @transform_3, window_bounds = array<i64: 2, 2000, 1>}, {transform_indices = @transform_4, window_bounds = array<i64: 1, 1, 256>}, {transform_indices = @transform_5, window_bounds = array<i64: 2000, 1>}, {pipeline_mode = #tpu.pipeline_mode<synchronous>, transform_indices = @transform_6, window_bounds = array<i64: 512, 64>}, {pipeline_mode = #tpu.pipeline_mode<synchronous>, transform_indices = @transform_7, window_bounds = array<i64: 1, 64>}, {pipeline_mode = #tpu.pipeline_mode<synchronous>, transform_indices = @transform_8, window_bounds = array<i64: 64, 32>}, {pipeline_mode = #tpu.pipeline_mode<synchronous>, transform_indices = @transform_9, window_bounds = array<i64: 1, 32>}, {pipeline_mode = #tpu.pipeline_mode<synchronous>, transform_indices = @transform_10, window_bounds = array<i64: 16, 32>}]} {
    %get3A = arith.constant 0 : index
    %get3A_0 = arith.constant 0 : index
    %get3A_1 = arith.constant 0 : index
    %get3A_2 = vector.load %arg5[%get3A, %get3A_0, %get3A_1] : memref<2x2000x1xf32, #tpu.memory_space<vmem>>, vector<1x2000x1xf32>
    %get3A_3 = vector.shape_cast %get3A_2 : vector<1x2000x1xf32> to vector<2000x1xf32>
    %get3A_4 = arith.constant 1 : index
    %get3A_5 = arith.constant 0 : index
    %get3A_6 = arith.constant 0 : index
    %get3A_7 = vector.load %arg5[%get3A_4, %get3A_5, %get3A_6] : memref<2x2000x1xf32, #tpu.memory_space<vmem>>, vector<1x2000x1xf32>
    %get3A_8 = vector.shape_cast %get3A_7 : vector<1x2000x1xf32> to vector<2000x1xf32>
    %add3A = arith.addf %get3A_3, %get3A_8 : vector<2000x1xf32>
    %add3A_9 = arith.constant 1.000000e+00 : f32
    %add3A_10 = vector.broadcast %add3A_9 : f32 to vector<2000x1xf32>
    %add3A_11 = arith.addf %add3A, %add3A_10 : vector<2000x1xf32>
    %rsqrt3A = math.rsqrt %add3A_11 : vector<2000x1xf32>
    %get3A_12 = arith.constant 0 : index
    %get3A_13 = arith.constant 0 : index
    %get3A_14 = arith.constant 0 : index
    %get3A_15 = vector.load %arg3[%get3A_12, %get3A_13, %get3A_14] : memref<2x2000x128xf32, #tpu.memory_space<vmem>>, vector<1x2000x128xf32>
    %get3A_16 = vector.shape_cast %get3A_15 : vector<1x2000x128xf32> to vector<2000x128xf32>
    %get3A_17 = arith.constant 1 : index
    %get3A_18 = arith.constant 0 : index
    %get3A_19 = arith.constant 0 : index
    %get3A_20 = vector.load %arg3[%get3A_17, %get3A_18, %get3A_19] : memref<2x2000x128xf32, #tpu.memory_space<vmem>>, vector<1x2000x128xf32>
    %get3A_21 = vector.shape_cast %get3A_20 : vector<1x2000x128xf32> to vector<2000x128xf32>
    %concatenate3A = tpu.concatenate %get3A_16, %get3A_21 in 1 : vector<2000x128xf32>, vector<2000x128xf32> -> vector<2000x256xf32>
    %get3A_22 = arith.constant 0 : index
    %get3A_23 = arith.constant 0 : index
    %get3A_24 = arith.constant 0 : index
    %get3A_25 = vector.load %arg4[%get3A_22, %get3A_23, %get3A_24] : memref<2x2000x128xf32, #tpu.memory_space<vmem>>, vector<1x2000x128xf32>
    %get3A_26 = vector.shape_cast %get3A_25 : vector<1x2000x128xf32> to vector<2000x128xf32>
    %get3A_27 = arith.constant 1 : index
    %get3A_28 = arith.constant 0 : index
    %get3A_29 = arith.constant 0 : index
    %get3A_30 = vector.load %arg4[%get3A_27, %get3A_28, %get3A_29] : memref<2x2000x128xf32, #tpu.memory_space<vmem>>, vector<1x2000x128xf32>
    %get3A_31 = vector.shape_cast %get3A_30 : vector<1x2000x128xf32> to vector<2000x128xf32>
    %concatenate3A_32 = tpu.concatenate %get3A_26, %get3A_31 in 1 : vector<2000x128xf32>, vector<2000x128xf32> -> vector<2000x256xf32>
    %add3A_33 = arith.addf %concatenate3A, %concatenate3A_32 : vector<2000x256xf32>
    %mul3A = vector.broadcast %rsqrt3A : vector<2000x1xf32> to vector<2000x256xf32>
    %mul3A_34 = arith.mulf %add3A_33, %mul3A : vector<2000x256xf32>
    %get3A_35 = arith.constant 0 : index
    %get3A_36 = arith.constant 0 : index
    %get3A_37 = arith.constant 0 : index
    %get3A_38 = vector.load %arg6[%get3A_35, %get3A_36, %get3A_37] : memref<1x1x256xf32, #tpu.memory_space<vmem>>, vector<1x1x256xf32>
    %get3A_39 = vector.shape_cast %get3A_38 : vector<1x1x256xf32> to vector<1x256xf32>
    %add3A_40 = vector.broadcast %get3A_39 : vector<1x256xf32> to vector<2000x256xf32>
    %add3A_41 = arith.addf %mul3A_34, %add3A_40 : vector<2000x256xf32>
    %max3A = arith.constant 0.000000e+00 : f32
    %max3A_42 = vector.broadcast %max3A : f32 to vector<2000x256xf32>
    %max3A_43 = arith.maximumf %add3A_41, %max3A_42 : vector<2000x256xf32>
    %get3A_44 = arith.constant 0 : index
    %get3A_45 = arith.constant 0 : index
    %get3A_46 = vector.load %arg7[%get3A_44, %get3A_45] : memref<2000x1xi32, #tpu.memory_space<vmem>>, vector<2000x1xi32>
    %eq3A = arith.constant 0 : i32
    %eq3A_47 = arith.cmpi eq, %arg1, %eq3A : i32
    %eq3A_48 = arith.constant 0 : i32
    %eq3A_49 = arith.cmpi eq, %arg0, %eq3A_48 : i32
    %and3A = arith.andi %eq3A_47, %eq3A_49 : i1
    %convert_element_type3A = arith.extui %and3A : i1 to i32
    %cond3A = arith.constant 0xFF800000 : f32
    %cond3A_50 = arith.constant 0 : i32
    %cond3A_51 = arith.cmpi ne, %convert_element_type3A, %cond3A_50 : i32
    scf.if %cond3A_51 {
      %broadcast_in_dim3A = vector.broadcast %cond3A : f32 to vector<2x16x256xf32>
      %swap3A = arith.constant 0 : index
      %swap3A_448 = arith.constant 0 : index
      %swap3A_449 = arith.constant 0 : index
      %swap3A_450 = vector.load %arg13[%swap3A, %swap3A_448, %swap3A_449] : memref<2x16x256xf32, #tpu.memory_space<vmem>>, vector<2x16x256xf32>
      tpu.vector_store %arg13[%swap3A, %swap3A_448, %swap3A_449], %broadcast_in_dim3A {strides = array<i32>} : memref<2x16x256xf32, #tpu.memory_space<vmem>>, vector<2x16x256xf32>,
    } else {
    }
    %get3A_52 = arith.index_cast %arg1 : i32 to index
    %get3A_53 = arith.constant 0 : index
    %get3A_54 = memref.load %arg2[%get3A_52, %get3A_53] : memref<5x2xi32, #tpu.memory_space<smem>>
    %get3A_55 = arith.index_cast %arg1 : i32 to index
    %get3A_56 = arith.constant 1 : index
    %get3A_57 = memref.load %arg2[%get3A_55, %get3A_56] : memref<5x2xi32, #tpu.memory_space<smem>>
    %eq3A_58 = arith.constant 0 : i32
    %eq3A_59 = arith.cmpi eq, %arg0, %eq3A_58 : i32
    %le3A = arith.constant 0 : i32
    %le3A_60 = arith.cmpi sle, %get3A_54, %le3A : i32
    %and3A_61 = arith.andi %eq3A_59, %le3A_60 : i1
    %ge3A = arith.constant 0 : i32
    %ge3A_62 = arith.cmpi sge, %get3A_57, %ge3A : i32
    %and3A_63 = arith.andi %and3A_61, %ge3A_62 : i1
    %convert_element_type3A_64 = arith.extui %and3A_63 : i1 to i32
    %cond3A_65 = arith.constant 0xFF800000 : f32
    %cond3A_66 = arith.constant 0 : i32
    %cond3A_67 = arith.cmpi ne, %convert_element_type3A_64, %cond3A_66 : i32
    scf.if %cond3A_67 {
      %eq3A_448 = arith.constant 0 : i32
      %eq3A_449 = vector.broadcast %eq3A_448 : i32 to vector<2000x1xi32>
      %eq3A_450 = arith.cmpi eq, %get3A_46, %eq3A_449 : vector<2000x1xi32>
      %broadcast_in_dim3A = vector.shape_cast %eq3A_450 : vector<2000x1xi1> to vector<2000x1xi1>
      %broadcast_in_dim3A_451 = vector.broadcast %broadcast_in_dim3A : vector<2000x1xi1> to vector<2000x256xi1>
      %broadcast_in_dim3A_452 = vector.broadcast %cond3A_65 : f32 to vector<2000x256xf32>
      %select_n3A = arith.select %broadcast_in_dim3A_451, %max3A_43, %broadcast_in_dim3A_452 : vector<2000x256xi1>, vector<2000x256xf32>
      %reduce_max3A = arith.constant dense<0xFF800000> : vector<256xf32>
      %reduce_max3A_453 = vector.multi_reduction <maximumf>, %select_n3A, %reduce_max3A [0] : vector<2000x256xf32> to vector<256xf32>
      %get3A_454 = arith.constant 0 : index
      %get3A_455 = arith.constant 0 : index
      %get3A_456 = arith.constant 0 : index
      %get3A_457 = vector.load %arg13[%get3A_454, %get3A_455, %get3A_456] : memref<2x16x256xf32, #tpu.memory_space<vmem>>, vector<1x1x256xf32>
      %get3A_458 = vector.shape_cast %get3A_457 : vector<1x1x256xf32> to vector<256xf32>
      %max3A_459 = arith.maximumf %get3A_458, %reduce_max3A_453 : vector<256xf32>
      %swap3A = arith.constant 0 : index
      %swap3A_460 = arith.constant 0 : index
      %swap3A_461 = arith.constant 0 : index
      %swap3A_462 = vector.load %arg13[%swap3A, %swap3A_460, %swap3A_461] : memref<2x16x256xf32, #tpu.memory_space<vmem>>, vector<1x1x256xf32>
      %swap3A_463 = vector.shape_cast %swap3A_462 : vector<1x1x256xf32> to vector<256xf32>
      %swap3A_464 = vector.shape_cast %max3A_459 : vector<256xf32> to vector<1x1x256xf32>
      tpu.vector_store %arg13[%swap3A, %swap3A_460, %swap3A_461], %swap3A_464 {strides = array<i32>} : memref<2x16x256xf32, #tpu.memory_space<vmem>>, vector<1x1x256xf32>,
    } else {
    }
    %eq3A_68 = arith.constant 0 : i32
    %eq3A_69 = arith.cmpi eq, %arg0, %eq3A_68 : i32
    %le3A_70 = arith.constant 1 : i32
    %le3A_71 = arith.cmpi sle, %get3A_54, %le3A_70 : i32
    %and3A_72 = arith.andi %eq3A_69, %le3A_71 : i1
    %ge3A_73 = arith.constant 1 : i32
    %ge3A_74 = arith.cmpi sge, %get3A_57, %ge3A_73 : i32
    %and3A_75 = arith.andi %and3A_72, %ge3A_74 : i1
    %convert_element_type3A_76 = arith.extui %and3A_75 : i1 to i32
    %cond3A_77 = arith.constant 0xFF800000 : f32
    %cond3A_78 = arith.constant 0 : i32
    %cond3A_79 = arith.cmpi ne, %convert_element_type3A_76, %cond3A_78 : i32
    scf.if %cond3A_79 {
      %eq3A_448 = arith.constant 1 : i32
      %eq3A_449 = vector.broadcast %eq3A_448 : i32 to vector<2000x1xi32>
      %eq3A_450 = arith.cmpi eq, %get3A_46, %eq3A_449 : vector<2000x1xi32>
      %broadcast_in_dim3A = vector.shape_cast %eq3A_450 : vector<2000x1xi1> to vector<2000x1xi1>
      %broadcast_in_dim3A_451 = vector.broadcast %broadcast_in_dim3A : vector<2000x1xi1> to vector<2000x256xi1>
      %broadcast_in_dim3A_452 = vector.broadcast %cond3A_77 : f32 to vector<2000x256xf32>
      %select_n3A = arith.select %broadcast_in_dim3A_451, %max3A_43, %broadcast_in_dim3A_452 : vector<2000x256xi1>, vector<2000x256xf32>
      %reduce_max3A = arith.constant dense<0xFF800000> : vector<256xf32>
      %reduce_max3A_453 = vector.multi_reduction <maximumf>, %select_n3A, %reduce_max3A [0] : vector<2000x256xf32> to vector<256xf32>
      %get3A_454 = arith.constant 0 : index
      %get3A_455 = arith.constant 1 : index
      %get3A_456 = arith.constant 0 : index
      %get3A_457 = vector.load %arg13[%get3A_454, %get3A_455, %get3A_456] : memref<2x16x256xf32, #tpu.memory_space<vmem>>, vector<1x1x256xf32>
      %get3A_458 = vector.shape_cast %get3A_457 : vector<1x1x256xf32> to vector<256xf32>
      %max3A_459 = arith.maximumf %get3A_458, %reduce_max3A_453 : vector<256xf32>
      %swap3A = arith.constant 0 : index
      %swap3A_460 = arith.constant 1 : index
      %swap3A_461 = arith.constant 0 : index
      %swap3A_462 = vector.load %arg13[%swap3A, %swap3A_460, %swap3A_461] : memref<2x16x256xf32, #tpu.memory_space<vmem>>, vector<1x1x256xf32>
      %swap3A_463 = vector.shape_cast %swap3A_462 : vector<1x1x256xf32> to vector<256xf32>
      %swap3A_464 = vector.shape_cast %max3A_459 : vector<256xf32> to vector<1x1x256xf32>
      tpu.vector_store %arg13[%swap3A, %swap3A_460, %swap3A_461], %swap3A_464 {strides = array<i32>} : memref<2x16x256xf32, #tpu.memory_space<vmem>>, vector<1x1x256xf32>,
    } else {
    }
    %eq3A_80 = arith.constant 0 : i32
    %eq3A_81 = arith.cmpi eq, %arg0, %eq3A_80 : i32
    %le3A_82 = arith.constant 2 : i32
    %le3A_83 = arith.cmpi sle, %get3A_54, %le3A_82 : i32
    %and3A_84 = arith.andi %eq3A_81, %le3A_83 : i1
    %ge3A_85 = arith.constant 2 : i32
    %ge3A_86 = arith.cmpi sge, %get3A_57, %ge3A_85 : i32
    %and3A_87 = arith.andi %and3A_84, %ge3A_86 : i1
    %convert_element_type3A_88 = arith.extui %and3A_87 : i1 to i32
    %cond3A_89 = arith.constant 0xFF800000 : f32
    %cond3A_90 = arith.constant 0 : i32
    %cond3A_91 = arith.cmpi ne, %convert_element_type3A_88, %cond3A_90 : i32
    scf.if %cond3A_91 {
      %eq3A_448 = arith.constant 2 : i32
      %eq3A_449 = vector.broadcast %eq3A_448 : i32 to vector<2000x1xi32>
      %eq3A_450 = arith.cmpi eq, %get3A_46, %eq3A_449 : vector<2000x1xi32>
      %broadcast_in_dim3A = vector.shape_cast %eq3A_450 : vector<2000x1xi1> to vector<2000x1xi1>
      %broadcast_in_dim3A_451 = vector.broadcast %broadcast_in_dim3A : vector<2000x1xi1> to vector<2000x256xi1>
      %broadcast_in_dim3A_452 = vector.broadcast %cond3A_89 : f32 to vector<2000x256xf32>
      %select_n3A = arith.select %broadcast_in_dim3A_451, %max3A_43, %broadcast_in_dim3A_452 : vector<2000x256xi1>, vector<2000x256xf32>
      %reduce_max3A = arith.constant dense<0xFF800000> : vector<256xf32>
      %reduce_max3A_453 = vector.multi_reduction <maximumf>, %select_n3A, %reduce_max3A [0] : vector<2000x256xf32> to vector<256xf32>
      %get3A_454 = arith.constant 0 : index
      %get3A_455 = arith.constant 2 : index
      %get3A_456 = arith.constant 0 : index
      %get3A_457 = vector.load %arg13[%get3A_454, %get3A_455, %get3A_456] : memref<2x16x256xf32, #tpu.memory_space<vmem>>, vector<1x1x256xf32>
      %get3A_458 = vector.shape_cast %get3A_457 : vector<1x1x256xf32> to vector<256xf32>
      %max3A_459 = arith.maximumf %get3A_458, %reduce_max3A_453 : vector<256xf32>
      %swap3A = arith.constant 0 : index
      %swap3A_460 = arith.constant 2 : index
      %swap3A_461 = arith.constant 0 : index
      %swap3A_462 = vector.load %arg13[%swap3A, %swap3A_460, %swap3A_461] : memref<2x16x256xf32, #tpu.memory_space<vmem>>, vector<1x1x256xf32>
      %swap3A_463 = vector.shape_cast %swap3A_462 : vector<1x1x256xf32> to vector<256xf32>
      %swap3A_464 = vector.shape_cast %max3A_459 : vector<256xf32> to vector<1x1x256xf32>
      tpu.vector_store %arg13[%swap3A, %swap3A_460, %swap3A_461], %swap3A_464 {strides = array<i32>} : memref<2x16x256xf32, #tpu.memory_space<vmem>>, vector<1x1x256xf32>,
    } else {
    }
    %eq3A_92 = arith.constant 0 : i32
    %eq3A_93 = arith.cmpi eq, %arg0, %eq3A_92 : i32
    %le3A_94 = arith.constant 3 : i32
    %le3A_95 = arith.cmpi sle, %get3A_54, %le3A_94 : i32
    %and3A_96 = arith.andi %eq3A_93, %le3A_95 : i1
    %ge3A_97 = arith.constant 3 : i32
    %ge3A_98 = arith.cmpi sge, %get3A_57, %ge3A_97 : i32
    %and3A_99 = arith.andi %and3A_96, %ge3A_98 : i1
    %convert_element_type3A_100 = arith.extui %and3A_99 : i1 to i32
    %cond3A_101 = arith.constant 0xFF800000 : f32
    %cond3A_102 = arith.constant 0 : i32
    %cond3A_103 = arith.cmpi ne, %convert_element_type3A_100, %cond3A_102 : i32
    scf.if %cond3A_103 {
      %eq3A_448 = arith.constant 3 : i32
      %eq3A_449 = vector.broadcast %eq3A_448 : i32 to vector<2000x1xi32>
      %eq3A_450 = arith.cmpi eq, %get3A_46, %eq3A_449 : vector<2000x1xi32>
      %broadcast_in_dim3A = vector.shape_cast %eq3A_450 : vector<2000x1xi1> to vector<2000x1xi1>
      %broadcast_in_dim3A_451 = vector.broadcast %broadcast_in_dim3A : vector<2000x1xi1> to vector<2000x256xi1>
      %broadcast_in_dim3A_452 = vector.broadcast %cond3A_101 : f32 to vector<2000x256xf32>
      %select_n3A = arith.select %broadcast_in_dim3A_451, %max3A_43, %broadcast_in_dim3A_452 : vector<2000x256xi1>, vector<2000x256xf32>
      %reduce_max3A = arith.constant dense<0xFF800000> : vector<256xf32>
      %reduce_max3A_453 = vector.multi_reduction <maximumf>, %select_n3A, %reduce_max3A [0] : vector<2000x256xf32> to vector<256xf32>
      %get3A_454 = arith.constant 0 : index
      %get3A_455 = arith.constant 3 : index
      %get3A_456 = arith.constant 0 : index
      %get3A_457 = vector.load %arg13[%get3A_454, %get3A_455, %get3A_456] : memref<2x16x256xf32, #tpu.memory_space<vmem>>, vector<1x1x256xf32>
      %get3A_458 = vector.shape_cast %get3A_457 : vector<1x1x256xf32> to vector<256xf32>
      %max3A_459 = arith.maximumf %get3A_458, %reduce_max3A_453 : vector<256xf32>
      %swap3A = arith.constant 0 : index
      %swap3A_460 = arith.constant 3 : index
      %swap3A_461 = arith.constant 0 : index
      %swap3A_462 = vector.load %arg13[%swap3A, %swap3A_460, %swap3A_461] : memref<2x16x256xf32, #tpu.memory_space<vmem>>, vector<1x1x256xf32>
      %swap3A_463 = vector.shape_cast %swap3A_462 : vector<1x1x256xf32> to vector<256xf32>
      %swap3A_464 = vector.shape_cast %max3A_459 : vector<256xf32> to vector<1x1x256xf32>
      tpu.vector_store %arg13[%swap3A, %swap3A_460, %swap3A_461], %swap3A_464 {strides = array<i32>} : memref<2x16x256xf32, #tpu.memory_space<vmem>>, vector<1x1x256xf32>,
    } else {
    }
    %eq3A_104 = arith.constant 0 : i32
    %eq3A_105 = arith.cmpi eq, %arg0, %eq3A_104 : i32
    %le3A_106 = arith.constant 4 : i32
    %le3A_107 = arith.cmpi sle, %get3A_54, %le3A_106 : i32
    %and3A_108 = arith.andi %eq3A_105, %le3A_107 : i1
    %ge3A_109 = arith.constant 4 : i32
    %ge3A_110 = arith.cmpi sge, %get3A_57, %ge3A_109 : i32
    %and3A_111 = arith.andi %and3A_108, %ge3A_110 : i1
    %convert_element_type3A_112 = arith.extui %and3A_111 : i1 to i32
    %cond3A_113 = arith.constant 0xFF800000 : f32
    %cond3A_114 = arith.constant 0 : i32
    %cond3A_115 = arith.cmpi ne, %convert_element_type3A_112, %cond3A_114 : i32
    scf.if %cond3A_115 {
      %eq3A_448 = arith.constant 4 : i32
      %eq3A_449 = vector.broadcast %eq3A_448 : i32 to vector<2000x1xi32>
      %eq3A_450 = arith.cmpi eq, %get3A_46, %eq3A_449 : vector<2000x1xi32>
      %broadcast_in_dim3A = vector.shape_cast %eq3A_450 : vector<2000x1xi1> to vector<2000x1xi1>
      %broadcast_in_dim3A_451 = vector.broadcast %broadcast_in_dim3A : vector<2000x1xi1> to vector<2000x256xi1>
      %broadcast_in_dim3A_452 = vector.broadcast %cond3A_113 : f32 to vector<2000x256xf32>
      %select_n3A = arith.select %broadcast_in_dim3A_451, %max3A_43, %broadcast_in_dim3A_452 : vector<2000x256xi1>, vector<2000x256xf32>
      %reduce_max3A = arith.constant dense<0xFF800000> : vector<256xf32>
      %reduce_max3A_453 = vector.multi_reduction <maximumf>, %select_n3A, %reduce_max3A [0] : vector<2000x256xf32> to vector<256xf32>
      %get3A_454 = arith.constant 0 : index
      %get3A_455 = arith.constant 4 : index
      %get3A_456 = arith.constant 0 : index
      %get3A_457 = vector.load %arg13[%get3A_454, %get3A_455, %get3A_456] : memref<2x16x256xf32, #tpu.memory_space<vmem>>, vector<1x1x256xf32>
      %get3A_458 = vector.shape_cast %get3A_457 : vector<1x1x256xf32> to vector<256xf32>
      %max3A_459 = arith.maximumf %get3A_458, %reduce_max3A_453 : vector<256xf32>
      %swap3A = arith.constant 0 : index
      %swap3A_460 = arith.constant 4 : index
      %swap3A_461 = arith.constant 0 : index
      %swap3A_462 = vector.load %arg13[%swap3A, %swap3A_460, %swap3A_461] : memref<2x16x256xf32, #tpu.memory_space<vmem>>, vector<1x1x256xf32>
      %swap3A_463 = vector.shape_cast %swap3A_462 : vector<1x1x256xf32> to vector<256xf32>
      %swap3A_464 = vector.shape_cast %max3A_459 : vector<256xf32> to vector<1x1x256xf32>
      tpu.vector_store %arg13[%swap3A, %swap3A_460, %swap3A_461], %swap3A_464 {strides = array<i32>} : memref<2x16x256xf32, #tpu.memory_space<vmem>>, vector<1x1x256xf32>,
    } else {
    }
    %eq3A_116 = arith.constant 0 : i32
    %eq3A_117 = arith.cmpi eq, %arg0, %eq3A_116 : i32
    %le3A_118 = arith.constant 5 : i32
    %le3A_119 = arith.cmpi sle, %get3A_54, %le3A_118 : i32
    %and3A_120 = arith.andi %eq3A_117, %le3A_119 : i1
    %ge3A_121 = arith.constant 5 : i32
    %ge3A_122 = arith.cmpi sge, %get3A_57, %ge3A_121 : i32
    %and3A_123 = arith.andi %and3A_120, %ge3A_122 : i1
    %convert_element_type3A_124 = arith.extui %and3A_123 : i1 to i32
    %cond3A_125 = arith.constant 0xFF800000 : f32
    %cond3A_126 = arith.constant 0 : i32
    %cond3A_127 = arith.cmpi ne, %convert_element_type3A_124, %cond3A_126 : i32
    scf.if %cond3A_127 {
      %eq3A_448 = arith.constant 5 : i32
      %eq3A_449 = vector.broadcast %eq3A_448 : i32 to vector<2000x1xi32>
      %eq3A_450 = arith.cmpi eq, %get3A_46, %eq3A_449 : vector<2000x1xi32>
      %broadcast_in_dim3A = vector.shape_cast %eq3A_450 : vector<2000x1xi1> to vector<2000x1xi1>
      %broadcast_in_dim3A_451 = vector.broadcast %broadcast_in_dim3A : vector<2000x1xi1> to vector<2000x256xi1>
      %broadcast_in_dim3A_452 = vector.broadcast %cond3A_125 : f32 to vector<2000x256xf32>
      %select_n3A = arith.select %broadcast_in_dim3A_451, %max3A_43, %broadcast_in_dim3A_452 : vector<2000x256xi1>, vector<2000x256xf32>
      %reduce_max3A = arith.constant dense<0xFF800000> : vector<256xf32>
      %reduce_max3A_453 = vector.multi_reduction <maximumf>, %select_n3A, %reduce_max3A [0] : vector<2000x256xf32> to vector<256xf32>
      %get3A_454 = arith.constant 0 : index
      %get3A_455 = arith.constant 5 : index
      %get3A_456 = arith.constant 0 : index
      %get3A_457 = vector.load %arg13[%get3A_454, %get3A_455, %get3A_456] : memref<2x16x256xf32, #tpu.memory_space<vmem>>, vector<1x1x256xf32>
      %get3A_458 = vector.shape_cast %get3A_457 : vector<1x1x256xf32> to vector<256xf32>
      %max3A_459 = arith.maximumf %get3A_458, %reduce_max3A_453 : vector<256xf32>
      %swap3A = arith.constant 0 : index
      %swap3A_460 = arith.constant 5 : index
      %swap3A_461 = arith.constant 0 : index
      %swap3A_462 = vector.load %arg13[%swap3A, %swap3A_460, %swap3A_461] : memref<2x16x256xf32, #tpu.memory_space<vmem>>, vector<1x1x256xf32>
      %swap3A_463 = vector.shape_cast %swap3A_462 : vector<1x1x256xf32> to vector<256xf32>
      %swap3A_464 = vector.shape_cast %max3A_459 : vector<256xf32> to vector<1x1x256xf32>
      tpu.vector_store %arg13[%swap3A, %swap3A_460, %swap3A_461], %swap3A_464 {strides = array<i32>} : memref<2x16x256xf32, #tpu.memory_space<vmem>>, vector<1x1x256xf32>,
    } else {
    }
    %eq3A_128 = arith.constant 0 : i32
    %eq3A_129 = arith.cmpi eq, %arg0, %eq3A_128 : i32
    %le3A_130 = arith.constant 6 : i32
    %le3A_131 = arith.cmpi sle, %get3A_54, %le3A_130 : i32
    %and3A_132 = arith.andi %eq3A_129, %le3A_131 : i1
    %ge3A_133 = arith.constant 6 : i32
    %ge3A_134 = arith.cmpi sge, %get3A_57, %ge3A_133 : i32
    %and3A_135 = arith.andi %and3A_132, %ge3A_134 : i1
    %convert_element_type3A_136 = arith.extui %and3A_135 : i1 to i32
    %cond3A_137 = arith.constant 0xFF800000 : f32
    %cond3A_138 = arith.constant 0 : i32
    %cond3A_139 = arith.cmpi ne, %convert_element_type3A_136, %cond3A_138 : i32
    scf.if %cond3A_139 {
      %eq3A_448 = arith.constant 6 : i32
      %eq3A_449 = vector.broadcast %eq3A_448 : i32 to vector<2000x1xi32>
      %eq3A_450 = arith.cmpi eq, %get3A_46, %eq3A_449 : vector<2000x1xi32>
      %broadcast_in_dim3A = vector.shape_cast %eq3A_450 : vector<2000x1xi1> to vector<2000x1xi1>
      %broadcast_in_dim3A_451 = vector.broadcast %broadcast_in_dim3A : vector<2000x1xi1> to vector<2000x256xi1>
      %broadcast_in_dim3A_452 = vector.broadcast %cond3A_137 : f32 to vector<2000x256xf32>
      %select_n3A = arith.select %broadcast_in_dim3A_451, %max3A_43, %broadcast_in_dim3A_452 : vector<2000x256xi1>, vector<2000x256xf32>
      %reduce_max3A = arith.constant dense<0xFF800000> : vector<256xf32>
      %reduce_max3A_453 = vector.multi_reduction <maximumf>, %select_n3A, %reduce_max3A [0] : vector<2000x256xf32> to vector<256xf32>
      %get3A_454 = arith.constant 0 : index
      %get3A_455 = arith.constant 6 : index
      %get3A_456 = arith.constant 0 : index
      %get3A_457 = vector.load %arg13[%get3A_454, %get3A_455, %get3A_456] : memref<2x16x256xf32, #tpu.memory_space<vmem>>, vector<1x1x256xf32>
      %get3A_458 = vector.shape_cast %get3A_457 : vector<1x1x256xf32> to vector<256xf32>
      %max3A_459 = arith.maximumf %get3A_458, %reduce_max3A_453 : vector<256xf32>
      %swap3A = arith.constant 0 : index
      %swap3A_460 = arith.constant 6 : index
      %swap3A_461 = arith.constant 0 : index
      %swap3A_462 = vector.load %arg13[%swap3A, %swap3A_460, %swap3A_461] : memref<2x16x256xf32, #tpu.memory_space<vmem>>, vector<1x1x256xf32>
      %swap3A_463 = vector.shape_cast %swap3A_462 : vector<1x1x256xf32> to vector<256xf32>
      %swap3A_464 = vector.shape_cast %max3A_459 : vector<256xf32> to vector<1x1x256xf32>
      tpu.vector_store %arg13[%swap3A, %swap3A_460, %swap3A_461], %swap3A_464 {strides = array<i32>} : memref<2x16x256xf32, #tpu.memory_space<vmem>>, vector<1x1x256xf32>,
    } else {
    }
    %eq3A_140 = arith.constant 0 : i32
    %eq3A_141 = arith.cmpi eq, %arg0, %eq3A_140 : i32
    %le3A_142 = arith.constant 7 : i32
    %le3A_143 = arith.cmpi sle, %get3A_54, %le3A_142 : i32
    %and3A_144 = arith.andi %eq3A_141, %le3A_143 : i1
    %ge3A_145 = arith.constant 7 : i32
    %ge3A_146 = arith.cmpi sge, %get3A_57, %ge3A_145 : i32
    %and3A_147 = arith.andi %and3A_144, %ge3A_146 : i1
    %convert_element_type3A_148 = arith.extui %and3A_147 : i1 to i32
    %cond3A_149 = arith.constant 0xFF800000 : f32
    %cond3A_150 = arith.constant 0 : i32
    %cond3A_151 = arith.cmpi ne, %convert_element_type3A_148, %cond3A_150 : i32
    scf.if %cond3A_151 {
      %eq3A_448 = arith.constant 7 : i32
      %eq3A_449 = vector.broadcast %eq3A_448 : i32 to vector<2000x1xi32>
      %eq3A_450 = arith.cmpi eq, %get3A_46, %eq3A_449 : vector<2000x1xi32>
      %broadcast_in_dim3A = vector.shape_cast %eq3A_450 : vector<2000x1xi1> to vector<2000x1xi1>
      %broadcast_in_dim3A_451 = vector.broadcast %broadcast_in_dim3A : vector<2000x1xi1> to vector<2000x256xi1>
      %broadcast_in_dim3A_452 = vector.broadcast %cond3A_149 : f32 to vector<2000x256xf32>
      %select_n3A = arith.select %broadcast_in_dim3A_451, %max3A_43, %broadcast_in_dim3A_452 : vector<2000x256xi1>, vector<2000x256xf32>
      %reduce_max3A = arith.constant dense<0xFF800000> : vector<256xf32>
      %reduce_max3A_453 = vector.multi_reduction <maximumf>, %select_n3A, %reduce_max3A [0] : vector<2000x256xf32> to vector<256xf32>
      %get3A_454 = arith.constant 0 : index
      %get3A_455 = arith.constant 7 : index
      %get3A_456 = arith.constant 0 : index
      %get3A_457 = vector.load %arg13[%get3A_454, %get3A_455, %get3A_456] : memref<2x16x256xf32, #tpu.memory_space<vmem>>, vector<1x1x256xf32>
      %get3A_458 = vector.shape_cast %get3A_457 : vector<1x1x256xf32> to vector<256xf32>
      %max3A_459 = arith.maximumf %get3A_458, %reduce_max3A_453 : vector<256xf32>
      %swap3A = arith.constant 0 : index
      %swap3A_460 = arith.constant 7 : index
      %swap3A_461 = arith.constant 0 : index
      %swap3A_462 = vector.load %arg13[%swap3A, %swap3A_460, %swap3A_461] : memref<2x16x256xf32, #tpu.memory_space<vmem>>, vector<1x1x256xf32>
      %swap3A_463 = vector.shape_cast %swap3A_462 : vector<1x1x256xf32> to vector<256xf32>
      %swap3A_464 = vector.shape_cast %max3A_459 : vector<256xf32> to vector<1x1x256xf32>
      tpu.vector_store %arg13[%swap3A, %swap3A_460, %swap3A_461], %swap3A_464 {strides = array<i32>} : memref<2x16x256xf32, #tpu.memory_space<vmem>>, vector<1x1x256xf32>,
    } else {
    }
    %eq3A_152 = arith.constant 0 : i32
    %eq3A_153 = arith.cmpi eq, %arg0, %eq3A_152 : i32
    %le3A_154 = arith.constant 8 : i32
    %le3A_155 = arith.cmpi sle, %get3A_54, %le3A_154 : i32
    %and3A_156 = arith.andi %eq3A_153, %le3A_155 : i1
    %ge3A_157 = arith.constant 8 : i32
    %ge3A_158 = arith.cmpi sge, %get3A_57, %ge3A_157 : i32
    %and3A_159 = arith.andi %and3A_156, %ge3A_158 : i1
    %convert_element_type3A_160 = arith.extui %and3A_159 : i1 to i32
    %cond3A_161 = arith.constant 0xFF800000 : f32
    %cond3A_162 = arith.constant 0 : i32
    %cond3A_163 = arith.cmpi ne, %convert_element_type3A_160, %cond3A_162 : i32
    scf.if %cond3A_163 {
      %eq3A_448 = arith.constant 8 : i32
      %eq3A_449 = vector.broadcast %eq3A_448 : i32 to vector<2000x1xi32>
      %eq3A_450 = arith.cmpi eq, %get3A_46, %eq3A_449 : vector<2000x1xi32>
      %broadcast_in_dim3A = vector.shape_cast %eq3A_450 : vector<2000x1xi1> to vector<2000x1xi1>
      %broadcast_in_dim3A_451 = vector.broadcast %broadcast_in_dim3A : vector<2000x1xi1> to vector<2000x256xi1>
      %broadcast_in_dim3A_452 = vector.broadcast %cond3A_161 : f32 to vector<2000x256xf32>
      %select_n3A = arith.select %broadcast_in_dim3A_451, %max3A_43, %broadcast_in_dim3A_452 : vector<2000x256xi1>, vector<2000x256xf32>
      %reduce_max3A = arith.constant dense<0xFF800000> : vector<256xf32>
      %reduce_max3A_453 = vector.multi_reduction <maximumf>, %select_n3A, %reduce_max3A [0] : vector<2000x256xf32> to vector<256xf32>
      %get3A_454 = arith.constant 0 : index
      %get3A_455 = arith.constant 8 : index
      %get3A_456 = arith.constant 0 : index
      %get3A_457 = vector.load %arg13[%get3A_454, %get3A_455, %get3A_456] : memref<2x16x256xf32, #tpu.memory_space<vmem>>, vector<1x1x256xf32>
      %get3A_458 = vector.shape_cast %get3A_457 : vector<1x1x256xf32> to vector<256xf32>
      %max3A_459 = arith.maximumf %get3A_458, %reduce_max3A_453 : vector<256xf32>
      %swap3A = arith.constant 0 : index
      %swap3A_460 = arith.constant 8 : index
      %swap3A_461 = arith.constant 0 : index
      %swap3A_462 = vector.load %arg13[%swap3A, %swap3A_460, %swap3A_461] : memref<2x16x256xf32, #tpu.memory_space<vmem>>, vector<1x1x256xf32>
      %swap3A_463 = vector.shape_cast %swap3A_462 : vector<1x1x256xf32> to vector<256xf32>
      %swap3A_464 = vector.shape_cast %max3A_459 : vector<256xf32> to vector<1x1x256xf32>
      tpu.vector_store %arg13[%swap3A, %swap3A_460, %swap3A_461], %swap3A_464 {strides = array<i32>} : memref<2x16x256xf32, #tpu.memory_space<vmem>>, vector<1x1x256xf32>,
    } else {
    }
    %eq3A_164 = arith.constant 0 : i32
    %eq3A_165 = arith.cmpi eq, %arg0, %eq3A_164 : i32
    %le3A_166 = arith.constant 9 : i32
    %le3A_167 = arith.cmpi sle, %get3A_54, %le3A_166 : i32
    %and3A_168 = arith.andi %eq3A_165, %le3A_167 : i1
    %ge3A_169 = arith.constant 9 : i32
    %ge3A_170 = arith.cmpi sge, %get3A_57, %ge3A_169 : i32
    %and3A_171 = arith.andi %and3A_168, %ge3A_170 : i1
    %convert_element_type3A_172 = arith.extui %and3A_171 : i1 to i32
    %cond3A_173 = arith.constant 0xFF800000 : f32
    %cond3A_174 = arith.constant 0 : i32
    %cond3A_175 = arith.cmpi ne, %convert_element_type3A_172, %cond3A_174 : i32
    scf.if %cond3A_175 {
      %eq3A_448 = arith.constant 9 : i32
      %eq3A_449 = vector.broadcast %eq3A_448 : i32 to vector<2000x1xi32>
      %eq3A_450 = arith.cmpi eq, %get3A_46, %eq3A_449 : vector<2000x1xi32>
      %broadcast_in_dim3A = vector.shape_cast %eq3A_450 : vector<2000x1xi1> to vector<2000x1xi1>
      %broadcast_in_dim3A_451 = vector.broadcast %broadcast_in_dim3A : vector<2000x1xi1> to vector<2000x256xi1>
      %broadcast_in_dim3A_452 = vector.broadcast %cond3A_173 : f32 to vector<2000x256xf32>
      %select_n3A = arith.select %broadcast_in_dim3A_451, %max3A_43, %broadcast_in_dim3A_452 : vector<2000x256xi1>, vector<2000x256xf32>
      %reduce_max3A = arith.constant dense<0xFF800000> : vector<256xf32>
      %reduce_max3A_453 = vector.multi_reduction <maximumf>, %select_n3A, %reduce_max3A [0] : vector<2000x256xf32> to vector<256xf32>
      %get3A_454 = arith.constant 0 : index
      %get3A_455 = arith.constant 9 : index
      %get3A_456 = arith.constant 0 : index
      %get3A_457 = vector.load %arg13[%get3A_454, %get3A_455, %get3A_456] : memref<2x16x256xf32, #tpu.memory_space<vmem>>, vector<1x1x256xf32>
      %get3A_458 = vector.shape_cast %get3A_457 : vector<1x1x256xf32> to vector<256xf32>
      %max3A_459 = arith.maximumf %get3A_458, %reduce_max3A_453 : vector<256xf32>
      %swap3A = arith.constant 0 : index
      %swap3A_460 = arith.constant 9 : index
      %swap3A_461 = arith.constant 0 : index
      %swap3A_462 = vector.load %arg13[%swap3A, %swap3A_460, %swap3A_461] : memref<2x16x256xf32, #tpu.memory_space<vmem>>, vector<1x1x256xf32>
      %swap3A_463 = vector.shape_cast %swap3A_462 : vector<1x1x256xf32> to vector<256xf32>
      %swap3A_464 = vector.shape_cast %max3A_459 : vector<256xf32> to vector<1x1x256xf32>
      tpu.vector_store %arg13[%swap3A, %swap3A_460, %swap3A_461], %swap3A_464 {strides = array<i32>} : memref<2x16x256xf32, #tpu.memory_space<vmem>>, vector<1x1x256xf32>,
    } else {
    }
    %eq3A_176 = arith.constant 0 : i32
    %eq3A_177 = arith.cmpi eq, %arg0, %eq3A_176 : i32
    %le3A_178 = arith.constant 10 : i32
    %le3A_179 = arith.cmpi sle, %get3A_54, %le3A_178 : i32
    %and3A_180 = arith.andi %eq3A_177, %le3A_179 : i1
    %ge3A_181 = arith.constant 10 : i32
    %ge3A_182 = arith.cmpi sge, %get3A_57, %ge3A_181 : i32
    %and3A_183 = arith.andi %and3A_180, %ge3A_182 : i1
    %convert_element_type3A_184 = arith.extui %and3A_183 : i1 to i32
    %cond3A_185 = arith.constant 0xFF800000 : f32
    %cond3A_186 = arith.constant 0 : i32
    %cond3A_187 = arith.cmpi ne, %convert_element_type3A_184, %cond3A_186 : i32
    scf.if %cond3A_187 {
      %eq3A_448 = arith.constant 10 : i32
      %eq3A_449 = vector.broadcast %eq3A_448 : i32 to vector<2000x1xi32>
      %eq3A_450 = arith.cmpi eq, %get3A_46, %eq3A_449 : vector<2000x1xi32>
      %broadcast_in_dim3A = vector.shape_cast %eq3A_450 : vector<2000x1xi1> to vector<2000x1xi1>
      %broadcast_in_dim3A_451 = vector.broadcast %broadcast_in_dim3A : vector<2000x1xi1> to vector<2000x256xi1>
      %broadcast_in_dim3A_452 = vector.broadcast %cond3A_185 : f32 to vector<2000x256xf32>
      %select_n3A = arith.select %broadcast_in_dim3A_451, %max3A_43, %broadcast_in_dim3A_452 : vector<2000x256xi1>, vector<2000x256xf32>
      %reduce_max3A = arith.constant dense<0xFF800000> : vector<256xf32>
      %reduce_max3A_453 = vector.multi_reduction <maximumf>, %select_n3A, %reduce_max3A [0] : vector<2000x256xf32> to vector<256xf32>
      %get3A_454 = arith.constant 0 : index
      %get3A_455 = arith.constant 10 : index
      %get3A_456 = arith.constant 0 : index
      %get3A_457 = vector.load %arg13[%get3A_454, %get3A_455, %get3A_456] : memref<2x16x256xf32, #tpu.memory_space<vmem>>, vector<1x1x256xf32>
      %get3A_458 = vector.shape_cast %get3A_457 : vector<1x1x256xf32> to vector<256xf32>
      %max3A_459 = arith.maximumf %get3A_458, %reduce_max3A_453 : vector<256xf32>
      %swap3A = arith.constant 0 : index
      %swap3A_460 = arith.constant 10 : index
      %swap3A_461 = arith.constant 0 : index
      %swap3A_462 = vector.load %arg13[%swap3A, %swap3A_460, %swap3A_461] : memref<2x16x256xf32, #tpu.memory_space<vmem>>, vector<1x1x256xf32>
      %swap3A_463 = vector.shape_cast %swap3A_462 : vector<1x1x256xf32> to vector<256xf32>
      %swap3A_464 = vector.shape_cast %max3A_459 : vector<256xf32> to vector<1x1x256xf32>
      tpu.vector_store %arg13[%swap3A, %swap3A_460, %swap3A_461], %swap3A_464 {strides = array<i32>} : memref<2x16x256xf32, #tpu.memory_space<vmem>>, vector<1x1x256xf32>,
    } else {
    }
    %eq3A_188 = arith.constant 0 : i32
    %eq3A_189 = arith.cmpi eq, %arg0, %eq3A_188 : i32
    %le3A_190 = arith.constant 11 : i32
    %le3A_191 = arith.cmpi sle, %get3A_54, %le3A_190 : i32
    %and3A_192 = arith.andi %eq3A_189, %le3A_191 : i1
    %ge3A_193 = arith.constant 11 : i32
    %ge3A_194 = arith.cmpi sge, %get3A_57, %ge3A_193 : i32
    %and3A_195 = arith.andi %and3A_192, %ge3A_194 : i1
    %convert_element_type3A_196 = arith.extui %and3A_195 : i1 to i32
    %cond3A_197 = arith.constant 0xFF800000 : f32
    %cond3A_198 = arith.constant 0 : i32
    %cond3A_199 = arith.cmpi ne, %convert_element_type3A_196, %cond3A_198 : i32
    scf.if %cond3A_199 {
      %eq3A_448 = arith.constant 11 : i32
      %eq3A_449 = vector.broadcast %eq3A_448 : i32 to vector<2000x1xi32>
      %eq3A_450 = arith.cmpi eq, %get3A_46, %eq3A_449 : vector<2000x1xi32>
      %broadcast_in_dim3A = vector.shape_cast %eq3A_450 : vector<2000x1xi1> to vector<2000x1xi1>
      %broadcast_in_dim3A_451 = vector.broadcast %broadcast_in_dim3A : vector<2000x1xi1> to vector<2000x256xi1>
      %broadcast_in_dim3A_452 = vector.broadcast %cond3A_197 : f32 to vector<2000x256xf32>
      %select_n3A = arith.select %broadcast_in_dim3A_451, %max3A_43, %broadcast_in_dim3A_452 : vector<2000x256xi1>, vector<2000x256xf32>
      %reduce_max3A = arith.constant dense<0xFF800000> : vector<256xf32>
      %reduce_max3A_453 = vector.multi_reduction <maximumf>, %select_n3A, %reduce_max3A [0] : vector<2000x256xf32> to vector<256xf32>
      %get3A_454 = arith.constant 0 : index
      %get3A_455 = arith.constant 11 : index
      %get3A_456 = arith.constant 0 : index
      %get3A_457 = vector.load %arg13[%get3A_454, %get3A_455, %get3A_456] : memref<2x16x256xf32, #tpu.memory_space<vmem>>, vector<1x1x256xf32>
      %get3A_458 = vector.shape_cast %get3A_457 : vector<1x1x256xf32> to vector<256xf32>
      %max3A_459 = arith.maximumf %get3A_458, %reduce_max3A_453 : vector<256xf32>
      %swap3A = arith.constant 0 : index
      %swap3A_460 = arith.constant 11 : index
      %swap3A_461 = arith.constant 0 : index
      %swap3A_462 = vector.load %arg13[%swap3A, %swap3A_460, %swap3A_461] : memref<2x16x256xf32, #tpu.memory_space<vmem>>, vector<1x1x256xf32>
      %swap3A_463 = vector.shape_cast %swap3A_462 : vector<1x1x256xf32> to vector<256xf32>
      %swap3A_464 = vector.shape_cast %max3A_459 : vector<256xf32> to vector<1x1x256xf32>
      tpu.vector_store %arg13[%swap3A, %swap3A_460, %swap3A_461], %swap3A_464 {strides = array<i32>} : memref<2x16x256xf32, #tpu.memory_space<vmem>>, vector<1x1x256xf32>,
    } else {
    }
    %eq3A_200 = arith.constant 0 : i32
    %eq3A_201 = arith.cmpi eq, %arg0, %eq3A_200 : i32
    %le3A_202 = arith.constant 12 : i32
    %le3A_203 = arith.cmpi sle, %get3A_54, %le3A_202 : i32
    %and3A_204 = arith.andi %eq3A_201, %le3A_203 : i1
    %ge3A_205 = arith.constant 12 : i32
    %ge3A_206 = arith.cmpi sge, %get3A_57, %ge3A_205 : i32
    %and3A_207 = arith.andi %and3A_204, %ge3A_206 : i1
    %convert_element_type3A_208 = arith.extui %and3A_207 : i1 to i32
    %cond3A_209 = arith.constant 0xFF800000 : f32
    %cond3A_210 = arith.constant 0 : i32
    %cond3A_211 = arith.cmpi ne, %convert_element_type3A_208, %cond3A_210 : i32
    scf.if %cond3A_211 {
      %eq3A_448 = arith.constant 12 : i32
      %eq3A_449 = vector.broadcast %eq3A_448 : i32 to vector<2000x1xi32>
      %eq3A_450 = arith.cmpi eq, %get3A_46, %eq3A_449 : vector<2000x1xi32>
      %broadcast_in_dim3A = vector.shape_cast %eq3A_450 : vector<2000x1xi1> to vector<2000x1xi1>
      %broadcast_in_dim3A_451 = vector.broadcast %broadcast_in_dim3A : vector<2000x1xi1> to vector<2000x256xi1>
      %broadcast_in_dim3A_452 = vector.broadcast %cond3A_209 : f32 to vector<2000x256xf32>
      %select_n3A = arith.select %broadcast_in_dim3A_451, %max3A_43, %broadcast_in_dim3A_452 : vector<2000x256xi1>, vector<2000x256xf32>
      %reduce_max3A = arith.constant dense<0xFF800000> : vector<256xf32>
      %reduce_max3A_453 = vector.multi_reduction <maximumf>, %select_n3A, %reduce_max3A [0] : vector<2000x256xf32> to vector<256xf32>
      %get3A_454 = arith.constant 0 : index
      %get3A_455 = arith.constant 12 : index
      %get3A_456 = arith.constant 0 : index
      %get3A_457 = vector.load %arg13[%get3A_454, %get3A_455, %get3A_456] : memref<2x16x256xf32, #tpu.memory_space<vmem>>, vector<1x1x256xf32>
      %get3A_458 = vector.shape_cast %get3A_457 : vector<1x1x256xf32> to vector<256xf32>
      %max3A_459 = arith.maximumf %get3A_458, %reduce_max3A_453 : vector<256xf32>
      %swap3A = arith.constant 0 : index
      %swap3A_460 = arith.constant 12 : index
      %swap3A_461 = arith.constant 0 : index
      %swap3A_462 = vector.load %arg13[%swap3A, %swap3A_460, %swap3A_461] : memref<2x16x256xf32, #tpu.memory_space<vmem>>, vector<1x1x256xf32>
      %swap3A_463 = vector.shape_cast %swap3A_462 : vector<1x1x256xf32> to vector<256xf32>
      %swap3A_464 = vector.shape_cast %max3A_459 : vector<256xf32> to vector<1x1x256xf32>
      tpu.vector_store %arg13[%swap3A, %swap3A_460, %swap3A_461], %swap3A_464 {strides = array<i32>} : memref<2x16x256xf32, #tpu.memory_space<vmem>>, vector<1x1x256xf32>,
    } else {
    }
    %eq3A_212 = arith.constant 0 : i32
    %eq3A_213 = arith.cmpi eq, %arg0, %eq3A_212 : i32
    %le3A_214 = arith.constant 13 : i32
    %le3A_215 = arith.cmpi sle, %get3A_54, %le3A_214 : i32
    %and3A_216 = arith.andi %eq3A_213, %le3A_215 : i1
    %ge3A_217 = arith.constant 13 : i32
    %ge3A_218 = arith.cmpi sge, %get3A_57, %ge3A_217 : i32
    %and3A_219 = arith.andi %and3A_216, %ge3A_218 : i1
    %convert_element_type3A_220 = arith.extui %and3A_219 : i1 to i32
    %cond3A_221 = arith.constant 0xFF800000 : f32
    %cond3A_222 = arith.constant 0 : i32
    %cond3A_223 = arith.cmpi ne, %convert_element_type3A_220, %cond3A_222 : i32
    scf.if %cond3A_223 {
      %eq3A_448 = arith.constant 13 : i32
      %eq3A_449 = vector.broadcast %eq3A_448 : i32 to vector<2000x1xi32>
      %eq3A_450 = arith.cmpi eq, %get3A_46, %eq3A_449 : vector<2000x1xi32>
      %broadcast_in_dim3A = vector.shape_cast %eq3A_450 : vector<2000x1xi1> to vector<2000x1xi1>
      %broadcast_in_dim3A_451 = vector.broadcast %broadcast_in_dim3A : vector<2000x1xi1> to vector<2000x256xi1>
      %broadcast_in_dim3A_452 = vector.broadcast %cond3A_221 : f32 to vector<2000x256xf32>
      %select_n3A = arith.select %broadcast_in_dim3A_451, %max3A_43, %broadcast_in_dim3A_452 : vector<2000x256xi1>, vector<2000x256xf32>
      %reduce_max3A = arith.constant dense<0xFF800000> : vector<256xf32>
      %reduce_max3A_453 = vector.multi_reduction <maximumf>, %select_n3A, %reduce_max3A [0] : vector<2000x256xf32> to vector<256xf32>
      %get3A_454 = arith.constant 0 : index
      %get3A_455 = arith.constant 13 : index
      %get3A_456 = arith.constant 0 : index
      %get3A_457 = vector.load %arg13[%get3A_454, %get3A_455, %get3A_456] : memref<2x16x256xf32, #tpu.memory_space<vmem>>, vector<1x1x256xf32>
      %get3A_458 = vector.shape_cast %get3A_457 : vector<1x1x256xf32> to vector<256xf32>
      %max3A_459 = arith.maximumf %get3A_458, %reduce_max3A_453 : vector<256xf32>
      %swap3A = arith.constant 0 : index
      %swap3A_460 = arith.constant 13 : index
      %swap3A_461 = arith.constant 0 : index
      %swap3A_462 = vector.load %arg13[%swap3A, %swap3A_460, %swap3A_461] : memref<2x16x256xf32, #tpu.memory_space<vmem>>, vector<1x1x256xf32>
      %swap3A_463 = vector.shape_cast %swap3A_462 : vector<1x1x256xf32> to vector<256xf32>
      %swap3A_464 = vector.shape_cast %max3A_459 : vector<256xf32> to vector<1x1x256xf32>
      tpu.vector_store %arg13[%swap3A, %swap3A_460, %swap3A_461], %swap3A_464 {strides = array<i32>} : memref<2x16x256xf32, #tpu.memory_space<vmem>>, vector<1x1x256xf32>,
    } else {
    }
    %eq3A_224 = arith.constant 0 : i32
    %eq3A_225 = arith.cmpi eq, %arg0, %eq3A_224 : i32
    %le3A_226 = arith.constant 14 : i32
    %le3A_227 = arith.cmpi sle, %get3A_54, %le3A_226 : i32
    %and3A_228 = arith.andi %eq3A_225, %le3A_227 : i1
    %ge3A_229 = arith.constant 14 : i32
    %ge3A_230 = arith.cmpi sge, %get3A_57, %ge3A_229 : i32
    %and3A_231 = arith.andi %and3A_228, %ge3A_230 : i1
    %convert_element_type3A_232 = arith.extui %and3A_231 : i1 to i32
    %cond3A_233 = arith.constant 0xFF800000 : f32
    %cond3A_234 = arith.constant 0 : i32
    %cond3A_235 = arith.cmpi ne, %convert_element_type3A_232, %cond3A_234 : i32
    scf.if %cond3A_235 {
      %eq3A_448 = arith.constant 14 : i32
      %eq3A_449 = vector.broadcast %eq3A_448 : i32 to vector<2000x1xi32>
      %eq3A_450 = arith.cmpi eq, %get3A_46, %eq3A_449 : vector<2000x1xi32>
      %broadcast_in_dim3A = vector.shape_cast %eq3A_450 : vector<2000x1xi1> to vector<2000x1xi1>
      %broadcast_in_dim3A_451 = vector.broadcast %broadcast_in_dim3A : vector<2000x1xi1> to vector<2000x256xi1>
      %broadcast_in_dim3A_452 = vector.broadcast %cond3A_233 : f32 to vector<2000x256xf32>
      %select_n3A = arith.select %broadcast_in_dim3A_451, %max3A_43, %broadcast_in_dim3A_452 : vector<2000x256xi1>, vector<2000x256xf32>
      %reduce_max3A = arith.constant dense<0xFF800000> : vector<256xf32>
      %reduce_max3A_453 = vector.multi_reduction <maximumf>, %select_n3A, %reduce_max3A [0] : vector<2000x256xf32> to vector<256xf32>
      %get3A_454 = arith.constant 0 : index
      %get3A_455 = arith.constant 14 : index
      %get3A_456 = arith.constant 0 : index
      %get3A_457 = vector.load %arg13[%get3A_454, %get3A_455, %get3A_456] : memref<2x16x256xf32, #tpu.memory_space<vmem>>, vector<1x1x256xf32>
      %get3A_458 = vector.shape_cast %get3A_457 : vector<1x1x256xf32> to vector<256xf32>
      %max3A_459 = arith.maximumf %get3A_458, %reduce_max3A_453 : vector<256xf32>
      %swap3A = arith.constant 0 : index
      %swap3A_460 = arith.constant 14 : index
      %swap3A_461 = arith.constant 0 : index
      %swap3A_462 = vector.load %arg13[%swap3A, %swap3A_460, %swap3A_461] : memref<2x16x256xf32, #tpu.memory_space<vmem>>, vector<1x1x256xf32>
      %swap3A_463 = vector.shape_cast %swap3A_462 : vector<1x1x256xf32> to vector<256xf32>
      %swap3A_464 = vector.shape_cast %max3A_459 : vector<256xf32> to vector<1x1x256xf32>
      tpu.vector_store %arg13[%swap3A, %swap3A_460, %swap3A_461], %swap3A_464 {strides = array<i32>} : memref<2x16x256xf32, #tpu.memory_space<vmem>>, vector<1x1x256xf32>,
    } else {
    }
    %eq3A_236 = arith.constant 0 : i32
    %eq3A_237 = arith.cmpi eq, %arg0, %eq3A_236 : i32
    %le3A_238 = arith.constant 15 : i32
    %le3A_239 = arith.cmpi sle, %get3A_54, %le3A_238 : i32
    %and3A_240 = arith.andi %eq3A_237, %le3A_239 : i1
    %ge3A_241 = arith.constant 15 : i32
    %ge3A_242 = arith.cmpi sge, %get3A_57, %ge3A_241 : i32
    %and3A_243 = arith.andi %and3A_240, %ge3A_242 : i1
    %convert_element_type3A_244 = arith.extui %and3A_243 : i1 to i32
    %cond3A_245 = arith.constant 0xFF800000 : f32
    %cond3A_246 = arith.constant 0 : i32
    %cond3A_247 = arith.cmpi ne, %convert_element_type3A_244, %cond3A_246 : i32
    scf.if %cond3A_247 {
      %eq3A_448 = arith.constant 15 : i32
      %eq3A_449 = vector.broadcast %eq3A_448 : i32 to vector<2000x1xi32>
      %eq3A_450 = arith.cmpi eq, %get3A_46, %eq3A_449 : vector<2000x1xi32>
      %broadcast_in_dim3A = vector.shape_cast %eq3A_450 : vector<2000x1xi1> to vector<2000x1xi1>
      %broadcast_in_dim3A_451 = vector.broadcast %broadcast_in_dim3A : vector<2000x1xi1> to vector<2000x256xi1>
      %broadcast_in_dim3A_452 = vector.broadcast %cond3A_245 : f32 to vector<2000x256xf32>
      %select_n3A = arith.select %broadcast_in_dim3A_451, %max3A_43, %broadcast_in_dim3A_452 : vector<2000x256xi1>, vector<2000x256xf32>
      %reduce_max3A = arith.constant dense<0xFF800000> : vector<256xf32>
      %reduce_max3A_453 = vector.multi_reduction <maximumf>, %select_n3A, %reduce_max3A [0] : vector<2000x256xf32> to vector<256xf32>
      %get3A_454 = arith.constant 0 : index
      %get3A_455 = arith.constant 15 : index
      %get3A_456 = arith.constant 0 : index
      %get3A_457 = vector.load %arg13[%get3A_454, %get3A_455, %get3A_456] : memref<2x16x256xf32, #tpu.memory_space<vmem>>, vector<1x1x256xf32>
      %get3A_458 = vector.shape_cast %get3A_457 : vector<1x1x256xf32> to vector<256xf32>
      %max3A_459 = arith.maximumf %get3A_458, %reduce_max3A_453 : vector<256xf32>
      %swap3A = arith.constant 0 : index
      %swap3A_460 = arith.constant 15 : index
      %swap3A_461 = arith.constant 0 : index
      %swap3A_462 = vector.load %arg13[%swap3A, %swap3A_460, %swap3A_461] : memref<2x16x256xf32, #tpu.memory_space<vmem>>, vector<1x1x256xf32>
      %swap3A_463 = vector.shape_cast %swap3A_462 : vector<1x1x256xf32> to vector<256xf32>
      %swap3A_464 = vector.shape_cast %max3A_459 : vector<256xf32> to vector<1x1x256xf32>
      tpu.vector_store %arg13[%swap3A, %swap3A_460, %swap3A_461], %swap3A_464 {strides = array<i32>} : memref<2x16x256xf32, #tpu.memory_space<vmem>>, vector<1x1x256xf32>,
    } else {
    }
    %eq3A_248 = arith.constant 1 : i32
    %eq3A_249 = arith.cmpi eq, %arg0, %eq3A_248 : i32
    %le3A_250 = arith.constant 0 : i32
    %le3A_251 = arith.cmpi sle, %get3A_54, %le3A_250 : i32
    %and3A_252 = arith.andi %eq3A_249, %le3A_251 : i1
    %ge3A_253 = arith.constant 0 : i32
    %ge3A_254 = arith.cmpi sge, %get3A_57, %ge3A_253 : i32
    %and3A_255 = arith.andi %and3A_252, %ge3A_254 : i1
    %convert_element_type3A_256 = arith.extui %and3A_255 : i1 to i32
    %cond3A_257 = arith.constant 0xFF800000 : f32
    %cond3A_258 = arith.constant 0 : i32
    %cond3A_259 = arith.cmpi ne, %convert_element_type3A_256, %cond3A_258 : i32
    scf.if %cond3A_259 {
      %eq3A_448 = arith.constant 0 : i32
      %eq3A_449 = vector.broadcast %eq3A_448 : i32 to vector<2000x1xi32>
      %eq3A_450 = arith.cmpi eq, %get3A_46, %eq3A_449 : vector<2000x1xi32>
      %broadcast_in_dim3A = vector.shape_cast %eq3A_450 : vector<2000x1xi1> to vector<2000x1xi1>
      %broadcast_in_dim3A_451 = vector.broadcast %broadcast_in_dim3A : vector<2000x1xi1> to vector<2000x256xi1>
      %broadcast_in_dim3A_452 = vector.broadcast %cond3A_257 : f32 to vector<2000x256xf32>
      %select_n3A = arith.select %broadcast_in_dim3A_451, %max3A_43, %broadcast_in_dim3A_452 : vector<2000x256xi1>, vector<2000x256xf32>
      %reduce_max3A = arith.constant dense<0xFF800000> : vector<256xf32>
      %reduce_max3A_453 = vector.multi_reduction <maximumf>, %select_n3A, %reduce_max3A [0] : vector<2000x256xf32> to vector<256xf32>
      %get3A_454 = arith.constant 1 : index
      %get3A_455 = arith.constant 0 : index
      %get3A_456 = arith.constant 0 : index
      %get3A_457 = vector.load %arg13[%get3A_454, %get3A_455, %get3A_456] : memref<2x16x256xf32, #tpu.memory_space<vmem>>, vector<1x1x256xf32>
      %get3A_458 = vector.shape_cast %get3A_457 : vector<1x1x256xf32> to vector<256xf32>
      %max3A_459 = arith.maximumf %get3A_458, %reduce_max3A_453 : vector<256xf32>
      %swap3A = arith.constant 1 : index
      %swap3A_460 = arith.constant 0 : index
      %swap3A_461 = arith.constant 0 : index
      %swap3A_462 = vector.load %arg13[%swap3A, %swap3A_460, %swap3A_461] : memref<2x16x256xf32, #tpu.memory_space<vmem>>, vector<1x1x256xf32>
      %swap3A_463 = vector.shape_cast %swap3A_462 : vector<1x1x256xf32> to vector<256xf32>
      %swap3A_464 = vector.shape_cast %max3A_459 : vector<256xf32> to vector<1x1x256xf32>
      tpu.vector_store %arg13[%swap3A, %swap3A_460, %swap3A_461], %swap3A_464 {strides = array<i32>} : memref<2x16x256xf32, #tpu.memory_space<vmem>>, vector<1x1x256xf32>,
    } else {
    }
    %eq3A_260 = arith.constant 1 : i32
    %eq3A_261 = arith.cmpi eq, %arg0, %eq3A_260 : i32
    %le3A_262 = arith.constant 1 : i32
    %le3A_263 = arith.cmpi sle, %get3A_54, %le3A_262 : i32
    %and3A_264 = arith.andi %eq3A_261, %le3A_263 : i1
    %ge3A_265 = arith.constant 1 : i32
    %ge3A_266 = arith.cmpi sge, %get3A_57, %ge3A_265 : i32
    %and3A_267 = arith.andi %and3A_264, %ge3A_266 : i1
    %convert_element_type3A_268 = arith.extui %and3A_267 : i1 to i32
    %cond3A_269 = arith.constant 0xFF800000 : f32
    %cond3A_270 = arith.constant 0 : i32
    %cond3A_271 = arith.cmpi ne, %convert_element_type3A_268, %cond3A_270 : i32
    scf.if %cond3A_271 {
      %eq3A_448 = arith.constant 1 : i32
      %eq3A_449 = vector.broadcast %eq3A_448 : i32 to vector<2000x1xi32>
      %eq3A_450 = arith.cmpi eq, %get3A_46, %eq3A_449 : vector<2000x1xi32>
      %broadcast_in_dim3A = vector.shape_cast %eq3A_450 : vector<2000x1xi1> to vector<2000x1xi1>
      %broadcast_in_dim3A_451 = vector.broadcast %broadcast_in_dim3A : vector<2000x1xi1> to vector<2000x256xi1>
      %broadcast_in_dim3A_452 = vector.broadcast %cond3A_269 : f32 to vector<2000x256xf32>
      %select_n3A = arith.select %broadcast_in_dim3A_451, %max3A_43, %broadcast_in_dim3A_452 : vector<2000x256xi1>, vector<2000x256xf32>
      %reduce_max3A = arith.constant dense<0xFF800000> : vector<256xf32>
      %reduce_max3A_453 = vector.multi_reduction <maximumf>, %select_n3A, %reduce_max3A [0] : vector<2000x256xf32> to vector<256xf32>
      %get3A_454 = arith.constant 1 : index
      %get3A_455 = arith.constant 1 : index
      %get3A_456 = arith.constant 0 : index
      %get3A_457 = vector.load %arg13[%get3A_454, %get3A_455, %get3A_456] : memref<2x16x256xf32, #tpu.memory_space<vmem>>, vector<1x1x256xf32>
      %get3A_458 = vector.shape_cast %get3A_457 : vector<1x1x256xf32> to vector<256xf32>
      %max3A_459 = arith.maximumf %get3A_458, %reduce_max3A_453 : vector<256xf32>
      %swap3A = arith.constant 1 : index
      %swap3A_460 = arith.constant 1 : index
      %swap3A_461 = arith.constant 0 : index
      %swap3A_462 = vector.load %arg13[%swap3A, %swap3A_460, %swap3A_461] : memref<2x16x256xf32, #tpu.memory_space<vmem>>, vector<1x1x256xf32>
      %swap3A_463 = vector.shape_cast %swap3A_462 : vector<1x1x256xf32> to vector<256xf32>
      %swap3A_464 = vector.shape_cast %max3A_459 : vector<256xf32> to vector<1x1x256xf32>
      tpu.vector_store %arg13[%swap3A, %swap3A_460, %swap3A_461], %swap3A_464 {strides = array<i32>} : memref<2x16x256xf32, #tpu.memory_space<vmem>>, vector<1x1x256xf32>,
    } else {
    }
    %eq3A_272 = arith.constant 1 : i32
    %eq3A_273 = arith.cmpi eq, %arg0, %eq3A_272 : i32
    %le3A_274 = arith.constant 2 : i32
    %le3A_275 = arith.cmpi sle, %get3A_54, %le3A_274 : i32
    %and3A_276 = arith.andi %eq3A_273, %le3A_275 : i1
    %ge3A_277 = arith.constant 2 : i32
    %ge3A_278 = arith.cmpi sge, %get3A_57, %ge3A_277 : i32
    %and3A_279 = arith.andi %and3A_276, %ge3A_278 : i1
    %convert_element_type3A_280 = arith.extui %and3A_279 : i1 to i32
    %cond3A_281 = arith.constant 0xFF800000 : f32
    %cond3A_282 = arith.constant 0 : i32
    %cond3A_283 = arith.cmpi ne, %convert_element_type3A_280, %cond3A_282 : i32
    scf.if %cond3A_283 {
      %eq3A_448 = arith.constant 2 : i32
      %eq3A_449 = vector.broadcast %eq3A_448 : i32 to vector<2000x1xi32>
      %eq3A_450 = arith.cmpi eq, %get3A_46, %eq3A_449 : vector<2000x1xi32>
      %broadcast_in_dim3A = vector.shape_cast %eq3A_450 : vector<2000x1xi1> to vector<2000x1xi1>
      %broadcast_in_dim3A_451 = vector.broadcast %broadcast_in_dim3A : vector<2000x1xi1> to vector<2000x256xi1>
      %broadcast_in_dim3A_452 = vector.broadcast %cond3A_281 : f32 to vector<2000x256xf32>
      %select_n3A = arith.select %broadcast_in_dim3A_451, %max3A_43, %broadcast_in_dim3A_452 : vector<2000x256xi1>, vector<2000x256xf32>
      %reduce_max3A = arith.constant dense<0xFF800000> : vector<256xf32>
      %reduce_max3A_453 = vector.multi_reduction <maximumf>, %select_n3A, %reduce_max3A [0] : vector<2000x256xf32> to vector<256xf32>
      %get3A_454 = arith.constant 1 : index
      %get3A_455 = arith.constant 2 : index
      %get3A_456 = arith.constant 0 : index
      %get3A_457 = vector.load %arg13[%get3A_454, %get3A_455, %get3A_456] : memref<2x16x256xf32, #tpu.memory_space<vmem>>, vector<1x1x256xf32>
      %get3A_458 = vector.shape_cast %get3A_457 : vector<1x1x256xf32> to vector<256xf32>
      %max3A_459 = arith.maximumf %get3A_458, %reduce_max3A_453 : vector<256xf32>
      %swap3A = arith.constant 1 : index
      %swap3A_460 = arith.constant 2 : index
      %swap3A_461 = arith.constant 0 : index
      %swap3A_462 = vector.load %arg13[%swap3A, %swap3A_460, %swap3A_461] : memref<2x16x256xf32, #tpu.memory_space<vmem>>, vector<1x1x256xf32>
      %swap3A_463 = vector.shape_cast %swap3A_462 : vector<1x1x256xf32> to vector<256xf32>
      %swap3A_464 = vector.shape_cast %max3A_459 : vector<256xf32> to vector<1x1x256xf32>
      tpu.vector_store %arg13[%swap3A, %swap3A_460, %swap3A_461], %swap3A_464 {strides = array<i32>} : memref<2x16x256xf32, #tpu.memory_space<vmem>>, vector<1x1x256xf32>,
    } else {
    }
    %eq3A_284 = arith.constant 1 : i32
    %eq3A_285 = arith.cmpi eq, %arg0, %eq3A_284 : i32
    %le3A_286 = arith.constant 3 : i32
    %le3A_287 = arith.cmpi sle, %get3A_54, %le3A_286 : i32
    %and3A_288 = arith.andi %eq3A_285, %le3A_287 : i1
    %ge3A_289 = arith.constant 3 : i32
    %ge3A_290 = arith.cmpi sge, %get3A_57, %ge3A_289 : i32
    %and3A_291 = arith.andi %and3A_288, %ge3A_290 : i1
    %convert_element_type3A_292 = arith.extui %and3A_291 : i1 to i32
    %cond3A_293 = arith.constant 0xFF800000 : f32
    %cond3A_294 = arith.constant 0 : i32
    %cond3A_295 = arith.cmpi ne, %convert_element_type3A_292, %cond3A_294 : i32
    scf.if %cond3A_295 {
      %eq3A_448 = arith.constant 3 : i32
      %eq3A_449 = vector.broadcast %eq3A_448 : i32 to vector<2000x1xi32>
      %eq3A_450 = arith.cmpi eq, %get3A_46, %eq3A_449 : vector<2000x1xi32>
      %broadcast_in_dim3A = vector.shape_cast %eq3A_450 : vector<2000x1xi1> to vector<2000x1xi1>
      %broadcast_in_dim3A_451 = vector.broadcast %broadcast_in_dim3A : vector<2000x1xi1> to vector<2000x256xi1>
      %broadcast_in_dim3A_452 = vector.broadcast %cond3A_293 : f32 to vector<2000x256xf32>
      %select_n3A = arith.select %broadcast_in_dim3A_451, %max3A_43, %broadcast_in_dim3A_452 : vector<2000x256xi1>, vector<2000x256xf32>
      %reduce_max3A = arith.constant dense<0xFF800000> : vector<256xf32>
      %reduce_max3A_453 = vector.multi_reduction <maximumf>, %select_n3A, %reduce_max3A [0] : vector<2000x256xf32> to vector<256xf32>
      %get3A_454 = arith.constant 1 : index
      %get3A_455 = arith.constant 3 : index
      %get3A_456 = arith.constant 0 : index
      %get3A_457 = vector.load %arg13[%get3A_454, %get3A_455, %get3A_456] : memref<2x16x256xf32, #tpu.memory_space<vmem>>, vector<1x1x256xf32>
      %get3A_458 = vector.shape_cast %get3A_457 : vector<1x1x256xf32> to vector<256xf32>
      %max3A_459 = arith.maximumf %get3A_458, %reduce_max3A_453 : vector<256xf32>
      %swap3A = arith.constant 1 : index
      %swap3A_460 = arith.constant 3 : index
      %swap3A_461 = arith.constant 0 : index
      %swap3A_462 = vector.load %arg13[%swap3A, %swap3A_460, %swap3A_461] : memref<2x16x256xf32, #tpu.memory_space<vmem>>, vector<1x1x256xf32>
      %swap3A_463 = vector.shape_cast %swap3A_462 : vector<1x1x256xf32> to vector<256xf32>
      %swap3A_464 = vector.shape_cast %max3A_459 : vector<256xf32> to vector<1x1x256xf32>
      tpu.vector_store %arg13[%swap3A, %swap3A_460, %swap3A_461], %swap3A_464 {strides = array<i32>} : memref<2x16x256xf32, #tpu.memory_space<vmem>>, vector<1x1x256xf32>,
    } else {
    }
    %eq3A_296 = arith.constant 1 : i32
    %eq3A_297 = arith.cmpi eq, %arg0, %eq3A_296 : i32
    %le3A_298 = arith.constant 4 : i32
    %le3A_299 = arith.cmpi sle, %get3A_54, %le3A_298 : i32
    %and3A_300 = arith.andi %eq3A_297, %le3A_299 : i1
    %ge3A_301 = arith.constant 4 : i32
    %ge3A_302 = arith.cmpi sge, %get3A_57, %ge3A_301 : i32
    %and3A_303 = arith.andi %and3A_300, %ge3A_302 : i1
    %convert_element_type3A_304 = arith.extui %and3A_303 : i1 to i32
    %cond3A_305 = arith.constant 0xFF800000 : f32
    %cond3A_306 = arith.constant 0 : i32
    %cond3A_307 = arith.cmpi ne, %convert_element_type3A_304, %cond3A_306 : i32
    scf.if %cond3A_307 {
      %eq3A_448 = arith.constant 4 : i32
      %eq3A_449 = vector.broadcast %eq3A_448 : i32 to vector<2000x1xi32>
      %eq3A_450 = arith.cmpi eq, %get3A_46, %eq3A_449 : vector<2000x1xi32>
      %broadcast_in_dim3A = vector.shape_cast %eq3A_450 : vector<2000x1xi1> to vector<2000x1xi1>
      %broadcast_in_dim3A_451 = vector.broadcast %broadcast_in_dim3A : vector<2000x1xi1> to vector<2000x256xi1>
      %broadcast_in_dim3A_452 = vector.broadcast %cond3A_305 : f32 to vector<2000x256xf32>
      %select_n3A = arith.select %broadcast_in_dim3A_451, %max3A_43, %broadcast_in_dim3A_452 : vector<2000x256xi1>, vector<2000x256xf32>
      %reduce_max3A = arith.constant dense<0xFF800000> : vector<256xf32>
      %reduce_max3A_453 = vector.multi_reduction <maximumf>, %select_n3A, %reduce_max3A [0] : vector<2000x256xf32> to vector<256xf32>
      %get3A_454 = arith.constant 1 : index
      %get3A_455 = arith.constant 4 : index
      %get3A_456 = arith.constant 0 : index
      %get3A_457 = vector.load %arg13[%get3A_454, %get3A_455, %get3A_456] : memref<2x16x256xf32, #tpu.memory_space<vmem>>, vector<1x1x256xf32>
      %get3A_458 = vector.shape_cast %get3A_457 : vector<1x1x256xf32> to vector<256xf32>
      %max3A_459 = arith.maximumf %get3A_458, %reduce_max3A_453 : vector<256xf32>
      %swap3A = arith.constant 1 : index
      %swap3A_460 = arith.constant 4 : index
      %swap3A_461 = arith.constant 0 : index
      %swap3A_462 = vector.load %arg13[%swap3A, %swap3A_460, %swap3A_461] : memref<2x16x256xf32, #tpu.memory_space<vmem>>, vector<1x1x256xf32>
      %swap3A_463 = vector.shape_cast %swap3A_462 : vector<1x1x256xf32> to vector<256xf32>
      %swap3A_464 = vector.shape_cast %max3A_459 : vector<256xf32> to vector<1x1x256xf32>
      tpu.vector_store %arg13[%swap3A, %swap3A_460, %swap3A_461], %swap3A_464 {strides = array<i32>} : memref<2x16x256xf32, #tpu.memory_space<vmem>>, vector<1x1x256xf32>,
    } else {
    }
    %eq3A_308 = arith.constant 1 : i32
    %eq3A_309 = arith.cmpi eq, %arg0, %eq3A_308 : i32
    %le3A_310 = arith.constant 5 : i32
    %le3A_311 = arith.cmpi sle, %get3A_54, %le3A_310 : i32
    %and3A_312 = arith.andi %eq3A_309, %le3A_311 : i1
    %ge3A_313 = arith.constant 5 : i32
    %ge3A_314 = arith.cmpi sge, %get3A_57, %ge3A_313 : i32
    %and3A_315 = arith.andi %and3A_312, %ge3A_314 : i1
    %convert_element_type3A_316 = arith.extui %and3A_315 : i1 to i32
    %cond3A_317 = arith.constant 0xFF800000 : f32
    %cond3A_318 = arith.constant 0 : i32
    %cond3A_319 = arith.cmpi ne, %convert_element_type3A_316, %cond3A_318 : i32
    scf.if %cond3A_319 {
      %eq3A_448 = arith.constant 5 : i32
      %eq3A_449 = vector.broadcast %eq3A_448 : i32 to vector<2000x1xi32>
      %eq3A_450 = arith.cmpi eq, %get3A_46, %eq3A_449 : vector<2000x1xi32>
      %broadcast_in_dim3A = vector.shape_cast %eq3A_450 : vector<2000x1xi1> to vector<2000x1xi1>
      %broadcast_in_dim3A_451 = vector.broadcast %broadcast_in_dim3A : vector<2000x1xi1> to vector<2000x256xi1>
      %broadcast_in_dim3A_452 = vector.broadcast %cond3A_317 : f32 to vector<2000x256xf32>
      %select_n3A = arith.select %broadcast_in_dim3A_451, %max3A_43, %broadcast_in_dim3A_452 : vector<2000x256xi1>, vector<2000x256xf32>
      %reduce_max3A = arith.constant dense<0xFF800000> : vector<256xf32>
      %reduce_max3A_453 = vector.multi_reduction <maximumf>, %select_n3A, %reduce_max3A [0] : vector<2000x256xf32> to vector<256xf32>
      %get3A_454 = arith.constant 1 : index
      %get3A_455 = arith.constant 5 : index
      %get3A_456 = arith.constant 0 : index
      %get3A_457 = vector.load %arg13[%get3A_454, %get3A_455, %get3A_456] : memref<2x16x256xf32, #tpu.memory_space<vmem>>, vector<1x1x256xf32>
      %get3A_458 = vector.shape_cast %get3A_457 : vector<1x1x256xf32> to vector<256xf32>
      %max3A_459 = arith.maximumf %get3A_458, %reduce_max3A_453 : vector<256xf32>
      %swap3A = arith.constant 1 : index
      %swap3A_460 = arith.constant 5 : index
      %swap3A_461 = arith.constant 0 : index
      %swap3A_462 = vector.load %arg13[%swap3A, %swap3A_460, %swap3A_461] : memref<2x16x256xf32, #tpu.memory_space<vmem>>, vector<1x1x256xf32>
      %swap3A_463 = vector.shape_cast %swap3A_462 : vector<1x1x256xf32> to vector<256xf32>
      %swap3A_464 = vector.shape_cast %max3A_459 : vector<256xf32> to vector<1x1x256xf32>
      tpu.vector_store %arg13[%swap3A, %swap3A_460, %swap3A_461], %swap3A_464 {strides = array<i32>} : memref<2x16x256xf32, #tpu.memory_space<vmem>>, vector<1x1x256xf32>,
    } else {
    }
    %eq3A_320 = arith.constant 1 : i32
    %eq3A_321 = arith.cmpi eq, %arg0, %eq3A_320 : i32
    %le3A_322 = arith.constant 6 : i32
    %le3A_323 = arith.cmpi sle, %get3A_54, %le3A_322 : i32
    %and3A_324 = arith.andi %eq3A_321, %le3A_323 : i1
    %ge3A_325 = arith.constant 6 : i32
    %ge3A_326 = arith.cmpi sge, %get3A_57, %ge3A_325 : i32
    %and3A_327 = arith.andi %and3A_324, %ge3A_326 : i1
    %convert_element_type3A_328 = arith.extui %and3A_327 : i1 to i32
    %cond3A_329 = arith.constant 0xFF800000 : f32
    %cond3A_330 = arith.constant 0 : i32
    %cond3A_331 = arith.cmpi ne, %convert_element_type3A_328, %cond3A_330 : i32
    scf.if %cond3A_331 {
      %eq3A_448 = arith.constant 6 : i32
      %eq3A_449 = vector.broadcast %eq3A_448 : i32 to vector<2000x1xi32>
      %eq3A_450 = arith.cmpi eq, %get3A_46, %eq3A_449 : vector<2000x1xi32>
      %broadcast_in_dim3A = vector.shape_cast %eq3A_450 : vector<2000x1xi1> to vector<2000x1xi1>
      %broadcast_in_dim3A_451 = vector.broadcast %broadcast_in_dim3A : vector<2000x1xi1> to vector<2000x256xi1>
      %broadcast_in_dim3A_452 = vector.broadcast %cond3A_329 : f32 to vector<2000x256xf32>
      %select_n3A = arith.select %broadcast_in_dim3A_451, %max3A_43, %broadcast_in_dim3A_452 : vector<2000x256xi1>, vector<2000x256xf32>
      %reduce_max3A = arith.constant dense<0xFF800000> : vector<256xf32>
      %reduce_max3A_453 = vector.multi_reduction <maximumf>, %select_n3A, %reduce_max3A [0] : vector<2000x256xf32> to vector<256xf32>
      %get3A_454 = arith.constant 1 : index
      %get3A_455 = arith.constant 6 : index
      %get3A_456 = arith.constant 0 : index
      %get3A_457 = vector.load %arg13[%get3A_454, %get3A_455, %get3A_456] : memref<2x16x256xf32, #tpu.memory_space<vmem>>, vector<1x1x256xf32>
      %get3A_458 = vector.shape_cast %get3A_457 : vector<1x1x256xf32> to vector<256xf32>
      %max3A_459 = arith.maximumf %get3A_458, %reduce_max3A_453 : vector<256xf32>
      %swap3A = arith.constant 1 : index
      %swap3A_460 = arith.constant 6 : index
      %swap3A_461 = arith.constant 0 : index
      %swap3A_462 = vector.load %arg13[%swap3A, %swap3A_460, %swap3A_461] : memref<2x16x256xf32, #tpu.memory_space<vmem>>, vector<1x1x256xf32>
      %swap3A_463 = vector.shape_cast %swap3A_462 : vector<1x1x256xf32> to vector<256xf32>
      %swap3A_464 = vector.shape_cast %max3A_459 : vector<256xf32> to vector<1x1x256xf32>
      tpu.vector_store %arg13[%swap3A, %swap3A_460, %swap3A_461], %swap3A_464 {strides = array<i32>} : memref<2x16x256xf32, #tpu.memory_space<vmem>>, vector<1x1x256xf32>,
    } else {
    }
    %eq3A_332 = arith.constant 1 : i32
    %eq3A_333 = arith.cmpi eq, %arg0, %eq3A_332 : i32
    %le3A_334 = arith.constant 7 : i32
    %le3A_335 = arith.cmpi sle, %get3A_54, %le3A_334 : i32
    %and3A_336 = arith.andi %eq3A_333, %le3A_335 : i1
    %ge3A_337 = arith.constant 7 : i32
    %ge3A_338 = arith.cmpi sge, %get3A_57, %ge3A_337 : i32
    %and3A_339 = arith.andi %and3A_336, %ge3A_338 : i1
    %convert_element_type3A_340 = arith.extui %and3A_339 : i1 to i32
    %cond3A_341 = arith.constant 0xFF800000 : f32
    %cond3A_342 = arith.constant 0 : i32
    %cond3A_343 = arith.cmpi ne, %convert_element_type3A_340, %cond3A_342 : i32
    scf.if %cond3A_343 {
      %eq3A_448 = arith.constant 7 : i32
      %eq3A_449 = vector.broadcast %eq3A_448 : i32 to vector<2000x1xi32>
      %eq3A_450 = arith.cmpi eq, %get3A_46, %eq3A_449 : vector<2000x1xi32>
      %broadcast_in_dim3A = vector.shape_cast %eq3A_450 : vector<2000x1xi1> to vector<2000x1xi1>
      %broadcast_in_dim3A_451 = vector.broadcast %broadcast_in_dim3A : vector<2000x1xi1> to vector<2000x256xi1>
      %broadcast_in_dim3A_452 = vector.broadcast %cond3A_341 : f32 to vector<2000x256xf32>
      %select_n3A = arith.select %broadcast_in_dim3A_451, %max3A_43, %broadcast_in_dim3A_452 : vector<2000x256xi1>, vector<2000x256xf32>
      %reduce_max3A = arith.constant dense<0xFF800000> : vector<256xf32>
      %reduce_max3A_453 = vector.multi_reduction <maximumf>, %select_n3A, %reduce_max3A [0] : vector<2000x256xf32> to vector<256xf32>
      %get3A_454 = arith.constant 1 : index
      %get3A_455 = arith.constant 7 : index
      %get3A_456 = arith.constant 0 : index
      %get3A_457 = vector.load %arg13[%get3A_454, %get3A_455, %get3A_456] : memref<2x16x256xf32, #tpu.memory_space<vmem>>, vector<1x1x256xf32>
      %get3A_458 = vector.shape_cast %get3A_457 : vector<1x1x256xf32> to vector<256xf32>
      %max3A_459 = arith.maximumf %get3A_458, %reduce_max3A_453 : vector<256xf32>
      %swap3A = arith.constant 1 : index
      %swap3A_460 = arith.constant 7 : index
      %swap3A_461 = arith.constant 0 : index
      %swap3A_462 = vector.load %arg13[%swap3A, %swap3A_460, %swap3A_461] : memref<2x16x256xf32, #tpu.memory_space<vmem>>, vector<1x1x256xf32>
      %swap3A_463 = vector.shape_cast %swap3A_462 : vector<1x1x256xf32> to vector<256xf32>
      %swap3A_464 = vector.shape_cast %max3A_459 : vector<256xf32> to vector<1x1x256xf32>
      tpu.vector_store %arg13[%swap3A, %swap3A_460, %swap3A_461], %swap3A_464 {strides = array<i32>} : memref<2x16x256xf32, #tpu.memory_space<vmem>>, vector<1x1x256xf32>,
    } else {
    }
    %eq3A_344 = arith.constant 1 : i32
    %eq3A_345 = arith.cmpi eq, %arg0, %eq3A_344 : i32
    %le3A_346 = arith.constant 8 : i32
    %le3A_347 = arith.cmpi sle, %get3A_54, %le3A_346 : i32
    %and3A_348 = arith.andi %eq3A_345, %le3A_347 : i1
    %ge3A_349 = arith.constant 8 : i32
    %ge3A_350 = arith.cmpi sge, %get3A_57, %ge3A_349 : i32
    %and3A_351 = arith.andi %and3A_348, %ge3A_350 : i1
    %convert_element_type3A_352 = arith.extui %and3A_351 : i1 to i32
    %cond3A_353 = arith.constant 0xFF800000 : f32
    %cond3A_354 = arith.constant 0 : i32
    %cond3A_355 = arith.cmpi ne, %convert_element_type3A_352, %cond3A_354 : i32
    scf.if %cond3A_355 {
      %eq3A_448 = arith.constant 8 : i32
      %eq3A_449 = vector.broadcast %eq3A_448 : i32 to vector<2000x1xi32>
      %eq3A_450 = arith.cmpi eq, %get3A_46, %eq3A_449 : vector<2000x1xi32>
      %broadcast_in_dim3A = vector.shape_cast %eq3A_450 : vector<2000x1xi1> to vector<2000x1xi1>
      %broadcast_in_dim3A_451 = vector.broadcast %broadcast_in_dim3A : vector<2000x1xi1> to vector<2000x256xi1>
      %broadcast_in_dim3A_452 = vector.broadcast %cond3A_353 : f32 to vector<2000x256xf32>
      %select_n3A = arith.select %broadcast_in_dim3A_451, %max3A_43, %broadcast_in_dim3A_452 : vector<2000x256xi1>, vector<2000x256xf32>
      %reduce_max3A = arith.constant dense<0xFF800000> : vector<256xf32>
      %reduce_max3A_453 = vector.multi_reduction <maximumf>, %select_n3A, %reduce_max3A [0] : vector<2000x256xf32> to vector<256xf32>
      %get3A_454 = arith.constant 1 : index
      %get3A_455 = arith.constant 8 : index
      %get3A_456 = arith.constant 0 : index
      %get3A_457 = vector.load %arg13[%get3A_454, %get3A_455, %get3A_456] : memref<2x16x256xf32, #tpu.memory_space<vmem>>, vector<1x1x256xf32>
      %get3A_458 = vector.shape_cast %get3A_457 : vector<1x1x256xf32> to vector<256xf32>
      %max3A_459 = arith.maximumf %get3A_458, %reduce_max3A_453 : vector<256xf32>
      %swap3A = arith.constant 1 : index
      %swap3A_460 = arith.constant 8 : index
      %swap3A_461 = arith.constant 0 : index
      %swap3A_462 = vector.load %arg13[%swap3A, %swap3A_460, %swap3A_461] : memref<2x16x256xf32, #tpu.memory_space<vmem>>, vector<1x1x256xf32>
      %swap3A_463 = vector.shape_cast %swap3A_462 : vector<1x1x256xf32> to vector<256xf32>
      %swap3A_464 = vector.shape_cast %max3A_459 : vector<256xf32> to vector<1x1x256xf32>
      tpu.vector_store %arg13[%swap3A, %swap3A_460, %swap3A_461], %swap3A_464 {strides = array<i32>} : memref<2x16x256xf32, #tpu.memory_space<vmem>>, vector<1x1x256xf32>,
    } else {
    }
    %eq3A_356 = arith.constant 1 : i32
    %eq3A_357 = arith.cmpi eq, %arg0, %eq3A_356 : i32
    %le3A_358 = arith.constant 9 : i32
    %le3A_359 = arith.cmpi sle, %get3A_54, %le3A_358 : i32
    %and3A_360 = arith.andi %eq3A_357, %le3A_359 : i1
    %ge3A_361 = arith.constant 9 : i32
    %ge3A_362 = arith.cmpi sge, %get3A_57, %ge3A_361 : i32
    %and3A_363 = arith.andi %and3A_360, %ge3A_362 : i1
    %convert_element_type3A_364 = arith.extui %and3A_363 : i1 to i32
    %cond3A_365 = arith.constant 0xFF800000 : f32
    %cond3A_366 = arith.constant 0 : i32
    %cond3A_367 = arith.cmpi ne, %convert_element_type3A_364, %cond3A_366 : i32
    scf.if %cond3A_367 {
      %eq3A_448 = arith.constant 9 : i32
      %eq3A_449 = vector.broadcast %eq3A_448 : i32 to vector<2000x1xi32>
      %eq3A_450 = arith.cmpi eq, %get3A_46, %eq3A_449 : vector<2000x1xi32>
      %broadcast_in_dim3A = vector.shape_cast %eq3A_450 : vector<2000x1xi1> to vector<2000x1xi1>
      %broadcast_in_dim3A_451 = vector.broadcast %broadcast_in_dim3A : vector<2000x1xi1> to vector<2000x256xi1>
      %broadcast_in_dim3A_452 = vector.broadcast %cond3A_365 : f32 to vector<2000x256xf32>
      %select_n3A = arith.select %broadcast_in_dim3A_451, %max3A_43, %broadcast_in_dim3A_452 : vector<2000x256xi1>, vector<2000x256xf32>
      %reduce_max3A = arith.constant dense<0xFF800000> : vector<256xf32>
      %reduce_max3A_453 = vector.multi_reduction <maximumf>, %select_n3A, %reduce_max3A [0] : vector<2000x256xf32> to vector<256xf32>
      %get3A_454 = arith.constant 1 : index
      %get3A_455 = arith.constant 9 : index
      %get3A_456 = arith.constant 0 : index
      %get3A_457 = vector.load %arg13[%get3A_454, %get3A_455, %get3A_456] : memref<2x16x256xf32, #tpu.memory_space<vmem>>, vector<1x1x256xf32>
      %get3A_458 = vector.shape_cast %get3A_457 : vector<1x1x256xf32> to vector<256xf32>
      %max3A_459 = arith.maximumf %get3A_458, %reduce_max3A_453 : vector<256xf32>
      %swap3A = arith.constant 1 : index
      %swap3A_460 = arith.constant 9 : index
      %swap3A_461 = arith.constant 0 : index
      %swap3A_462 = vector.load %arg13[%swap3A, %swap3A_460, %swap3A_461] : memref<2x16x256xf32, #tpu.memory_space<vmem>>, vector<1x1x256xf32>
      %swap3A_463 = vector.shape_cast %swap3A_462 : vector<1x1x256xf32> to vector<256xf32>
      %swap3A_464 = vector.shape_cast %max3A_459 : vector<256xf32> to vector<1x1x256xf32>
      tpu.vector_store %arg13[%swap3A, %swap3A_460, %swap3A_461], %swap3A_464 {strides = array<i32>} : memref<2x16x256xf32, #tpu.memory_space<vmem>>, vector<1x1x256xf32>,
    } else {
    }
    %eq3A_368 = arith.constant 1 : i32
    %eq3A_369 = arith.cmpi eq, %arg0, %eq3A_368 : i32
    %le3A_370 = arith.constant 10 : i32
    %le3A_371 = arith.cmpi sle, %get3A_54, %le3A_370 : i32
    %and3A_372 = arith.andi %eq3A_369, %le3A_371 : i1
    %ge3A_373 = arith.constant 10 : i32
    %ge3A_374 = arith.cmpi sge, %get3A_57, %ge3A_373 : i32
    %and3A_375 = arith.andi %and3A_372, %ge3A_374 : i1
    %convert_element_type3A_376 = arith.extui %and3A_375 : i1 to i32
    %cond3A_377 = arith.constant 0xFF800000 : f32
    %cond3A_378 = arith.constant 0 : i32
    %cond3A_379 = arith.cmpi ne, %convert_element_type3A_376, %cond3A_378 : i32
    scf.if %cond3A_379 {
      %eq3A_448 = arith.constant 10 : i32
      %eq3A_449 = vector.broadcast %eq3A_448 : i32 to vector<2000x1xi32>
      %eq3A_450 = arith.cmpi eq, %get3A_46, %eq3A_449 : vector<2000x1xi32>
      %broadcast_in_dim3A = vector.shape_cast %eq3A_450 : vector<2000x1xi1> to vector<2000x1xi1>
      %broadcast_in_dim3A_451 = vector.broadcast %broadcast_in_dim3A : vector<2000x1xi1> to vector<2000x256xi1>
      %broadcast_in_dim3A_452 = vector.broadcast %cond3A_377 : f32 to vector<2000x256xf32>
      %select_n3A = arith.select %broadcast_in_dim3A_451, %max3A_43, %broadcast_in_dim3A_452 : vector<2000x256xi1>, vector<2000x256xf32>
      %reduce_max3A = arith.constant dense<0xFF800000> : vector<256xf32>
      %reduce_max3A_453 = vector.multi_reduction <maximumf>, %select_n3A, %reduce_max3A [0] : vector<2000x256xf32> to vector<256xf32>
      %get3A_454 = arith.constant 1 : index
      %get3A_455 = arith.constant 10 : index
      %get3A_456 = arith.constant 0 : index
      %get3A_457 = vector.load %arg13[%get3A_454, %get3A_455, %get3A_456] : memref<2x16x256xf32, #tpu.memory_space<vmem>>, vector<1x1x256xf32>
      %get3A_458 = vector.shape_cast %get3A_457 : vector<1x1x256xf32> to vector<256xf32>
      %max3A_459 = arith.maximumf %get3A_458, %reduce_max3A_453 : vector<256xf32>
      %swap3A = arith.constant 1 : index
      %swap3A_460 = arith.constant 10 : index
      %swap3A_461 = arith.constant 0 : index
      %swap3A_462 = vector.load %arg13[%swap3A, %swap3A_460, %swap3A_461] : memref<2x16x256xf32, #tpu.memory_space<vmem>>, vector<1x1x256xf32>
      %swap3A_463 = vector.shape_cast %swap3A_462 : vector<1x1x256xf32> to vector<256xf32>
      %swap3A_464 = vector.shape_cast %max3A_459 : vector<256xf32> to vector<1x1x256xf32>
      tpu.vector_store %arg13[%swap3A, %swap3A_460, %swap3A_461], %swap3A_464 {strides = array<i32>} : memref<2x16x256xf32, #tpu.memory_space<vmem>>, vector<1x1x256xf32>,
    } else {
    }
    %eq3A_380 = arith.constant 1 : i32
    %eq3A_381 = arith.cmpi eq, %arg0, %eq3A_380 : i32
    %le3A_382 = arith.constant 11 : i32
    %le3A_383 = arith.cmpi sle, %get3A_54, %le3A_382 : i32
    %and3A_384 = arith.andi %eq3A_381, %le3A_383 : i1
    %ge3A_385 = arith.constant 11 : i32
    %ge3A_386 = arith.cmpi sge, %get3A_57, %ge3A_385 : i32
    %and3A_387 = arith.andi %and3A_384, %ge3A_386 : i1
    %convert_element_type3A_388 = arith.extui %and3A_387 : i1 to i32
    %cond3A_389 = arith.constant 0xFF800000 : f32
    %cond3A_390 = arith.constant 0 : i32
    %cond3A_391 = arith.cmpi ne, %convert_element_type3A_388, %cond3A_390 : i32
    scf.if %cond3A_391 {
      %eq3A_448 = arith.constant 11 : i32
      %eq3A_449 = vector.broadcast %eq3A_448 : i32 to vector<2000x1xi32>
      %eq3A_450 = arith.cmpi eq, %get3A_46, %eq3A_449 : vector<2000x1xi32>
      %broadcast_in_dim3A = vector.shape_cast %eq3A_450 : vector<2000x1xi1> to vector<2000x1xi1>
      %broadcast_in_dim3A_451 = vector.broadcast %broadcast_in_dim3A : vector<2000x1xi1> to vector<2000x256xi1>
      %broadcast_in_dim3A_452 = vector.broadcast %cond3A_389 : f32 to vector<2000x256xf32>
      %select_n3A = arith.select %broadcast_in_dim3A_451, %max3A_43, %broadcast_in_dim3A_452 : vector<2000x256xi1>, vector<2000x256xf32>
      %reduce_max3A = arith.constant dense<0xFF800000> : vector<256xf32>
      %reduce_max3A_453 = vector.multi_reduction <maximumf>, %select_n3A, %reduce_max3A [0] : vector<2000x256xf32> to vector<256xf32>
      %get3A_454 = arith.constant 1 : index
      %get3A_455 = arith.constant 11 : index
      %get3A_456 = arith.constant 0 : index
      %get3A_457 = vector.load %arg13[%get3A_454, %get3A_455, %get3A_456] : memref<2x16x256xf32, #tpu.memory_space<vmem>>, vector<1x1x256xf32>
      %get3A_458 = vector.shape_cast %get3A_457 : vector<1x1x256xf32> to vector<256xf32>
      %max3A_459 = arith.maximumf %get3A_458, %reduce_max3A_453 : vector<256xf32>
      %swap3A = arith.constant 1 : index
      %swap3A_460 = arith.constant 11 : index
      %swap3A_461 = arith.constant 0 : index
      %swap3A_462 = vector.load %arg13[%swap3A, %swap3A_460, %swap3A_461] : memref<2x16x256xf32, #tpu.memory_space<vmem>>, vector<1x1x256xf32>
      %swap3A_463 = vector.shape_cast %swap3A_462 : vector<1x1x256xf32> to vector<256xf32>
      %swap3A_464 = vector.shape_cast %max3A_459 : vector<256xf32> to vector<1x1x256xf32>
      tpu.vector_store %arg13[%swap3A, %swap3A_460, %swap3A_461], %swap3A_464 {strides = array<i32>} : memref<2x16x256xf32, #tpu.memory_space<vmem>>, vector<1x1x256xf32>,
    } else {
    }
    %eq3A_392 = arith.constant 1 : i32
    %eq3A_393 = arith.cmpi eq, %arg0, %eq3A_392 : i32
    %le3A_394 = arith.constant 12 : i32
    %le3A_395 = arith.cmpi sle, %get3A_54, %le3A_394 : i32
    %and3A_396 = arith.andi %eq3A_393, %le3A_395 : i1
    %ge3A_397 = arith.constant 12 : i32
    %ge3A_398 = arith.cmpi sge, %get3A_57, %ge3A_397 : i32
    %and3A_399 = arith.andi %and3A_396, %ge3A_398 : i1
    %convert_element_type3A_400 = arith.extui %and3A_399 : i1 to i32
    %cond3A_401 = arith.constant 0xFF800000 : f32
    %cond3A_402 = arith.constant 0 : i32
    %cond3A_403 = arith.cmpi ne, %convert_element_type3A_400, %cond3A_402 : i32
    scf.if %cond3A_403 {
      %eq3A_448 = arith.constant 12 : i32
      %eq3A_449 = vector.broadcast %eq3A_448 : i32 to vector<2000x1xi32>
      %eq3A_450 = arith.cmpi eq, %get3A_46, %eq3A_449 : vector<2000x1xi32>
      %broadcast_in_dim3A = vector.shape_cast %eq3A_450 : vector<2000x1xi1> to vector<2000x1xi1>
      %broadcast_in_dim3A_451 = vector.broadcast %broadcast_in_dim3A : vector<2000x1xi1> to vector<2000x256xi1>
      %broadcast_in_dim3A_452 = vector.broadcast %cond3A_401 : f32 to vector<2000x256xf32>
      %select_n3A = arith.select %broadcast_in_dim3A_451, %max3A_43, %broadcast_in_dim3A_452 : vector<2000x256xi1>, vector<2000x256xf32>
      %reduce_max3A = arith.constant dense<0xFF800000> : vector<256xf32>
      %reduce_max3A_453 = vector.multi_reduction <maximumf>, %select_n3A, %reduce_max3A [0] : vector<2000x256xf32> to vector<256xf32>
      %get3A_454 = arith.constant 1 : index
      %get3A_455 = arith.constant 12 : index
      %get3A_456 = arith.constant 0 : index
      %get3A_457 = vector.load %arg13[%get3A_454, %get3A_455, %get3A_456] : memref<2x16x256xf32, #tpu.memory_space<vmem>>, vector<1x1x256xf32>
      %get3A_458 = vector.shape_cast %get3A_457 : vector<1x1x256xf32> to vector<256xf32>
      %max3A_459 = arith.maximumf %get3A_458, %reduce_max3A_453 : vector<256xf32>
      %swap3A = arith.constant 1 : index
      %swap3A_460 = arith.constant 12 : index
      %swap3A_461 = arith.constant 0 : index
      %swap3A_462 = vector.load %arg13[%swap3A, %swap3A_460, %swap3A_461] : memref<2x16x256xf32, #tpu.memory_space<vmem>>, vector<1x1x256xf32>
      %swap3A_463 = vector.shape_cast %swap3A_462 : vector<1x1x256xf32> to vector<256xf32>
      %swap3A_464 = vector.shape_cast %max3A_459 : vector<256xf32> to vector<1x1x256xf32>
      tpu.vector_store %arg13[%swap3A, %swap3A_460, %swap3A_461], %swap3A_464 {strides = array<i32>} : memref<2x16x256xf32, #tpu.memory_space<vmem>>, vector<1x1x256xf32>,
    } else {
    }
    %eq3A_404 = arith.constant 1 : i32
    %eq3A_405 = arith.cmpi eq, %arg0, %eq3A_404 : i32
    %le3A_406 = arith.constant 13 : i32
    %le3A_407 = arith.cmpi sle, %get3A_54, %le3A_406 : i32
    %and3A_408 = arith.andi %eq3A_405, %le3A_407 : i1
    %ge3A_409 = arith.constant 13 : i32
    %ge3A_410 = arith.cmpi sge, %get3A_57, %ge3A_409 : i32
    %and3A_411 = arith.andi %and3A_408, %ge3A_410 : i1
    %convert_element_type3A_412 = arith.extui %and3A_411 : i1 to i32
    %cond3A_413 = arith.constant 0xFF800000 : f32
    %cond3A_414 = arith.constant 0 : i32
    %cond3A_415 = arith.cmpi ne, %convert_element_type3A_412, %cond3A_414 : i32
    scf.if %cond3A_415 {
      %eq3A_448 = arith.constant 13 : i32
      %eq3A_449 = vector.broadcast %eq3A_448 : i32 to vector<2000x1xi32>
      %eq3A_450 = arith.cmpi eq, %get3A_46, %eq3A_449 : vector<2000x1xi32>
      %broadcast_in_dim3A = vector.shape_cast %eq3A_450 : vector<2000x1xi1> to vector<2000x1xi1>
      %broadcast_in_dim3A_451 = vector.broadcast %broadcast_in_dim3A : vector<2000x1xi1> to vector<2000x256xi1>
      %broadcast_in_dim3A_452 = vector.broadcast %cond3A_413 : f32 to vector<2000x256xf32>
      %select_n3A = arith.select %broadcast_in_dim3A_451, %max3A_43, %broadcast_in_dim3A_452 : vector<2000x256xi1>, vector<2000x256xf32>
      %reduce_max3A = arith.constant dense<0xFF800000> : vector<256xf32>
      %reduce_max3A_453 = vector.multi_reduction <maximumf>, %select_n3A, %reduce_max3A [0] : vector<2000x256xf32> to vector<256xf32>
      %get3A_454 = arith.constant 1 : index
      %get3A_455 = arith.constant 13 : index
      %get3A_456 = arith.constant 0 : index
      %get3A_457 = vector.load %arg13[%get3A_454, %get3A_455, %get3A_456] : memref<2x16x256xf32, #tpu.memory_space<vmem>>, vector<1x1x256xf32>
      %get3A_458 = vector.shape_cast %get3A_457 : vector<1x1x256xf32> to vector<256xf32>
      %max3A_459 = arith.maximumf %get3A_458, %reduce_max3A_453 : vector<256xf32>
      %swap3A = arith.constant 1 : index
      %swap3A_460 = arith.constant 13 : index
      %swap3A_461 = arith.constant 0 : index
      %swap3A_462 = vector.load %arg13[%swap3A, %swap3A_460, %swap3A_461] : memref<2x16x256xf32, #tpu.memory_space<vmem>>, vector<1x1x256xf32>
      %swap3A_463 = vector.shape_cast %swap3A_462 : vector<1x1x256xf32> to vector<256xf32>
      %swap3A_464 = vector.shape_cast %max3A_459 : vector<256xf32> to vector<1x1x256xf32>
      tpu.vector_store %arg13[%swap3A, %swap3A_460, %swap3A_461], %swap3A_464 {strides = array<i32>} : memref<2x16x256xf32, #tpu.memory_space<vmem>>, vector<1x1x256xf32>,
    } else {
    }
    %eq3A_416 = arith.constant 1 : i32
    %eq3A_417 = arith.cmpi eq, %arg0, %eq3A_416 : i32
    %le3A_418 = arith.constant 14 : i32
    %le3A_419 = arith.cmpi sle, %get3A_54, %le3A_418 : i32
    %and3A_420 = arith.andi %eq3A_417, %le3A_419 : i1
    %ge3A_421 = arith.constant 14 : i32
    %ge3A_422 = arith.cmpi sge, %get3A_57, %ge3A_421 : i32
    %and3A_423 = arith.andi %and3A_420, %ge3A_422 : i1
    %convert_element_type3A_424 = arith.extui %and3A_423 : i1 to i32
    %cond3A_425 = arith.constant 0xFF800000 : f32
    %cond3A_426 = arith.constant 0 : i32
    %cond3A_427 = arith.cmpi ne, %convert_element_type3A_424, %cond3A_426 : i32
    scf.if %cond3A_427 {
      %eq3A_448 = arith.constant 14 : i32
      %eq3A_449 = vector.broadcast %eq3A_448 : i32 to vector<2000x1xi32>
      %eq3A_450 = arith.cmpi eq, %get3A_46, %eq3A_449 : vector<2000x1xi32>
      %broadcast_in_dim3A = vector.shape_cast %eq3A_450 : vector<2000x1xi1> to vector<2000x1xi1>
      %broadcast_in_dim3A_451 = vector.broadcast %broadcast_in_dim3A : vector<2000x1xi1> to vector<2000x256xi1>
      %broadcast_in_dim3A_452 = vector.broadcast %cond3A_425 : f32 to vector<2000x256xf32>
      %select_n3A = arith.select %broadcast_in_dim3A_451, %max3A_43, %broadcast_in_dim3A_452 : vector<2000x256xi1>, vector<2000x256xf32>
      %reduce_max3A = arith.constant dense<0xFF800000> : vector<256xf32>
      %reduce_max3A_453 = vector.multi_reduction <maximumf>, %select_n3A, %reduce_max3A [0] : vector<2000x256xf32> to vector<256xf32>
      %get3A_454 = arith.constant 1 : index
      %get3A_455 = arith.constant 14 : index
      %get3A_456 = arith.constant 0 : index
      %get3A_457 = vector.load %arg13[%get3A_454, %get3A_455, %get3A_456] : memref<2x16x256xf32, #tpu.memory_space<vmem>>, vector<1x1x256xf32>
      %get3A_458 = vector.shape_cast %get3A_457 : vector<1x1x256xf32> to vector<256xf32>
      %max3A_459 = arith.maximumf %get3A_458, %reduce_max3A_453 : vector<256xf32>
      %swap3A = arith.constant 1 : index
      %swap3A_460 = arith.constant 14 : index
      %swap3A_461 = arith.constant 0 : index
      %swap3A_462 = vector.load %arg13[%swap3A, %swap3A_460, %swap3A_461] : memref<2x16x256xf32, #tpu.memory_space<vmem>>, vector<1x1x256xf32>
      %swap3A_463 = vector.shape_cast %swap3A_462 : vector<1x1x256xf32> to vector<256xf32>
      %swap3A_464 = vector.shape_cast %max3A_459 : vector<256xf32> to vector<1x1x256xf32>
      tpu.vector_store %arg13[%swap3A, %swap3A_460, %swap3A_461], %swap3A_464 {strides = array<i32>} : memref<2x16x256xf32, #tpu.memory_space<vmem>>, vector<1x1x256xf32>,
    } else {
    }
    %eq3A_428 = arith.constant 1 : i32
    %eq3A_429 = arith.cmpi eq, %arg0, %eq3A_428 : i32
    %le3A_430 = arith.constant 15 : i32
    %le3A_431 = arith.cmpi sle, %get3A_54, %le3A_430 : i32
    %and3A_432 = arith.andi %eq3A_429, %le3A_431 : i1
    %ge3A_433 = arith.constant 15 : i32
    %ge3A_434 = arith.cmpi sge, %get3A_57, %ge3A_433 : i32
    %and3A_435 = arith.andi %and3A_432, %ge3A_434 : i1
    %convert_element_type3A_436 = arith.extui %and3A_435 : i1 to i32
    %cond3A_437 = arith.constant 0xFF800000 : f32
    %cond3A_438 = arith.constant 0 : i32
    %cond3A_439 = arith.cmpi ne, %convert_element_type3A_436, %cond3A_438 : i32
    scf.if %cond3A_439 {
      %eq3A_448 = arith.constant 15 : i32
      %eq3A_449 = vector.broadcast %eq3A_448 : i32 to vector<2000x1xi32>
      %eq3A_450 = arith.cmpi eq, %get3A_46, %eq3A_449 : vector<2000x1xi32>
      %broadcast_in_dim3A = vector.shape_cast %eq3A_450 : vector<2000x1xi1> to vector<2000x1xi1>
      %broadcast_in_dim3A_451 = vector.broadcast %broadcast_in_dim3A : vector<2000x1xi1> to vector<2000x256xi1>
      %broadcast_in_dim3A_452 = vector.broadcast %cond3A_437 : f32 to vector<2000x256xf32>
      %select_n3A = arith.select %broadcast_in_dim3A_451, %max3A_43, %broadcast_in_dim3A_452 : vector<2000x256xi1>, vector<2000x256xf32>
      %reduce_max3A = arith.constant dense<0xFF800000> : vector<256xf32>
      %reduce_max3A_453 = vector.multi_reduction <maximumf>, %select_n3A, %reduce_max3A [0] : vector<2000x256xf32> to vector<256xf32>
      %get3A_454 = arith.constant 1 : index
      %get3A_455 = arith.constant 15 : index
      %get3A_456 = arith.constant 0 : index
      %get3A_457 = vector.load %arg13[%get3A_454, %get3A_455, %get3A_456] : memref<2x16x256xf32, #tpu.memory_space<vmem>>, vector<1x1x256xf32>
      %get3A_458 = vector.shape_cast %get3A_457 : vector<1x1x256xf32> to vector<256xf32>
      %max3A_459 = arith.maximumf %get3A_458, %reduce_max3A_453 : vector<256xf32>
      %swap3A = arith.constant 1 : index
      %swap3A_460 = arith.constant 15 : index
      %swap3A_461 = arith.constant 0 : index
      %swap3A_462 = vector.load %arg13[%swap3A, %swap3A_460, %swap3A_461] : memref<2x16x256xf32, #tpu.memory_space<vmem>>, vector<1x1x256xf32>
      %swap3A_463 = vector.shape_cast %swap3A_462 : vector<1x1x256xf32> to vector<256xf32>
      %swap3A_464 = vector.shape_cast %max3A_459 : vector<256xf32> to vector<1x1x256xf32>
      tpu.vector_store %arg13[%swap3A, %swap3A_460, %swap3A_461], %swap3A_464 {strides = array<i32>} : memref<2x16x256xf32, #tpu.memory_space<vmem>>, vector<1x1x256xf32>,
    } else {
    }
    %eq3A_440 = arith.constant 4 : i32
    %eq3A_441 = arith.cmpi eq, %arg1, %eq3A_440 : i32
    %eq3A_442 = arith.constant 1 : i32
    %eq3A_443 = arith.cmpi eq, %arg0, %eq3A_442 : i32
    %and3A_444 = arith.andi %eq3A_441, %eq3A_443 : i1
    %convert_element_type3A_445 = arith.extui %and3A_444 : i1 to i32
    %cond3A_446 = arith.constant 0 : i32
    %cond3A_447 = arith.cmpi ne, %convert_element_type3A_445, %cond3A_446 : i32
    scf.if %cond3A_447 {
      %get3A_448 = arith.constant 0 : index
      %get3A_449 = arith.constant 0 : index
      %get3A_450 = arith.constant 0 : index
      %get3A_451 = vector.load %arg13[%get3A_448, %get3A_449, %get3A_450] : memref<2x16x256xf32, #tpu.memory_space<vmem>>, vector<1x16x256xf32>
      %get3A_452 = vector.shape_cast %get3A_451 : vector<1x16x256xf32> to vector<16x256xf32>
      %get3A_453 = arith.constant 1 : index
      %get3A_454 = arith.constant 0 : index
      %get3A_455 = arith.constant 0 : index
      %get3A_456 = vector.load %arg13[%get3A_453, %get3A_454, %get3A_455] : memref<2x16x256xf32, #tpu.memory_space<vmem>>, vector<1x16x256xf32>
      %get3A_457 = vector.shape_cast %get3A_456 : vector<1x16x256xf32> to vector<16x256xf32>
      %concatenate3A_458 = tpu.concatenate %get3A_452, %get3A_457 in 1 : vector<16x256xf32>, vector<16x256xf32> -> vector<16x512xf32>
      %get3A_459 = arith.constant 0 : index
      %get3A_460 = arith.constant 0 : index
      %get3A_461 = vector.load %arg8[%get3A_459, %get3A_460] : memref<512x64xf32, #tpu.memory_space<vmem>>, vector<512x64xf32>
      %dot_general3A = arith.constant dense<0.000000e+00> : vector<16x64xf32>
      %dot_general3A_462 = tpu.matmul %concatenate3A_458, %get3A_461, %dot_general3A {dimension_numbers = #tpu.dot_dimension_numbers<[1], [0], [0], [1], [0, 0, 1, 1], [], []>, transpose_lhs_hint = false} : vector<16x512xf32>, vector<512x64xf32>, vector<16x64xf32> -> vector<16x64xf32>
      %get3A_463 = arith.constant 0 : index
      %get3A_464 = arith.constant 0 : index
      %get3A_465 = vector.load %arg9[%get3A_463, %get3A_464] : memref<1x64xf32, #tpu.memory_space<vmem>>, vector<1x64xf32>
      %add3A_466 = vector.broadcast %get3A_465 : vector<1x64xf32> to vector<16x64xf32>
      %add3A_467 = arith.addf %dot_general3A_462, %add3A_466 : vector<16x64xf32>
      %max3A_468 = arith.constant 0.000000e+00 : f32
      %max3A_469 = vector.broadcast %max3A_468 : f32 to vector<16x64xf32>
      %max3A_470 = arith.maximumf %add3A_467, %max3A_469 : vector<16x64xf32>
      %get3A_471 = arith.constant 0 : index
      %get3A_472 = arith.constant 0 : index
      %get3A_473 = vector.load %arg10[%get3A_471, %get3A_472] : memref<64x32xf32, #tpu.memory_space<vmem>>, vector<64x32xf32>
      %dot_general3A_474 = arith.constant dense<0.000000e+00> : vector<16x32xf32>
      %dot_general3A_475 = tpu.matmul %max3A_470, %get3A_473, %dot_general3A_474 {dimension_numbers = #tpu.dot_dimension_numbers<[1], [0], [0], [1], [0, 0, 1, 1], [], []>, transpose_lhs_hint = false} : vector<16x64xf32>, vector<64x32xf32>, vector<16x32xf32> -> vector<16x32xf32>
      %get3A_476 = arith.constant 0 : index
      %get3A_477 = arith.constant 0 : index
      %get3A_478 = vector.load %arg11[%get3A_476, %get3A_477] : memref<1x32xf32, #tpu.memory_space<vmem>>, vector<1x32xf32>
      %add3A_479 = vector.broadcast %get3A_478 : vector<1x32xf32> to vector<16x32xf32>
      %add3A_480 = arith.addf %dot_general3A_475, %add3A_479 : vector<16x32xf32>
      %max3A_481 = arith.constant 0.000000e+00 : f32
      %max3A_482 = vector.broadcast %max3A_481 : f32 to vector<16x32xf32>
      %max3A_483 = arith.maximumf %add3A_480, %max3A_482 : vector<16x32xf32>
      %swap3A = arith.constant 0 : index
      %swap3A_484 = arith.constant 0 : index
      %swap3A_485 = vector.load %arg12[%swap3A, %swap3A_484] : memref<16x32xf32, #tpu.memory_space<vmem>>, vector<16x32xf32>
      tpu.vector_store %arg12[%swap3A, %swap3A_484], %max3A_483 {strides = array<i32>} : memref<16x32xf32, #tpu.memory_space<vmem>>, vector<16x32xf32>,
    } else {
    }
    return
  }
  func.func @transform_0(%arg0: i32, %arg1: i32) -> (i32, i32) {
    %c0_i32 = arith.constant 0 : i32
    %c0_i32_0 = arith.constant 0 : i32
    %c0_i32_1 = arith.constant 0 : i32
    return %c0_i32, %c0_i32_0 : i32, i32
  }
  func.func @transform_1(%arg0: i32, %arg1: i32) -> (i32, i32, i32) {
    %c0_i32 = arith.constant 0 : i32
    %c0_i32_0 = arith.constant 0 : i32
    return %arg0, %arg1, %c0_i32 : i32, i32, i32
  }
  func.func @transform_2(%arg0: i32, %arg1: i32) -> (i32, i32, i32) {
    %c0_i32 = arith.constant 0 : i32
    %c0_i32_0 = arith.constant 0 : i32
    return %arg0, %arg1, %c0_i32 : i32, i32, i32
  }
  func.func @transform_3(%arg0: i32, %arg1: i32) -> (i32, i32, i32) {
    %c0_i32 = arith.constant 0 : i32
    %c0_i32_0 = arith.constant 0 : i32
    %c0_i32_1 = arith.constant 0 : i32
    return %c0_i32, %arg1, %c0_i32_0 : i32, i32, i32
  }
  func.func @transform_4(%arg0: i32, %arg1: i32) -> (i32, i32, i32) {
    %c0_i32 = arith.constant 0 : i32
    %c0_i32_0 = arith.constant 0 : i32
    %c0_i32_1 = arith.constant 0 : i32
    return %arg0, %c0_i32, %c0_i32_0 : i32, i32, i32
  }
  func.func @transform_5(%arg0: i32, %arg1: i32) -> (i32, i32) {
    %c0_i32 = arith.constant 0 : i32
    %c0_i32_0 = arith.constant 0 : i32
    return %arg1, %c0_i32 : i32, i32
  }
  func.func @transform_6(%arg0: i32, %arg1: i32) -> (i32, i32) {
    %c0_i32 = arith.constant 0 : i32
    %c0_i32_0 = arith.constant 0 : i32
    %c0_i32_1 = arith.constant 0 : i32
    return %c0_i32, %c0_i32_0 : i32, i32
  }
  func.func @transform_7(%arg0: i32, %arg1: i32) -> (i32, i32) {
    %c0_i32 = arith.constant 0 : i32
    %c0_i32_0 = arith.constant 0 : i32
    %c0_i32_1 = arith.constant 0 : i32
    return %c0_i32, %c0_i32_0 : i32, i32
  }
  func.func @transform_8(%arg0: i32, %arg1: i32) -> (i32, i32) {
    %c0_i32 = arith.constant 0 : i32
    %c0_i32_0 = arith.constant 0 : i32
    %c0_i32_1 = arith.constant 0 : i32
    return %c0_i32, %c0_i32_0 : i32, i32
  }
  func.func @transform_9(%arg0: i32, %arg1: i32) -> (i32, i32) {
    %c0_i32 = arith.constant 0 : i32
    %c0_i32_0 = arith.constant 0 : i32
    %c0_i32_1 = arith.constant 0 : i32
    return %c0_i32, %c0_i32_0 : i32, i32
  }
  func.func @transform_10(%arg0: i32, %arg1: i32) -> (i32, i32) {
    %c0_i32 = arith.constant 0 : i32
    %c0_i32_0 = arith.constant 0 : i32
    %c0_i32_1 = arith.constant 0 : i32
    return %c0_i32, %c0_i32_0 : i32, i32
  }
}

</mosaic_0001>

<sc_bundles>
// kernel: kernel.11.cloned.1.call-start
scs
__scs_entry_jumppad:
0x0: {  	(pc) =	sbr.rel $0x88, $3  }
0x1: {  	(tag) =	ssettag $0x0;
	lr =	simm.s32 $0x1  }
0x2: {  	[smem:$0x3F96] =	sst lr;
	_ =	strace $0xD0000000  }
0x3: {  	_ = 	snop  }
0x4: {  	_ = 	snop  }
0x5: {  	_ = 	snop  }
0x6: {  	_ = 	snop  }
0x7: {  	_ = 	snop  }
__scs_overlays_trampoline_lowered:
0x8: {  	[smem:$0x3FA5] =	sst s0  }
0x9: {  	[smem:$0x3FA6] =	sst s1  }
0xa: {  	[smem:$0x3FA7] =	sst s2  }
0xb: {  	[smem:$0x3FA8] =	sst s3  }
0xc: {  	[smem:$0x3FA9] =	sst s4  }
0xd: {  	[smem:$0x3FAA] =	sst s5  }
0xe: {  	[smem:$0x3FAB] =	sst s6  }
0xf: {  	[smem:$0x3FAC] =	sst s7  }
0x10: {  	[smem:$0x3FAD] =	sst s8  }
0x11: {  	[smem:$0x3FAE] =	sst s9;
	s0 =	simm.s32 @!p0 $0x0  }
0x12: {  	s1 =	sld [smem:$0x3F94];
	s0 =	simm.s32 @p0 $0x1  }
0x13: {  	[smem:$0x3FAF] =	sst s0;
	s0 =	simm.s32 @!p1 $0x0  }
0x14: {  	s2 =	sld [smem:$0x3F93];
	s0 =	simm.s32 @p1 $0x1  }
0x15: {  	[smem:$0x3FB0] =	sst s0;
	s0 =	simm.s32 @!p2 $0x0  }
0x16: {  	s3 =	sld [smem:$0x3FDB];
	s0 =	simm.s32 @p2 $0x1  }
0x17: {  	s4 =	simm.s32 $0x1BF5;
	[smem:$0x3FB2] =	sst s0  }
0x18: {  	s0 =	sld [smem:$0x3F95];
	_ =	swait.ge [sflag:s4], $0x0  }
0x19: {  	s7 =	sld [smem:$0x3F96]  }
0x1a: {  	s8 =	sadd.s32 $0xFFFFE003, lr  }
0x1b: {  	s9 =	sadd.s32 $0xFFFFFEF7, lr;
	s5 =	simm.s32 $0xFFFFFFFF;
	p2 =	slt.u32 s8, $0xFFFFF086  }
0x1c: {  	p1 =	slt.u32 s9, $0xF7A;
	s5 =	simm.s32 @!p2 $0x0  }
0x1d: {  	s5 =	simm.s32 @p1 $0x1;
	p0 =	seq.s32 s7, s2  }
0x1e: {  	s7 =	smul.u32 @!p0 $0xF7A, s2;
	p2 =	seq.s32 @!p0 s5, $0x0  }
0x1f: {  	s9 =	smul.u32 $0xF7A, s1;
	s8 =	simm.s32 @!p0 $0x1BF5;
	p2 =	por !p2, p0  }
0x20: {  	[sflag:s8] =	ssyncset.s32 @!p0 $0xFFFFF086;
	s6 =	sadd.s32 @!p0 s3, s7;
	s7 =	simm.s32 @!p0 $0x108  }
0x21: {  	s3 =	sadd.s32 s3, s9;
	s6 =	sadd.s32 @!p0 $0x88, s6;
	s7 =	simm.s32 @p2 $0x1082  }
0x22: {  	[simem:s7], [sflag:s8] =	dma.local @!p0 [hbm:s6], $0xF7A  }
0x23: {  	s9 =	sor.u32 $0xD0000000, s2;
	s6 =	simm.s32 $0x108;
	_ =	swait.ge @!p0 [sflag:s8], $0x0  }
0x24: {  	s3 =	sadd.s32 $0x88, s3;
	s6 =	simm.s32 @!p1 $0x1082;
	[sflag:s4] =	ssyncset.s32 $0xFFFFF086  }
0x25: {  	[simem:s6], [sflag:s4] =	dma.local [hbm:s3], $0xF7A  }
0x26: {  	[smem:$0x3F96] =	sst s1;
	(tag) =	ssettag s2;
	_ =	strace s9  }
0x27: {  	s1 =	sld [smem:$0x3FA6]  }
0x28: {  	s2 =	sld [smem:$0x3FA7]  }
0x29: {  	s4 =	sld [smem:$0x3FA9]  }
0x2a: {  	p0 =	seq.s32 s5, $0x0;
	s5 =	sld [smem:$0x3FAA]  }
0x2b: {  	s6 =	sld [smem:$0x3FAB]  }
0x2c: {  	s7 =	sld [smem:$0x3FAC]  }
0x2d: {  	s3 =	simm.s32 $0x108;
	s8 =	sld [smem:$0x3FAD]  }
0x2e: {  	s3 =	simm.s32 @!p0 $0x1082;
	s9 =	sld [smem:$0x3FAE]  }
0x2f: {  	lr =	sadd.s32 s0, s3;
	s0 =	sld [smem:$0x3FA5]  }
0x30: {  	s3 =	sld [smem:$0x3FA8]  }
0x31: {  	[smem:$0x3FB1] =	sst s10  }
0x32: {  	s10 =	sld [smem:$0x3FAF];
	_ =	sdelay $0x3  }
0x33: {  	p0 =	seq.s32 s10, $0x1;
	s10 =	sld [smem:$0x3FB1];
	_ =	sdelay $0x3  }
0x34: {  	[smem:$0x3FB1] =	sst s10  }
0x35: {  	s10 =	sld [smem:$0x3FB0];
	_ =	sdelay $0x3  }
0x36: {  	p1 =	seq.s32 s10, $0x1;
	s10 =	sld [smem:$0x3FB1];
	_ =	sdelay $0x3  }
0x37: {  	[smem:$0x3FB1] =	sst s10  }
0x38: {  	s10 =	sld [smem:$0x3FB2]  }
0x39: {  	_ = 	snop;
	(pc) =	sbr.ind lr, $3  }
0x3a: {  	_ = 	snop  }
0x3b: {  	_ = 	snop  }
0x3c: {  	p2 =	seq.s32 s10, $0x1;
	s10 =	sld [smem:$0x3FB1]  }
0x3d: {  	_ =	shalt  }
0x3e: {  	_ =	shalt  }
0x3f: {  	_ =	shalt  }
0x40: {  	_ =	shalt  }
0x41: {  	_ =	shalt  }
0x42: {  	_ =	shalt  }
0x43: {  	_ =	shalt  }
0x44: {  	_ =	shalt  }
0x45: {  	_ =	shalt  }
0x46: {  	_ =	shalt  }
0x47: {  	_ =	shalt  }
0x48: {  	_ =	shalt  }
0x49: {  	_ =	shalt  }
0x4a: {  	_ =	shalt  }
0x4b: {  	_ =	shalt  }
0x4c: {  	_ =	shalt  }
0x4d: {  	_ =	shalt  }
0x4e: {  	_ =	shalt  }
0x4f: {  	_ =	shalt  }
0x50: {  	_ =	shalt  }
0x51: {  	_ =	shalt  }
0x52: {  	_ =	shalt  }
0x53: {  	_ =	shalt  }
0x54: {  	_ =	shalt  }
0x55: {  	_ =	shalt  }
0x56: {  	_ =	shalt  }
0x57: {  	_ =	shalt  }
0x58: {  	_ =	shalt  }
0x59: {  	_ =	shalt  }
0x5a: {  	_ =	shalt  }
0x5b: {  	_ =	shalt  }
0x5c: {  	_ =	shalt  }
0x5d: {  	_ =	shalt  }
0x5e: {  	_ =	shalt  }
0x5f: {  	_ =	shalt  }
0x60: {  	_ =	shalt  }
0x61: {  	_ =	shalt  }
0x62: {  	_ =	shalt  }
0x63: {  	_ =	shalt  }
0x64: {  	_ =	shalt  }
0x65: {  	_ =	shalt  }
0x66: {  	_ =	shalt  }
0x67: {  	_ =	shalt  }
0x68: {  	_ =	shalt  }
0x69: {  	_ =	shalt  }
0x6a: {  	_ =	shalt  }
0x6b: {  	_ =	shalt  }
0x6c: {  	_ =	shalt  }
0x6d: {  	_ =	shalt  }
0x6e: {  	_ =	shalt  }
0x6f: {  	_ =	shalt  }
0x70: {  	_ =	shalt  }
0x71: {  	_ =	shalt  }
0x72: {  	_ =	shalt  }
0x73: {  	_ =	shalt  }
0x74: {  	_ =	shalt  }
0x75: {  	_ =	shalt  }
0x76: {  	_ =	shalt  }
0x77: {  	_ =	shalt  }
0x78: {  	_ =	shalt  }
0x79: {  	_ =	shalt  }
0x7a: {  	_ =	shalt  }
0x7b: {  	_ =	shalt  }
0x7c: {  	_ =	shalt  }
0x7d: {  	_ =	shalt  }
0x7e: {  	_ =	shalt  }
0x7f: {  	_ =	shalt  }
0x80: {  	_ =	shalt  }
0x81: {  	_ =	shalt  }
0x82: {  	_ =	shalt  }
0x83: {  	_ =	shalt  }
0x84: {  	_ =	shalt  }
0x85: {  	_ =	shalt  }
0x86: {  	_ =	shalt  }
0x87: {  	_ =	shalt  }
.Lfunc_end0:
.L_simem_size_0:
called_computation.1_lowered:
.L_overlay_start_0:
0x88: {  	s2 =	sld [smem:$0x3FD9]  }
0x89: {  	s3 =	sld [smem:$0x3FFE];
	_ =	sdelay $0x1  }
0x8a: {  	s1 =	srdreg.scid  }
0x8b: {  	s0 =	sand.u32 $0x1, s1  }
0x8c: {  	s16 =	sshll.u32 s0, $0xA;
	s2 =	sadd.s32 s3, s2  }
0x8d: {  	s2 =	sadd.s32 s2, s16  }
0x8e: {  	[smem:$0x3FBD] =	sst s2  }
0x8f: {  	_ = 	snop  }
0x90: {  	(tm) =	ssettm $0x1  }
0x91: {  	s17 =	sld [smem:$0x3FFB];
	_ =	sdelay $0x3  }
0x92: {  	_ =	strace s17  }
0x93: {  	s2 =	sld [smem:$0x3FFC];
	_ =	sdelay $0x3  }
0x94: {  	_ =	strace s2  }
0x95: {  	s2 =	sld [smem:$0x3FFD];
	_ =	sdelay $0x3  }
0x96: {  	_ =	strace s2  }
0x97: {  	_ =	strace $0x8FFFFFFF  }
0x98: {  	s18 =	sld [smem:$0x3FDB];
	_ =	sdelay $0x1  }
0x99: {  	s19 =	simm.s32 $_scs_section_size  }
0x9a: {  	s4 =	simm.s32 $_size__tile_overlayer_lowered;
	s5 =	simm.s32 $_tile_overlayer_lowered  }
0x9b: {  	s22 =	simm.s32 $0x1BFF;
	s21 =	sshll.u32 s5, $0x1;
	s2 =	sadd.s32 s19, s18  }
0x9c: {  	s6 =	simm.s32 $0x0;
	s20 =	sshll.u32 s4, $0x1;
	s4 =	sadd.s32 s21, s2  }
0x9d: {  	[timem:s6], [sflag:s22] =	dma.local [hbm:s4], s20  }
0x9e: {  	_ =	swait.ge [sflag:s22], s20  }
0x9f: {  	s3 =	ssub.s32 $0x0, s20;
	[sflag:s22] =	ssyncset.done $0x0  }
0xa0: {  	[sflag:s22] =	ssyncadd.s32 s3;
	_ =	sdelay $0x1  }
0xa1: {  	s23 =	simm.s32 $0x1B8B  }
0xa2: {  	_ =	swait.ge [sflag:s23], $0x1  }
0xa3: {  	[sflag:s23] =	ssyncset.done $0x0  }
0xa4: {  	s25 =	simm.s32 $0x1B8E;
	s24 =	sld [smem:$0x3FFE];
	[sflag:s23] =	ssyncadd.s32 $0xFFFFFFFF  }
0xa5: {  	s26 =	simm.s32 $execute0_lowered;
	[smem:$0x3FD2] =	sst s25  }
0xa6: {  	s4 =	sshll.u32 s26, $0x1;
	_ =	strace $0x80000049;
	[dreg:$0x1] =	wrdreg $0xFFFFFFFF  }
0xa7: {  	s28 =	simm.s32 $_size_execute0_lowered;
	s2 =	sadd.s32 s2, s4;
	[dreg:$0x0] =	wrdreg $0x0  }
0xa8: {  	s4 =	sshll.u32 s28, $0x1;
	[dreg:$0x2] =	wrdreg s2  }
0xa9: {  	[dreg:$0x3] =	wrdreg s4  }
0xaa: {  	[dreg:$0x4] =	wrdreg $0xC0  }
0xab: {  	_ =	task [dreg:s6], $0x5FFFF  }
0xac: {  	[dreg:$0x1] =	wrdreg $0xFFFFFFFF  }
0xad: {  	[dreg:$0x0] =	wrdreg $0x60  }
0xae: {  	[dreg:$0x2] =	wrdreg s24  }
0xaf: {  	[dreg:$0x3] =	wrdreg $0xA9000  }
0xb0: {  	[dreg:$0x4] =	wrdreg $0x9  }
0xb1: {  	_ =	task.clear_ibuf [dreg:s6], $0x5FFFF;
	_ =	strace $0x90000049  }
0xb2: {  	s29 =	simm.s32 $0x9;
	_ =	strace $0x8000004B  }
0xb3: {  	_ =	swait.ge [sflag:s29], $0x1  }
0xb4: {  	[sflag:s29] =	ssyncadd.s32 $0xFFFFFFFF  }
0xb5: {  	_ =	strace $0x9000004B  }
0xb6: {  	_ =	sfence  }
0xb7: {  	s30 =	sld [smem:$0x0];
	_ =	sdelay $0x2  }
0xb8: {  	s31 =	sshll.u32 s1, $0xD;
	s1 =	sshrl.u32 s1, $0x2  }
0xb9: {  	s3 =	sand.u32 $0x4000, s31;
	s1 =	sadd.s32 s1, s30  }
0xba: {  	s0 =	sor.u32 s3, s0;
	s1 =	sshll.u32 s1, $0x11  }
0xbb: {  	s0 =	sor.u32 s1, s0  }
0xbc: {  	s0 =	sadd.s32 $0x8F2B, s0  }
0xbd: {  	[sflag:s0] =	ssyncadd.remote.s32 $0x1  }
0xbe: {  	_ =	sfence.sel $0xFFFF  }
0xbf: {  	[dreg:$0x0] =	wrdreg $0xFFFFFFFF;
	(pc) =	sbr.abs _section_cstart, $3  }
0xc0: {  	[dreg:$0x1] =	wrdreg $0xFFFFFFFF  }
0xc1: {  	_ =	task.clear_ibuf [dreg:s6], $0x2FFFF;
	_ =	strace $0x9FFFFFFF  }
0xc2: {  	(tm) =	ssettm $0x7FFFFFFF  }
0xc3: {  	_ =	shalt  }
tec
execute0_lowered:
.L_overlay_start_1:
0x0: {  	(tag) =	ssettag $0x1  }
0x1: {  	s0 =	rddreg [dreg:$0x0]  }
0x2: {  	s2 =	rddreg [dreg:$0x1];
	s17 =	stileid.u32;
	s3 =	simm.s32 $0x0  }
0x3: {  	s4 =	srdreg.scid;
	s18 =	simm.s32 $0x6900;
	s19 =	simm.s32 $0x2880  }
0x4: {  	s20 =	simm.s32 $0x1;
	s21 =	simm.s32 $0x3;
	s1 =	smul.u32 $0x500, s17  }
0x5: {  	s22 =	simm.s32 $0x2;
	s25 =	simm.s32 $0x4;
	s26 =	smul.u32 $0x4F000, s17  }
0x6: {  	[smem:$0x7FF] =	sst s3;
	s8 =	sand.u32 $0x1, s4;
	s24 =	smul.u32 $0x2780, s17  }
0x7: {  	s12 =	sadd.s32 $0x5C400, s0;
	s17 =	simm.s32 $0x80;
	s10 =	smul.u32 $0x4E200, s8  }
0x8: {  	_ =	strace $0x8000004A;
	s5 =	ssub.s32 $0x2, s8;
	s14 =	smul.u32 $0x4F000, s8  }
0x9: {  	s15 =	sshllo.u32 s8, $0x1;
	s1 =	sadd.s32 s1, s0;
	s6 =	sshrl.u32 s5, $0x1  }
0xa: {  	s4 =	sshrl.u32 s26, $0x2;
	s0 =	sadd.s32 $0xF8800, s0;
	s16 =	smul.u32 $0x27100, s15  }
0xb: {  	s29 =	smul.u32 $0x27800, s15;
	s15 =	simm.s32 $0x2900;
	s26 =	simm.s32 $0x0  }
0xc: {  	s13 =	ssub.s32 s5, s6;
	s4 =	sadd.s32 s4, s2;
	s28 =	sadd.s32 $0x57400, s1  }
0xd: {  	s10 =	sadd.s32 s12, s10;
	s11 =	sadd.s32 $0x2400, s1;
	s23 =	sadd.s32 s0, s14  }
0xe: {  	s14 =	simm.s32 $0x5;
	[dreg:$0x3] =	wrdreg s28;
	s6 =	sadd.s32 $0x4000, s4  }
0xf: {  	s7 =	sadd.s32 $0x8000, s4;
	s8 =	sadd.s32 $0xC000, s4;
	s30 =	smax.u32 s13, $0x1  }
0x10: {  	s0 =	sadd.s32 s0, s29;
	s31 =	sadd.s32 s24, s23;
	[dreg:$0x4] =	wrdreg s30  }
0x11: {  	s9 =	sadd.s32 $0x10000, s4;
	[dreg:$0x5] =	wrdreg s31;
	s0 =	sadd.s32 s24, s0  }
0x12: {  	v0 =	vimm.f32 $0.0e+00;
	s12 =	sadd.s32 s12, s16;
	s16 =	simm.s32 $0x2800;
	[dreg:$0x6] =	wrdreg s0  }
.LBB2_1:
0x13: {  	s0 =	rddreg [dreg:$0x3]  }
0x14: {  	[tilespmem:s3], [sflag:$0x5] =	stream.linear.gather [hbm4b:s0+s3], $0x2780, $0x38;
	[tilespmem:$0x1E500] =	vst v63  }
0x15: {  	_ =	swait.ge [sflag:s14], $0x2780  }
0x16: {  	[sflag:s14] =	ssyncset.done $0x0  }
0x17: {  	s28 =	simm.s32 $0x200;
	s0 =	simm.s32 $0x0;
	[sflag:s14] =	ssyncadd.s32 $0xFFFFD880  }
.LBB2_2:
0x18: {  	p0 =	sne.s32 s28, $0xFE00;
	[tilespmem:s0+$0x2970] =	vst v0  }
0x19: {  	[tilespmem:s0+$0x2900] =	vst v0  }
0x1a: {  	[tilespmem:s0+$0x2910] =	vst v0  }
.Ltmp0:
0x1b: {  	[tilespmem:s0+$0x2920] =	vst v0;
	(pc) =	sbr.rel @p0 .LBB2_2-.Ltmp0, $4  }
0x1c: {  	[tilespmem:s0+$0x2930] =	vst v0  }
0x1d: {  	[tilespmem:s0+$0x2940] =	vst v0  }
0x1e: {  	[tilespmem:s0+$0x2950] =	vst v0  }
0x1f: {  	[tilespmem:s0+$0x2960] =	vst v0;
	s0 =	sshra.s32 s28, $0x2;
	s28 =	sadd.s32 $0x200, s28  }
0x20: {  	[tilespmem:s0+$0x2970] =	vst v0  }
0x21: {  	[tilespmem:s0+$0x2900] =	vst v0  }
0x22: {  	[tilespmem:s0+$0x2910] =	vst v0  }
0x23: {  	[tilespmem:s0+$0x2920] =	vst v0  }
0x24: {  	[tilespmem:s0+$0x2930] =	vst v0  }
0x25: {  	[tilespmem:s0+$0x2940] =	vst v0  }
0x26: {  	[tilespmem:s0+$0x2950] =	vst v0  }
0x27: {  	[tilespmem:s0+$0x2960] =	vst v0  }
0x28: {  	[spmem:s4] =	stream.linear.scatter [tilespmem:s15], [sflag:$0x5], $0x4000, $0x38;
	[tilespmem:$0x1E500] =	vst v63  }
0x29: {  	_ =	swait.ge [sflag:s14], $0x4000  }
0x2a: {  	[sflag:s14] =	ssyncset.done $0x0  }
0x2b: {  	[sflag:s14] =	ssyncadd.s32 $0xFFFFC000  }
0x2c: {  	[spmem:s6] =	stream.linear.scatter [tilespmem:s15], [sflag:$0x5], $0x4000, $0x38;
	[tilespmem:$0x1E500] =	vst v63  }
0x2d: {  	_ =	swait.ge [sflag:s14], $0x4000  }
0x2e: {  	[sflag:s14] =	ssyncset.done $0x0  }
0x2f: {  	[sflag:s14] =	ssyncadd.s32 $0xFFFFC000  }
0x30: {  	[spmem:s7] =	stream.linear.scatter [tilespmem:s15], [sflag:$0x5], $0x4000, $0x38;
	[tilespmem:$0x1E500] =	vst v63  }
0x31: {  	_ =	swait.ge [sflag:s14], $0x4000  }
0x32: {  	[sflag:s14] =	ssyncset.done $0x0  }
0x33: {  	[sflag:s14] =	ssyncadd.s32 $0xFFFFC000  }
0x34: {  	[spmem:s8] =	stream.linear.scatter [tilespmem:s15], [sflag:$0x5], $0x4000, $0x38;
	[tilespmem:$0x1E500] =	vst v63  }
0x35: {  	_ =	swait.ge [sflag:s14], $0x4000  }
0x36: {  	[sflag:s14] =	ssyncset.done $0x0  }
0x37: {  	[sflag:s14] =	ssyncadd.s32 $0xFFFFC000  }
0x38: {  	[spmem:s9] =	stream.linear.scatter [tilespmem:s15], [sflag:$0x5], $0x3C00, $0x38;
	[tilespmem:$0x1E500] =	vst v63  }
0x39: {  	_ =	swait.ge [sflag:s14], $0x3C00  }
0x3a: {  	[sflag:s14] =	ssyncset.done $0x0  }
0x3b: {  	[sflag:s14] =	ssyncadd.s32 $0xFFFFC400  }
0x3c: {  	s13 =	simm.s32 $0x80;
	s1 =	simm.s32 $0x0;
	[bflag:$0x0] =	sbarrier.arrive $0xFFFF  }
0x3d: {  	[tilespmem:s15], [sflag:$0x1] =	stream.indirect.gather [hbm4b:s10+s13], $0x80, s1, s13, $0xb8;
	[tilespmem:$0x1E500] =	vst v63  }
0x3e: {  	_ = 	snop  }
0x3f: {  	[tilespmem:s16], [sflag:$0x3] =	stream.linear.gather [hbm4b:s11+s1], $0x80, $0x38;
	[tilespmem:$0x1E500] =	vst v63  }
0x40: {  	s28 =	simm.s32 $0x10;
	s1 =	sand.u32 $0x780, s1  }
0x41: {  	s28 =	sand.u32 $0x70, s28;
	s1 =	sadd.s32 s11, s1  }
0x42: {  	[tilespmem:s18], [sflag:$0x2] =	stream.indirect.gather [hbm4b:s10+s17], $0x80, s13, s17, $0xb8;
	[tilespmem:$0x1E500] =	vst v63  }
0x43: {  	s23 =	sadd.s32 s28, s1  }
0x44: {  	[tilespmem:s19], [sflag:$0x4] =	stream.linear.gather [hbm4b:s23+s3], $0x80, $0x38;
	[tilespmem:$0x1E500] =	vst v63  }
0x45: {  	_ =	swait.ge [sflag:s20], $0x4000  }
0x46: {  	[sflag:s20] =	ssyncset.done $0x0  }
0x47: {  	[sflag:s20] =	ssyncadd.s32 $0xFFFFC000  }
0x48: {  	_ =	swait.ge [sflag:s21], $0x80  }
0x49: {  	[sflag:s21] =	ssyncset.done $0x0  }
0x4a: {  	[sflag:s21] =	ssyncadd.s32 $0xFFFFFF80  }
0x4b: {  	[spmem:s2] =	stream.indirect.scatter.add.f32 [tilespmem:s15], [sflag:$0x5], $0x80, s16, s17, $0xb8;
	[tilespmem:$0x1E500] =	vst v63  }
0x4c: {  	_ =	swait.ge [sflag:s14], $0x4000  }
0x4d: {  	[sflag:s14] =	ssyncset.done $0x0  }
0x4e: {  	s24 =	simm.s32 $0x100;
	s28 =	sadd.s32 $0x20, s11;
	[sflag:s14] =	ssyncadd.s32 $0xFFFFC000  }
0x4f: {  	[tilespmem:s15], [sflag:$0x1] =	stream.indirect.gather [hbm4b:s10+s17], $0x80, s24, s17, $0xb8;
	[tilespmem:$0x1E500] =	vst v63  }
0x50: {  	s31 =	sadd.s32 $0x0, s28  }
0x51: {  	[tilespmem:s16], [sflag:$0x3] =	stream.linear.gather [hbm4b:s31+s3], $0x80, $0x38;
	[tilespmem:$0x1E500] =	vst v63  }
0x52: {  	_ =	swait.ge [sflag:s22], $0x4000  }
0x53: {  	[sflag:s22] =	ssyncset.done $0x0  }
0x54: {  	[sflag:s22] =	ssyncadd.s32 $0xFFFFC000  }
0x55: {  	_ =	swait.ge [sflag:s25], $0x80  }
0x56: {  	s29 =	simm.s32 $0x20;
	[sflag:s25] =	ssyncset.done $0x0  }
0x57: {  	s0 =	simm.s32 $0x40;
	s30 =	simm.s32 $0x180;
	[sflag:s25] =	ssyncadd.s32 $0xFFFFFF80  }
0x58: {  	[spmem:s2] =	stream.indirect.scatter.add.f32 [tilespmem:s18], [sflag:$0x5], $0x80, s19, s17, $0xb8;
	[tilespmem:$0x1E500] =	vst v63  }
.LBB2_4:
0x59: {  	s1 =	sand.u32 $0x780, s29  }
0x5a: {  	s31 =	sadd.s32 $0x10, s29;
	_ =	swait.ge [sflag:s14], $0x4000;
	s5 =	smov.u32 s0  }
0x5b: {  	s31 =	sand.u32 $0x70, s31;
	s1 =	sadd.s32 s11, s1;
	[sflag:s14] =	ssyncset.done $0x0  }
0x5c: {  	s13 =	sadd.s32 $0x20, s0;
	s1 =	sadd.s32 s31, s1;
	[sflag:s14] =	ssyncadd.s32 $0xFFFFC000  }
0x5d: {  	[tilespmem:s18], [sflag:$0x2] =	stream.indirect.gather [hbm4b:s10+s17], $0x80, s30, s17, $0xb8;
	[tilespmem:$0x1E500] =	vst v63  }
0x5e: {  	p0 =	sne.s32 s0, $0x4C0  }
0x5f: {  	[tilespmem:s19], [sflag:$0x4] =	stream.linear.gather [hbm4b:s1+s3], $0x80, $0x38;
	[tilespmem:$0x1E500] =	vst v63  }
0x60: {  	_ =	swait.ge [sflag:s20], $0x4000  }
0x61: {  	[sflag:s20] =	ssyncset.done $0x0  }
0x62: {  	[sflag:s20] =	ssyncadd.s32 $0xFFFFC000  }
0x63: {  	_ =	swait.ge [sflag:s21], $0x80  }
0x64: {  	[sflag:s21] =	ssyncset.done $0x0  }
0x65: {  	[sflag:s21] =	ssyncadd.s32 $0xFFFFFF80  }
0x66: {  	[spmem:s2] =	stream.indirect.scatter.add.f32 [tilespmem:s15], [sflag:$0x5], $0x80, s16, s17, $0xb8;
	[tilespmem:$0x1E500] =	vst v63  }
0x67: {  	s0 =	sadd.s32 $0x80, s30;
	_ =	swait.ge [sflag:s14], $0x4000  }
0x68: {  	[sflag:s14] =	ssyncset.done $0x0  }
0x69: {  	s1 =	sadd.s32 s29, s28;
	s29 =	smov.u32 s5;
	[sflag:s14] =	ssyncadd.s32 $0xFFFFC000  }
0x6a: {  	[tilespmem:s15], [sflag:$0x1] =	stream.indirect.gather [hbm4b:s10+s17], $0x80, s0, s17, $0xb8;
	[tilespmem:$0x1E500] =	vst v63  }
0x6b: {  	_ = 	snop  }
0x6c: {  	[tilespmem:s16], [sflag:$0x3] =	stream.linear.gather [hbm4b:s1+s3], $0x80, $0x38;
	[tilespmem:$0x1E500] =	vst v63  }
0x6d: {  	_ =	swait.ge [sflag:s22], $0x4000  }
0x6e: {  	[sflag:s22] =	ssyncset.done $0x0  }
.Ltmp1:
0x6f: {  	[sflag:s22] =	ssyncadd.s32 $0xFFFFC000;
	(pc) =	sbr.rel @p0 .LBB2_4-.Ltmp1, $4  }
0x70: {  	_ =	swait.ge [sflag:s25], $0x80  }
0x71: {  	[sflag:s25] =	ssyncset.done $0x0  }
0x72: {  	s30 =	sadd.s32 $0x100, s30;
	s0 =	smov.u32 s13;
	[sflag:s25] =	ssyncadd.s32 $0xFFFFFF80  }
0x73: {  	[spmem:s2] =	stream.indirect.scatter.add.f32 [tilespmem:s18], [sflag:$0x5], $0x80, s19, s17, $0xb8;
	[tilespmem:$0x1E500] =	vst v63  }
0x74: {  	_ =	swait.ge [sflag:s14], $0x4000  }
0x75: {  	s0 =	sand.u32 $0x780, s29;
	s1 =	sadd.s32 $0x10, s29;
	[sflag:s14] =	ssyncset.done $0x0  }
0x76: {  	s1 =	sand.u32 $0x70, s1;
	s0 =	sadd.s32 s11, s0;
	[sflag:s14] =	ssyncadd.s32 $0xFFFFC000  }
0x77: {  	[tilespmem:s18], [sflag:$0x2] =	stream.indirect.gather [hbm4b:s10+s17], $0x80, s30, s17, $0xb8;
	[tilespmem:$0x1E500] =	vst v63  }
0x78: {  	s0 =	sadd.s32 s1, s0  }
0x79: {  	[tilespmem:s19], [sflag:$0x4] =	stream.linear.gather [hbm4b:s0+s3], $0x80, $0x38;
	[tilespmem:$0x1E500] =	vst v63  }
0x7a: {  	_ =	swait.ge [sflag:s20], $0x4000  }
0x7b: {  	[sflag:s20] =	ssyncset.done $0x0  }
0x7c: {  	[sflag:s20] =	ssyncadd.s32 $0xFFFFC000  }
0x7d: {  	_ =	swait.ge [sflag:s21], $0x80  }
0x7e: {  	[sflag:s21] =	ssyncset.done $0x0  }
0x7f: {  	[sflag:s21] =	ssyncadd.s32 $0xFFFFFF80  }
0x80: {  	[spmem:s2] =	stream.indirect.scatter.add.f32 [tilespmem:s15], [sflag:$0x5], $0x80, s16, s17, $0xb8;
	[tilespmem:$0x1E500] =	vst v63  }
0x81: {  	_ =	swait.ge [sflag:s14], $0x4000  }
0x82: {  	[sflag:s14] =	ssyncset.done $0x0  }
0x83: {  	s5 =	sadd.s32 $0x80, s30;
	[sflag:s14] =	ssyncadd.s32 $0xFFFFC000  }
0x84: {  	[tilespmem:s15], [sflag:$0x1] =	stream.indirect.gather [hbm4b:s10+s17], $0x80, s5, s17, $0xb8;
	[tilespmem:$0x1E500] =	vst v63  }
0x85: {  	s13 =	sadd.s32 s29, s28  }
0x86: {  	[tilespmem:s16], [sflag:$0x3] =	stream.linear.gather [hbm4b:s13+s3], $0x80, $0x38;
	[tilespmem:$0x1E500] =	vst v63  }
0x87: {  	_ =	swait.ge [sflag:s22], $0x4000  }
0x88: {  	[sflag:s22] =	ssyncset.done $0x0  }
0x89: {  	[sflag:s22] =	ssyncadd.s32 $0xFFFFC000  }
0x8a: {  	_ =	swait.ge [sflag:s25], $0x80  }
0x8b: {  	[sflag:s25] =	ssyncset.done $0x0  }
0x8c: {  	[sflag:s25] =	ssyncadd.s32 $0xFFFFFF80  }
0x8d: {  	[spmem:s2] =	stream.indirect.scatter.add.f32 [tilespmem:s18], [sflag:$0x5], $0x80, s19, s17, $0xb8;
	[tilespmem:$0x1E500] =	vst v63  }
0x8e: {  	_ =	swait.ge [sflag:s14], $0x4000  }
0x8f: {  	[sflag:s14] =	ssyncset.done $0x0  }
0x90: {  	[sflag:s14] =	ssyncadd.s32 $0xFFFFC000  }
0x91: {  	_ =	swait.ge [sflag:s20], $0x4000  }
0x92: {  	[sflag:s20] =	ssyncset.done $0x0  }
0x93: {  	[sflag:s20] =	ssyncadd.s32 $0xFFFFC000  }
0x94: {  	_ =	swait.ge [sflag:s21], $0x80  }
0x95: {  	[sflag:s21] =	ssyncset.done $0x0  }
0x96: {  	[sflag:s21] =	ssyncadd.s32 $0xFFFFFF80  }
0x97: {  	[spmem:s2] =	stream.indirect.scatter.add.f32 [tilespmem:s15], [sflag:$0x5], $0x80, s16, s17, $0xb8;
	[tilespmem:$0x1E500] =	vst v63  }
0x98: {  	_ =	swait.ge [sflag:s14], $0x4000  }
0x99: {  	[sflag:s14] =	ssyncset.done $0x0  }
0x9a: {  	s23 =	stileid.u32;
	[sflag:s14] =	ssyncadd.s32 $0xFFFFC000  }
0x9b: {  	s0 =	sshll.u32 s23, $0x6;
	[bflag:$0x0] =	sbarrier.arrive $0xFFFF  }
0x9c: {  	s30 =	sshrl.u32 s4, $0x3;
	s29 =	sor.u32 $0x1C05, s0;
	s24 =	rddreg [dreg:$0x5]  }
0x9d: {  	[hbm:s24], [sflag:s29] =	dma.local [spmem:s30], $0x2780  }
0x9e: {  	_ =	swait.ge [sflag:s14], $0x2780  }
0x9f: {  	[sflag:s14] =	ssyncset.done $0x0  }
0xa0: {  	s31 =	simm.s32 $0x200;
	s0 =	simm.s32 $0x0;
	[sflag:s14] =	ssyncadd.s32 $0xFFFFD880  }
.LBB2_6:
0xa1: {  	p0 =	sne.s32 s31, $0xFE00;
	[tilespmem:s0+$0x2970] =	vst v0  }
0xa2: {  	[tilespmem:s0+$0x2900] =	vst v0  }
0xa3: {  	[tilespmem:s0+$0x2910] =	vst v0  }
.Ltmp2:
0xa4: {  	[tilespmem:s0+$0x2920] =	vst v0;
	(pc) =	sbr.rel @p0 .LBB2_6-.Ltmp2, $4  }
0xa5: {  	[tilespmem:s0+$0x2930] =	vst v0  }
0xa6: {  	[tilespmem:s0+$0x2940] =	vst v0  }
0xa7: {  	[tilespmem:s0+$0x2950] =	vst v0  }
0xa8: {  	[tilespmem:s0+$0x2960] =	vst v0;
	s0 =	sshra.s32 s31, $0x2;
	s31 =	sadd.s32 $0x200, s31  }
0xa9: {  	[tilespmem:s0+$0x2970] =	vst v0  }
0xaa: {  	[tilespmem:s0+$0x2900] =	vst v0  }
0xab: {  	[tilespmem:s0+$0x2910] =	vst v0  }
0xac: {  	[tilespmem:s0+$0x2920] =	vst v0  }
0xad: {  	[tilespmem:s0+$0x2930] =	vst v0  }
0xae: {  	[tilespmem:s0+$0x2940] =	vst v0  }
0xaf: {  	[tilespmem:s0+$0x2950] =	vst v0  }
0xb0: {  	[tilespmem:s0+$0x2960] =	vst v0  }
0xb1: {  	[spmem:s4] =	stream.linear.scatter [tilespmem:s15], [sflag:$0x5], $0x4000, $0x38;
	[tilespmem:$0x1E500] =	vst v63  }
0xb2: {  	_ =	swait.ge [sflag:s14], $0x4000  }
0xb3: {  	[sflag:s14] =	ssyncset.done $0x0  }
0xb4: {  	[sflag:s14] =	ssyncadd.s32 $0xFFFFC000  }
0xb5: {  	[spmem:s6] =	stream.linear.scatter [tilespmem:s15], [sflag:$0x5], $0x4000, $0x38;
	[tilespmem:$0x1E500] =	vst v63  }
0xb6: {  	_ =	swait.ge [sflag:s14], $0x4000  }
0xb7: {  	[sflag:s14] =	ssyncset.done $0x0  }
0xb8: {  	[sflag:s14] =	ssyncadd.s32 $0xFFFFC000  }
0xb9: {  	[spmem:s7] =	stream.linear.scatter [tilespmem:s15], [sflag:$0x5], $0x4000, $0x38;
	[tilespmem:$0x1E500] =	vst v63  }
0xba: {  	_ =	swait.ge [sflag:s14], $0x4000  }
0xbb: {  	[sflag:s14] =	ssyncset.done $0x0  }
0xbc: {  	[sflag:s14] =	ssyncadd.s32 $0xFFFFC000  }
0xbd: {  	[spmem:s8] =	stream.linear.scatter [tilespmem:s15], [sflag:$0x5], $0x4000, $0x38;
	[tilespmem:$0x1E500] =	vst v63  }
0xbe: {  	_ =	swait.ge [sflag:s14], $0x4000  }
0xbf: {  	[sflag:s14] =	ssyncset.done $0x0  }
0xc0: {  	[sflag:s14] =	ssyncadd.s32 $0xFFFFC000  }
0xc1: {  	[spmem:s9] =	stream.linear.scatter [tilespmem:s15], [sflag:$0x5], $0x3C00, $0x38;
	[tilespmem:$0x1E500] =	vst v63  }
0xc2: {  	_ =	swait.ge [sflag:s14], $0x3C00  }
0xc3: {  	[sflag:s14] =	ssyncset.done $0x0  }
0xc4: {  	[sflag:s14] =	ssyncadd.s32 $0xFFFFC400  }
0xc5: {  	s24 =	simm.s32 $0x80;
	s1 =	simm.s32 $0x0;
	[bflag:$0x0] =	sbarrier.arrive $0xFFFF  }
0xc6: {  	[tilespmem:s15], [sflag:$0x1] =	stream.indirect.gather [hbm4b:s12+s24], $0x80, s1, s24, $0xb8;
	[tilespmem:$0x1E500] =	vst v63  }
0xc7: {  	_ = 	snop  }
0xc8: {  	[tilespmem:s16], [sflag:$0x3] =	stream.linear.gather [hbm4b:s11+s1], $0x80, $0x38;
	[tilespmem:$0x1E500] =	vst v63  }
0xc9: {  	s5 =	simm.s32 $0x10;
	s1 =	sand.u32 $0x780, s1  }
0xca: {  	s5 =	sand.u32 $0x70, s5;
	s1 =	sadd.s32 s11, s1  }
0xcb: {  	[tilespmem:s18], [sflag:$0x2] =	stream.indirect.gather [hbm4b:s12+s17], $0x80, s24, s17, $0xb8;
	[tilespmem:$0x1E500] =	vst v63  }
0xcc: {  	s13 =	sadd.s32 s5, s1  }
0xcd: {  	[tilespmem:s19], [sflag:$0x4] =	stream.linear.gather [hbm4b:s13+s3], $0x80, $0x38;
	[tilespmem:$0x1E500] =	vst v63  }
0xce: {  	_ =	swait.ge [sflag:s20], $0x4000  }
0xcf: {  	[sflag:s20] =	ssyncset.done $0x0  }
0xd0: {  	[sflag:s20] =	ssyncadd.s32 $0xFFFFC000  }
0xd1: {  	_ =	swait.ge [sflag:s21], $0x80  }
0xd2: {  	[sflag:s21] =	ssyncset.done $0x0  }
0xd3: {  	[sflag:s21] =	ssyncadd.s32 $0xFFFFFF80  }
0xd4: {  	[spmem:s2] =	stream.indirect.scatter.add.f32 [tilespmem:s15], [sflag:$0x5], $0x80, s16, s17, $0xb8;
	[tilespmem:$0x1E500] =	vst v63  }
0xd5: {  	_ =	swait.ge [sflag:s14], $0x4000  }
0xd6: {  	[sflag:s14] =	ssyncset.done $0x0  }
0xd7: {  	s23 =	simm.s32 $0x100;
	[sflag:s14] =	ssyncadd.s32 $0xFFFFC000  }
0xd8: {  	[tilespmem:s15], [sflag:$0x1] =	stream.indirect.gather [hbm4b:s12+s17], $0x80, s23, s17, $0xb8;
	[tilespmem:$0x1E500] =	vst v63  }
0xd9: {  	s24 =	sadd.s32 $0x0, s28  }
0xda: {  	[tilespmem:s16], [sflag:$0x3] =	stream.linear.gather [hbm4b:s24+s3], $0x80, $0x38;
	[tilespmem:$0x1E500] =	vst v63  }
0xdb: {  	_ =	swait.ge [sflag:s22], $0x4000  }
0xdc: {  	[sflag:s22] =	ssyncset.done $0x0  }
0xdd: {  	[sflag:s22] =	ssyncadd.s32 $0xFFFFC000  }
0xde: {  	_ =	swait.ge [sflag:s25], $0x80  }
0xdf: {  	s31 =	simm.s32 $0x20;
	[sflag:s25] =	ssyncset.done $0x0  }
0xe0: {  	s0 =	simm.s32 $0x180;
	s1 =	simm.s32 $0x40;
	[sflag:s25] =	ssyncadd.s32 $0xFFFFFF80  }
0xe1: {  	[spmem:s2] =	stream.indirect.scatter.add.f32 [tilespmem:s18], [sflag:$0x5], $0x80, s19, s17, $0xb8;
	[tilespmem:$0x1E500] =	vst v63  }
.LBB2_8:
0xe2: {  	s5 =	sand.u32 $0x780, s31  }
0xe3: {  	s13 =	sadd.s32 $0x10, s31;
	_ =	swait.ge [sflag:s14], $0x4000;
	s23 =	smov.u32 s1  }
0xe4: {  	s13 =	sand.u32 $0x70, s13;
	s5 =	sadd.s32 s11, s5;
	[sflag:s14] =	ssyncset.done $0x0  }
0xe5: {  	s24 =	sadd.s32 $0x20, s1;
	s5 =	sadd.s32 s13, s5;
	[sflag:s14] =	ssyncadd.s32 $0xFFFFC000  }
0xe6: {  	[tilespmem:s18], [sflag:$0x2] =	stream.indirect.gather [hbm4b:s12+s17], $0x80, s0, s17, $0xb8;
	[tilespmem:$0x1E500] =	vst v63  }
0xe7: {  	p0 =	sne.s32 s1, $0x4C0  }
0xe8: {  	[tilespmem:s19], [sflag:$0x4] =	stream.linear.gather [hbm4b:s5+s3], $0x80, $0x38;
	[tilespmem:$0x1E500] =	vst v63  }
0xe9: {  	_ =	swait.ge [sflag:s20], $0x4000  }
0xea: {  	[sflag:s20] =	ssyncset.done $0x0  }
0xeb: {  	[sflag:s20] =	ssyncadd.s32 $0xFFFFC000  }
0xec: {  	_ =	swait.ge [sflag:s21], $0x80  }
0xed: {  	[sflag:s21] =	ssyncset.done $0x0  }
0xee: {  	[sflag:s21] =	ssyncadd.s32 $0xFFFFFF80  }
0xef: {  	[spmem:s2] =	stream.indirect.scatter.add.f32 [tilespmem:s15], [sflag:$0x5], $0x80, s16, s17, $0xb8;
	[tilespmem:$0x1E500] =	vst v63  }
0xf0: {  	s1 =	sadd.s32 $0x80, s0;
	_ =	swait.ge [sflag:s14], $0x4000  }
0xf1: {  	[sflag:s14] =	ssyncset.done $0x0  }
0xf2: {  	s5 =	sadd.s32 s31, s28;
	s31 =	smov.u32 s23;
	[sflag:s14] =	ssyncadd.s32 $0xFFFFC000  }
0xf3: {  	[tilespmem:s15], [sflag:$0x1] =	stream.indirect.gather [hbm4b:s12+s17], $0x80, s1, s17, $0xb8;
	[tilespmem:$0x1E500] =	vst v63  }
0xf4: {  	_ = 	snop  }
0xf5: {  	[tilespmem:s16], [sflag:$0x3] =	stream.linear.gather [hbm4b:s5+s3], $0x80, $0x38;
	[tilespmem:$0x1E500] =	vst v63  }
0xf6: {  	_ =	swait.ge [sflag:s22], $0x4000  }
0xf7: {  	[sflag:s22] =	ssyncset.done $0x0  }
.Ltmp3:
0xf8: {  	[sflag:s22] =	ssyncadd.s32 $0xFFFFC000;
	(pc) =	sbr.rel @p0 .LBB2_8-.Ltmp3, $4  }
0xf9: {  	_ =	swait.ge [sflag:s25], $0x80  }
0xfa: {  	[sflag:s25] =	ssyncset.done $0x0  }
0xfb: {  	s0 =	sadd.s32 $0x100, s0;
	s1 =	smov.u32 s24;
	[sflag:s25] =	ssyncadd.s32 $0xFFFFFF80  }
0xfc: {  	[spmem:s2] =	stream.indirect.scatter.add.f32 [tilespmem:s18], [sflag:$0x5], $0x80, s19, s17, $0xb8;
	[tilespmem:$0x1E500] =	vst v63  }
0xfd: {  	_ =	swait.ge [sflag:s14], $0x4000  }
0xfe: {  	s1 =	sand.u32 $0x780, s31;
	s5 =	sadd.s32 $0x10, s31;
	[sflag:s14] =	ssyncset.done $0x0  }
0xff: {  	s5 =	sand.u32 $0x70, s5;
	s1 =	sadd.s32 s11, s1;
	[sflag:s14] =	ssyncadd.s32 $0xFFFFC000  }
0x100: {  	[tilespmem:s18], [sflag:$0x2] =	stream.indirect.gather [hbm4b:s12+s17], $0x80, s0, s17, $0xb8;
	[tilespmem:$0x1E500] =	vst v63  }
0x101: {  	s1 =	sadd.s32 s5, s1  }
0x102: {  	[tilespmem:s19], [sflag:$0x4] =	stream.linear.gather [hbm4b:s1+s3], $0x80, $0x38;
	[tilespmem:$0x1E500] =	vst v63  }
0x103: {  	_ =	swait.ge [sflag:s20], $0x4000  }
0x104: {  	[sflag:s20] =	ssyncset.done $0x0  }
0x105: {  	[sflag:s20] =	ssyncadd.s32 $0xFFFFC000  }
0x106: {  	_ =	swait.ge [sflag:s21], $0x80  }
0x107: {  	[sflag:s21] =	ssyncset.done $0x0  }
0x108: {  	[sflag:s21] =	ssyncadd.s32 $0xFFFFFF80  }
0x109: {  	[spmem:s2] =	stream.indirect.scatter.add.f32 [tilespmem:s15], [sflag:$0x5], $0x80, s16, s17, $0xb8;
	[tilespmem:$0x1E500] =	vst v63  }
0x10a: {  	_ =	swait.ge [sflag:s14], $0x4000  }
0x10b: {  	[sflag:s14] =	ssyncset.done $0x0  }
0x10c: {  	s23 =	sadd.s32 $0x80, s0;
	[sflag:s14] =	ssyncadd.s32 $0xFFFFC000  }
0x10d: {  	[tilespmem:s15], [sflag:$0x1] =	stream.indirect.gather [hbm4b:s12+s17], $0x80, s23, s17, $0xb8;
	[tilespmem:$0x1E500] =	vst v63  }
0x10e: {  	s24 =	sadd.s32 s31, s28  }
0x10f: {  	[tilespmem:s16], [sflag:$0x3] =	stream.linear.gather [hbm4b:s24+s3], $0x80, $0x38;
	[tilespmem:$0x1E500] =	vst v63  }
0x110: {  	_ =	swait.ge [sflag:s22], $0x4000  }
0x111: {  	[sflag:s22] =	ssyncset.done $0x0  }
0x112: {  	[sflag:s22] =	ssyncadd.s32 $0xFFFFC000  }
0x113: {  	_ =	swait.ge [sflag:s25], $0x80  }
0x114: {  	[sflag:s25] =	ssyncset.done $0x0  }
0x115: {  	[sflag:s25] =	ssyncadd.s32 $0xFFFFFF80  }
0x116: {  	[spmem:s2] =	stream.indirect.scatter.add.f32 [tilespmem:s18], [sflag:$0x5], $0x80, s19, s17, $0xb8;
	[tilespmem:$0x1E500] =	vst v63  }
0x117: {  	_ =	swait.ge [sflag:s14], $0x4000  }
0x118: {  	[sflag:s14] =	ssyncset.done $0x0  }
0x119: {  	[sflag:s14] =	ssyncadd.s32 $0xFFFFC000  }
0x11a: {  	_ =	swait.ge [sflag:s20], $0x4000  }
0x11b: {  	[sflag:s20] =	ssyncset.done $0x0  }
0x11c: {  	[sflag:s20] =	ssyncadd.s32 $0xFFFFC000  }
0x11d: {  	_ =	swait.ge [sflag:s21], $0x80  }
0x11e: {  	[sflag:s21] =	ssyncset.done $0x0  }
0x11f: {  	[sflag:s21] =	ssyncadd.s32 $0xFFFFFF80  }
0x120: {  	[spmem:s2] =	stream.indirect.scatter.add.f32 [tilespmem:s15], [sflag:$0x5], $0x80, s16, s17, $0xb8;
	[tilespmem:$0x1E500] =	vst v63  }
0x121: {  	_ =	swait.ge [sflag:s14], $0x4000  }
0x122: {  	[sflag:s14] =	ssyncset.done $0x0  }
0x123: {  	[sflag:s14] =	ssyncadd.s32 $0xFFFFC000  }
0x124: {  	[bflag:$0x0] =	sbarrier.arrive $0xFFFF  }
0x125: {  	s28 =	rddreg [dreg:$0x6]  }
0x126: {  	[hbm:s28], [sflag:s29] =	dma.local [spmem:s30], $0x2780  }
0x127: {  	_ =	swait.ge [sflag:s14], $0x2780  }
0x128: {  	s26 =	sadd.s32 $0x1, s26;
	s31 =	rddreg [dreg:$0x4]  }
0x129: {  	p0 =	sne.s32 s26, s31  }
.Ltmp4:
0x12a: {  	_ = 	snop;
	(pc) =	sbr.rel @p0 .LBB2_1-.Ltmp4, $3  }
0x12b: {  	_ =	sdelay $0x1  }
0x12c: {  	[sflag:s14] =	ssyncset.done $0x0  }
0x12d: {  	[sflag:s14] =	ssyncadd.s32 $0xFFFFD880  }
0x12e: {  	_ =	sfence.sel $0x180000  }
0x12f: {  	[bflag:$0x0] =	sbarrier.arrive $0xFFFF  }
0x130: {  	_ =	strace $0x9000004A  }
0x131: {  	s0 =	stileid.u32;
	[bflag:$0x2] =	sbarrier.arrive $0xFFFF  }
0x132: {  	p0 =	sne.s32 s0, $0x0;
	s0 =	rddreg [dreg:$0x2]  }
0x133: {  	s0 =	sadd.s32 @!p0 $0x100000, s0  }
0x134: {  	[sflag:s0] =	ssyncadd.tile.s32 @!p0 $0x1;
	_ =	shalt  }
.Lfunc_end2:
_tile_overlayer_lowered:
.L_overlay_start_2:
0x135: {  	(tag) =	ssettag $0x2  }
0x136: {  	s0 =	rddreg [dreg:$0x0];
	s2 =	stileid.u32  }
0x137: {  	s1 =	rddreg [dreg:$0x1];
	p0 =	sne.s32 s2, $0x0  }
0x138: {  	s3 =	rddreg [dreg:$0x2];
	[bflag:$0x3] =	sbarrier.arrive $0xFFFF;
	s2 =	simm.s32 @!p0 $0x1C05  }
0x139: {  	[timem:s3], [sflag:s2] =	dma.local @!p0 [hbm:s0], s1  }
0x13a: {  	s0 =	simm.s32 @!p0 $0x5  }
0x13b: {  	_ =	swait.ge @!p0 [sflag:s0], s1  }
0x13c: {  	s1 =	ssub.s32 @!p0 $0x0, s1;
	[sflag:s0] =	ssyncset.done @!p0 $0x0  }
0x13d: {  	[sflag:s0] =	ssyncadd.s32 @!p0 s1  }
0x13e: {  	[bflag:$0x3] =	sbarrier.arrive $0xFFFF  }
0x13f: {  	_ =	shalt  }

// kernel: kernel.14.cloned.1.call-start
scs
__scs_entry_jumppad:
0x0: {  	(pc) =	sbr.rel $0x88, $3  }
0x1: {  	(tag) =	ssettag $0x0;
	lr =	simm.s32 $0x1  }
0x2: {  	[smem:$0x3F96] =	sst lr;
	_ =	strace $0xD0000000  }
0x3: {  	_ = 	snop  }
0x4: {  	_ = 	snop  }
0x5: {  	_ = 	snop  }
0x6: {  	_ = 	snop  }
0x7: {  	_ = 	snop  }
__scs_overlays_trampoline_lowered:
0x8: {  	[smem:$0x3FA5] =	sst s0  }
0x9: {  	[smem:$0x3FA6] =	sst s1  }
0xa: {  	[smem:$0x3FA7] =	sst s2  }
0xb: {  	[smem:$0x3FA8] =	sst s3  }
0xc: {  	[smem:$0x3FA9] =	sst s4  }
0xd: {  	[smem:$0x3FAA] =	sst s5  }
0xe: {  	[smem:$0x3FAB] =	sst s6  }
0xf: {  	[smem:$0x3FAC] =	sst s7  }
0x10: {  	[smem:$0x3FAD] =	sst s8  }
0x11: {  	[smem:$0x3FAE] =	sst s9;
	s0 =	simm.s32 @!p0 $0x0  }
0x12: {  	s1 =	sld [smem:$0x3F94];
	s0 =	simm.s32 @p0 $0x1  }
0x13: {  	[smem:$0x3FAF] =	sst s0;
	s0 =	simm.s32 @!p1 $0x0  }
0x14: {  	s2 =	sld [smem:$0x3F93];
	s0 =	simm.s32 @p1 $0x1  }
0x15: {  	[smem:$0x3FB0] =	sst s0;
	s0 =	simm.s32 @!p2 $0x0  }
0x16: {  	s3 =	sld [smem:$0x3FDB];
	s0 =	simm.s32 @p2 $0x1  }
0x17: {  	s4 =	simm.s32 $0x1BF5;
	[smem:$0x3FB2] =	sst s0  }
0x18: {  	s0 =	sld [smem:$0x3F95];
	_ =	swait.ge [sflag:s4], $0x0  }
0x19: {  	s7 =	sld [smem:$0x3F96]  }
0x1a: {  	s8 =	sadd.s32 $0xFFFFE003, lr  }
0x1b: {  	s9 =	sadd.s32 $0xFFFFFEF7, lr;
	s5 =	simm.s32 $0xFFFFFFFF;
	p2 =	slt.u32 s8, $0xFFFFF086  }
0x1c: {  	p1 =	slt.u32 s9, $0xF7A;
	s5 =	simm.s32 @!p2 $0x0  }
0x1d: {  	s5 =	simm.s32 @p1 $0x1;
	p0 =	seq.s32 s7, s2  }
0x1e: {  	s7 =	smul.u32 @!p0 $0xF7A, s2;
	p2 =	seq.s32 @!p0 s5, $0x0  }
0x1f: {  	s9 =	smul.u32 $0xF7A, s1;
	s8 =	simm.s32 @!p0 $0x1BF5;
	p2 =	por !p2, p0  }
0x20: {  	[sflag:s8] =	ssyncset.s32 @!p0 $0xFFFFF086;
	s6 =	sadd.s32 @!p0 s3, s7;
	s7 =	simm.s32 @!p0 $0x108  }
0x21: {  	s3 =	sadd.s32 s3, s9;
	s6 =	sadd.s32 @!p0 $0x88, s6;
	s7 =	simm.s32 @p2 $0x1082  }
0x22: {  	[simem:s7], [sflag:s8] =	dma.local @!p0 [hbm:s6], $0xF7A  }
0x23: {  	s9 =	sor.u32 $0xD0000000, s2;
	s6 =	simm.s32 $0x108;
	_ =	swait.ge @!p0 [sflag:s8], $0x0  }
0x24: {  	s3 =	sadd.s32 $0x88, s3;
	s6 =	simm.s32 @!p1 $0x1082;
	[sflag:s4] =	ssyncset.s32 $0xFFFFF086  }
0x25: {  	[simem:s6], [sflag:s4] =	dma.local [hbm:s3], $0xF7A  }
0x26: {  	[smem:$0x3F96] =	sst s1;
	(tag) =	ssettag s2;
	_ =	strace s9  }
0x27: {  	s1 =	sld [smem:$0x3FA6]  }
0x28: {  	s2 =	sld [smem:$0x3FA7]  }
0x29: {  	s4 =	sld [smem:$0x3FA9]  }
0x2a: {  	p0 =	seq.s32 s5, $0x0;
	s5 =	sld [smem:$0x3FAA]  }
0x2b: {  	s6 =	sld [smem:$0x3FAB]  }
0x2c: {  	s7 =	sld [smem:$0x3FAC]  }
0x2d: {  	s3 =	simm.s32 $0x108;
	s8 =	sld [smem:$0x3FAD]  }
0x2e: {  	s3 =	simm.s32 @!p0 $0x1082;
	s9 =	sld [smem:$0x3FAE]  }
0x2f: {  	lr =	sadd.s32 s0, s3;
	s0 =	sld [smem:$0x3FA5]  }
0x30: {  	s3 =	sld [smem:$0x3FA8]  }
0x31: {  	[smem:$0x3FB1] =	sst s10  }
0x32: {  	s10 =	sld [smem:$0x3FAF];
	_ =	sdelay $0x3  }
0x33: {  	p0 =	seq.s32 s10, $0x1;
	s10 =	sld [smem:$0x3FB1];
	_ =	sdelay $0x3  }
0x34: {  	[smem:$0x3FB1] =	sst s10  }
0x35: {  	s10 =	sld [smem:$0x3FB0];
	_ =	sdelay $0x3  }
0x36: {  	p1 =	seq.s32 s10, $0x1;
	s10 =	sld [smem:$0x3FB1];
	_ =	sdelay $0x3  }
0x37: {  	[smem:$0x3FB1] =	sst s10  }
0x38: {  	s10 =	sld [smem:$0x3FB2]  }
0x39: {  	_ = 	snop;
	(pc) =	sbr.ind lr, $3  }
0x3a: {  	_ = 	snop  }
0x3b: {  	_ = 	snop  }
0x3c: {  	p2 =	seq.s32 s10, $0x1;
	s10 =	sld [smem:$0x3FB1]  }
0x3d: {  	_ =	shalt  }
0x3e: {  	_ =	shalt  }
0x3f: {  	_ =	shalt  }
0x40: {  	_ =	shalt  }
0x41: {  	_ =	shalt  }
0x42: {  	_ =	shalt  }
0x43: {  	_ =	shalt  }
0x44: {  	_ =	shalt  }
0x45: {  	_ =	shalt  }
0x46: {  	_ =	shalt  }
0x47: {  	_ =	shalt  }
0x48: {  	_ =	shalt  }
0x49: {  	_ =	shalt  }
0x4a: {  	_ =	shalt  }
0x4b: {  	_ =	shalt  }
0x4c: {  	_ =	shalt  }
0x4d: {  	_ =	shalt  }
0x4e: {  	_ =	shalt  }
0x4f: {  	_ =	shalt  }
0x50: {  	_ =	shalt  }
0x51: {  	_ =	shalt  }
0x52: {  	_ =	shalt  }
0x53: {  	_ =	shalt  }
0x54: {  	_ =	shalt  }
0x55: {  	_ =	shalt  }
0x56: {  	_ =	shalt  }
0x57: {  	_ =	shalt  }
0x58: {  	_ =	shalt  }
0x59: {  	_ =	shalt  }
0x5a: {  	_ =	shalt  }
0x5b: {  	_ =	shalt  }
0x5c: {  	_ =	shalt  }
0x5d: {  	_ =	shalt  }
0x5e: {  	_ =	shalt  }
0x5f: {  	_ =	shalt  }
0x60: {  	_ =	shalt  }
0x61: {  	_ =	shalt  }
0x62: {  	_ =	shalt  }
0x63: {  	_ =	shalt  }
0x64: {  	_ =	shalt  }
0x65: {  	_ =	shalt  }
0x66: {  	_ =	shalt  }
0x67: {  	_ =	shalt  }
0x68: {  	_ =	shalt  }
0x69: {  	_ =	shalt  }
0x6a: {  	_ =	shalt  }
0x6b: {  	_ =	shalt  }
0x6c: {  	_ =	shalt  }
0x6d: {  	_ =	shalt  }
0x6e: {  	_ =	shalt  }
0x6f: {  	_ =	shalt  }
0x70: {  	_ =	shalt  }
0x71: {  	_ =	shalt  }
0x72: {  	_ =	shalt  }
0x73: {  	_ =	shalt  }
0x74: {  	_ =	shalt  }
0x75: {  	_ =	shalt  }
0x76: {  	_ =	shalt  }
0x77: {  	_ =	shalt  }
0x78: {  	_ =	shalt  }
0x79: {  	_ =	shalt  }
0x7a: {  	_ =	shalt  }
0x7b: {  	_ =	shalt  }
0x7c: {  	_ =	shalt  }
0x7d: {  	_ =	shalt  }
0x7e: {  	_ =	shalt  }
0x7f: {  	_ =	shalt  }
0x80: {  	_ =	shalt  }
0x81: {  	_ =	shalt  }
0x82: {  	_ =	shalt  }
0x83: {  	_ =	shalt  }
0x84: {  	_ =	shalt  }
0x85: {  	_ =	shalt  }
0x86: {  	_ =	shalt  }
0x87: {  	_ =	shalt  }
.Lfunc_end0:
.L_simem_size_0:
called_computation.2_lowered:
.L_overlay_start_0:
0x88: {  	s2 =	sld [smem:$0x3FD9]  }
0x89: {  	s3 =	sld [smem:$0x3FFE];
	_ =	sdelay $0x1  }
0x8a: {  	s1 =	srdreg.scid  }
0x8b: {  	s0 =	sand.u32 $0x1, s1  }
0x8c: {  	s16 =	sshll.u32 s0, $0xA;
	s2 =	sadd.s32 s3, s2  }
0x8d: {  	s2 =	sadd.s32 s2, s16  }
0x8e: {  	[smem:$0x3FBD] =	sst s2  }
0x8f: {  	_ = 	snop  }
0x90: {  	(tm) =	ssettm $0x1  }
0x91: {  	s17 =	sld [smem:$0x3FFB];
	_ =	sdelay $0x3  }
0x92: {  	_ =	strace s17  }
0x93: {  	s2 =	sld [smem:$0x3FFC];
	_ =	sdelay $0x3  }
0x94: {  	_ =	strace s2  }
0x95: {  	s2 =	sld [smem:$0x3FFD];
	_ =	sdelay $0x3  }
0x96: {  	_ =	strace s2  }
0x97: {  	_ =	strace $0x8FFFFFFF  }
0x98: {  	s18 =	sld [smem:$0x3FDB];
	_ =	sdelay $0x1  }
0x99: {  	s19 =	simm.s32 $_scs_section_size  }
0x9a: {  	s4 =	simm.s32 $_size__tile_overlayer_lowered;
	s5 =	simm.s32 $_tile_overlayer_lowered  }
0x9b: {  	s22 =	simm.s32 $0x1BFF;
	s21 =	sshll.u32 s5, $0x1;
	s2 =	sadd.s32 s19, s18  }
0x9c: {  	s6 =	simm.s32 $0x0;
	s20 =	sshll.u32 s4, $0x1;
	s4 =	sadd.s32 s21, s2  }
0x9d: {  	[timem:s6], [sflag:s22] =	dma.local [hbm:s4], s20  }
0x9e: {  	_ =	swait.ge [sflag:s22], s20  }
0x9f: {  	s3 =	ssub.s32 $0x0, s20;
	[sflag:s22] =	ssyncset.done $0x0  }
0xa0: {  	[sflag:s22] =	ssyncadd.s32 s3;
	_ =	sdelay $0x1  }
0xa1: {  	s23 =	simm.s32 $0x1B8B  }
0xa2: {  	_ =	swait.ge [sflag:s23], $0x1  }
0xa3: {  	[sflag:s23] =	ssyncset.done $0x0  }
0xa4: {  	s25 =	simm.s32 $0x1B8E;
	s24 =	sld [smem:$0x3FFE];
	[sflag:s23] =	ssyncadd.s32 $0xFFFFFFFF  }
0xa5: {  	s26 =	simm.s32 $execute0_lowered;
	[smem:$0x3FD2] =	sst s25  }
0xa6: {  	s4 =	sshll.u32 s26, $0x1;
	_ =	strace $0x8000004C;
	[dreg:$0x1] =	wrdreg $0xFFFFFFFF  }
0xa7: {  	s28 =	simm.s32 $_size_execute0_lowered;
	s2 =	sadd.s32 s2, s4;
	[dreg:$0x0] =	wrdreg $0x0  }
0xa8: {  	s4 =	sshll.u32 s28, $0x1;
	[dreg:$0x2] =	wrdreg s2  }
0xa9: {  	[dreg:$0x3] =	wrdreg s4  }
0xaa: {  	[dreg:$0x4] =	wrdreg $0xC0  }
0xab: {  	_ =	task [dreg:s6], $0x5FFFF  }
0xac: {  	[dreg:$0x1] =	wrdreg $0xFFFFFFFF  }
0xad: {  	[dreg:$0x0] =	wrdreg $0x60  }
0xae: {  	[dreg:$0x2] =	wrdreg s24  }
0xaf: {  	[dreg:$0x3] =	wrdreg $0xA9000  }
0xb0: {  	[dreg:$0x4] =	wrdreg $0x9  }
0xb1: {  	_ =	task.clear_ibuf [dreg:s6], $0x5FFFF;
	_ =	strace $0x9000004C  }
0xb2: {  	s29 =	simm.s32 $0x9;
	_ =	strace $0x8000004E  }
0xb3: {  	_ =	swait.ge [sflag:s29], $0x1  }
0xb4: {  	[sflag:s29] =	ssyncadd.s32 $0xFFFFFFFF  }
0xb5: {  	_ =	strace $0x9000004E  }
0xb6: {  	_ =	sfence  }
0xb7: {  	s30 =	sld [smem:$0x0];
	_ =	sdelay $0x2  }
0xb8: {  	s31 =	sshll.u32 s1, $0xD;
	s1 =	sshrl.u32 s1, $0x2  }
0xb9: {  	s3 =	sand.u32 $0x4000, s31;
	s1 =	sadd.s32 s1, s30  }
0xba: {  	s0 =	sor.u32 s3, s0;
	s1 =	sshll.u32 s1, $0x11  }
0xbb: {  	s0 =	sor.u32 s1, s0  }
0xbc: {  	s0 =	sadd.s32 $0x8F2B, s0  }
0xbd: {  	[sflag:s0] =	ssyncadd.remote.s32 $0x1  }
0xbe: {  	_ =	sfence.sel $0xFFFF  }
0xbf: {  	[dreg:$0x0] =	wrdreg $0xFFFFFFFF;
	(pc) =	sbr.abs _section_cstart, $3  }
0xc0: {  	[dreg:$0x1] =	wrdreg $0xFFFFFFFF  }
0xc1: {  	_ =	task.clear_ibuf [dreg:s6], $0x2FFFF;
	_ =	strace $0x9FFFFFFF  }
0xc2: {  	(tm) =	ssettm $0x7FFFFFFF  }
0xc3: {  	_ =	shalt  }
tec
execute0_lowered:
.L_overlay_start_1:
0x0: {  	(tag) =	ssettag $0x1  }
0x1: {  	s0 =	rddreg [dreg:$0x0]  }
0x2: {  	s2 =	rddreg [dreg:$0x1];
	s17 =	stileid.u32;
	s3 =	simm.s32 $0x0  }
0x3: {  	s4 =	srdreg.scid;
	s18 =	simm.s32 $0x6900;
	s19 =	simm.s32 $0x2880  }
0x4: {  	s20 =	simm.s32 $0x1;
	s21 =	simm.s32 $0x3;
	s1 =	smul.u32 $0x500, s17  }
0x5: {  	s22 =	simm.s32 $0x2;
	s25 =	simm.s32 $0x4;
	s26 =	smul.u32 $0x4F000, s17  }
0x6: {  	[smem:$0x7FF] =	sst s3;
	s8 =	sand.u32 $0x1, s4;
	s24 =	smul.u32 $0x2780, s17  }
0x7: {  	s12 =	sadd.s32 $0x196800, s0;
	s17 =	simm.s32 $0x80;
	s10 =	smul.u32 $0x4E200, s8  }
0x8: {  	_ =	strace $0x8000004D;
	s5 =	ssub.s32 $0x2, s8;
	s14 =	smul.u32 $0x4F000, s8  }
0x9: {  	s15 =	sshllo.u32 s8, $0x1;
	s1 =	sadd.s32 s1, s0;
	s6 =	sshrl.u32 s5, $0x1  }
0xa: {  	s4 =	sshrl.u32 s26, $0x2;
	s0 =	sadd.s32 $0x5C400, s0;
	s16 =	smul.u32 $0x27100, s15  }
0xb: {  	s29 =	smul.u32 $0x27800, s15;
	s15 =	simm.s32 $0x2900;
	s26 =	simm.s32 $0x0  }
0xc: {  	s13 =	ssub.s32 s5, s6;
	s4 =	sadd.s32 s4, s2;
	s28 =	sadd.s32 $0x57400, s1  }
0xd: {  	s10 =	sadd.s32 s12, s10;
	s11 =	sadd.s32 $0x2400, s1;
	s23 =	sadd.s32 s0, s14  }
0xe: {  	s14 =	simm.s32 $0x5;
	[dreg:$0x3] =	wrdreg s28;
	s6 =	sadd.s32 $0x4000, s4  }
0xf: {  	s7 =	sadd.s32 $0x8000, s4;
	s8 =	sadd.s32 $0xC000, s4;
	s30 =	smax.u32 s13, $0x1  }
0x10: {  	s0 =	sadd.s32 s0, s29;
	s31 =	sadd.s32 s24, s23;
	[dreg:$0x4] =	wrdreg s30  }
0x11: {  	s9 =	sadd.s32 $0x10000, s4;
	[dreg:$0x5] =	wrdreg s31;
	s0 =	sadd.s32 s24, s0  }
0x12: {  	v0 =	vimm.f32 $0.0e+00;
	s12 =	sadd.s32 s12, s16;
	s16 =	simm.s32 $0x2800;
	[dreg:$0x6] =	wrdreg s0  }
.LBB2_1:
0x13: {  	s0 =	rddreg [dreg:$0x3]  }
0x14: {  	[tilespmem:s3], [sflag:$0x5] =	stream.linear.gather [hbm4b:s0+s3], $0x2780, $0x38;
	[tilespmem:$0x1E500] =	vst v63  }
0x15: {  	_ =	swait.ge [sflag:s14], $0x2780  }
0x16: {  	[sflag:s14] =	ssyncset.done $0x0  }
0x17: {  	s28 =	simm.s32 $0x200;
	s0 =	simm.s32 $0x0;
	[sflag:s14] =	ssyncadd.s32 $0xFFFFD880  }
.LBB2_2:
0x18: {  	p0 =	sne.s32 s28, $0xFE00;
	[tilespmem:s0+$0x2970] =	vst v0  }
0x19: {  	[tilespmem:s0+$0x2900] =	vst v0  }
0x1a: {  	[tilespmem:s0+$0x2910] =	vst v0  }
.Ltmp0:
0x1b: {  	[tilespmem:s0+$0x2920] =	vst v0;
	(pc) =	sbr.rel @p0 .LBB2_2-.Ltmp0, $4  }
0x1c: {  	[tilespmem:s0+$0x2930] =	vst v0  }
0x1d: {  	[tilespmem:s0+$0x2940] =	vst v0  }
0x1e: {  	[tilespmem:s0+$0x2950] =	vst v0  }
0x1f: {  	[tilespmem:s0+$0x2960] =	vst v0;
	s0 =	sshra.s32 s28, $0x2;
	s28 =	sadd.s32 $0x200, s28  }
0x20: {  	[tilespmem:s0+$0x2970] =	vst v0  }
0x21: {  	[tilespmem:s0+$0x2900] =	vst v0  }
0x22: {  	[tilespmem:s0+$0x2910] =	vst v0  }
0x23: {  	[tilespmem:s0+$0x2920] =	vst v0  }
0x24: {  	[tilespmem:s0+$0x2930] =	vst v0  }
0x25: {  	[tilespmem:s0+$0x2940] =	vst v0  }
0x26: {  	[tilespmem:s0+$0x2950] =	vst v0  }
0x27: {  	[tilespmem:s0+$0x2960] =	vst v0  }
0x28: {  	[spmem:s4] =	stream.linear.scatter [tilespmem:s15], [sflag:$0x5], $0x4000, $0x38;
	[tilespmem:$0x1E500] =	vst v63  }
0x29: {  	_ =	swait.ge [sflag:s14], $0x4000  }
0x2a: {  	[sflag:s14] =	ssyncset.done $0x0  }
0x2b: {  	[sflag:s14] =	ssyncadd.s32 $0xFFFFC000  }
0x2c: {  	[spmem:s6] =	stream.linear.scatter [tilespmem:s15], [sflag:$0x5], $0x4000, $0x38;
	[tilespmem:$0x1E500] =	vst v63  }
0x2d: {  	_ =	swait.ge [sflag:s14], $0x4000  }
0x2e: {  	[sflag:s14] =	ssyncset.done $0x0  }
0x2f: {  	[sflag:s14] =	ssyncadd.s32 $0xFFFFC000  }
0x30: {  	[spmem:s7] =	stream.linear.scatter [tilespmem:s15], [sflag:$0x5], $0x4000, $0x38;
	[tilespmem:$0x1E500] =	vst v63  }
0x31: {  	_ =	swait.ge [sflag:s14], $0x4000  }
0x32: {  	[sflag:s14] =	ssyncset.done $0x0  }
0x33: {  	[sflag:s14] =	ssyncadd.s32 $0xFFFFC000  }
0x34: {  	[spmem:s8] =	stream.linear.scatter [tilespmem:s15], [sflag:$0x5], $0x4000, $0x38;
	[tilespmem:$0x1E500] =	vst v63  }
0x35: {  	_ =	swait.ge [sflag:s14], $0x4000  }
0x36: {  	[sflag:s14] =	ssyncset.done $0x0  }
0x37: {  	[sflag:s14] =	ssyncadd.s32 $0xFFFFC000  }
0x38: {  	[spmem:s9] =	stream.linear.scatter [tilespmem:s15], [sflag:$0x5], $0x3C00, $0x38;
	[tilespmem:$0x1E500] =	vst v63  }
0x39: {  	_ =	swait.ge [sflag:s14], $0x3C00  }
0x3a: {  	[sflag:s14] =	ssyncset.done $0x0  }
0x3b: {  	[sflag:s14] =	ssyncadd.s32 $0xFFFFC400  }
0x3c: {  	s13 =	simm.s32 $0x80;
	s1 =	simm.s32 $0x0;
	[bflag:$0x0] =	sbarrier.arrive $0xFFFF  }
0x3d: {  	[tilespmem:s15], [sflag:$0x1] =	stream.indirect.gather [hbm4b:s10+s13], $0x80, s1, s13, $0xb8;
	[tilespmem:$0x1E500] =	vst v63  }
0x3e: {  	_ = 	snop  }
0x3f: {  	[tilespmem:s16], [sflag:$0x3] =	stream.linear.gather [hbm4b:s11+s1], $0x80, $0x38;
	[tilespmem:$0x1E500] =	vst v63  }
0x40: {  	s28 =	simm.s32 $0x10;
	s1 =	sand.u32 $0x780, s1  }
0x41: {  	s28 =	sand.u32 $0x70, s28;
	s1 =	sadd.s32 s11, s1  }
0x42: {  	[tilespmem:s18], [sflag:$0x2] =	stream.indirect.gather [hbm4b:s10+s17], $0x80, s13, s17, $0xb8;
	[tilespmem:$0x1E500] =	vst v63  }
0x43: {  	s23 =	sadd.s32 s28, s1  }
0x44: {  	[tilespmem:s19], [sflag:$0x4] =	stream.linear.gather [hbm4b:s23+s3], $0x80, $0x38;
	[tilespmem:$0x1E500] =	vst v63  }
0x45: {  	_ =	swait.ge [sflag:s20], $0x4000  }
0x46: {  	[sflag:s20] =	ssyncset.done $0x0  }
0x47: {  	[sflag:s20] =	ssyncadd.s32 $0xFFFFC000  }
0x48: {  	_ =	swait.ge [sflag:s21], $0x80  }
0x49: {  	[sflag:s21] =	ssyncset.done $0x0  }
0x4a: {  	[sflag:s21] =	ssyncadd.s32 $0xFFFFFF80  }
0x4b: {  	[spmem:s2] =	stream.indirect.scatter.add.f32 [tilespmem:s15], [sflag:$0x5], $0x80, s16, s17, $0xb8;
	[tilespmem:$0x1E500] =	vst v63  }
0x4c: {  	_ =	swait.ge [sflag:s14], $0x4000  }
0x4d: {  	[sflag:s14] =	ssyncset.done $0x0  }
0x4e: {  	s24 =	simm.s32 $0x100;
	s28 =	sadd.s32 $0x20, s11;
	[sflag:s14] =	ssyncadd.s32 $0xFFFFC000  }
0x4f: {  	[tilespmem:s15], [sflag:$0x1] =	stream.indirect.gather [hbm4b:s10+s17], $0x80, s24, s17, $0xb8;
	[tilespmem:$0x1E500] =	vst v63  }
0x50: {  	s31 =	sadd.s32 $0x0, s28  }
0x51: {  	[tilespmem:s16], [sflag:$0x3] =	stream.linear.gather [hbm4b:s31+s3], $0x80, $0x38;
	[tilespmem:$0x1E500] =	vst v63  }
0x52: {  	_ =	swait.ge [sflag:s22], $0x4000  }
0x53: {  	[sflag:s22] =	ssyncset.done $0x0  }
0x54: {  	[sflag:s22] =	ssyncadd.s32 $0xFFFFC000  }
0x55: {  	_ =	swait.ge [sflag:s25], $0x80  }
0x56: {  	s29 =	simm.s32 $0x20;
	[sflag:s25] =	ssyncset.done $0x0  }
0x57: {  	s0 =	simm.s32 $0x40;
	s30 =	simm.s32 $0x180;
	[sflag:s25] =	ssyncadd.s32 $0xFFFFFF80  }
0x58: {  	[spmem:s2] =	stream.indirect.scatter.add.f32 [tilespmem:s18], [sflag:$0x5], $0x80, s19, s17, $0xb8;
	[tilespmem:$0x1E500] =	vst v63  }
.LBB2_4:
0x59: {  	s1 =	sand.u32 $0x780, s29  }
0x5a: {  	s31 =	sadd.s32 $0x10, s29;
	_ =	swait.ge [sflag:s14], $0x4000;
	s5 =	smov.u32 s0  }
0x5b: {  	s31 =	sand.u32 $0x70, s31;
	s1 =	sadd.s32 s11, s1;
	[sflag:s14] =	ssyncset.done $0x0  }
0x5c: {  	s13 =	sadd.s32 $0x20, s0;
	s1 =	sadd.s32 s31, s1;
	[sflag:s14] =	ssyncadd.s32 $0xFFFFC000  }
0x5d: {  	[tilespmem:s18], [sflag:$0x2] =	stream.indirect.gather [hbm4b:s10+s17], $0x80, s30, s17, $0xb8;
	[tilespmem:$0x1E500] =	vst v63  }
0x5e: {  	p0 =	sne.s32 s0, $0x4C0  }
0x5f: {  	[tilespmem:s19], [sflag:$0x4] =	stream.linear.gather [hbm4b:s1+s3], $0x80, $0x38;
	[tilespmem:$0x1E500] =	vst v63  }
0x60: {  	_ =	swait.ge [sflag:s20], $0x4000  }
0x61: {  	[sflag:s20] =	ssyncset.done $0x0  }
0x62: {  	[sflag:s20] =	ssyncadd.s32 $0xFFFFC000  }
0x63: {  	_ =	swait.ge [sflag:s21], $0x80  }
0x64: {  	[sflag:s21] =	ssyncset.done $0x0  }
0x65: {  	[sflag:s21] =	ssyncadd.s32 $0xFFFFFF80  }
0x66: {  	[spmem:s2] =	stream.indirect.scatter.add.f32 [tilespmem:s15], [sflag:$0x5], $0x80, s16, s17, $0xb8;
	[tilespmem:$0x1E500] =	vst v63  }
0x67: {  	s0 =	sadd.s32 $0x80, s30;
	_ =	swait.ge [sflag:s14], $0x4000  }
0x68: {  	[sflag:s14] =	ssyncset.done $0x0  }
0x69: {  	s1 =	sadd.s32 s29, s28;
	s29 =	smov.u32 s5;
	[sflag:s14] =	ssyncadd.s32 $0xFFFFC000  }
0x6a: {  	[tilespmem:s15], [sflag:$0x1] =	stream.indirect.gather [hbm4b:s10+s17], $0x80, s0, s17, $0xb8;
	[tilespmem:$0x1E500] =	vst v63  }
0x6b: {  	_ = 	snop  }
0x6c: {  	[tilespmem:s16], [sflag:$0x3] =	stream.linear.gather [hbm4b:s1+s3], $0x80, $0x38;
	[tilespmem:$0x1E500] =	vst v63  }
0x6d: {  	_ =	swait.ge [sflag:s22], $0x4000  }
0x6e: {  	[sflag:s22] =	ssyncset.done $0x0  }
.Ltmp1:
0x6f: {  	[sflag:s22] =	ssyncadd.s32 $0xFFFFC000;
	(pc) =	sbr.rel @p0 .LBB2_4-.Ltmp1, $4  }
0x70: {  	_ =	swait.ge [sflag:s25], $0x80  }
0x71: {  	[sflag:s25] =	ssyncset.done $0x0  }
0x72: {  	s30 =	sadd.s32 $0x100, s30;
	s0 =	smov.u32 s13;
	[sflag:s25] =	ssyncadd.s32 $0xFFFFFF80  }
0x73: {  	[spmem:s2] =	stream.indirect.scatter.add.f32 [tilespmem:s18], [sflag:$0x5], $0x80, s19, s17, $0xb8;
	[tilespmem:$0x1E500] =	vst v63  }
0x74: {  	_ =	swait.ge [sflag:s14], $0x4000  }
0x75: {  	s0 =	sand.u32 $0x780, s29;
	s1 =	sadd.s32 $0x10, s29;
	[sflag:s14] =	ssyncset.done $0x0  }
0x76: {  	s1 =	sand.u32 $0x70, s1;
	s0 =	sadd.s32 s11, s0;
	[sflag:s14] =	ssyncadd.s32 $0xFFFFC000  }
0x77: {  	[tilespmem:s18], [sflag:$0x2] =	stream.indirect.gather [hbm4b:s10+s17], $0x80, s30, s17, $0xb8;
	[tilespmem:$0x1E500] =	vst v63  }
0x78: {  	s0 =	sadd.s32 s1, s0  }
0x79: {  	[tilespmem:s19], [sflag:$0x4] =	stream.linear.gather [hbm4b:s0+s3], $0x80, $0x38;
	[tilespmem:$0x1E500] =	vst v63  }
0x7a: {  	_ =	swait.ge [sflag:s20], $0x4000  }
0x7b: {  	[sflag:s20] =	ssyncset.done $0x0  }
0x7c: {  	[sflag:s20] =	ssyncadd.s32 $0xFFFFC000  }
0x7d: {  	_ =	swait.ge [sflag:s21], $0x80  }
0x7e: {  	[sflag:s21] =	ssyncset.done $0x0  }
0x7f: {  	[sflag:s21] =	ssyncadd.s32 $0xFFFFFF80  }
0x80: {  	[spmem:s2] =	stream.indirect.scatter.add.f32 [tilespmem:s15], [sflag:$0x5], $0x80, s16, s17, $0xb8;
	[tilespmem:$0x1E500] =	vst v63  }
0x81: {  	_ =	swait.ge [sflag:s14], $0x4000  }
0x82: {  	[sflag:s14] =	ssyncset.done $0x0  }
0x83: {  	s5 =	sadd.s32 $0x80, s30;
	[sflag:s14] =	ssyncadd.s32 $0xFFFFC000  }
0x84: {  	[tilespmem:s15], [sflag:$0x1] =	stream.indirect.gather [hbm4b:s10+s17], $0x80, s5, s17, $0xb8;
	[tilespmem:$0x1E500] =	vst v63  }
0x85: {  	s13 =	sadd.s32 s29, s28  }
0x86: {  	[tilespmem:s16], [sflag:$0x3] =	stream.linear.gather [hbm4b:s13+s3], $0x80, $0x38;
	[tilespmem:$0x1E500] =	vst v63  }
0x87: {  	_ =	swait.ge [sflag:s22], $0x4000  }
0x88: {  	[sflag:s22] =	ssyncset.done $0x0  }
0x89: {  	[sflag:s22] =	ssyncadd.s32 $0xFFFFC000  }
0x8a: {  	_ =	swait.ge [sflag:s25], $0x80  }
0x8b: {  	[sflag:s25] =	ssyncset.done $0x0  }
0x8c: {  	[sflag:s25] =	ssyncadd.s32 $0xFFFFFF80  }
0x8d: {  	[spmem:s2] =	stream.indirect.scatter.add.f32 [tilespmem:s18], [sflag:$0x5], $0x80, s19, s17, $0xb8;
	[tilespmem:$0x1E500] =	vst v63  }
0x8e: {  	_ =	swait.ge [sflag:s14], $0x4000  }
0x8f: {  	[sflag:s14] =	ssyncset.done $0x0  }
0x90: {  	[sflag:s14] =	ssyncadd.s32 $0xFFFFC000  }
0x91: {  	_ =	swait.ge [sflag:s20], $0x4000  }
0x92: {  	[sflag:s20] =	ssyncset.done $0x0  }
0x93: {  	[sflag:s20] =	ssyncadd.s32 $0xFFFFC000  }
0x94: {  	_ =	swait.ge [sflag:s21], $0x80  }
0x95: {  	[sflag:s21] =	ssyncset.done $0x0  }
0x96: {  	[sflag:s21] =	ssyncadd.s32 $0xFFFFFF80  }
0x97: {  	[spmem:s2] =	stream.indirect.scatter.add.f32 [tilespmem:s15], [sflag:$0x5], $0x80, s16, s17, $0xb8;
	[tilespmem:$0x1E500] =	vst v63  }
0x98: {  	_ =	swait.ge [sflag:s14], $0x4000  }
0x99: {  	[sflag:s14] =	ssyncset.done $0x0  }
0x9a: {  	s23 =	stileid.u32;
	[sflag:s14] =	ssyncadd.s32 $0xFFFFC000  }
0x9b: {  	s0 =	sshll.u32 s23, $0x6;
	[bflag:$0x0] =	sbarrier.arrive $0xFFFF  }
0x9c: {  	s30 =	sshrl.u32 s4, $0x3;
	s29 =	sor.u32 $0x1C05, s0;
	s24 =	rddreg [dreg:$0x5]  }
0x9d: {  	[hbm:s24], [sflag:s29] =	dma.local [spmem:s30], $0x2780  }
0x9e: {  	_ =	swait.ge [sflag:s14], $0x2780  }
0x9f: {  	[sflag:s14] =	ssyncset.done $0x0  }
0xa0: {  	s31 =	simm.s32 $0x200;
	s0 =	simm.s32 $0x0;
	[sflag:s14] =	ssyncadd.s32 $0xFFFFD880  }
.LBB2_6:
0xa1: {  	p0 =	sne.s32 s31, $0xFE00;
	[tilespmem:s0+$0x2970] =	vst v0  }
0xa2: {  	[tilespmem:s0+$0x2900] =	vst v0  }
0xa3: {  	[tilespmem:s0+$0x2910] =	vst v0  }
.Ltmp2:
0xa4: {  	[tilespmem:s0+$0x2920] =	vst v0;
	(pc) =	sbr.rel @p0 .LBB2_6-.Ltmp2, $4  }
0xa5: {  	[tilespmem:s0+$0x2930] =	vst v0  }
0xa6: {  	[tilespmem:s0+$0x2940] =	vst v0  }
0xa7: {  	[tilespmem:s0+$0x2950] =	vst v0  }
0xa8: {  	[tilespmem:s0+$0x2960] =	vst v0;
	s0 =	sshra.s32 s31, $0x2;
	s31 =	sadd.s32 $0x200, s31  }
0xa9: {  	[tilespmem:s0+$0x2970] =	vst v0  }
0xaa: {  	[tilespmem:s0+$0x2900] =	vst v0  }
0xab: {  	[tilespmem:s0+$0x2910] =	vst v0  }
0xac: {  	[tilespmem:s0+$0x2920] =	vst v0  }
0xad: {  	[tilespmem:s0+$0x2930] =	vst v0  }
0xae: {  	[tilespmem:s0+$0x2940] =	vst v0  }
0xaf: {  	[tilespmem:s0+$0x2950] =	vst v0  }
0xb0: {  	[tilespmem:s0+$0x2960] =	vst v0  }
0xb1: {  	[spmem:s4] =	stream.linear.scatter [tilespmem:s15], [sflag:$0x5], $0x4000, $0x38;
	[tilespmem:$0x1E500] =	vst v63  }
0xb2: {  	_ =	swait.ge [sflag:s14], $0x4000  }
0xb3: {  	[sflag:s14] =	ssyncset.done $0x0  }
0xb4: {  	[sflag:s14] =	ssyncadd.s32 $0xFFFFC000  }
0xb5: {  	[spmem:s6] =	stream.linear.scatter [tilespmem:s15], [sflag:$0x5], $0x4000, $0x38;
	[tilespmem:$0x1E500] =	vst v63  }
0xb6: {  	_ =	swait.ge [sflag:s14], $0x4000  }
0xb7: {  	[sflag:s14] =	ssyncset.done $0x0  }
0xb8: {  	[sflag:s14] =	ssyncadd.s32 $0xFFFFC000  }
0xb9: {  	[spmem:s7] =	stream.linear.scatter [tilespmem:s15], [sflag:$0x5], $0x4000, $0x38;
	[tilespmem:$0x1E500] =	vst v63  }
0xba: {  	_ =	swait.ge [sflag:s14], $0x4000  }
0xbb: {  	[sflag:s14] =	ssyncset.done $0x0  }
0xbc: {  	[sflag:s14] =	ssyncadd.s32 $0xFFFFC000  }
0xbd: {  	[spmem:s8] =	stream.linear.scatter [tilespmem:s15], [sflag:$0x5], $0x4000, $0x38;
	[tilespmem:$0x1E500] =	vst v63  }
0xbe: {  	_ =	swait.ge [sflag:s14], $0x4000  }
0xbf: {  	[sflag:s14] =	ssyncset.done $0x0  }
0xc0: {  	[sflag:s14] =	ssyncadd.s32 $0xFFFFC000  }
0xc1: {  	[spmem:s9] =	stream.linear.scatter [tilespmem:s15], [sflag:$0x5], $0x3C00, $0x38;
	[tilespmem:$0x1E500] =	vst v63  }
0xc2: {  	_ =	swait.ge [sflag:s14], $0x3C00  }
0xc3: {  	[sflag:s14] =	ssyncset.done $0x0  }
0xc4: {  	[sflag:s14] =	ssyncadd.s32 $0xFFFFC400  }
0xc5: {  	s24 =	simm.s32 $0x80;
	s1 =	simm.s32 $0x0;
	[bflag:$0x0] =	sbarrier.arrive $0xFFFF  }
0xc6: {  	[tilespmem:s15], [sflag:$0x1] =	stream.indirect.gather [hbm4b:s12+s24], $0x80, s1, s24, $0xb8;
	[tilespmem:$0x1E500] =	vst v63  }
0xc7: {  	_ = 	snop  }
0xc8: {  	[tilespmem:s16], [sflag:$0x3] =	stream.linear.gather [hbm4b:s11+s1], $0x80, $0x38;
	[tilespmem:$0x1E500] =	vst v63  }
0xc9: {  	s5 =	simm.s32 $0x10;
	s1 =	sand.u32 $0x780, s1  }
0xca: {  	s5 =	sand.u32 $0x70, s5;
	s1 =	sadd.s32 s11, s1  }
0xcb: {  	[tilespmem:s18], [sflag:$0x2] =	stream.indirect.gather [hbm4b:s12+s17], $0x80, s24, s17, $0xb8;
	[tilespmem:$0x1E500] =	vst v63  }
0xcc: {  	s13 =	sadd.s32 s5, s1  }
0xcd: {  	[tilespmem:s19], [sflag:$0x4] =	stream.linear.gather [hbm4b:s13+s3], $0x80, $0x38;
	[tilespmem:$0x1E500] =	vst v63  }
0xce: {  	_ =	swait.ge [sflag:s20], $0x4000  }
0xcf: {  	[sflag:s20] =	ssyncset.done $0x0  }
0xd0: {  	[sflag:s20] =	ssyncadd.s32 $0xFFFFC000  }
0xd1: {  	_ =	swait.ge [sflag:s21], $0x80  }
0xd2: {  	[sflag:s21] =	ssyncset.done $0x0  }
0xd3: {  	[sflag:s21] =	ssyncadd.s32 $0xFFFFFF80  }
0xd4: {  	[spmem:s2] =	stream.indirect.scatter.add.f32 [tilespmem:s15], [sflag:$0x5], $0x80, s16, s17, $0xb8;
	[tilespmem:$0x1E500] =	vst v63  }
0xd5: {  	_ =	swait.ge [sflag:s14], $0x4000  }
0xd6: {  	[sflag:s14] =	ssyncset.done $0x0  }
0xd7: {  	s23 =	simm.s32 $0x100;
	[sflag:s14] =	ssyncadd.s32 $0xFFFFC000  }
0xd8: {  	[tilespmem:s15], [sflag:$0x1] =	stream.indirect.gather [hbm4b:s12+s17], $0x80, s23, s17, $0xb8;
	[tilespmem:$0x1E500] =	vst v63  }
0xd9: {  	s24 =	sadd.s32 $0x0, s28  }
0xda: {  	[tilespmem:s16], [sflag:$0x3] =	stream.linear.gather [hbm4b:s24+s3], $0x80, $0x38;
	[tilespmem:$0x1E500] =	vst v63  }
0xdb: {  	_ =	swait.ge [sflag:s22], $0x4000  }
0xdc: {  	[sflag:s22] =	ssyncset.done $0x0  }
0xdd: {  	[sflag:s22] =	ssyncadd.s32 $0xFFFFC000  }
0xde: {  	_ =	swait.ge [sflag:s25], $0x80  }
0xdf: {  	s31 =	simm.s32 $0x20;
	[sflag:s25] =	ssyncset.done $0x0  }
0xe0: {  	s0 =	simm.s32 $0x180;
	s1 =	simm.s32 $0x40;
	[sflag:s25] =	ssyncadd.s32 $0xFFFFFF80  }
0xe1: {  	[spmem:s2] =	stream.indirect.scatter.add.f32 [tilespmem:s18], [sflag:$0x5], $0x80, s19, s17, $0xb8;
	[tilespmem:$0x1E500] =	vst v63  }
.LBB2_8:
0xe2: {  	s5 =	sand.u32 $0x780, s31  }
0xe3: {  	s13 =	sadd.s32 $0x10, s31;
	_ =	swait.ge [sflag:s14], $0x4000;
	s23 =	smov.u32 s1  }
0xe4: {  	s13 =	sand.u32 $0x70, s13;
	s5 =	sadd.s32 s11, s5;
	[sflag:s14] =	ssyncset.done $0x0  }
0xe5: {  	s24 =	sadd.s32 $0x20, s1;
	s5 =	sadd.s32 s13, s5;
	[sflag:s14] =	ssyncadd.s32 $0xFFFFC000  }
0xe6: {  	[tilespmem:s18], [sflag:$0x2] =	stream.indirect.gather [hbm4b:s12+s17], $0x80, s0, s17, $0xb8;
	[tilespmem:$0x1E500] =	vst v63  }
0xe7: {  	p0 =	sne.s32 s1, $0x4C0  }
0xe8: {  	[tilespmem:s19], [sflag:$0x4] =	stream.linear.gather [hbm4b:s5+s3], $0x80, $0x38;
	[tilespmem:$0x1E500] =	vst v63  }
0xe9: {  	_ =	swait.ge [sflag:s20], $0x4000  }
0xea: {  	[sflag:s20] =	ssyncset.done $0x0  }
0xeb: {  	[sflag:s20] =	ssyncadd.s32 $0xFFFFC000  }
0xec: {  	_ =	swait.ge [sflag:s21], $0x80  }
0xed: {  	[sflag:s21] =	ssyncset.done $0x0  }
0xee: {  	[sflag:s21] =	ssyncadd.s32 $0xFFFFFF80  }
0xef: {  	[spmem:s2] =	stream.indirect.scatter.add.f32 [tilespmem:s15], [sflag:$0x5], $0x80, s16, s17, $0xb8;
	[tilespmem:$0x1E500] =	vst v63  }
0xf0: {  	s1 =	sadd.s32 $0x80, s0;
	_ =	swait.ge [sflag:s14], $0x4000  }
0xf1: {  	[sflag:s14] =	ssyncset.done $0x0  }
0xf2: {  	s5 =	sadd.s32 s31, s28;
	s31 =	smov.u32 s23;
	[sflag:s14] =	ssyncadd.s32 $0xFFFFC000  }
0xf3: {  	[tilespmem:s15], [sflag:$0x1] =	stream.indirect.gather [hbm4b:s12+s17], $0x80, s1, s17, $0xb8;
	[tilespmem:$0x1E500] =	vst v63  }
0xf4: {  	_ = 	snop  }
0xf5: {  	[tilespmem:s16], [sflag:$0x3] =	stream.linear.gather [hbm4b:s5+s3], $0x80, $0x38;
	[tilespmem:$0x1E500] =	vst v63  }
0xf6: {  	_ =	swait.ge [sflag:s22], $0x4000  }
0xf7: {  	[sflag:s22] =	ssyncset.done $0x0  }
.Ltmp3:
0xf8: {  	[sflag:s22] =	ssyncadd.s32 $0xFFFFC000;
	(pc) =	sbr.rel @p0 .LBB2_8-.Ltmp3, $4  }
0xf9: {  	_ =	swait.ge [sflag:s25], $0x80  }
0xfa: {  	[sflag:s25] =	ssyncset.done $0x0  }
0xfb: {  	s0 =	sadd.s32 $0x100, s0;
	s1 =	smov.u32 s24;
	[sflag:s25] =	ssyncadd.s32 $0xFFFFFF80  }
0xfc: {  	[spmem:s2] =	stream.indirect.scatter.add.f32 [tilespmem:s18], [sflag:$0x5], $0x80, s19, s17, $0xb8;
	[tilespmem:$0x1E500] =	vst v63  }
0xfd: {  	_ =	swait.ge [sflag:s14], $0x4000  }
0xfe: {  	s1 =	sand.u32 $0x780, s31;
	s5 =	sadd.s32 $0x10, s31;
	[sflag:s14] =	ssyncset.done $0x0  }
0xff: {  	s5 =	sand.u32 $0x70, s5;
	s1 =	sadd.s32 s11, s1;
	[sflag:s14] =	ssyncadd.s32 $0xFFFFC000  }
0x100: {  	[tilespmem:s18], [sflag:$0x2] =	stream.indirect.gather [hbm4b:s12+s17], $0x80, s0, s17, $0xb8;
	[tilespmem:$0x1E500] =	vst v63  }
0x101: {  	s1 =	sadd.s32 s5, s1  }
0x102: {  	[tilespmem:s19], [sflag:$0x4] =	stream.linear.gather [hbm4b:s1+s3], $0x80, $0x38;
	[tilespmem:$0x1E500] =	vst v63  }
0x103: {  	_ =	swait.ge [sflag:s20], $0x4000  }
0x104: {  	[sflag:s20] =	ssyncset.done $0x0  }
0x105: {  	[sflag:s20] =	ssyncadd.s32 $0xFFFFC000  }
0x106: {  	_ =	swait.ge [sflag:s21], $0x80  }
0x107: {  	[sflag:s21] =	ssyncset.done $0x0  }
0x108: {  	[sflag:s21] =	ssyncadd.s32 $0xFFFFFF80  }
0x109: {  	[spmem:s2] =	stream.indirect.scatter.add.f32 [tilespmem:s15], [sflag:$0x5], $0x80, s16, s17, $0xb8;
	[tilespmem:$0x1E500] =	vst v63  }
0x10a: {  	_ =	swait.ge [sflag:s14], $0x4000  }
0x10b: {  	[sflag:s14] =	ssyncset.done $0x0  }
0x10c: {  	s23 =	sadd.s32 $0x80, s0;
	[sflag:s14] =	ssyncadd.s32 $0xFFFFC000  }
0x10d: {  	[tilespmem:s15], [sflag:$0x1] =	stream.indirect.gather [hbm4b:s12+s17], $0x80, s23, s17, $0xb8;
	[tilespmem:$0x1E500] =	vst v63  }
0x10e: {  	s24 =	sadd.s32 s31, s28  }
0x10f: {  	[tilespmem:s16], [sflag:$0x3] =	stream.linear.gather [hbm4b:s24+s3], $0x80, $0x38;
	[tilespmem:$0x1E500] =	vst v63  }
0x110: {  	_ =	swait.ge [sflag:s22], $0x4000  }
0x111: {  	[sflag:s22] =	ssyncset.done $0x0  }
0x112: {  	[sflag:s22] =	ssyncadd.s32 $0xFFFFC000  }
0x113: {  	_ =	swait.ge [sflag:s25], $0x80  }
0x114: {  	[sflag:s25] =	ssyncset.done $0x0  }
0x115: {  	[sflag:s25] =	ssyncadd.s32 $0xFFFFFF80  }
0x116: {  	[spmem:s2] =	stream.indirect.scatter.add.f32 [tilespmem:s18], [sflag:$0x5], $0x80, s19, s17, $0xb8;
	[tilespmem:$0x1E500] =	vst v63  }
0x117: {  	_ =	swait.ge [sflag:s14], $0x4000  }
0x118: {  	[sflag:s14] =	ssyncset.done $0x0  }
0x119: {  	[sflag:s14] =	ssyncadd.s32 $0xFFFFC000  }
0x11a: {  	_ =	swait.ge [sflag:s20], $0x4000  }
0x11b: {  	[sflag:s20] =	ssyncset.done $0x0  }
0x11c: {  	[sflag:s20] =	ssyncadd.s32 $0xFFFFC000  }
0x11d: {  	_ =	swait.ge [sflag:s21], $0x80  }
0x11e: {  	[sflag:s21] =	ssyncset.done $0x0  }
0x11f: {  	[sflag:s21] =	ssyncadd.s32 $0xFFFFFF80  }
0x120: {  	[spmem:s2] =	stream.indirect.scatter.add.f32 [tilespmem:s15], [sflag:$0x5], $0x80, s16, s17, $0xb8;
	[tilespmem:$0x1E500] =	vst v63  }
0x121: {  	_ =	swait.ge [sflag:s14], $0x4000  }
0x122: {  	[sflag:s14] =	ssyncset.done $0x0  }
0x123: {  	[sflag:s14] =	ssyncadd.s32 $0xFFFFC000  }
0x124: {  	[bflag:$0x0] =	sbarrier.arrive $0xFFFF  }
0x125: {  	s28 =	rddreg [dreg:$0x6]  }
0x126: {  	[hbm:s28], [sflag:s29] =	dma.local [spmem:s30], $0x2780  }
0x127: {  	_ =	swait.ge [sflag:s14], $0x2780  }
0x128: {  	s26 =	sadd.s32 $0x1, s26;
	s31 =	rddreg [dreg:$0x4]  }
0x129: {  	p0 =	sne.s32 s26, s31  }
.Ltmp4:
0x12a: {  	_ = 	snop;
	(pc) =	sbr.rel @p0 .LBB2_1-.Ltmp4, $3  }
0x12b: {  	_ =	sdelay $0x1  }
0x12c: {  	[sflag:s14] =	ssyncset.done $0x0  }
0x12d: {  	[sflag:s14] =	ssyncadd.s32 $0xFFFFD880  }
0x12e: {  	_ =	sfence.sel $0x180000  }
0x12f: {  	[bflag:$0x0] =	sbarrier.arrive $0xFFFF  }
0x130: {  	_ =	strace $0x9000004D  }
0x131: {  	s0 =	stileid.u32;
	[bflag:$0x2] =	sbarrier.arrive $0xFFFF  }
0x132: {  	p0 =	sne.s32 s0, $0x0;
	s0 =	rddreg [dreg:$0x2]  }
0x133: {  	s0 =	sadd.s32 @!p0 $0x100000, s0  }
0x134: {  	[sflag:s0] =	ssyncadd.tile.s32 @!p0 $0x1;
	_ =	shalt  }
.Lfunc_end2:
_tile_overlayer_lowered:
.L_overlay_start_2:
0x135: {  	(tag) =	ssettag $0x2  }
0x136: {  	s0 =	rddreg [dreg:$0x0];
	s2 =	stileid.u32  }
0x137: {  	s1 =	rddreg [dreg:$0x1];
	p0 =	sne.s32 s2, $0x0  }
0x138: {  	s3 =	rddreg [dreg:$0x2];
	[bflag:$0x3] =	sbarrier.arrive $0xFFFF;
	s2 =	simm.s32 @!p0 $0x1C05  }
0x139: {  	[timem:s3], [sflag:s2] =	dma.local @!p0 [hbm:s0], s1  }
0x13a: {  	s0 =	simm.s32 @!p0 $0x5  }
0x13b: {  	_ =	swait.ge @!p0 [sflag:s0], s1  }
0x13c: {  	s1 =	ssub.s32 @!p0 $0x0, s1;
	[sflag:s0] =	ssyncset.done @!p0 $0x0  }
0x13d: {  	[sflag:s0] =	ssyncadd.s32 @!p0 s1  }
0x13e: {  	[bflag:$0x3] =	sbarrier.arrive $0xFFFF  }
0x13f: {  	_ =	shalt  }

// kernel: kernel.8.cloned.1.call-start
scs
__scs_entry_jumppad:
0x0: {  	(pc) =	sbr.rel $0x88, $3  }
0x1: {  	(tag) =	ssettag $0x0;
	lr =	simm.s32 $0x1  }
0x2: {  	[smem:$0x3F96] =	sst lr;
	_ =	strace $0xD0000000  }
0x3: {  	_ = 	snop  }
0x4: {  	_ = 	snop  }
0x5: {  	_ = 	snop  }
0x6: {  	_ = 	snop  }
0x7: {  	_ = 	snop  }
__scs_overlays_trampoline_lowered:
0x8: {  	[smem:$0x3FA5] =	sst s0  }
0x9: {  	[smem:$0x3FA6] =	sst s1  }
0xa: {  	[smem:$0x3FA7] =	sst s2  }
0xb: {  	[smem:$0x3FA8] =	sst s3  }
0xc: {  	[smem:$0x3FA9] =	sst s4  }
0xd: {  	[smem:$0x3FAA] =	sst s5  }
0xe: {  	[smem:$0x3FAB] =	sst s6  }
0xf: {  	[smem:$0x3FAC] =	sst s7  }
0x10: {  	[smem:$0x3FAD] =	sst s8  }
0x11: {  	[smem:$0x3FAE] =	sst s9;
	s0 =	simm.s32 @!p0 $0x0  }
0x12: {  	s1 =	sld [smem:$0x3F94];
	s0 =	simm.s32 @p0 $0x1  }
0x13: {  	[smem:$0x3FAF] =	sst s0;
	s0 =	simm.s32 @!p1 $0x0  }
0x14: {  	s2 =	sld [smem:$0x3F93];
	s0 =	simm.s32 @p1 $0x1  }
0x15: {  	[smem:$0x3FB0] =	sst s0;
	s0 =	simm.s32 @!p2 $0x0  }
0x16: {  	s3 =	sld [smem:$0x3FDB];
	s0 =	simm.s32 @p2 $0x1  }
0x17: {  	s4 =	simm.s32 $0x1BF5;
	[smem:$0x3FB2] =	sst s0  }
0x18: {  	s0 =	sld [smem:$0x3F95];
	_ =	swait.ge [sflag:s4], $0x0  }
0x19: {  	s7 =	sld [smem:$0x3F96]  }
0x1a: {  	s8 =	sadd.s32 $0xFFFFE003, lr  }
0x1b: {  	s9 =	sadd.s32 $0xFFFFFEF7, lr;
	s5 =	simm.s32 $0xFFFFFFFF;
	p2 =	slt.u32 s8, $0xFFFFF086  }
0x1c: {  	p1 =	slt.u32 s9, $0xF7A;
	s5 =	simm.s32 @!p2 $0x0  }
0x1d: {  	s5 =	simm.s32 @p1 $0x1;
	p0 =	seq.s32 s7, s2  }
0x1e: {  	s7 =	smul.u32 @!p0 $0xF7A, s2;
	p2 =	seq.s32 @!p0 s5, $0x0  }
0x1f: {  	s9 =	smul.u32 $0xF7A, s1;
	s8 =	simm.s32 @!p0 $0x1BF5;
	p2 =	por !p2, p0  }
0x20: {  	[sflag:s8] =	ssyncset.s32 @!p0 $0xFFFFF086;
	s6 =	sadd.s32 @!p0 s3, s7;
	s7 =	simm.s32 @!p0 $0x108  }
0x21: {  	s3 =	sadd.s32 s3, s9;
	s6 =	sadd.s32 @!p0 $0x88, s6;
	s7 =	simm.s32 @p2 $0x1082  }
0x22: {  	[simem:s7], [sflag:s8] =	dma.local @!p0 [hbm:s6], $0xF7A  }
0x23: {  	s9 =	sor.u32 $0xD0000000, s2;
	s6 =	simm.s32 $0x108;
	_ =	swait.ge @!p0 [sflag:s8], $0x0  }
0x24: {  	s3 =	sadd.s32 $0x88, s3;
	s6 =	simm.s32 @!p1 $0x1082;
	[sflag:s4] =	ssyncset.s32 $0xFFFFF086  }
0x25: {  	[simem:s6], [sflag:s4] =	dma.local [hbm:s3], $0xF7A  }
0x26: {  	[smem:$0x3F96] =	sst s1;
	(tag) =	ssettag s2;
	_ =	strace s9  }
0x27: {  	s1 =	sld [smem:$0x3FA6]  }
0x28: {  	s2 =	sld [smem:$0x3FA7]  }
0x29: {  	s4 =	sld [smem:$0x3FA9]  }
0x2a: {  	p0 =	seq.s32 s5, $0x0;
	s5 =	sld [smem:$0x3FAA]  }
0x2b: {  	s6 =	sld [smem:$0x3FAB]  }
0x2c: {  	s7 =	sld [smem:$0x3FAC]  }
0x2d: {  	s3 =	simm.s32 $0x108;
	s8 =	sld [smem:$0x3FAD]  }
0x2e: {  	s3 =	simm.s32 @!p0 $0x1082;
	s9 =	sld [smem:$0x3FAE]  }
0x2f: {  	lr =	sadd.s32 s0, s3;
	s0 =	sld [smem:$0x3FA5]  }
0x30: {  	s3 =	sld [smem:$0x3FA8]  }
0x31: {  	[smem:$0x3FB1] =	sst s10  }
0x32: {  	s10 =	sld [smem:$0x3FAF];
	_ =	sdelay $0x3  }
0x33: {  	p0 =	seq.s32 s10, $0x1;
	s10 =	sld [smem:$0x3FB1];
	_ =	sdelay $0x3  }
0x34: {  	[smem:$0x3FB1] =	sst s10  }
0x35: {  	s10 =	sld [smem:$0x3FB0];
	_ =	sdelay $0x3  }
0x36: {  	p1 =	seq.s32 s10, $0x1;
	s10 =	sld [smem:$0x3FB1];
	_ =	sdelay $0x3  }
0x37: {  	[smem:$0x3FB1] =	sst s10  }
0x38: {  	s10 =	sld [smem:$0x3FB2]  }
0x39: {  	_ = 	snop;
	(pc) =	sbr.ind lr, $3  }
0x3a: {  	_ = 	snop  }
0x3b: {  	_ = 	snop  }
0x3c: {  	p2 =	seq.s32 s10, $0x1;
	s10 =	sld [smem:$0x3FB1]  }
0x3d: {  	_ =	shalt  }
0x3e: {  	_ =	shalt  }
0x3f: {  	_ =	shalt  }
0x40: {  	_ =	shalt  }
0x41: {  	_ =	shalt  }
0x42: {  	_ =	shalt  }
0x43: {  	_ =	shalt  }
0x44: {  	_ =	shalt  }
0x45: {  	_ =	shalt  }
0x46: {  	_ =	shalt  }
0x47: {  	_ =	shalt  }
0x48: {  	_ =	shalt  }
0x49: {  	_ =	shalt  }
0x4a: {  	_ =	shalt  }
0x4b: {  	_ =	shalt  }
0x4c: {  	_ =	shalt  }
0x4d: {  	_ =	shalt  }
0x4e: {  	_ =	shalt  }
0x4f: {  	_ =	shalt  }
0x50: {  	_ =	shalt  }
0x51: {  	_ =	shalt  }
0x52: {  	_ =	shalt  }
0x53: {  	_ =	shalt  }
0x54: {  	_ =	shalt  }
0x55: {  	_ =	shalt  }
0x56: {  	_ =	shalt  }
0x57: {  	_ =	shalt  }
0x58: {  	_ =	shalt  }
0x59: {  	_ =	shalt  }
0x5a: {  	_ =	shalt  }
0x5b: {  	_ =	shalt  }
0x5c: {  	_ =	shalt  }
0x5d: {  	_ =	shalt  }
0x5e: {  	_ =	shalt  }
0x5f: {  	_ =	shalt  }
0x60: {  	_ =	shalt  }
0x61: {  	_ =	shalt  }
0x62: {  	_ =	shalt  }
0x63: {  	_ =	shalt  }
0x64: {  	_ =	shalt  }
0x65: {  	_ =	shalt  }
0x66: {  	_ =	shalt  }
0x67: {  	_ =	shalt  }
0x68: {  	_ =	shalt  }
0x69: {  	_ =	shalt  }
0x6a: {  	_ =	shalt  }
0x6b: {  	_ =	shalt  }
0x6c: {  	_ =	shalt  }
0x6d: {  	_ =	shalt  }
0x6e: {  	_ =	shalt  }
0x6f: {  	_ =	shalt  }
0x70: {  	_ =	shalt  }
0x71: {  	_ =	shalt  }
0x72: {  	_ =	shalt  }
0x73: {  	_ =	shalt  }
0x74: {  	_ =	shalt  }
0x75: {  	_ =	shalt  }
0x76: {  	_ =	shalt  }
0x77: {  	_ =	shalt  }
0x78: {  	_ =	shalt  }
0x79: {  	_ =	shalt  }
0x7a: {  	_ =	shalt  }
0x7b: {  	_ =	shalt  }
0x7c: {  	_ =	shalt  }
0x7d: {  	_ =	shalt  }
0x7e: {  	_ =	shalt  }
0x7f: {  	_ =	shalt  }
0x80: {  	_ =	shalt  }
0x81: {  	_ =	shalt  }
0x82: {  	_ =	shalt  }
0x83: {  	_ =	shalt  }
0x84: {  	_ =	shalt  }
0x85: {  	_ =	shalt  }
0x86: {  	_ =	shalt  }
0x87: {  	_ =	shalt  }
.Lfunc_end0:
.L_simem_size_0:
called_computation_lowered:
.L_overlay_start_0:
0x88: {  	s2 =	sld [smem:$0x3FD9]  }
0x89: {  	s3 =	sld [smem:$0x3FFE];
	_ =	sdelay $0x1  }
0x8a: {  	s1 =	srdreg.scid  }
0x8b: {  	s0 =	sand.u32 $0x1, s1  }
0x8c: {  	s16 =	sshll.u32 s0, $0xA;
	s2 =	sadd.s32 s3, s2  }
0x8d: {  	s2 =	sadd.s32 s2, s16  }
0x8e: {  	[smem:$0x3FBD] =	sst s2  }
0x8f: {  	_ = 	snop  }
0x90: {  	(tm) =	ssettm $0x1  }
0x91: {  	s17 =	sld [smem:$0x3FFB];
	_ =	sdelay $0x3  }
0x92: {  	_ =	strace s17  }
0x93: {  	s2 =	sld [smem:$0x3FFC];
	_ =	sdelay $0x3  }
0x94: {  	_ =	strace s2  }
0x95: {  	s2 =	sld [smem:$0x3FFD];
	_ =	sdelay $0x3  }
0x96: {  	_ =	strace s2  }
0x97: {  	_ =	strace $0x8FFFFFFF  }
0x98: {  	s18 =	sld [smem:$0x3FDB];
	_ =	sdelay $0x1  }
0x99: {  	s19 =	simm.s32 $_scs_section_size  }
0x9a: {  	s4 =	simm.s32 $_size__tile_overlayer_lowered;
	s5 =	simm.s32 $_tile_overlayer_lowered  }
0x9b: {  	s22 =	simm.s32 $0x1BFF;
	s21 =	sshll.u32 s5, $0x1;
	s2 =	sadd.s32 s19, s18  }
0x9c: {  	s6 =	simm.s32 $0x0;
	s20 =	sshll.u32 s4, $0x1;
	s4 =	sadd.s32 s21, s2  }
0x9d: {  	[timem:s6], [sflag:s22] =	dma.local [hbm:s4], s20  }
0x9e: {  	_ =	swait.ge [sflag:s22], s20  }
0x9f: {  	s3 =	ssub.s32 $0x0, s20;
	[sflag:s22] =	ssyncset.done $0x0  }
0xa0: {  	[sflag:s22] =	ssyncadd.s32 s3;
	_ =	sdelay $0x1  }
0xa1: {  	s23 =	simm.s32 $0x1B8B  }
0xa2: {  	_ =	swait.ge [sflag:s23], $0x1  }
0xa3: {  	[sflag:s23] =	ssyncset.done $0x0  }
0xa4: {  	s25 =	simm.s32 $0x1B8E;
	s24 =	sld [smem:$0x3FFE];
	[sflag:s23] =	ssyncadd.s32 $0xFFFFFFFF  }
0xa5: {  	s26 =	simm.s32 $execute0_lowered;
	[smem:$0x3FD2] =	sst s25  }
0xa6: {  	s4 =	sshll.u32 s26, $0x1;
	_ =	strace $0x80000046;
	[dreg:$0x1] =	wrdreg $0xFFFFFFFF  }
0xa7: {  	s28 =	simm.s32 $_size_execute0_lowered;
	s2 =	sadd.s32 s2, s4;
	[dreg:$0x0] =	wrdreg $0x0  }
0xa8: {  	s4 =	sshll.u32 s28, $0x1;
	[dreg:$0x2] =	wrdreg s2  }
0xa9: {  	[dreg:$0x3] =	wrdreg s4  }
0xaa: {  	[dreg:$0x4] =	wrdreg $0xC0  }
0xab: {  	_ =	task [dreg:s6], $0x5FFFF  }
0xac: {  	[dreg:$0x1] =	wrdreg $0xFFFFFFFF  }
0xad: {  	[dreg:$0x0] =	wrdreg $0x60  }
0xae: {  	[dreg:$0x2] =	wrdreg s24  }
0xaf: {  	[dreg:$0x3] =	wrdreg $0x68000  }
0xb0: {  	[dreg:$0x4] =	wrdreg $0x9  }
0xb1: {  	_ =	task.clear_ibuf [dreg:s6], $0x5FFFF;
	_ =	strace $0x90000046  }
0xb2: {  	s29 =	simm.s32 $0x9;
	_ =	strace $0x80000048  }
0xb3: {  	_ =	swait.ge [sflag:s29], $0x1  }
0xb4: {  	[sflag:s29] =	ssyncadd.s32 $0xFFFFFFFF  }
0xb5: {  	_ =	strace $0x90000048  }
0xb6: {  	_ =	sfence  }
0xb7: {  	s30 =	sld [smem:$0x0];
	_ =	sdelay $0x2  }
0xb8: {  	s31 =	sshll.u32 s1, $0xD;
	s1 =	sshrl.u32 s1, $0x2  }
0xb9: {  	s3 =	sand.u32 $0x4000, s31;
	s1 =	sadd.s32 s1, s30  }
0xba: {  	s0 =	sor.u32 s3, s0;
	s1 =	sshll.u32 s1, $0x11  }
0xbb: {  	s0 =	sor.u32 s1, s0  }
0xbc: {  	s0 =	sadd.s32 $0x8F2B, s0  }
0xbd: {  	[sflag:s0] =	ssyncadd.remote.s32 $0x1  }
0xbe: {  	_ =	sfence.sel $0xFFFF  }
0xbf: {  	[dreg:$0x0] =	wrdreg $0xFFFFFFFF;
	(pc) =	sbr.abs _section_cstart, $3  }
0xc0: {  	[dreg:$0x1] =	wrdreg $0xFFFFFFFF  }
0xc1: {  	_ =	task.clear_ibuf [dreg:s6], $0x2FFFF;
	_ =	strace $0x9FFFFFFF  }
0xc2: {  	(tm) =	ssettm $0x7FFFFFFF  }
0xc3: {  	_ =	shalt  }
tec
execute0_lowered:
.L_overlay_start_1:
0x0: {  	(tag) =	ssettag $0x1  }
0x1: {  	s4 =	rddreg [dreg:$0x0]  }
0x2: {  	s2 =	rddreg [dreg:$0x1]  }
0x3: {  	s0 =	rddreg [dreg:$0x2];
	s1 =	stileid.u32  }
0x4: {  	s3 =	simm.s32 $0x0;
	s6 =	srdreg.scid;
	s5 =	smul.u32 $0x500, s1  }
0x5: {  	s14 =	simm.s32 $0x2800;
	s18 =	simm.s32 $0x0;
	s30 =	smul.u32 $0x50000, s1  }
0x6: {  	[smem:$0x7FF] =	sst s3;
	s10 =	sand.u32 $0x1, s6;
	s16 =	smul.u32 $0x2800, s1  }
0x7: {  	s31 =	sshll.u32 s1, $0x6;
	_ =	strace $0x80000047;
	s7 =	smul.u32 $0x28000, s10  }
0x8: {  	s8 =	ssub.s32 $0x2, s10;
	s13 =	smul.u32 $0x5000, s10;
	s5 =	sadd.s32 s5, s4  }
0x9: {  	s9 =	sshrl.u32 s8, $0x1;
	s6 =	sshrl.u32 s30, $0x2;
	s11 =	sadd.s32 s7, s4  }
0xa: {  	s12 =	ssub.s32 s8, s9;
	s4 =	sadd.s32 s6, s2;
	s5 =	sadd.s32 $0x2400, s5  }
0xb: {  	s7 =	smul.u32 $0x28, s10;
	s6 =	sadd.s32 $0x4000, s4;
	s8 =	sadd.s32 $0x8000, s4  }
0xc: {  	s9 =	sadd.s32 $0xC000, s4;
	s10 =	sadd.s32 $0x10000, s4;
	s15 =	sadd.s32 $0x7400, s11  }
0xd: {  	v0 =	vimm.f32 $0.0e+00;
	vm0 =	vcmask $0x300;
	s11 =	smax.u32 s12, $0x1;
	s12 =	sshrl.u32 s13, $0x2;
	s13 =	simm.s32 $0x1  }
0xe: {  	v1 =	vsel vm0, $0x3F800000, v0;
	s17 =	sshrl.u32 s4, $0x3;
	s15 =	sadd.s32 s16, s15;
	s16 =	sor.u32 $0x1C01, s31  }
.LBB2_1:
0xf: {  	[tilespmem:s3], [sflag:$0x1] =	stream.linear.gather [hbm4b:s5+s3], $0x2780, $0x38;
	[tilespmem:$0x9000] =	vst v63  }
0x10: {  	_ =	swait.ge [sflag:s13], $0x2780  }
0x11: {  	[sflag:s13] =	ssyncset.done $0x0  }
0x12: {  	s19 =	simm.s32 $0x200;
	s20 =	simm.s32 $0x0;
	[sflag:s13] =	ssyncadd.s32 $0xFFFFD880  }
.LBB2_2:
0x13: {  	p0 =	sne.s32 s19, $0xFE00;
	[tilespmem:s20+$0x2800] =	vst v0;
	s20 =	smov.u32 s19;
	s19 =	sadd.s32 $0x200, s19  }
.Ltmp0:
0x14: {  	(pc) =	sbr.rel @p0 .LBB2_2-.Ltmp0, $2  }
0x15: {  	_ =	sdelay $0x2  }
0x16: {  	s20 =	sshra.s32 s20, $0x2  }
0x17: {  	[tilespmem:s20+$0x2800] =	vst v0  }
0x18: {  	[spmem:s4] =	stream.linear.scatter [tilespmem:s14], [sflag:$0x1], $0x4000, $0x38;
	[tilespmem:$0x9000] =	vst v63  }
0x19: {  	_ =	swait.ge [sflag:s13], $0x4000  }
0x1a: {  	[sflag:s13] =	ssyncset.done $0x0  }
0x1b: {  	[sflag:s13] =	ssyncadd.s32 $0xFFFFC000  }
0x1c: {  	[spmem:s6] =	stream.linear.scatter [tilespmem:s14], [sflag:$0x1], $0x4000, $0x38;
	[tilespmem:$0x9000] =	vst v63  }
0x1d: {  	_ =	swait.ge [sflag:s13], $0x4000  }
0x1e: {  	[sflag:s13] =	ssyncset.done $0x0  }
0x1f: {  	[sflag:s13] =	ssyncadd.s32 $0xFFFFC000  }
0x20: {  	[spmem:s8] =	stream.linear.scatter [tilespmem:s14], [sflag:$0x1], $0x4000, $0x38;
	[tilespmem:$0x9000] =	vst v63  }
0x21: {  	_ =	swait.ge [sflag:s13], $0x4000  }
0x22: {  	[sflag:s13] =	ssyncset.done $0x0  }
0x23: {  	[sflag:s13] =	ssyncadd.s32 $0xFFFFC000  }
0x24: {  	[spmem:s9] =	stream.linear.scatter [tilespmem:s14], [sflag:$0x1], $0x4000, $0x38;
	[tilespmem:$0x9000] =	vst v63  }
0x25: {  	_ =	swait.ge [sflag:s13], $0x4000  }
0x26: {  	[sflag:s13] =	ssyncset.done $0x0  }
0x27: {  	[sflag:s13] =	ssyncadd.s32 $0xFFFFC000  }
0x28: {  	[spmem:s10] =	stream.linear.scatter [tilespmem:s14], [sflag:$0x1], $0x4000, $0x38;
	[tilespmem:$0x9000] =	vst v63  }
0x29: {  	_ =	swait.ge [sflag:s13], $0x4000  }
0x2a: {  	[sflag:s13] =	ssyncset.done $0x0  }
0x2b: {  	[sflag:s13] =	ssyncadd.s32 $0xFFFFC000  }
0x2c: {  	s19 =	simm.s32 $0x200;
	s20 =	simm.s32 $0x0;
	[bflag:$0x0] =	sbarrier.arrive $0xFFFF  }
.LBB2_4:
0x2d: {  	p0 =	sne.s32 s19, $0xFE00;
	[tilespmem:s20+$0x2800] =	vst v1;
	s20 =	smov.u32 s19;
	s19 =	sadd.s32 $0x200, s19  }
.Ltmp1:
0x2e: {  	(pc) =	sbr.rel @p0 .LBB2_4-.Ltmp1, $2  }
0x2f: {  	_ =	sdelay $0x2  }
0x30: {  	s20 =	sshra.s32 s20, $0x2  }
0x31: {  	s19 =	sadd.s32 $0x0, s7  }
0x32: {  	p0 =	sgt.u32 s19, $0x4E  }
0x33: {  	[tilespmem:s20+$0x2800] =	vst v1;
	s19 =	simm.s32 @!p0 $0x80;
	s20 =	simm.s32 @!p0 $0x2800;
	s22 =	simm.s32 @!p0 $0x1  }
0x34: {  	[spmem:s2] =	stream.indirect.scatter.add.f32 @!p0 [tilespmem:s20], [sflag:$0x1], $0x10, s12, s19, $0xb8;
	[tilespmem:$0x9000] =	vst v63  }
0x35: {  	s21 =	simm.s32 $0x2;
	_ =	swait.ge @!p0 [sflag:s22], $0x800  }
0x36: {  	s20 =	simm.s32 $0x1;
	s19 =	sadd.s32 $0x80, s12;
	[sflag:s22] =	ssyncset.done @!p0 $0x0  }
.LBB2_6:
0x37: {  	s23 =	sadd.s32 s20, s7;
	s20 =	smov.u32 s21;
	s21 =	sadd.s32 $0x1, s21  }
0x38: {  	[sflag:s22] =	ssyncadd.s32 @!p0 $0xFFFFF800;
	p1 =	sne.s32 s21, $0x28  }
.Ltmp2:
0x39: {  	p0 =	sgt.u32 s23, $0x4E;
	(pc) =	sbr.rel @p1 .LBB2_6-.Ltmp2, $4  }
0x3a: {  	s23 =	simm.s32 @!p0 $0x80;
	s24 =	simm.s32 @!p0 $0x2800;
	s22 =	simm.s32 @!p0 $0x1  }
0x3b: {  	[spmem:s2] =	stream.indirect.scatter.add.f32 @!p0 [tilespmem:s24], [sflag:$0x1], $0x10, s19, s23, $0xb8;
	[tilespmem:$0x9000] =	vst v63  }
0x3c: {  	_ =	swait.ge @!p0 [sflag:s22], $0x800  }
0x3d: {  	s19 =	sadd.s32 $0x80, s19;
	[sflag:s22] =	ssyncset.done @!p0 $0x0  }
0x3e: {  	s20 =	sadd.s32 s20, s7  }
0x3f: {  	[sflag:s22] =	ssyncadd.s32 @!p0 $0xFFFFF800;
	p0 =	sgt.u32 s20, $0x4E  }
0x40: {  	s20 =	simm.s32 @!p0 $0x80;
	s21 =	simm.s32 @!p0 $0x2800;
	s22 =	simm.s32 @!p0 $0x1  }
0x41: {  	[spmem:s2] =	stream.indirect.scatter.add.f32 @!p0 [tilespmem:s21], [sflag:$0x1], $0x10, s19, s20, $0xb8;
	[tilespmem:$0x9000] =	vst v63  }
0x42: {  	_ =	swait.ge @!p0 [sflag:s22], $0x800  }
0x43: {  	s18 =	sadd.s32 $0x1, s18;
	[sflag:s22] =	ssyncset.done @!p0 $0x0  }
0x44: {  	[sflag:s22] =	ssyncadd.s32 @!p0 $0xFFFFF800;
	p0 =	sne.s32 s18, s11  }
.Ltmp3:
0x45: {  	[bflag:$0x0] =	sbarrier.arrive $0xFFFF;
	(pc) =	sbr.rel @p0 .LBB2_1-.Ltmp3, $4  }
0x46: {  	[hbm:s15], [sflag:s16] =	dma.local [spmem:s17], $0x2800  }
0x47: {  	_ =	swait.ge [sflag:s13], $0x2800  }
0x48: {  	[sflag:s13] =	ssyncset.done $0x0  }
0x49: {  	[sflag:s13] =	ssyncadd.s32 $0xFFFFD800  }
0x4a: {  	_ =	sfence.sel $0x180000  }
0x4b: {  	[bflag:$0x0] =	sbarrier.arrive $0xFFFF  }
0x4c: {  	p0 =	sne.s32 s1, $0x0;
	_ =	strace $0x90000047  }
0x4d: {  	s0 =	sadd.s32 @!p0 $0x100000, s0;
	[bflag:$0x2] =	sbarrier.arrive $0xFFFF  }
0x4e: {  	[sflag:s0] =	ssyncadd.tile.s32 @!p0 $0x1;
	_ =	shalt  }
.Lfunc_end2:
_tile_overlayer_lowered:
.L_overlay_start_2:
0x4f: {  	(tag) =	ssettag $0x2  }
0x50: {  	s0 =	rddreg [dreg:$0x0];
	s2 =	stileid.u32  }
0x51: {  	s1 =	rddreg [dreg:$0x1];
	p0 =	sne.s32 s2, $0x0  }
0x52: {  	s3 =	rddreg [dreg:$0x2];
	[bflag:$0x3] =	sbarrier.arrive $0xFFFF;
	s2 =	simm.s32 @!p0 $0x1C01  }
0x53: {  	[timem:s3], [sflag:s2] =	dma.local @!p0 [hbm:s0], s1  }
0x54: {  	s0 =	simm.s32 @!p0 $0x1  }
0x55: {  	_ =	swait.ge @!p0 [sflag:s0], s1  }
0x56: {  	s1 =	ssub.s32 @!p0 $0x0, s1;
	[sflag:s0] =	ssyncset.done @!p0 $0x0  }
0x57: {  	[sflag:s0] =	ssyncadd.s32 @!p0 s1  }
0x58: {  	[bflag:$0x3] =	sbarrier.arrive $0xFFFF  }
0x59: {  	_ =	shalt  }

</sc_bundles>
